<compile_context>
chip_gen: v7x
topology: tpu7x:2x2x1
jax: 0.10.2.dev20260603
libtpu: 0.0.44.dev20260713+nightly
codegen_flags: <defaults>
</compile_context>

<pallas_src>
import dataclasses
import functools

import jax
import jax.numpy as jnp
from jax import lax
from jax.experimental import pallas as pl
from jax.experimental.pallas import tpu as pltpu
from jax.experimental.pallas import tpu_sc as plsc

_VPAD = 128
_NC, _NS = 2, 16
_NW = _NC * _NS
_LANES = 16
_CHUNK = 128
_CSL = 56


@functools.partial(jax.jit, static_argnames=("ncol",))
def _sc_call(idx, scores, tabs, *, ncol):
    nrow = idx.shape[0]
    rows_w = nrow // _NW
    nch = rows_w // _CHUNK
    assert nch % 2 == 0
    mesh = plsc.VectorSubcoreMesh(core_axis_name="c", subcore_axis_name="s")
    cp = pltpu.CompilerParams()
    if "needs_layout_passes" in pltpu.CompilerParams.__dataclass_fields__:
        cp = dataclasses.replace(cp, needs_layout_passes=False)
    cp = dataclasses.replace(cp, use_tc_tiling_on_sc=False)

    @functools.partial(
        pl.kernel,
        out_type=[
            jax.ShapeDtypeStruct((nrow, 128), jnp.float32),
            jax.ShapeDtypeStruct((nrow, 128), jnp.int32),
        ],
        mesh=mesh,
        scratch_types=[
            pltpu.VMEM((2, _CHUNK, _CSL), jnp.int32),
            pltpu.VMEM((2, _CHUNK, _CSL), jnp.float32),
            pltpu.VMEM((2, _CHUNK, _CSL), jnp.float32),
            pltpu.VMEM((2, _CHUNK, _CSL), jnp.int32),
            pltpu.VMEM((5, _VPAD), jnp.float32),
            pltpu.SemaphoreType.DMA,
            pltpu.SemaphoreType.DMA,
            pltpu.SemaphoreType.DMA,
        ],
        compiler_params=cp,
    )
    def body(idx_hbm, s_hbm, tab_hbm, cal_hbm, mask_hbm,
             idx_v, s_v, cal_v, m_v, tab_v, sem_a, sem_b, sem_o):
        wid = lax.axis_index("s") * _NC + lax.axis_index("c")
        row0 = wid * rows_w
        csl = pl.ds(0, _CSL)
        sems = (sem_a, sem_b)

        def rsl(ch):
            return pl.ds(row0 + ch * _CHUNK, _CHUNK)

        def start_in(ch, buf):
            a = pltpu.async_copy(idx_hbm.at[rsl(ch), csl], idx_v.at[buf],
                                 sems[buf])
            b = pltpu.async_copy(s_hbm.at[rsl(ch), csl], s_v.at[buf],
                                 sems[buf])
            return a, b

        in0 = start_in(0, 0)
        pltpu.sync_copy(tab_hbm, tab_v)
        in1 = start_in(1, 1)

        @pl.loop(0, _VPAD, step=_LANES)
        def _(i):
            sl = pl.ds(i, _LANES)
            tab_v[1, sl] = -(tab_v[1, sl] * tab_v[2, sl] + tab_v[3, sl])
            tab_v[0, sl] = -tab_v[0, sl]

        col_starts = list(range(0, ncol - _LANES, _LANES)) + [ncol - _LANES]

        na_t = tab_v.at[0]
        nc_t = tab_v.at[1]
        th_t = tab_v.at[4]

        def compute(buf):
            @plsc.parallel_loop(0, _CHUNK, unroll=4)
            def _(r):
                for c in col_starts:
                    sl = pl.ds(c, _LANES)
                    ids = idx_v[buf, r, sl]
                    na = plsc.load_gather(na_t, [ids])
                    nc2 = plsc.load_gather(nc_t, [ids])
                    th = plsc.load_gather(th_t, [ids])
                    e = jnp.exp(na * s_v[buf, r, sl] + nc2)
                    cal = 1.0 / (1.0 + e)
                    cal_v[buf, r, sl] = cal
                    m_v[buf, r, sl] = jnp.where(cal > th, jnp.int32(1),
                                                jnp.int32(0))

        def drain_out(descs):
            for d in descs:
                d.wait()

        prev_out = ()
        for ch in range(nch):
            buf = ch % 2
            cur_in = in0 if buf == 0 else in1
            for d in cur_in:
                d.wait()
            compute(buf)
            drain_out(prev_out)
            oc = pltpu.async_copy(cal_v.at[buf], cal_hbm.at[rsl(ch), csl],
                                  sem_o)
            om = pltpu.async_copy(m_v.at[buf], mask_hbm.at[rsl(ch), csl],
                                  sem_o)
            prev_out = (oc, om)
            if ch + 2 < nch:
                nxt = start_in(ch + 2, buf)
                if buf == 0:
                    in0 = nxt
                else:
                    in1 = nxt
        drain_out(prev_out)

    return body(idx, scores, tabs)


def kernel(type_ids, scores, prior, weights, bias, threshold):
    v = prior.shape[0]
    pad = _VPAD - v
    ncol = type_ids.shape[1]
    b = type_ids.shape[0]
    zi = jnp.zeros((b, 128 - ncol), jnp.int32)
    idx = jnp.concatenate([type_ids.astype(jnp.int32), zi], axis=1)
    s = jnp.concatenate([scores, zi.astype(jnp.float32)], axis=1)
    tabs = jnp.pad(
        jnp.stack([weights[:, 0], weights[:, 1], prior, bias, threshold]),
        ((0, 0), (0, pad)))
    cal, mask = _sc_call(idx, s, tabs, ncol=ncol)
    return cal[:, :ncol], mask[:, :ncol].astype(jnp.bool_)

# --- scband reference (transcript-rebuilt; emitter-appended) ---
"""Pipeline reference for scband-prior-platt-calibration-69183333204532 (READ-ONLY COPY).

The authoritative reference and input builder live on the scoring server;
editing this copy changes nothing except your own understanding.
"""

import jax, jax.numpy as jnp
import numpy as np

V = 113
B, L = 16384, 50

def setup_inputs(seed: int = 0) -> dict:
    key = jax.random.key(seed)
    k1, k2, k3, k4, k5, k6 = jax.random.split(key, 6)
    type_ids = jax.random.randint(k1, (B, L), 0, V, dtype=jnp.int64 if jax.config.jax_enable_x64 else jnp.int32)
    scores = jax.random.uniform(k2, (B, L), dtype=jnp.float32)
    # learned/calibrated per-type parameters (torch buffers)
    prior = jax.random.uniform(k3, (V,), dtype=jnp.float32)          # log_p(type|empty) surrogate
    weights = jax.random.normal(k4, (V, 2), dtype=jnp.float32)       # (w1, w2) per type
    bias = jax.random.normal(k5, (V,), dtype=jnp.float32) * 0.1
    threshold = jax.random.uniform(k6, (V,), dtype=jnp.float32) * 0.5
    return {"type_ids": type_ids, "scores": scores, "prior": prior,
            "weights": weights, "bias": bias, "threshold": threshold}

def reference(type_ids, scores, prior, weights, bias, threshold):
    # Tensorized version of PriorPlattCalibration.forward.
    # In the original, OOV types are remapped to oov_type_idx; here type_ids are
    # generated in-vocab (0 <= id < V) so the identity mapping is faithful.
    w = jnp.take(weights, type_ids, axis=0)        # [B, L, 2] gather
    p = jnp.take(prior, type_ids, axis=0)          # [B, L]
    b = jnp.take(bias, type_ids, axis=0)           # [B, L]
    th = jnp.take(threshold, type_ids, axis=0)     # [B, L]
    logits = w[..., 0] * scores + w[..., 1] * p + b
    calibrated = jax.nn.sigmoid(logits)
    mask = calibrated > th                         # keep-mask replaces ragged list filtering
    return calibrated, mask

if __name__ == "__main__":
    import jax
    _d = setup_inputs()
    print(jax.jit(kernel)(*tuple(_d.values())))

</pallas_src>

<mosaic_0001>
#map = affine_map<(d0, d1) -> (0, 0)>
module attributes {stable_mosaic.version = 14 : i64} {
  func.func @body(%arg0: i32, %arg1: i32, %arg2: memref<16384x128xi32, #tpu.memory_space<hbm>>, %arg3: memref<16384x128xf32, #tpu.memory_space<hbm>>, %arg4: memref<5x128xf32, #tpu.memory_space<hbm>>, %arg5: memref<16384x128xf32, #tpu.memory_space<hbm>>, %arg6: memref<16384x128xi32, #tpu.memory_space<hbm>>, %arg7: memref<2x128x56xi32, #tpu.memory_space<vmem>>, %arg8: memref<2x128x56xf32, #tpu.memory_space<vmem>>, %arg9: memref<2x128x56xf32, #tpu.memory_space<vmem>>, %arg10: memref<2x128x56xi32, #tpu.memory_space<vmem>>, %arg11: memref<5x128xf32, #tpu.memory_space<vmem>>, %arg12: memref<!tpu.dma_semaphore, #tpu.memory_space<semaphore_mem>>, %arg13: memref<!tpu.dma_semaphore, #tpu.memory_space<semaphore_mem>>, %arg14: memref<!tpu.dma_semaphore, #tpu.memory_space<semaphore_mem>>) attributes {dimension_semantics = [#tpu.dimension_semantics<core_parallel>, #tpu.dimension_semantics<subcore_parallel>], iteration_bounds = array<i64: 2, 16>, scalar_prefetch = 0 : i64, scratch_operands = 8 : i64, tpu.core_type = #tpu.core_type<sc_vector_subcore>, window_params = [{transform_indices = #map}, {transform_indices = #map}, {transform_indices = #map}, {transform_indices = #map}, {transform_indices = #map}]} {
    %mul3A = arith.constant 2 : i32
    %mul3A_0 = arith.muli %arg1, %mul3A : i32
    %add3A = arith.addi %mul3A_0, %arg0 : i32
    %mul3A_1 = arith.constant 512 : i32
    %mul3A_2 = arith.muli %add3A, %mul3A_1 : i32
    %add3A_3 = arith.constant 0 : i32
    %add3A_4 = arith.addi %mul3A_2, %add3A_3 : i32
    %dma_start3A = arith.constant 0 : i32
    %dma_start3A_5 = arith.constant 0 : i32
    %dma_start3A_6 = arith.constant 0 : i32
    %dma_start3A_7 = tpu.memref_slice %arg7[%dma_start3A, %dma_start3A_5, %dma_start3A_6] : memref<2x128x56xi32, #tpu.memory_space<vmem>> -> memref<1x128x56xi32, #tpu.memory_space<vmem>>
    %dma_start3A_8 = tpu.memref_squeeze %dma_start3A_7 : memref<1x128x56xi32, #tpu.memory_space<vmem>> -> memref<128x56xi32, #tpu.memory_space<vmem>>
    %dma_start3A_9 = arith.constant 0 : i32
    %dma_start3A_10 = tpu.memref_slice %arg2[%add3A_4, %dma_start3A_9] : memref<16384x128xi32, #tpu.memory_space<hbm>> -> memref<128x56xi32, #tpu.memory_space<hbm>>
    %dma_start3A_11 = arith.constant 0 : i32
    %dma_start3A_12 = arith.constant 0 : i32
    %dma_start3A_13 = tpu.memref_slice %arg7[%dma_start3A, %dma_start3A_11, %dma_start3A_12] : memref<2x128x56xi32, #tpu.memory_space<vmem>> -> memref<1x128x56xi32, #tpu.memory_space<vmem>>
    %dma_start3A_14 = tpu.memref_squeeze %dma_start3A_13 : memref<1x128x56xi32, #tpu.memory_space<vmem>> -> memref<128x56xi32, #tpu.memory_space<vmem>>
    %dma_start3A_15 = arith.constant 0 : i32
    %dma_start3A_16 = tpu.memref_slice %arg2[%add3A_4, %dma_start3A_15] : memref<16384x128xi32, #tpu.memory_space<hbm>> -> memref<128x56xi32, #tpu.memory_space<hbm>>
    tpu.enqueue_dma source(%dma_start3A_16 : memref<128x56xi32, #tpu.memory_space<hbm>>) target(%dma_start3A_14 : memref<128x56xi32, #tpu.memory_space<vmem>>) target_semaphore(%arg12 : memref<!tpu.dma_semaphore, #tpu.memory_space<semaphore_mem>>)
    %add3A_17 = arith.constant 0 : i32
    %add3A_18 = arith.addi %mul3A_2, %add3A_17 : i32
    %dma_start3A_19 = arith.constant 0 : i32
    %dma_start3A_20 = arith.constant 0 : i32
    %dma_start3A_21 = arith.constant 0 : i32
    %dma_start3A_22 = tpu.memref_slice %arg8[%dma_start3A_19, %dma_start3A_20, %dma_start3A_21] : memref<2x128x56xf32, #tpu.memory_space<vmem>> -> memref<1x128x56xf32, #tpu.memory_space<vmem>>
    %dma_start3A_23 = tpu.memref_squeeze %dma_start3A_22 : memref<1x128x56xf32, #tpu.memory_space<vmem>> -> memref<128x56xf32, #tpu.memory_space<vmem>>
    %dma_start3A_24 = arith.constant 0 : i32
    %dma_start3A_25 = tpu.memref_slice %arg3[%add3A_18, %dma_start3A_24] : memref<16384x128xf32, #tpu.memory_space<hbm>> -> memref<128x56xf32, #tpu.memory_space<hbm>>
    %dma_start3A_26 = arith.constant 0 : i32
    %dma_start3A_27 = arith.constant 0 : i32
    %dma_start3A_28 = tpu.memref_slice %arg8[%dma_start3A_19, %dma_start3A_26, %dma_start3A_27] : memref<2x128x56xf32, #tpu.memory_space<vmem>> -> memref<1x128x56xf32, #tpu.memory_space<vmem>>
    %dma_start3A_29 = tpu.memref_squeeze %dma_start3A_28 : memref<1x128x56xf32, #tpu.memory_space<vmem>> -> memref<128x56xf32, #tpu.memory_space<vmem>>
    %dma_start3A_30 = arith.constant 0 : i32
    %dma_start3A_31 = tpu.memref_slice %arg3[%add3A_18, %dma_start3A_30] : memref<16384x128xf32, #tpu.memory_space<hbm>> -> memref<128x56xf32, #tpu.memory_space<hbm>>
    tpu.enqueue_dma source(%dma_start3A_31 : memref<128x56xf32, #tpu.memory_space<hbm>>) target(%dma_start3A_29 : memref<128x56xf32, #tpu.memory_space<vmem>>) target_semaphore(%arg12 : memref<!tpu.dma_semaphore, #tpu.memory_space<semaphore_mem>>)
    "tpu.region"() ({
      %run_scoped3A = tpu.sem_alloc : memref<!tpu.dma_semaphore, #tpu.memory_space<semaphore_mem>>
      tpu.enqueue_dma source(%arg4 : memref<5x128xf32, #tpu.memory_space<hbm>>) target(%arg11 : memref<5x128xf32, #tpu.memory_space<vmem>>) target_semaphore(%run_scoped3A : memref<!tpu.dma_semaphore, #tpu.memory_space<semaphore_mem>>)
      tpu.wait_dma2 semaphore(%run_scoped3A : memref<!tpu.dma_semaphore, #tpu.memory_space<semaphore_mem>>) src(%arg4 : memref<5x128xf32, #tpu.memory_space<hbm>>) dst(%arg11 : memref<5x128xf32, #tpu.memory_space<vmem>>)
      tpu.yield
    }) : () -> ()
    %add3A_32 = arith.constant 128 : i32
    %add3A_33 = arith.addi %mul3A_2, %add3A_32 : i32
    %dma_start3A_34 = arith.constant 1 : i32
    %dma_start3A_35 = arith.constant 0 : i32
    %dma_start3A_36 = arith.constant 0 : i32
    %dma_start3A_37 = tpu.memref_slice %arg7[%dma_start3A_34, %dma_start3A_35, %dma_start3A_36] : memref<2x128x56xi32, #tpu.memory_space<vmem>> -> memref<1x128x56xi32, #tpu.memory_space<vmem>>
    %dma_start3A_38 = tpu.memref_squeeze %dma_start3A_37 : memref<1x128x56xi32, #tpu.memory_space<vmem>> -> memref<128x56xi32, #tpu.memory_space<vmem>>
    %dma_start3A_39 = arith.constant 0 : i32
    %dma_start3A_40 = tpu.memref_slice %arg2[%add3A_33, %dma_start3A_39] : memref<16384x128xi32, #tpu.memory_space<hbm>> -> memref<128x56xi32, #tpu.memory_space<hbm>>
    %dma_start3A_41 = arith.constant 0 : i32
    %dma_start3A_42 = arith.constant 0 : i32
    %dma_start3A_43 = tpu.memref_slice %arg7[%dma_start3A_34, %dma_start3A_41, %dma_start3A_42] : memref<2x128x56xi32, #tpu.memory_space<vmem>> -> memref<1x128x56xi32, #tpu.memory_space<vmem>>
    %dma_start3A_44 = tpu.memref_squeeze %dma_start3A_43 : memref<1x128x56xi32, #tpu.memory_space<vmem>> -> memref<128x56xi32, #tpu.memory_space<vmem>>
    %dma_start3A_45 = arith.constant 0 : i32
    %dma_start3A_46 = tpu.memref_slice %arg2[%add3A_33, %dma_start3A_45] : memref<16384x128xi32, #tpu.memory_space<hbm>> -> memref<128x56xi32, #tpu.memory_space<hbm>>
    tpu.enqueue_dma source(%dma_start3A_46 : memref<128x56xi32, #tpu.memory_space<hbm>>) target(%dma_start3A_44 : memref<128x56xi32, #tpu.memory_space<vmem>>) target_semaphore(%arg13 : memref<!tpu.dma_semaphore, #tpu.memory_space<semaphore_mem>>)
    %add3A_47 = arith.constant 128 : i32
    %add3A_48 = arith.addi %mul3A_2, %add3A_47 : i32
    %dma_start3A_49 = arith.constant 1 : i32
    %dma_start3A_50 = arith.constant 0 : i32
    %dma_start3A_51 = arith.constant 0 : i32
    %dma_start3A_52 = tpu.memref_slice %arg8[%dma_start3A_49, %dma_start3A_50, %dma_start3A_51] : memref<2x128x56xf32, #tpu.memory_space<vmem>> -> memref<1x128x56xf32, #tpu.memory_space<vmem>>
    %dma_start3A_53 = tpu.memref_squeeze %dma_start3A_52 : memref<1x128x56xf32, #tpu.memory_space<vmem>> -> memref<128x56xf32, #tpu.memory_space<vmem>>
    %dma_start3A_54 = arith.constant 0 : i32
    %dma_start3A_55 = tpu.memref_slice %arg3[%add3A_48, %dma_start3A_54] : memref<16384x128xf32, #tpu.memory_space<hbm>> -> memref<128x56xf32, #tpu.memory_space<hbm>>
    %dma_start3A_56 = arith.constant 0 : i32
    %dma_start3A_57 = arith.constant 0 : i32
    %dma_start3A_58 = tpu.memref_slice %arg8[%dma_start3A_49, %dma_start3A_56, %dma_start3A_57] : memref<2x128x56xf32, #tpu.memory_space<vmem>> -> memref<1x128x56xf32, #tpu.memory_space<vmem>>
    %dma_start3A_59 = tpu.memref_squeeze %dma_start3A_58 : memref<1x128x56xf32, #tpu.memory_space<vmem>> -> memref<128x56xf32, #tpu.memory_space<vmem>>
    %dma_start3A_60 = arith.constant 0 : i32
    %dma_start3A_61 = tpu.memref_slice %arg3[%add3A_48, %dma_start3A_60] : memref<16384x128xf32, #tpu.memory_space<hbm>> -> memref<128x56xf32, #tpu.memory_space<hbm>>
    tpu.enqueue_dma source(%dma_start3A_61 : memref<128x56xf32, #tpu.memory_space<hbm>>) target(%dma_start3A_59 : memref<128x56xf32, #tpu.memory_space<vmem>>) target_semaphore(%arg13 : memref<!tpu.dma_semaphore, #tpu.memory_space<semaphore_mem>>)
    %scan3A = arith.constant 0 : i32
    %scan3A_62 = arith.constant 8 : i32
    %scan3A_63 = arith.addi %scan3A, %scan3A_62 : i32
    %scan3A_64 = arith.constant 1 : i32
    scf.for %scan3A_476 = %scan3A to %scan3A_63 step %scan3A_64  : i32 {
      %mul3A_477 = arith.constant 16 : i32
      %mul3A_478 = arith.muli %scan3A_476, %mul3A_477 : i32
      %add3A_479 = arith.constant 0 : i32
      %add3A_480 = arith.addi %add3A_479, %mul3A_478 : i32
      %get3A = arith.constant 1 : i32
      %get3A_481 = arith.index_cast %get3A : i32 to index
      %get3A_482 = arith.index_cast %add3A_480 : i32 to index
      %get3A_483 = tpu.vector_load %arg11[%get3A_481, %get3A_482] {strides = array<i32>} : memref<5x128xf32, #tpu.memory_space<vmem>>, vector<16xf32>,
      %get3A_484 = arith.constant 2 : i32
      %get3A_485 = arith.index_cast %get3A_484 : i32 to index
      %get3A_486 = arith.index_cast %add3A_480 : i32 to index
      %get3A_487 = tpu.vector_load %arg11[%get3A_485, %get3A_486] {strides = array<i32>} : memref<5x128xf32, #tpu.memory_space<vmem>>, vector<16xf32>,
      %mul3A_488 = arith.mulf %get3A_483, %get3A_487 : vector<16xf32>
      %get3A_489 = arith.constant 3 : i32
      %get3A_490 = arith.index_cast %get3A_489 : i32 to index
      %get3A_491 = arith.index_cast %add3A_480 : i32 to index
      %get3A_492 = tpu.vector_load %arg11[%get3A_490, %get3A_491] {strides = array<i32>} : memref<5x128xf32, #tpu.memory_space<vmem>>, vector<16xf32>,
      %add3A_493 = arith.addf %mul3A_488, %get3A_492 : vector<16xf32>
      %neg3A = arith.constant 0.000000e+00 : f32
      %neg3A_494 = vector.broadcast %neg3A : f32 to vector<16xf32>
      %neg3A_495 = arith.subf %neg3A_494, %add3A_493 : vector<16xf32>
      %swap3A = arith.constant 1 : i32
      %swap3A_496 = arith.index_cast %swap3A : i32 to index
      %swap3A_497 = arith.index_cast %add3A_480 : i32 to index
      %swap3A_498 = tpu.vector_load %arg11[%swap3A_496, %swap3A_497] {strides = array<i32>} : memref<5x128xf32, #tpu.memory_space<vmem>>, vector<16xf32>,
      tpu.vector_store %arg11[%swap3A_496, %swap3A_497], %neg3A_495 {strides = array<i32>} : memref<5x128xf32, #tpu.memory_space<vmem>>, vector<16xf32>,
      %get3A_499 = arith.constant 0 : i32
      %get3A_500 = arith.index_cast %get3A_499 : i32 to index
      %get3A_501 = arith.index_cast %add3A_480 : i32 to index
      %get3A_502 = tpu.vector_load %arg11[%get3A_500, %get3A_501] {strides = array<i32>} : memref<5x128xf32, #tpu.memory_space<vmem>>, vector<16xf32>,
      %neg3A_503 = arith.constant 0.000000e+00 : f32
      %neg3A_504 = vector.broadcast %neg3A_503 : f32 to vector<16xf32>
      %neg3A_505 = arith.subf %neg3A_504, %get3A_502 : vector<16xf32>
      %swap3A_506 = arith.constant 0 : i32
      %swap3A_507 = arith.index_cast %swap3A_506 : i32 to index
      %swap3A_508 = arith.index_cast %add3A_480 : i32 to index
      %swap3A_509 = tpu.vector_load %arg11[%swap3A_507, %swap3A_508] {strides = array<i32>} : memref<5x128xf32, #tpu.memory_space<vmem>>, vector<16xf32>,
      tpu.vector_store %arg11[%swap3A_507, %swap3A_508], %neg3A_505 {strides = array<i32>} : memref<5x128xf32, #tpu.memory_space<vmem>>, vector<16xf32>,
    }
    %scan3A_65 = arith.constant 8 : i32
    %dma_wait3A = arith.constant 0 : i32
    %dma_wait3A_66 = arith.constant 0 : i32
    %dma_wait3A_67 = arith.constant 0 : i32
    %dma_wait3A_68 = tpu.memref_slice %arg7[%dma_wait3A, %dma_wait3A_66, %dma_wait3A_67] : memref<2x128x56xi32, #tpu.memory_space<vmem>> -> memref<1x128x56xi32, #tpu.memory_space<vmem>>
    %dma_wait3A_69 = tpu.memref_squeeze %dma_wait3A_68 : memref<1x128x56xi32, #tpu.memory_space<vmem>> -> memref<128x56xi32, #tpu.memory_space<vmem>>
    %dma_wait3A_70 = arith.constant 0 : i32
    %dma_wait3A_71 = tpu.memref_slice %arg2[%add3A_4, %dma_wait3A_70] : memref<16384x128xi32, #tpu.memory_space<hbm>> -> memref<128x56xi32, #tpu.memory_space<hbm>>
    %dma_wait3A_72 = arith.constant 0 : i32
    %dma_wait3A_73 = arith.constant 0 : i32
    %dma_wait3A_74 = tpu.memref_slice %arg7[%dma_wait3A, %dma_wait3A_72, %dma_wait3A_73] : memref<2x128x56xi32, #tpu.memory_space<vmem>> -> memref<1x128x56xi32, #tpu.memory_space<vmem>>
    %dma_wait3A_75 = tpu.memref_squeeze %dma_wait3A_74 : memref<1x128x56xi32, #tpu.memory_space<vmem>> -> memref<128x56xi32, #tpu.memory_space<vmem>>
    %dma_wait3A_76 = arith.constant 0 : i32
    %dma_wait3A_77 = tpu.memref_slice %arg2[%add3A_4, %dma_wait3A_76] : memref<16384x128xi32, #tpu.memory_space<hbm>> -> memref<128x56xi32, #tpu.memory_space<hbm>>
    tpu.wait_dma2 semaphore(%arg12 : memref<!tpu.dma_semaphore, #tpu.memory_space<semaphore_mem>>) src(%dma_wait3A_77 : memref<128x56xi32, #tpu.memory_space<hbm>>) dst(%dma_wait3A_75 : memref<128x56xi32, #tpu.memory_space<vmem>>)
    %dma_wait3A_78 = arith.constant 0 : i32
    %dma_wait3A_79 = arith.constant 0 : i32
    %dma_wait3A_80 = arith.constant 0 : i32
    %dma_wait3A_81 = tpu.memref_slice %arg8[%dma_wait3A_78, %dma_wait3A_79, %dma_wait3A_80] : memref<2x128x56xf32, #tpu.memory_space<vmem>> -> memref<1x128x56xf32, #tpu.memory_space<vmem>>
    %dma_wait3A_82 = tpu.memref_squeeze %dma_wait3A_81 : memref<1x128x56xf32, #tpu.memory_space<vmem>> -> memref<128x56xf32, #tpu.memory_space<vmem>>
    %dma_wait3A_83 = arith.constant 0 : i32
    %dma_wait3A_84 = tpu.memref_slice %arg3[%add3A_18, %dma_wait3A_83] : memref<16384x128xf32, #tpu.memory_space<hbm>> -> memref<128x56xf32, #tpu.memory_space<hbm>>
    %dma_wait3A_85 = arith.constant 0 : i32
    %dma_wait3A_86 = arith.constant 0 : i32
    %dma_wait3A_87 = tpu.memref_slice %arg8[%dma_wait3A_78, %dma_wait3A_85, %dma_wait3A_86] : memref<2x128x56xf32, #tpu.memory_space<vmem>> -> memref<1x128x56xf32, #tpu.memory_space<vmem>>
    %dma_wait3A_88 = tpu.memref_squeeze %dma_wait3A_87 : memref<1x128x56xf32, #tpu.memory_space<vmem>> -> memref<128x56xf32, #tpu.memory_space<vmem>>
    %dma_wait3A_89 = arith.constant 0 : i32
    %dma_wait3A_90 = tpu.memref_slice %arg3[%add3A_18, %dma_wait3A_89] : memref<16384x128xf32, #tpu.memory_space<hbm>> -> memref<128x56xf32, #tpu.memory_space<hbm>>
    tpu.wait_dma2 semaphore(%arg12 : memref<!tpu.dma_semaphore, #tpu.memory_space<semaphore_mem>>) src(%dma_wait3A_90 : memref<128x56xf32, #tpu.memory_space<hbm>>) dst(%dma_wait3A_88 : memref<128x56xf32, #tpu.memory_space<vmem>>)
    %parallel_loop3A = arith.constant 0 : i32
    %parallel_loop3A_91 = arith.constant 128 : i32
    %parallel_loop3A_92 = arith.constant 1 : i32
    %parallel_loop3A_93 = arith.constant 0 : i32
    %parallel_loop3A_94 = arith.constant 1 : i32
    %parallel_loop3A_95 = arith.constant 4 : i32
    scf.for %parallel_loop3A_476 = %parallel_loop3A to %parallel_loop3A_91 step %parallel_loop3A_92  : i32 {
      %parallel_loop3A_477 = arith.constant 0 : i32
      %parallel_loop3A_478 = arith.index_cast %parallel_loop3A_477 : i32 to index
      %parallel_loop3A_479 = arith.index_cast %parallel_loop3A_476 : i32 to index
      %parallel_loop3A_480 = arith.constant 0 : index
      %parallel_loop3A_481 = tpu.vector_load %arg7[%parallel_loop3A_478, %parallel_loop3A_479, %parallel_loop3A_480] {strides = array<i32>} : memref<2x128x56xi32, #tpu.memory_space<vmem>>, vector<16xi32>,
      %parallel_loop3A_482 = arith.constant 0 : i32
      %parallel_loop3A_483 = tpu.memref_slice %arg11[%parallel_loop3A_93, %parallel_loop3A_482] : memref<5x128xf32, #tpu.memory_space<vmem>> -> memref<1x128xf32, #tpu.memory_space<vmem>>
      %parallel_loop3A_484 = tpu.memref_squeeze %parallel_loop3A_483 : memref<1x128xf32, #tpu.memory_space<vmem>> -> memref<128xf32, #tpu.memory_space<vmem>>
      %parallel_loop3A_485 = tpu.vector_load_idx %parallel_loop3A_484[%parallel_loop3A_481] : memref<128xf32, #tpu.memory_space<vmem>>[vector<16xi32>], vector<16xf32>,
      %parallel_loop3A_486 = arith.constant 0 : i32
      %parallel_loop3A_487 = tpu.memref_slice %arg11[%parallel_loop3A_94, %parallel_loop3A_486] : memref<5x128xf32, #tpu.memory_space<vmem>> -> memref<1x128xf32, #tpu.memory_space<vmem>>
      %parallel_loop3A_488 = tpu.memref_squeeze %parallel_loop3A_487 : memref<1x128xf32, #tpu.memory_space<vmem>> -> memref<128xf32, #tpu.memory_space<vmem>>
      %parallel_loop3A_489 = tpu.vector_load_idx %parallel_loop3A_488[%parallel_loop3A_481] : memref<128xf32, #tpu.memory_space<vmem>>[vector<16xi32>], vector<16xf32>,
      %parallel_loop3A_490 = arith.constant 0 : i32
      %parallel_loop3A_491 = tpu.memref_slice %arg11[%parallel_loop3A_95, %parallel_loop3A_490] : memref<5x128xf32, #tpu.memory_space<vmem>> -> memref<1x128xf32, #tpu.memory_space<vmem>>
      %parallel_loop3A_492 = tpu.memref_squeeze %parallel_loop3A_491 : memref<1x128xf32, #tpu.memory_space<vmem>> -> memref<128xf32, #tpu.memory_space<vmem>>
      %parallel_loop3A_493 = tpu.vector_load_idx %parallel_loop3A_492[%parallel_loop3A_481] : memref<128xf32, #tpu.memory_space<vmem>>[vector<16xi32>], vector<16xf32>,
      %parallel_loop3A_494 = arith.constant 0 : i32
      %parallel_loop3A_495 = arith.index_cast %parallel_loop3A_494 : i32 to index
      %parallel_loop3A_496 = arith.index_cast %parallel_loop3A_476 : i32 to index
      %parallel_loop3A_497 = arith.constant 0 : index
      %parallel_loop3A_498 = tpu.vector_load %arg8[%parallel_loop3A_495, %parallel_loop3A_496, %parallel_loop3A_497] {strides = array<i32>} : memref<2x128x56xf32, #tpu.memory_space<vmem>>, vector<16xf32>,
      %parallel_loop3A_499 = arith.mulf %parallel_loop3A_485, %parallel_loop3A_498 : vector<16xf32>
      %parallel_loop3A_500 = arith.addf %parallel_loop3A_499, %parallel_loop3A_489 : vector<16xf32>
      %parallel_loop3A_501 = math.exp %parallel_loop3A_500 : vector<16xf32>
      %parallel_loop3A_502 = arith.constant 1.000000e+00 : f32
      %parallel_loop3A_503 = vector.broadcast %parallel_loop3A_502 : f32 to vector<16xf32>
      %parallel_loop3A_504 = arith.addf %parallel_loop3A_503, %parallel_loop3A_501 : vector<16xf32>
      %parallel_loop3A_505 = arith.constant 1.000000e+00 : f32
      %parallel_loop3A_506 = vector.broadcast %parallel_loop3A_505 : f32 to vector<16xf32>
      %parallel_loop3A_507 = arith.divf %parallel_loop3A_506, %parallel_loop3A_504 : vector<16xf32>
      %parallel_loop3A_508 = arith.constant 0 : i32
      %parallel_loop3A_509 = arith.index_cast %parallel_loop3A_508 : i32 to index
      %parallel_loop3A_510 = arith.index_cast %parallel_loop3A_476 : i32 to index
      %parallel_loop3A_511 = arith.constant 0 : index
      %parallel_loop3A_512 = tpu.vector_load %arg9[%parallel_loop3A_509, %parallel_loop3A_510, %parallel_loop3A_511] {strides = array<i32>} : memref<2x128x56xf32, #tpu.memory_space<vmem>>, vector<16xf32>,
      tpu.vector_store %arg9[%parallel_loop3A_509, %parallel_loop3A_510, %parallel_loop3A_511], %parallel_loop3A_507 {strides = array<i32>} : memref<2x128x56xf32, #tpu.memory_space<vmem>>, vector<16xf32>,
      %parallel_loop3A_513 = arith.cmpf ogt, %parallel_loop3A_507, %parallel_loop3A_493 : vector<16xf32>
      %parallel_loop3A_514 = arith.constant 1 : i32
      %parallel_loop3A_515 = arith.constant 0 : i32
      %parallel_loop3A_516 = vector.broadcast %parallel_loop3A_514 : i32 to vector<16xi32>
      %parallel_loop3A_517 = vector.broadcast %parallel_loop3A_515 : i32 to vector<16xi32>
      %parallel_loop3A_518 = arith.select %parallel_loop3A_513, %parallel_loop3A_516, %parallel_loop3A_517 : vector<16xi1>, vector<16xi32>
      %parallel_loop3A_519 = arith.constant 0 : i32
      %parallel_loop3A_520 = arith.index_cast %parallel_loop3A_519 : i32 to index
      %parallel_loop3A_521 = arith.index_cast %parallel_loop3A_476 : i32 to index
      %parallel_loop3A_522 = arith.constant 0 : index
      %parallel_loop3A_523 = tpu.vector_load %arg10[%parallel_loop3A_520, %parallel_loop3A_521, %parallel_loop3A_522] {strides = array<i32>} : memref<2x128x56xi32, #tpu.memory_space<vmem>>, vector<16xi32>,
      tpu.vector_store %arg10[%parallel_loop3A_520, %parallel_loop3A_521, %parallel_loop3A_522], %parallel_loop3A_518 {strides = array<i32>} : memref<2x128x56xi32, #tpu.memory_space<vmem>>, vector<16xi32>,
      %parallel_loop3A_524 = arith.constant 0 : i32
      %parallel_loop3A_525 = arith.index_cast %parallel_loop3A_524 : i32 to index
      %parallel_loop3A_526 = arith.index_cast %parallel_loop3A_476 : i32 to index
      %parallel_loop3A_527 = arith.constant 16 : index
      %parallel_loop3A_528 = tpu.vector_load %arg7[%parallel_loop3A_525, %parallel_loop3A_526, %parallel_loop3A_527] {strides = array<i32>} : memref<2x128x56xi32, #tpu.memory_space<vmem>>, vector<16xi32>,
      %parallel_loop3A_529 = arith.constant 0 : i32
      %parallel_loop3A_530 = tpu.memref_slice %arg11[%parallel_loop3A_93, %parallel_loop3A_529] : memref<5x128xf32, #tpu.memory_space<vmem>> -> memref<1x128xf32, #tpu.memory_space<vmem>>
      %parallel_loop3A_531 = tpu.memref_squeeze %parallel_loop3A_530 : memref<1x128xf32, #tpu.memory_space<vmem>> -> memref<128xf32, #tpu.memory_space<vmem>>
      %parallel_loop3A_532 = tpu.vector_load_idx %parallel_loop3A_531[%parallel_loop3A_528] : memref<128xf32, #tpu.memory_space<vmem>>[vector<16xi32>], vector<16xf32>,
      %parallel_loop3A_533 = arith.constant 0 : i32
      %parallel_loop3A_534 = tpu.memref_slice %arg11[%parallel_loop3A_94, %parallel_loop3A_533] : memref<5x128xf32, #tpu.memory_space<vmem>> -> memref<1x128xf32, #tpu.memory_space<vmem>>
      %parallel_loop3A_535 = tpu.memref_squeeze %parallel_loop3A_534 : memref<1x128xf32, #tpu.memory_space<vmem>> -> memref<128xf32, #tpu.memory_space<vmem>>
      %parallel_loop3A_536 = tpu.vector_load_idx %parallel_loop3A_535[%parallel_loop3A_528] : memref<128xf32, #tpu.memory_space<vmem>>[vector<16xi32>], vector<16xf32>,
      %parallel_loop3A_537 = arith.constant 0 : i32
      %parallel_loop3A_538 = tpu.memref_slice %arg11[%parallel_loop3A_95, %parallel_loop3A_537] : memref<5x128xf32, #tpu.memory_space<vmem>> -> memref<1x128xf32, #tpu.memory_space<vmem>>
      %parallel_loop3A_539 = tpu.memref_squeeze %parallel_loop3A_538 : memref<1x128xf32, #tpu.memory_space<vmem>> -> memref<128xf32, #tpu.memory_space<vmem>>
      %parallel_loop3A_540 = tpu.vector_load_idx %parallel_loop3A_539[%parallel_loop3A_528] : memref<128xf32, #tpu.memory_space<vmem>>[vector<16xi32>], vector<16xf32>,
      %parallel_loop3A_541 = arith.constant 0 : i32
      %parallel_loop3A_542 = arith.index_cast %parallel_loop3A_541 : i32 to index
      %parallel_loop3A_543 = arith.index_cast %parallel_loop3A_476 : i32 to index
      %parallel_loop3A_544 = arith.constant 16 : index
      %parallel_loop3A_545 = tpu.vector_load %arg8[%parallel_loop3A_542, %parallel_loop3A_543, %parallel_loop3A_544] {strides = array<i32>} : memref<2x128x56xf32, #tpu.memory_space<vmem>>, vector<16xf32>,
      %parallel_loop3A_546 = arith.mulf %parallel_loop3A_532, %parallel_loop3A_545 : vector<16xf32>
      %parallel_loop3A_547 = arith.addf %parallel_loop3A_546, %parallel_loop3A_536 : vector<16xf32>
      %parallel_loop3A_548 = math.exp %parallel_loop3A_547 : vector<16xf32>
      %parallel_loop3A_549 = arith.constant 1.000000e+00 : f32
      %parallel_loop3A_550 = vector.broadcast %parallel_loop3A_549 : f32 to vector<16xf32>
      %parallel_loop3A_551 = arith.addf %parallel_loop3A_550, %parallel_loop3A_548 : vector<16xf32>
      %parallel_loop3A_552 = arith.constant 1.000000e+00 : f32
      %parallel_loop3A_553 = vector.broadcast %parallel_loop3A_552 : f32 to vector<16xf32>
      %parallel_loop3A_554 = arith.divf %parallel_loop3A_553, %parallel_loop3A_551 : vector<16xf32>
      %parallel_loop3A_555 = arith.constant 0 : i32
      %parallel_loop3A_556 = arith.index_cast %parallel_loop3A_555 : i32 to index
      %parallel_loop3A_557 = arith.index_cast %parallel_loop3A_476 : i32 to index
      %parallel_loop3A_558 = arith.constant 16 : index
      %parallel_loop3A_559 = tpu.vector_load %arg9[%parallel_loop3A_556, %parallel_loop3A_557, %parallel_loop3A_558] {strides = array<i32>} : memref<2x128x56xf32, #tpu.memory_space<vmem>>, vector<16xf32>,
      tpu.vector_store %arg9[%parallel_loop3A_556, %parallel_loop3A_557, %parallel_loop3A_558], %parallel_loop3A_554 {strides = array<i32>} : memref<2x128x56xf32, #tpu.memory_space<vmem>>, vector<16xf32>,
      %parallel_loop3A_560 = arith.cmpf ogt, %parallel_loop3A_554, %parallel_loop3A_540 : vector<16xf32>
      %parallel_loop3A_561 = arith.constant 1 : i32
      %parallel_loop3A_562 = arith.constant 0 : i32
      %parallel_loop3A_563 = vector.broadcast %parallel_loop3A_561 : i32 to vector<16xi32>
      %parallel_loop3A_564 = vector.broadcast %parallel_loop3A_562 : i32 to vector<16xi32>
      %parallel_loop3A_565 = arith.select %parallel_loop3A_560, %parallel_loop3A_563, %parallel_loop3A_564 : vector<16xi1>, vector<16xi32>
      %parallel_loop3A_566 = arith.constant 0 : i32
      %parallel_loop3A_567 = arith.index_cast %parallel_loop3A_566 : i32 to index
      %parallel_loop3A_568 = arith.index_cast %parallel_loop3A_476 : i32 to index
      %parallel_loop3A_569 = arith.constant 16 : index
      %parallel_loop3A_570 = tpu.vector_load %arg10[%parallel_loop3A_567, %parallel_loop3A_568, %parallel_loop3A_569] {strides = array<i32>} : memref<2x128x56xi32, #tpu.memory_space<vmem>>, vector<16xi32>,
      tpu.vector_store %arg10[%parallel_loop3A_567, %parallel_loop3A_568, %parallel_loop3A_569], %parallel_loop3A_565 {strides = array<i32>} : memref<2x128x56xi32, #tpu.memory_space<vmem>>, vector<16xi32>,
      %parallel_loop3A_571 = arith.constant 0 : i32
      %parallel_loop3A_572 = arith.index_cast %parallel_loop3A_571 : i32 to index
      %parallel_loop3A_573 = arith.index_cast %parallel_loop3A_476 : i32 to index
      %parallel_loop3A_574 = arith.constant 32 : index
      %parallel_loop3A_575 = tpu.vector_load %arg7[%parallel_loop3A_572, %parallel_loop3A_573, %parallel_loop3A_574] {strides = array<i32>} : memref<2x128x56xi32, #tpu.memory_space<vmem>>, vector<16xi32>,
      %parallel_loop3A_576 = arith.constant 0 : i32
      %parallel_loop3A_577 = tpu.memref_slice %arg11[%parallel_loop3A_93, %parallel_loop3A_576] : memref<5x128xf32, #tpu.memory_space<vmem>> -> memref<1x128xf32, #tpu.memory_space<vmem>>
      %parallel_loop3A_578 = tpu.memref_squeeze %parallel_loop3A_577 : memref<1x128xf32, #tpu.memory_space<vmem>> -> memref<128xf32, #tpu.memory_space<vmem>>
      %parallel_loop3A_579 = tpu.vector_load_idx %parallel_loop3A_578[%parallel_loop3A_575] : memref<128xf32, #tpu.memory_space<vmem>>[vector<16xi32>], vector<16xf32>,
      %parallel_loop3A_580 = arith.constant 0 : i32
      %parallel_loop3A_581 = tpu.memref_slice %arg11[%parallel_loop3A_94, %parallel_loop3A_580] : memref<5x128xf32, #tpu.memory_space<vmem>> -> memref<1x128xf32, #tpu.memory_space<vmem>>
      %parallel_loop3A_582 = tpu.memref_squeeze %parallel_loop3A_581 : memref<1x128xf32, #tpu.memory_space<vmem>> -> memref<128xf32, #tpu.memory_space<vmem>>
      %parallel_loop3A_583 = tpu.vector_load_idx %parallel_loop3A_582[%parallel_loop3A_575] : memref<128xf32, #tpu.memory_space<vmem>>[vector<16xi32>], vector<16xf32>,
      %parallel_loop3A_584 = arith.constant 0 : i32
      %parallel_loop3A_585 = tpu.memref_slice %arg11[%parallel_loop3A_95, %parallel_loop3A_584] : memref<5x128xf32, #tpu.memory_space<vmem>> -> memref<1x128xf32, #tpu.memory_space<vmem>>
      %parallel_loop3A_586 = tpu.memref_squeeze %parallel_loop3A_585 : memref<1x128xf32, #tpu.memory_space<vmem>> -> memref<128xf32, #tpu.memory_space<vmem>>
      %parallel_loop3A_587 = tpu.vector_load_idx %parallel_loop3A_586[%parallel_loop3A_575] : memref<128xf32, #tpu.memory_space<vmem>>[vector<16xi32>], vector<16xf32>,
      %parallel_loop3A_588 = arith.constant 0 : i32
      %parallel_loop3A_589 = arith.index_cast %parallel_loop3A_588 : i32 to index
      %parallel_loop3A_590 = arith.index_cast %parallel_loop3A_476 : i32 to index
      %parallel_loop3A_591 = arith.constant 32 : index
      %parallel_loop3A_592 = tpu.vector_load %arg8[%parallel_loop3A_589, %parallel_loop3A_590, %parallel_loop3A_591] {strides = array<i32>} : memref<2x128x56xf32, #tpu.memory_space<vmem>>, vector<16xf32>,
      %parallel_loop3A_593 = arith.mulf %parallel_loop3A_579, %parallel_loop3A_592 : vector<16xf32>
      %parallel_loop3A_594 = arith.addf %parallel_loop3A_593, %parallel_loop3A_583 : vector<16xf32>
      %parallel_loop3A_595 = math.exp %parallel_loop3A_594 : vector<16xf32>
      %parallel_loop3A_596 = arith.constant 1.000000e+00 : f32
      %parallel_loop3A_597 = vector.broadcast %parallel_loop3A_596 : f32 to vector<16xf32>
      %parallel_loop3A_598 = arith.addf %parallel_loop3A_597, %parallel_loop3A_595 : vector<16xf32>
      %parallel_loop3A_599 = arith.constant 1.000000e+00 : f32
      %parallel_loop3A_600 = vector.broadcast %parallel_loop3A_599 : f32 to vector<16xf32>
      %parallel_loop3A_601 = arith.divf %parallel_loop3A_600, %parallel_loop3A_598 : vector<16xf32>
      %parallel_loop3A_602 = arith.constant 0 : i32
      %parallel_loop3A_603 = arith.index_cast %parallel_loop3A_602 : i32 to index
      %parallel_loop3A_604 = arith.index_cast %parallel_loop3A_476 : i32 to index
      %parallel_loop3A_605 = arith.constant 32 : index
      %parallel_loop3A_606 = tpu.vector_load %arg9[%parallel_loop3A_603, %parallel_loop3A_604, %parallel_loop3A_605] {strides = array<i32>} : memref<2x128x56xf32, #tpu.memory_space<vmem>>, vector<16xf32>,
      tpu.vector_store %arg9[%parallel_loop3A_603, %parallel_loop3A_604, %parallel_loop3A_605], %parallel_loop3A_601 {strides = array<i32>} : memref<2x128x56xf32, #tpu.memory_space<vmem>>, vector<16xf32>,
      %parallel_loop3A_607 = arith.cmpf ogt, %parallel_loop3A_601, %parallel_loop3A_587 : vector<16xf32>
      %parallel_loop3A_608 = arith.constant 1 : i32
      %parallel_loop3A_609 = arith.constant 0 : i32
      %parallel_loop3A_610 = vector.broadcast %parallel_loop3A_608 : i32 to vector<16xi32>
      %parallel_loop3A_611 = vector.broadcast %parallel_loop3A_609 : i32 to vector<16xi32>
      %parallel_loop3A_612 = arith.select %parallel_loop3A_607, %parallel_loop3A_610, %parallel_loop3A_611 : vector<16xi1>, vector<16xi32>
      %parallel_loop3A_613 = arith.constant 0 : i32
      %parallel_loop3A_614 = arith.index_cast %parallel_loop3A_613 : i32 to index
      %parallel_loop3A_615 = arith.index_cast %parallel_loop3A_476 : i32 to index
      %parallel_loop3A_616 = arith.constant 32 : index
      %parallel_loop3A_617 = tpu.vector_load %arg10[%parallel_loop3A_614, %parallel_loop3A_615, %parallel_loop3A_616] {strides = array<i32>} : memref<2x128x56xi32, #tpu.memory_space<vmem>>, vector<16xi32>,
      tpu.vector_store %arg10[%parallel_loop3A_614, %parallel_loop3A_615, %parallel_loop3A_616], %parallel_loop3A_612 {strides = array<i32>} : memref<2x128x56xi32, #tpu.memory_space<vmem>>, vector<16xi32>,
      %parallel_loop3A_618 = arith.constant 0 : i32
      %parallel_loop3A_619 = arith.index_cast %parallel_loop3A_618 : i32 to index
      %parallel_loop3A_620 = arith.index_cast %parallel_loop3A_476 : i32 to index
      %parallel_loop3A_621 = arith.constant 34 : index
      %parallel_loop3A_622 = tpu.vector_load %arg7[%parallel_loop3A_619, %parallel_loop3A_620, %parallel_loop3A_621] {strides = array<i32>} : memref<2x128x56xi32, #tpu.memory_space<vmem>>, vector<16xi32>,
      %parallel_loop3A_623 = arith.constant 0 : i32
      %parallel_loop3A_624 = tpu.memref_slice %arg11[%parallel_loop3A_93, %parallel_loop3A_623] : memref<5x128xf32, #tpu.memory_space<vmem>> -> memref<1x128xf32, #tpu.memory_space<vmem>>
      %parallel_loop3A_625 = tpu.memref_squeeze %parallel_loop3A_624 : memref<1x128xf32, #tpu.memory_space<vmem>> -> memref<128xf32, #tpu.memory_space<vmem>>
      %parallel_loop3A_626 = tpu.vector_load_idx %parallel_loop3A_625[%parallel_loop3A_622] : memref<128xf32, #tpu.memory_space<vmem>>[vector<16xi32>], vector<16xf32>,
      %parallel_loop3A_627 = arith.constant 0 : i32
      %parallel_loop3A_628 = tpu.memref_slice %arg11[%parallel_loop3A_94, %parallel_loop3A_627] : memref<5x128xf32, #tpu.memory_space<vmem>> -> memref<1x128xf32, #tpu.memory_space<vmem>>
      %parallel_loop3A_629 = tpu.memref_squeeze %parallel_loop3A_628 : memref<1x128xf32, #tpu.memory_space<vmem>> -> memref<128xf32, #tpu.memory_space<vmem>>
      %parallel_loop3A_630 = tpu.vector_load_idx %parallel_loop3A_629[%parallel_loop3A_622] : memref<128xf32, #tpu.memory_space<vmem>>[vector<16xi32>], vector<16xf32>,
      %parallel_loop3A_631 = arith.constant 0 : i32
      %parallel_loop3A_632 = tpu.memref_slice %arg11[%parallel_loop3A_95, %parallel_loop3A_631] : memref<5x128xf32, #tpu.memory_space<vmem>> -> memref<1x128xf32, #tpu.memory_space<vmem>>
      %parallel_loop3A_633 = tpu.memref_squeeze %parallel_loop3A_632 : memref<1x128xf32, #tpu.memory_space<vmem>> -> memref<128xf32, #tpu.memory_space<vmem>>
      %parallel_loop3A_634 = tpu.vector_load_idx %parallel_loop3A_633[%parallel_loop3A_622] : memref<128xf32, #tpu.memory_space<vmem>>[vector<16xi32>], vector<16xf32>,
      %parallel_loop3A_635 = arith.constant 0 : i32
      %parallel_loop3A_636 = arith.index_cast %parallel_loop3A_635 : i32 to index
      %parallel_loop3A_637 = arith.index_cast %parallel_loop3A_476 : i32 to index
      %parallel_loop3A_638 = arith.constant 34 : index
      %parallel_loop3A_639 = tpu.vector_load %arg8[%parallel_loop3A_636, %parallel_loop3A_637, %parallel_loop3A_638] {strides = array<i32>} : memref<2x128x56xf32, #tpu.memory_space<vmem>>, vector<16xf32>,
      %parallel_loop3A_640 = arith.mulf %parallel_loop3A_626, %parallel_loop3A_639 : vector<16xf32>
      %parallel_loop3A_641 = arith.addf %parallel_loop3A_640, %parallel_loop3A_630 : vector<16xf32>
      %parallel_loop3A_642 = math.exp %parallel_loop3A_641 : vector<16xf32>
      %parallel_loop3A_643 = arith.constant 1.000000e+00 : f32
      %parallel_loop3A_644 = vector.broadcast %parallel_loop3A_643 : f32 to vector<16xf32>
      %parallel_loop3A_645 = arith.addf %parallel_loop3A_644, %parallel_loop3A_642 : vector<16xf32>
      %parallel_loop3A_646 = arith.constant 1.000000e+00 : f32
      %parallel_loop3A_647 = vector.broadcast %parallel_loop3A_646 : f32 to vector<16xf32>
      %parallel_loop3A_648 = arith.divf %parallel_loop3A_647, %parallel_loop3A_645 : vector<16xf32>
      %parallel_loop3A_649 = arith.constant 0 : i32
      %parallel_loop3A_650 = arith.index_cast %parallel_loop3A_649 : i32 to index
      %parallel_loop3A_651 = arith.index_cast %parallel_loop3A_476 : i32 to index
      %parallel_loop3A_652 = arith.constant 34 : index
      %parallel_loop3A_653 = tpu.vector_load %arg9[%parallel_loop3A_650, %parallel_loop3A_651, %parallel_loop3A_652] {strides = array<i32>} : memref<2x128x56xf32, #tpu.memory_space<vmem>>, vector<16xf32>,
      tpu.vector_store %arg9[%parallel_loop3A_650, %parallel_loop3A_651, %parallel_loop3A_652], %parallel_loop3A_648 {strides = array<i32>} : memref<2x128x56xf32, #tpu.memory_space<vmem>>, vector<16xf32>,
      %parallel_loop3A_654 = arith.cmpf ogt, %parallel_loop3A_648, %parallel_loop3A_634 : vector<16xf32>
      %parallel_loop3A_655 = arith.constant 1 : i32
      %parallel_loop3A_656 = arith.constant 0 : i32
      %parallel_loop3A_657 = vector.broadcast %parallel_loop3A_655 : i32 to vector<16xi32>
      %parallel_loop3A_658 = vector.broadcast %parallel_loop3A_656 : i32 to vector<16xi32>
      %parallel_loop3A_659 = arith.select %parallel_loop3A_654, %parallel_loop3A_657, %parallel_loop3A_658 : vector<16xi1>, vector<16xi32>
      %parallel_loop3A_660 = arith.constant 0 : i32
      %parallel_loop3A_661 = arith.index_cast %parallel_loop3A_660 : i32 to index
      %parallel_loop3A_662 = arith.index_cast %parallel_loop3A_476 : i32 to index
      %parallel_loop3A_663 = arith.constant 34 : index
      %parallel_loop3A_664 = tpu.vector_load %arg10[%parallel_loop3A_661, %parallel_loop3A_662, %parallel_loop3A_663] {strides = array<i32>} : memref<2x128x56xi32, #tpu.memory_space<vmem>>, vector<16xi32>,
      tpu.vector_store %arg10[%parallel_loop3A_661, %parallel_loop3A_662, %parallel_loop3A_663], %parallel_loop3A_659 {strides = array<i32>} : memref<2x128x56xi32, #tpu.memory_space<vmem>>, vector<16xi32>,
    } {sc.loop_unroll_factor = 4 : i64, sc.parallel_access}
    %add3A_96 = arith.constant 0 : i32
    %add3A_97 = arith.addi %mul3A_2, %add3A_96 : i32
    %dma_start3A_98 = arith.constant 0 : i32
    %dma_start3A_99 = arith.constant 0 : i32
    %dma_start3A_100 = arith.constant 0 : i32
    %dma_start3A_101 = tpu.memref_slice %arg9[%dma_start3A_98, %dma_start3A_99, %dma_start3A_100] : memref<2x128x56xf32, #tpu.memory_space<vmem>> -> memref<1x128x56xf32, #tpu.memory_space<vmem>>
    %dma_start3A_102 = tpu.memref_squeeze %dma_start3A_101 : memref<1x128x56xf32, #tpu.memory_space<vmem>> -> memref<128x56xf32, #tpu.memory_space<vmem>>
    %dma_start3A_103 = arith.constant 0 : i32
    %dma_start3A_104 = tpu.memref_slice %arg5[%add3A_97, %dma_start3A_103] : memref<16384x128xf32, #tpu.memory_space<hbm>> -> memref<128x56xf32, #tpu.memory_space<hbm>>
    %dma_start3A_105 = arith.constant 0 : i32
    %dma_start3A_106 = tpu.memref_slice %arg5[%add3A_97, %dma_start3A_105] : memref<16384x128xf32, #tpu.memory_space<hbm>> -> memref<128x56xf32, #tpu.memory_space<hbm>>
    %dma_start3A_107 = arith.constant 0 : i32
    %dma_start3A_108 = arith.constant 0 : i32
    %dma_start3A_109 = tpu.memref_slice %arg9[%dma_start3A_98, %dma_start3A_107, %dma_start3A_108] : memref<2x128x56xf32, #tpu.memory_space<vmem>> -> memref<1x128x56xf32, #tpu.memory_space<vmem>>
    %dma_start3A_110 = tpu.memref_squeeze %dma_start3A_109 : memref<1x128x56xf32, #tpu.memory_space<vmem>> -> memref<128x56xf32, #tpu.memory_space<vmem>>
    tpu.enqueue_dma source(%dma_start3A_110 : memref<128x56xf32, #tpu.memory_space<vmem>>) target(%dma_start3A_106 : memref<128x56xf32, #tpu.memory_space<hbm>>) target_semaphore(%arg14 : memref<!tpu.dma_semaphore, #tpu.memory_space<semaphore_mem>>)
    %add3A_111 = arith.constant 0 : i32
    %add3A_112 = arith.addi %mul3A_2, %add3A_111 : i32
    %dma_start3A_113 = arith.constant 0 : i32
    %dma_start3A_114 = arith.constant 0 : i32
    %dma_start3A_115 = arith.constant 0 : i32
    %dma_start3A_116 = tpu.memref_slice %arg10[%dma_start3A_113, %dma_start3A_114, %dma_start3A_115] : memref<2x128x56xi32, #tpu.memory_space<vmem>> -> memref<1x128x56xi32, #tpu.memory_space<vmem>>
    %dma_start3A_117 = tpu.memref_squeeze %dma_start3A_116 : memref<1x128x56xi32, #tpu.memory_space<vmem>> -> memref<128x56xi32, #tpu.memory_space<vmem>>
    %dma_start3A_118 = arith.constant 0 : i32
    %dma_start3A_119 = tpu.memref_slice %arg6[%add3A_112, %dma_start3A_118] : memref<16384x128xi32, #tpu.memory_space<hbm>> -> memref<128x56xi32, #tpu.memory_space<hbm>>
    %dma_start3A_120 = arith.constant 0 : i32
    %dma_start3A_121 = tpu.memref_slice %arg6[%add3A_112, %dma_start3A_120] : memref<16384x128xi32, #tpu.memory_space<hbm>> -> memref<128x56xi32, #tpu.memory_space<hbm>>
    %dma_start3A_122 = arith.constant 0 : i32
    %dma_start3A_123 = arith.constant 0 : i32
    %dma_start3A_124 = tpu.memref_slice %arg10[%dma_start3A_113, %dma_start3A_122, %dma_start3A_123] : memref<2x128x56xi32, #tpu.memory_space<vmem>> -> memref<1x128x56xi32, #tpu.memory_space<vmem>>
    %dma_start3A_125 = tpu.memref_squeeze %dma_start3A_124 : memref<1x128x56xi32, #tpu.memory_space<vmem>> -> memref<128x56xi32, #tpu.memory_space<vmem>>
    tpu.enqueue_dma source(%dma_start3A_125 : memref<128x56xi32, #tpu.memory_space<vmem>>) target(%dma_start3A_121 : memref<128x56xi32, #tpu.memory_space<hbm>>) target_semaphore(%arg14 : memref<!tpu.dma_semaphore, #tpu.memory_space<semaphore_mem>>)
    %add3A_126 = arith.constant 256 : i32
    %add3A_127 = arith.addi %mul3A_2, %add3A_126 : i32
    %dma_start3A_128 = arith.constant 0 : i32
    %dma_start3A_129 = arith.constant 0 : i32
    %dma_start3A_130 = arith.constant 0 : i32
    %dma_start3A_131 = tpu.memref_slice %arg7[%dma_start3A_128, %dma_start3A_129, %dma_start3A_130] : memref<2x128x56xi32, #tpu.memory_space<vmem>> -> memref<1x128x56xi32, #tpu.memory_space<vmem>>
    %dma_start3A_132 = tpu.memref_squeeze %dma_start3A_131 : memref<1x128x56xi32, #tpu.memory_space<vmem>> -> memref<128x56xi32, #tpu.memory_space<vmem>>
    %dma_start3A_133 = arith.constant 0 : i32
    %dma_start3A_134 = tpu.memref_slice %arg2[%add3A_127, %dma_start3A_133] : memref<16384x128xi32, #tpu.memory_space<hbm>> -> memref<128x56xi32, #tpu.memory_space<hbm>>
    %dma_start3A_135 = arith.constant 0 : i32
    %dma_start3A_136 = arith.constant 0 : i32
    %dma_start3A_137 = tpu.memref_slice %arg7[%dma_start3A_128, %dma_start3A_135, %dma_start3A_136] : memref<2x128x56xi32, #tpu.memory_space<vmem>> -> memref<1x128x56xi32, #tpu.memory_space<vmem>>
    %dma_start3A_138 = tpu.memref_squeeze %dma_start3A_137 : memref<1x128x56xi32, #tpu.memory_space<vmem>> -> memref<128x56xi32, #tpu.memory_space<vmem>>
    %dma_start3A_139 = arith.constant 0 : i32
    %dma_start3A_140 = tpu.memref_slice %arg2[%add3A_127, %dma_start3A_139] : memref<16384x128xi32, #tpu.memory_space<hbm>> -> memref<128x56xi32, #tpu.memory_space<hbm>>
    tpu.enqueue_dma source(%dma_start3A_140 : memref<128x56xi32, #tpu.memory_space<hbm>>) target(%dma_start3A_138 : memref<128x56xi32, #tpu.memory_space<vmem>>) target_semaphore(%arg12 : memref<!tpu.dma_semaphore, #tpu.memory_space<semaphore_mem>>)
    %add3A_141 = arith.constant 256 : i32
    %add3A_142 = arith.addi %mul3A_2, %add3A_141 : i32
    %dma_start3A_143 = arith.constant 0 : i32
    %dma_start3A_144 = arith.constant 0 : i32
    %dma_start3A_145 = arith.constant 0 : i32
    %dma_start3A_146 = tpu.memref_slice %arg8[%dma_start3A_143, %dma_start3A_144, %dma_start3A_145] : memref<2x128x56xf32, #tpu.memory_space<vmem>> -> memref<1x128x56xf32, #tpu.memory_space<vmem>>
    %dma_start3A_147 = tpu.memref_squeeze %dma_start3A_146 : memref<1x128x56xf32, #tpu.memory_space<vmem>> -> memref<128x56xf32, #tpu.memory_space<vmem>>
    %dma_start3A_148 = arith.constant 0 : i32
    %dma_start3A_149 = tpu.memref_slice %arg3[%add3A_142, %dma_start3A_148] : memref<16384x128xf32, #tpu.memory_space<hbm>> -> memref<128x56xf32, #tpu.memory_space<hbm>>
    %dma_start3A_150 = arith.constant 0 : i32
    %dma_start3A_151 = arith.constant 0 : i32
    %dma_start3A_152 = tpu.memref_slice %arg8[%dma_start3A_143, %dma_start3A_150, %dma_start3A_151] : memref<2x128x56xf32, #tpu.memory_space<vmem>> -> memref<1x128x56xf32, #tpu.memory_space<vmem>>
    %dma_start3A_153 = tpu.memref_squeeze %dma_start3A_152 : memref<1x128x56xf32, #tpu.memory_space<vmem>> -> memref<128x56xf32, #tpu.memory_space<vmem>>
    %dma_start3A_154 = arith.constant 0 : i32
    %dma_start3A_155 = tpu.memref_slice %arg3[%add3A_142, %dma_start3A_154] : memref<16384x128xf32, #tpu.memory_space<hbm>> -> memref<128x56xf32, #tpu.memory_space<hbm>>
    tpu.enqueue_dma source(%dma_start3A_155 : memref<128x56xf32, #tpu.memory_space<hbm>>) target(%dma_start3A_153 : memref<128x56xf32, #tpu.memory_space<vmem>>) target_semaphore(%arg12 : memref<!tpu.dma_semaphore, #tpu.memory_space<semaphore_mem>>)
    %dma_wait3A_156 = arith.constant 1 : i32
    %dma_wait3A_157 = arith.constant 0 : i32
    %dma_wait3A_158 = arith.constant 0 : i32
    %dma_wait3A_159 = tpu.memref_slice %arg7[%dma_wait3A_156, %dma_wait3A_157, %dma_wait3A_158] : memref<2x128x56xi32, #tpu.memory_space<vmem>> -> memref<1x128x56xi32, #tpu.memory_space<vmem>>
    %dma_wait3A_160 = tpu.memref_squeeze %dma_wait3A_159 : memref<1x128x56xi32, #tpu.memory_space<vmem>> -> memref<128x56xi32, #tpu.memory_space<vmem>>
    %dma_wait3A_161 = arith.constant 0 : i32
    %dma_wait3A_162 = tpu.memref_slice %arg2[%add3A_33, %dma_wait3A_161] : memref<16384x128xi32, #tpu.memory_space<hbm>> -> memref<128x56xi32, #tpu.memory_space<hbm>>
    %dma_wait3A_163 = arith.constant 0 : i32
    %dma_wait3A_164 = arith.constant 0 : i32
    %dma_wait3A_165 = tpu.memref_slice %arg7[%dma_wait3A_156, %dma_wait3A_163, %dma_wait3A_164] : memref<2x128x56xi32, #tpu.memory_space<vmem>> -> memref<1x128x56xi32, #tpu.memory_space<vmem>>
    %dma_wait3A_166 = tpu.memref_squeeze %dma_wait3A_165 : memref<1x128x56xi32, #tpu.memory_space<vmem>> -> memref<128x56xi32, #tpu.memory_space<vmem>>
    %dma_wait3A_167 = arith.constant 0 : i32
    %dma_wait3A_168 = tpu.memref_slice %arg2[%add3A_33, %dma_wait3A_167] : memref<16384x128xi32, #tpu.memory_space<hbm>> -> memref<128x56xi32, #tpu.memory_space<hbm>>
    tpu.wait_dma2 semaphore(%arg13 : memref<!tpu.dma_semaphore, #tpu.memory_space<semaphore_mem>>) src(%dma_wait3A_168 : memref<128x56xi32, #tpu.memory_space<hbm>>) dst(%dma_wait3A_166 : memref<128x56xi32, #tpu.memory_space<vmem>>)
    %dma_wait3A_169 = arith.constant 1 : i32
    %dma_wait3A_170 = arith.constant 0 : i32
    %dma_wait3A_171 = arith.constant 0 : i32
    %dma_wait3A_172 = tpu.memref_slice %arg8[%dma_wait3A_169, %dma_wait3A_170, %dma_wait3A_171] : memref<2x128x56xf32, #tpu.memory_space<vmem>> -> memref<1x128x56xf32, #tpu.memory_space<vmem>>
    %dma_wait3A_173 = tpu.memref_squeeze %dma_wait3A_172 : memref<1x128x56xf32, #tpu.memory_space<vmem>> -> memref<128x56xf32, #tpu.memory_space<vmem>>
    %dma_wait3A_174 = arith.constant 0 : i32
    %dma_wait3A_175 = tpu.memref_slice %arg3[%add3A_48, %dma_wait3A_174] : memref<16384x128xf32, #tpu.memory_space<hbm>> -> memref<128x56xf32, #tpu.memory_space<hbm>>
    %dma_wait3A_176 = arith.constant 0 : i32
    %dma_wait3A_177 = arith.constant 0 : i32
    %dma_wait3A_178 = tpu.memref_slice %arg8[%dma_wait3A_169, %dma_wait3A_176, %dma_wait3A_177] : memref<2x128x56xf32, #tpu.memory_space<vmem>> -> memref<1x128x56xf32, #tpu.memory_space<vmem>>
    %dma_wait3A_179 = tpu.memref_squeeze %dma_wait3A_178 : memref<1x128x56xf32, #tpu.memory_space<vmem>> -> memref<128x56xf32, #tpu.memory_space<vmem>>
    %dma_wait3A_180 = arith.constant 0 : i32
    %dma_wait3A_181 = tpu.memref_slice %arg3[%add3A_48, %dma_wait3A_180] : memref<16384x128xf32, #tpu.memory_space<hbm>> -> memref<128x56xf32, #tpu.memory_space<hbm>>
    tpu.wait_dma2 semaphore(%arg13 : memref<!tpu.dma_semaphore, #tpu.memory_space<semaphore_mem>>) src(%dma_wait3A_181 : memref<128x56xf32, #tpu.memory_space<hbm>>) dst(%dma_wait3A_179 : memref<128x56xf32, #tpu.memory_space<vmem>>)
    %parallel_loop3A_182 = arith.constant 0 : i32
    %parallel_loop3A_183 = arith.constant 128 : i32
    %parallel_loop3A_184 = arith.constant 1 : i32
    %parallel_loop3A_185 = arith.constant 0 : i32
    %parallel_loop3A_186 = arith.constant 1 : i32
    %parallel_loop3A_187 = arith.constant 4 : i32
    scf.for %parallel_loop3A_476 = %parallel_loop3A_182 to %parallel_loop3A_183 step %parallel_loop3A_184  : i32 {
      %parallel_loop3A_477 = arith.constant 1 : i32
      %parallel_loop3A_478 = arith.index_cast %parallel_loop3A_477 : i32 to index
      %parallel_loop3A_479 = arith.index_cast %parallel_loop3A_476 : i32 to index
      %parallel_loop3A_480 = arith.constant 0 : index
      %parallel_loop3A_481 = tpu.vector_load %arg7[%parallel_loop3A_478, %parallel_loop3A_479, %parallel_loop3A_480] {strides = array<i32>} : memref<2x128x56xi32, #tpu.memory_space<vmem>>, vector<16xi32>,
      %parallel_loop3A_482 = arith.constant 0 : i32
      %parallel_loop3A_483 = tpu.memref_slice %arg11[%parallel_loop3A_185, %parallel_loop3A_482] : memref<5x128xf32, #tpu.memory_space<vmem>> -> memref<1x128xf32, #tpu.memory_space<vmem>>
      %parallel_loop3A_484 = tpu.memref_squeeze %parallel_loop3A_483 : memref<1x128xf32, #tpu.memory_space<vmem>> -> memref<128xf32, #tpu.memory_space<vmem>>
      %parallel_loop3A_485 = tpu.vector_load_idx %parallel_loop3A_484[%parallel_loop3A_481] : memref<128xf32, #tpu.memory_space<vmem>>[vector<16xi32>], vector<16xf32>,
      %parallel_loop3A_486 = arith.constant 0 : i32
      %parallel_loop3A_487 = tpu.memref_slice %arg11[%parallel_loop3A_186, %parallel_loop3A_486] : memref<5x128xf32, #tpu.memory_space<vmem>> -> memref<1x128xf32, #tpu.memory_space<vmem>>
      %parallel_loop3A_488 = tpu.memref_squeeze %parallel_loop3A_487 : memref<1x128xf32, #tpu.memory_space<vmem>> -> memref<128xf32, #tpu.memory_space<vmem>>
      %parallel_loop3A_489 = tpu.vector_load_idx %parallel_loop3A_488[%parallel_loop3A_481] : memref<128xf32, #tpu.memory_space<vmem>>[vector<16xi32>], vector<16xf32>,
      %parallel_loop3A_490 = arith.constant 0 : i32
      %parallel_loop3A_491 = tpu.memref_slice %arg11[%parallel_loop3A_187, %parallel_loop3A_490] : memref<5x128xf32, #tpu.memory_space<vmem>> -> memref<1x128xf32, #tpu.memory_space<vmem>>
      %parallel_loop3A_492 = tpu.memref_squeeze %parallel_loop3A_491 : memref<1x128xf32, #tpu.memory_space<vmem>> -> memref<128xf32, #tpu.memory_space<vmem>>
      %parallel_loop3A_493 = tpu.vector_load_idx %parallel_loop3A_492[%parallel_loop3A_481] : memref<128xf32, #tpu.memory_space<vmem>>[vector<16xi32>], vector<16xf32>,
      %parallel_loop3A_494 = arith.constant 1 : i32
      %parallel_loop3A_495 = arith.index_cast %parallel_loop3A_494 : i32 to index
      %parallel_loop3A_496 = arith.index_cast %parallel_loop3A_476 : i32 to index
      %parallel_loop3A_497 = arith.constant 0 : index
      %parallel_loop3A_498 = tpu.vector_load %arg8[%parallel_loop3A_495, %parallel_loop3A_496, %parallel_loop3A_497] {strides = array<i32>} : memref<2x128x56xf32, #tpu.memory_space<vmem>>, vector<16xf32>,
      %parallel_loop3A_499 = arith.mulf %parallel_loop3A_485, %parallel_loop3A_498 : vector<16xf32>
      %parallel_loop3A_500 = arith.addf %parallel_loop3A_499, %parallel_loop3A_489 : vector<16xf32>
      %parallel_loop3A_501 = math.exp %parallel_loop3A_500 : vector<16xf32>
      %parallel_loop3A_502 = arith.constant 1.000000e+00 : f32
      %parallel_loop3A_503 = vector.broadcast %parallel_loop3A_502 : f32 to vector<16xf32>
      %parallel_loop3A_504 = arith.addf %parallel_loop3A_503, %parallel_loop3A_501 : vector<16xf32>
      %parallel_loop3A_505 = arith.constant 1.000000e+00 : f32
      %parallel_loop3A_506 = vector.broadcast %parallel_loop3A_505 : f32 to vector<16xf32>
      %parallel_loop3A_507 = arith.divf %parallel_loop3A_506, %parallel_loop3A_504 : vector<16xf32>
      %parallel_loop3A_508 = arith.constant 1 : i32
      %parallel_loop3A_509 = arith.index_cast %parallel_loop3A_508 : i32 to index
      %parallel_loop3A_510 = arith.index_cast %parallel_loop3A_476 : i32 to index
      %parallel_loop3A_511 = arith.constant 0 : index
      %parallel_loop3A_512 = tpu.vector_load %arg9[%parallel_loop3A_509, %parallel_loop3A_510, %parallel_loop3A_511] {strides = array<i32>} : memref<2x128x56xf32, #tpu.memory_space<vmem>>, vector<16xf32>,
      tpu.vector_store %arg9[%parallel_loop3A_509, %parallel_loop3A_510, %parallel_loop3A_511], %parallel_loop3A_507 {strides = array<i32>} : memref<2x128x56xf32, #tpu.memory_space<vmem>>, vector<16xf32>,
      %parallel_loop3A_513 = arith.cmpf ogt, %parallel_loop3A_507, %parallel_loop3A_493 : vector<16xf32>
      %parallel_loop3A_514 = arith.constant 1 : i32
      %parallel_loop3A_515 = arith.constant 0 : i32
      %parallel_loop3A_516 = vector.broadcast %parallel_loop3A_514 : i32 to vector<16xi32>
      %parallel_loop3A_517 = vector.broadcast %parallel_loop3A_515 : i32 to vector<16xi32>
      %parallel_loop3A_518 = arith.select %parallel_loop3A_513, %parallel_loop3A_516, %parallel_loop3A_517 : vector<16xi1>, vector<16xi32>
      %parallel_loop3A_519 = arith.constant 1 : i32
      %parallel_loop3A_520 = arith.index_cast %parallel_loop3A_519 : i32 to index
      %parallel_loop3A_521 = arith.index_cast %parallel_loop3A_476 : i32 to index
      %parallel_loop3A_522 = arith.constant 0 : index
      %parallel_loop3A_523 = tpu.vector_load %arg10[%parallel_loop3A_520, %parallel_loop3A_521, %parallel_loop3A_522] {strides = array<i32>} : memref<2x128x56xi32, #tpu.memory_space<vmem>>, vector<16xi32>,
      tpu.vector_store %arg10[%parallel_loop3A_520, %parallel_loop3A_521, %parallel_loop3A_522], %parallel_loop3A_518 {strides = array<i32>} : memref<2x128x56xi32, #tpu.memory_space<vmem>>, vector<16xi32>,
      %parallel_loop3A_524 = arith.constant 1 : i32
      %parallel_loop3A_525 = arith.index_cast %parallel_loop3A_524 : i32 to index
      %parallel_loop3A_526 = arith.index_cast %parallel_loop3A_476 : i32 to index
      %parallel_loop3A_527 = arith.constant 16 : index
      %parallel_loop3A_528 = tpu.vector_load %arg7[%parallel_loop3A_525, %parallel_loop3A_526, %parallel_loop3A_527] {strides = array<i32>} : memref<2x128x56xi32, #tpu.memory_space<vmem>>, vector<16xi32>,
      %parallel_loop3A_529 = arith.constant 0 : i32
      %parallel_loop3A_530 = tpu.memref_slice %arg11[%parallel_loop3A_185, %parallel_loop3A_529] : memref<5x128xf32, #tpu.memory_space<vmem>> -> memref<1x128xf32, #tpu.memory_space<vmem>>
      %parallel_loop3A_531 = tpu.memref_squeeze %parallel_loop3A_530 : memref<1x128xf32, #tpu.memory_space<vmem>> -> memref<128xf32, #tpu.memory_space<vmem>>
      %parallel_loop3A_532 = tpu.vector_load_idx %parallel_loop3A_531[%parallel_loop3A_528] : memref<128xf32, #tpu.memory_space<vmem>>[vector<16xi32>], vector<16xf32>,
      %parallel_loop3A_533 = arith.constant 0 : i32
      %parallel_loop3A_534 = tpu.memref_slice %arg11[%parallel_loop3A_186, %parallel_loop3A_533] : memref<5x128xf32, #tpu.memory_space<vmem>> -> memref<1x128xf32, #tpu.memory_space<vmem>>
      %parallel_loop3A_535 = tpu.memref_squeeze %parallel_loop3A_534 : memref<1x128xf32, #tpu.memory_space<vmem>> -> memref<128xf32, #tpu.memory_space<vmem>>
      %parallel_loop3A_536 = tpu.vector_load_idx %parallel_loop3A_535[%parallel_loop3A_528] : memref<128xf32, #tpu.memory_space<vmem>>[vector<16xi32>], vector<16xf32>,
      %parallel_loop3A_537 = arith.constant 0 : i32
      %parallel_loop3A_538 = tpu.memref_slice %arg11[%parallel_loop3A_187, %parallel_loop3A_537] : memref<5x128xf32, #tpu.memory_space<vmem>> -> memref<1x128xf32, #tpu.memory_space<vmem>>
      %parallel_loop3A_539 = tpu.memref_squeeze %parallel_loop3A_538 : memref<1x128xf32, #tpu.memory_space<vmem>> -> memref<128xf32, #tpu.memory_space<vmem>>
      %parallel_loop3A_540 = tpu.vector_load_idx %parallel_loop3A_539[%parallel_loop3A_528] : memref<128xf32, #tpu.memory_space<vmem>>[vector<16xi32>], vector<16xf32>,
      %parallel_loop3A_541 = arith.constant 1 : i32
      %parallel_loop3A_542 = arith.index_cast %parallel_loop3A_541 : i32 to index
      %parallel_loop3A_543 = arith.index_cast %parallel_loop3A_476 : i32 to index
      %parallel_loop3A_544 = arith.constant 16 : index
      %parallel_loop3A_545 = tpu.vector_load %arg8[%parallel_loop3A_542, %parallel_loop3A_543, %parallel_loop3A_544] {strides = array<i32>} : memref<2x128x56xf32, #tpu.memory_space<vmem>>, vector<16xf32>,
      %parallel_loop3A_546 = arith.mulf %parallel_loop3A_532, %parallel_loop3A_545 : vector<16xf32>
      %parallel_loop3A_547 = arith.addf %parallel_loop3A_546, %parallel_loop3A_536 : vector<16xf32>
      %parallel_loop3A_548 = math.exp %parallel_loop3A_547 : vector<16xf32>
      %parallel_loop3A_549 = arith.constant 1.000000e+00 : f32
      %parallel_loop3A_550 = vector.broadcast %parallel_loop3A_549 : f32 to vector<16xf32>
      %parallel_loop3A_551 = arith.addf %parallel_loop3A_550, %parallel_loop3A_548 : vector<16xf32>
      %parallel_loop3A_552 = arith.constant 1.000000e+00 : f32
      %parallel_loop3A_553 = vector.broadcast %parallel_loop3A_552 : f32 to vector<16xf32>
      %parallel_loop3A_554 = arith.divf %parallel_loop3A_553, %parallel_loop3A_551 : vector<16xf32>
      %parallel_loop3A_555 = arith.constant 1 : i32
      %parallel_loop3A_556 = arith.index_cast %parallel_loop3A_555 : i32 to index
      %parallel_loop3A_557 = arith.index_cast %parallel_loop3A_476 : i32 to index
      %parallel_loop3A_558 = arith.constant 16 : index
      %parallel_loop3A_559 = tpu.vector_load %arg9[%parallel_loop3A_556, %parallel_loop3A_557, %parallel_loop3A_558] {strides = array<i32>} : memref<2x128x56xf32, #tpu.memory_space<vmem>>, vector<16xf32>,
      tpu.vector_store %arg9[%parallel_loop3A_556, %parallel_loop3A_557, %parallel_loop3A_558], %parallel_loop3A_554 {strides = array<i32>} : memref<2x128x56xf32, #tpu.memory_space<vmem>>, vector<16xf32>,
      %parallel_loop3A_560 = arith.cmpf ogt, %parallel_loop3A_554, %parallel_loop3A_540 : vector<16xf32>
      %parallel_loop3A_561 = arith.constant 1 : i32
      %parallel_loop3A_562 = arith.constant 0 : i32
      %parallel_loop3A_563 = vector.broadcast %parallel_loop3A_561 : i32 to vector<16xi32>
      %parallel_loop3A_564 = vector.broadcast %parallel_loop3A_562 : i32 to vector<16xi32>
      %parallel_loop3A_565 = arith.select %parallel_loop3A_560, %parallel_loop3A_563, %parallel_loop3A_564 : vector<16xi1>, vector<16xi32>
      %parallel_loop3A_566 = arith.constant 1 : i32
      %parallel_loop3A_567 = arith.index_cast %parallel_loop3A_566 : i32 to index
      %parallel_loop3A_568 = arith.index_cast %parallel_loop3A_476 : i32 to index
      %parallel_loop3A_569 = arith.constant 16 : index
      %parallel_loop3A_570 = tpu.vector_load %arg10[%parallel_loop3A_567, %parallel_loop3A_568, %parallel_loop3A_569] {strides = array<i32>} : memref<2x128x56xi32, #tpu.memory_space<vmem>>, vector<16xi32>,
      tpu.vector_store %arg10[%parallel_loop3A_567, %parallel_loop3A_568, %parallel_loop3A_569], %parallel_loop3A_565 {strides = array<i32>} : memref<2x128x56xi32, #tpu.memory_space<vmem>>, vector<16xi32>,
      %parallel_loop3A_571 = arith.constant 1 : i32
      %parallel_loop3A_572 = arith.index_cast %parallel_loop3A_571 : i32 to index
      %parallel_loop3A_573 = arith.index_cast %parallel_loop3A_476 : i32 to index
      %parallel_loop3A_574 = arith.constant 32 : index
      %parallel_loop3A_575 = tpu.vector_load %arg7[%parallel_loop3A_572, %parallel_loop3A_573, %parallel_loop3A_574] {strides = array<i32>} : memref<2x128x56xi32, #tpu.memory_space<vmem>>, vector<16xi32>,
      %parallel_loop3A_576 = arith.constant 0 : i32
      %parallel_loop3A_577 = tpu.memref_slice %arg11[%parallel_loop3A_185, %parallel_loop3A_576] : memref<5x128xf32, #tpu.memory_space<vmem>> -> memref<1x128xf32, #tpu.memory_space<vmem>>
      %parallel_loop3A_578 = tpu.memref_squeeze %parallel_loop3A_577 : memref<1x128xf32, #tpu.memory_space<vmem>> -> memref<128xf32, #tpu.memory_space<vmem>>
      %parallel_loop3A_579 = tpu.vector_load_idx %parallel_loop3A_578[%parallel_loop3A_575] : memref<128xf32, #tpu.memory_space<vmem>>[vector<16xi32>], vector<16xf32>,
      %parallel_loop3A_580 = arith.constant 0 : i32
      %parallel_loop3A_581 = tpu.memref_slice %arg11[%parallel_loop3A_186, %parallel_loop3A_580] : memref<5x128xf32, #tpu.memory_space<vmem>> -> memref<1x128xf32, #tpu.memory_space<vmem>>
      %parallel_loop3A_582 = tpu.memref_squeeze %parallel_loop3A_581 : memref<1x128xf32, #tpu.memory_space<vmem>> -> memref<128xf32, #tpu.memory_space<vmem>>
      %parallel_loop3A_583 = tpu.vector_load_idx %parallel_loop3A_582[%parallel_loop3A_575] : memref<128xf32, #tpu.memory_space<vmem>>[vector<16xi32>], vector<16xf32>,
      %parallel_loop3A_584 = arith.constant 0 : i32
      %parallel_loop3A_585 = tpu.memref_slice %arg11[%parallel_loop3A_187, %parallel_loop3A_584] : memref<5x128xf32, #tpu.memory_space<vmem>> -> memref<1x128xf32, #tpu.memory_space<vmem>>
      %parallel_loop3A_586 = tpu.memref_squeeze %parallel_loop3A_585 : memref<1x128xf32, #tpu.memory_space<vmem>> -> memref<128xf32, #tpu.memory_space<vmem>>
      %parallel_loop3A_587 = tpu.vector_load_idx %parallel_loop3A_586[%parallel_loop3A_575] : memref<128xf32, #tpu.memory_space<vmem>>[vector<16xi32>], vector<16xf32>,
      %parallel_loop3A_588 = arith.constant 1 : i32
      %parallel_loop3A_589 = arith.index_cast %parallel_loop3A_588 : i32 to index
      %parallel_loop3A_590 = arith.index_cast %parallel_loop3A_476 : i32 to index
      %parallel_loop3A_591 = arith.constant 32 : index
      %parallel_loop3A_592 = tpu.vector_load %arg8[%parallel_loop3A_589, %parallel_loop3A_590, %parallel_loop3A_591] {strides = array<i32>} : memref<2x128x56xf32, #tpu.memory_space<vmem>>, vector<16xf32>,
      %parallel_loop3A_593 = arith.mulf %parallel_loop3A_579, %parallel_loop3A_592 : vector<16xf32>
      %parallel_loop3A_594 = arith.addf %parallel_loop3A_593, %parallel_loop3A_583 : vector<16xf32>
      %parallel_loop3A_595 = math.exp %parallel_loop3A_594 : vector<16xf32>
      %parallel_loop3A_596 = arith.constant 1.000000e+00 : f32
      %parallel_loop3A_597 = vector.broadcast %parallel_loop3A_596 : f32 to vector<16xf32>
      %parallel_loop3A_598 = arith.addf %parallel_loop3A_597, %parallel_loop3A_595 : vector<16xf32>
      %parallel_loop3A_599 = arith.constant 1.000000e+00 : f32
      %parallel_loop3A_600 = vector.broadcast %parallel_loop3A_599 : f32 to vector<16xf32>
      %parallel_loop3A_601 = arith.divf %parallel_loop3A_600, %parallel_loop3A_598 : vector<16xf32>
      %parallel_loop3A_602 = arith.constant 1 : i32
      %parallel_loop3A_603 = arith.index_cast %parallel_loop3A_602 : i32 to index
      %parallel_loop3A_604 = arith.index_cast %parallel_loop3A_476 : i32 to index
      %parallel_loop3A_605 = arith.constant 32 : index
      %parallel_loop3A_606 = tpu.vector_load %arg9[%parallel_loop3A_603, %parallel_loop3A_604, %parallel_loop3A_605] {strides = array<i32>} : memref<2x128x56xf32, #tpu.memory_space<vmem>>, vector<16xf32>,
      tpu.vector_store %arg9[%parallel_loop3A_603, %parallel_loop3A_604, %parallel_loop3A_605], %parallel_loop3A_601 {strides = array<i32>} : memref<2x128x56xf32, #tpu.memory_space<vmem>>, vector<16xf32>,
      %parallel_loop3A_607 = arith.cmpf ogt, %parallel_loop3A_601, %parallel_loop3A_587 : vector<16xf32>
      %parallel_loop3A_608 = arith.constant 1 : i32
      %parallel_loop3A_609 = arith.constant 0 : i32
      %parallel_loop3A_610 = vector.broadcast %parallel_loop3A_608 : i32 to vector<16xi32>
      %parallel_loop3A_611 = vector.broadcast %parallel_loop3A_609 : i32 to vector<16xi32>
      %parallel_loop3A_612 = arith.select %parallel_loop3A_607, %parallel_loop3A_610, %parallel_loop3A_611 : vector<16xi1>, vector<16xi32>
      %parallel_loop3A_613 = arith.constant 1 : i32
      %parallel_loop3A_614 = arith.index_cast %parallel_loop3A_613 : i32 to index
      %parallel_loop3A_615 = arith.index_cast %parallel_loop3A_476 : i32 to index
      %parallel_loop3A_616 = arith.constant 32 : index
      %parallel_loop3A_617 = tpu.vector_load %arg10[%parallel_loop3A_614, %parallel_loop3A_615, %parallel_loop3A_616] {strides = array<i32>} : memref<2x128x56xi32, #tpu.memory_space<vmem>>, vector<16xi32>,
      tpu.vector_store %arg10[%parallel_loop3A_614, %parallel_loop3A_615, %parallel_loop3A_616], %parallel_loop3A_612 {strides = array<i32>} : memref<2x128x56xi32, #tpu.memory_space<vmem>>, vector<16xi32>,
      %parallel_loop3A_618 = arith.constant 1 : i32
      %parallel_loop3A_619 = arith.index_cast %parallel_loop3A_618 : i32 to index
      %parallel_loop3A_620 = arith.index_cast %parallel_loop3A_476 : i32 to index
      %parallel_loop3A_621 = arith.constant 34 : index
      %parallel_loop3A_622 = tpu.vector_load %arg7[%parallel_loop3A_619, %parallel_loop3A_620, %parallel_loop3A_621] {strides = array<i32>} : memref<2x128x56xi32, #tpu.memory_space<vmem>>, vector<16xi32>,
      %parallel_loop3A_623 = arith.constant 0 : i32
      %parallel_loop3A_624 = tpu.memref_slice %arg11[%parallel_loop3A_185, %parallel_loop3A_623] : memref<5x128xf32, #tpu.memory_space<vmem>> -> memref<1x128xf32, #tpu.memory_space<vmem>>
      %parallel_loop3A_625 = tpu.memref_squeeze %parallel_loop3A_624 : memref<1x128xf32, #tpu.memory_space<vmem>> -> memref<128xf32, #tpu.memory_space<vmem>>
      %parallel_loop3A_626 = tpu.vector_load_idx %parallel_loop3A_625[%parallel_loop3A_622] : memref<128xf32, #tpu.memory_space<vmem>>[vector<16xi32>], vector<16xf32>,
      %parallel_loop3A_627 = arith.constant 0 : i32
      %parallel_loop3A_628 = tpu.memref_slice %arg11[%parallel_loop3A_186, %parallel_loop3A_627] : memref<5x128xf32, #tpu.memory_space<vmem>> -> memref<1x128xf32, #tpu.memory_space<vmem>>
      %parallel_loop3A_629 = tpu.memref_squeeze %parallel_loop3A_628 : memref<1x128xf32, #tpu.memory_space<vmem>> -> memref<128xf32, #tpu.memory_space<vmem>>
      %parallel_loop3A_630 = tpu.vector_load_idx %parallel_loop3A_629[%parallel_loop3A_622] : memref<128xf32, #tpu.memory_space<vmem>>[vector<16xi32>], vector<16xf32>,
      %parallel_loop3A_631 = arith.constant 0 : i32
      %parallel_loop3A_632 = tpu.memref_slice %arg11[%parallel_loop3A_187, %parallel_loop3A_631] : memref<5x128xf32, #tpu.memory_space<vmem>> -> memref<1x128xf32, #tpu.memory_space<vmem>>
      %parallel_loop3A_633 = tpu.memref_squeeze %parallel_loop3A_632 : memref<1x128xf32, #tpu.memory_space<vmem>> -> memref<128xf32, #tpu.memory_space<vmem>>
      %parallel_loop3A_634 = tpu.vector_load_idx %parallel_loop3A_633[%parallel_loop3A_622] : memref<128xf32, #tpu.memory_space<vmem>>[vector<16xi32>], vector<16xf32>,
      %parallel_loop3A_635 = arith.constant 1 : i32
      %parallel_loop3A_636 = arith.index_cast %parallel_loop3A_635 : i32 to index
      %parallel_loop3A_637 = arith.index_cast %parallel_loop3A_476 : i32 to index
      %parallel_loop3A_638 = arith.constant 34 : index
      %parallel_loop3A_639 = tpu.vector_load %arg8[%parallel_loop3A_636, %parallel_loop3A_637, %parallel_loop3A_638] {strides = array<i32>} : memref<2x128x56xf32, #tpu.memory_space<vmem>>, vector<16xf32>,
      %parallel_loop3A_640 = arith.mulf %parallel_loop3A_626, %parallel_loop3A_639 : vector<16xf32>
      %parallel_loop3A_641 = arith.addf %parallel_loop3A_640, %parallel_loop3A_630 : vector<16xf32>
      %parallel_loop3A_642 = math.exp %parallel_loop3A_641 : vector<16xf32>
      %parallel_loop3A_643 = arith.constant 1.000000e+00 : f32
      %parallel_loop3A_644 = vector.broadcast %parallel_loop3A_643 : f32 to vector<16xf32>
      %parallel_loop3A_645 = arith.addf %parallel_loop3A_644, %parallel_loop3A_642 : vector<16xf32>
      %parallel_loop3A_646 = arith.constant 1.000000e+00 : f32
      %parallel_loop3A_647 = vector.broadcast %parallel_loop3A_646 : f32 to vector<16xf32>
      %parallel_loop3A_648 = arith.divf %parallel_loop3A_647, %parallel_loop3A_645 : vector<16xf32>
      %parallel_loop3A_649 = arith.constant 1 : i32
      %parallel_loop3A_650 = arith.index_cast %parallel_loop3A_649 : i32 to index
      %parallel_loop3A_651 = arith.index_cast %parallel_loop3A_476 : i32 to index
      %parallel_loop3A_652 = arith.constant 34 : index
      %parallel_loop3A_653 = tpu.vector_load %arg9[%parallel_loop3A_650, %parallel_loop3A_651, %parallel_loop3A_652] {strides = array<i32>} : memref<2x128x56xf32, #tpu.memory_space<vmem>>, vector<16xf32>,
      tpu.vector_store %arg9[%parallel_loop3A_650, %parallel_loop3A_651, %parallel_loop3A_652], %parallel_loop3A_648 {strides = array<i32>} : memref<2x128x56xf32, #tpu.memory_space<vmem>>, vector<16xf32>,
      %parallel_loop3A_654 = arith.cmpf ogt, %parallel_loop3A_648, %parallel_loop3A_634 : vector<16xf32>
      %parallel_loop3A_655 = arith.constant 1 : i32
      %parallel_loop3A_656 = arith.constant 0 : i32
      %parallel_loop3A_657 = vector.broadcast %parallel_loop3A_655 : i32 to vector<16xi32>
      %parallel_loop3A_658 = vector.broadcast %parallel_loop3A_656 : i32 to vector<16xi32>
      %parallel_loop3A_659 = arith.select %parallel_loop3A_654, %parallel_loop3A_657, %parallel_loop3A_658 : vector<16xi1>, vector<16xi32>
      %parallel_loop3A_660 = arith.constant 1 : i32
      %parallel_loop3A_661 = arith.index_cast %parallel_loop3A_660 : i32 to index
      %parallel_loop3A_662 = arith.index_cast %parallel_loop3A_476 : i32 to index
      %parallel_loop3A_663 = arith.constant 34 : index
      %parallel_loop3A_664 = tpu.vector_load %arg10[%parallel_loop3A_661, %parallel_loop3A_662, %parallel_loop3A_663] {strides = array<i32>} : memref<2x128x56xi32, #tpu.memory_space<vmem>>, vector<16xi32>,
      tpu.vector_store %arg10[%parallel_loop3A_661, %parallel_loop3A_662, %parallel_loop3A_663], %parallel_loop3A_659 {strides = array<i32>} : memref<2x128x56xi32, #tpu.memory_space<vmem>>, vector<16xi32>,
    } {sc.loop_unroll_factor = 4 : i64, sc.parallel_access}
    %dma_wait3A_188 = arith.constant 0 : i32
    %dma_wait3A_189 = arith.constant 0 : i32
    %dma_wait3A_190 = arith.constant 0 : i32
    %dma_wait3A_191 = tpu.memref_slice %arg9[%dma_wait3A_188, %dma_wait3A_189, %dma_wait3A_190] : memref<2x128x56xf32, #tpu.memory_space<vmem>> -> memref<1x128x56xf32, #tpu.memory_space<vmem>>
    %dma_wait3A_192 = tpu.memref_squeeze %dma_wait3A_191 : memref<1x128x56xf32, #tpu.memory_space<vmem>> -> memref<128x56xf32, #tpu.memory_space<vmem>>
    %dma_wait3A_193 = arith.constant 0 : i32
    %dma_wait3A_194 = tpu.memref_slice %arg5[%add3A_97, %dma_wait3A_193] : memref<16384x128xf32, #tpu.memory_space<hbm>> -> memref<128x56xf32, #tpu.memory_space<hbm>>
    %dma_wait3A_195 = arith.constant 0 : i32
    %dma_wait3A_196 = tpu.memref_slice %arg5[%add3A_97, %dma_wait3A_195] : memref<16384x128xf32, #tpu.memory_space<hbm>> -> memref<128x56xf32, #tpu.memory_space<hbm>>
    %dma_wait3A_197 = arith.constant 0 : i32
    %dma_wait3A_198 = arith.constant 0 : i32
    %dma_wait3A_199 = tpu.memref_slice %arg9[%dma_wait3A_188, %dma_wait3A_197, %dma_wait3A_198] : memref<2x128x56xf32, #tpu.memory_space<vmem>> -> memref<1x128x56xf32, #tpu.memory_space<vmem>>
    %dma_wait3A_200 = tpu.memref_squeeze %dma_wait3A_199 : memref<1x128x56xf32, #tpu.memory_space<vmem>> -> memref<128x56xf32, #tpu.memory_space<vmem>>
    tpu.wait_dma2 semaphore(%arg14 : memref<!tpu.dma_semaphore, #tpu.memory_space<semaphore_mem>>) src(%dma_wait3A_200 : memref<128x56xf32, #tpu.memory_space<vmem>>) dst(%dma_wait3A_196 : memref<128x56xf32, #tpu.memory_space<hbm>>)
    %dma_wait3A_201 = arith.constant 0 : i32
    %dma_wait3A_202 = arith.constant 0 : i32
    %dma_wait3A_203 = arith.constant 0 : i32
    %dma_wait3A_204 = tpu.memref_slice %arg10[%dma_wait3A_201, %dma_wait3A_202, %dma_wait3A_203] : memref<2x128x56xi32, #tpu.memory_space<vmem>> -> memref<1x128x56xi32, #tpu.memory_space<vmem>>
    %dma_wait3A_205 = tpu.memref_squeeze %dma_wait3A_204 : memref<1x128x56xi32, #tpu.memory_space<vmem>> -> memref<128x56xi32, #tpu.memory_space<vmem>>
    %dma_wait3A_206 = arith.constant 0 : i32
    %dma_wait3A_207 = tpu.memref_slice %arg6[%add3A_112, %dma_wait3A_206] : memref<16384x128xi32, #tpu.memory_space<hbm>> -> memref<128x56xi32, #tpu.memory_space<hbm>>
    %dma_wait3A_208 = arith.constant 0 : i32
    %dma_wait3A_209 = tpu.memref_slice %arg6[%add3A_112, %dma_wait3A_208] : memref<16384x128xi32, #tpu.memory_space<hbm>> -> memref<128x56xi32, #tpu.memory_space<hbm>>
    %dma_wait3A_210 = arith.constant 0 : i32
    %dma_wait3A_211 = arith.constant 0 : i32
    %dma_wait3A_212 = tpu.memref_slice %arg10[%dma_wait3A_201, %dma_wait3A_210, %dma_wait3A_211] : memref<2x128x56xi32, #tpu.memory_space<vmem>> -> memref<1x128x56xi32, #tpu.memory_space<vmem>>
    %dma_wait3A_213 = tpu.memref_squeeze %dma_wait3A_212 : memref<1x128x56xi32, #tpu.memory_space<vmem>> -> memref<128x56xi32, #tpu.memory_space<vmem>>
    tpu.wait_dma2 semaphore(%arg14 : memref<!tpu.dma_semaphore, #tpu.memory_space<semaphore_mem>>) src(%dma_wait3A_213 : memref<128x56xi32, #tpu.memory_space<vmem>>) dst(%dma_wait3A_209 : memref<128x56xi32, #tpu.memory_space<hbm>>)
    %add3A_214 = arith.constant 128 : i32
    %add3A_215 = arith.addi %mul3A_2, %add3A_214 : i32
    %dma_start3A_216 = arith.constant 1 : i32
    %dma_start3A_217 = arith.constant 0 : i32
    %dma_start3A_218 = arith.constant 0 : i32
    %dma_start3A_219 = tpu.memref_slice %arg9[%dma_start3A_216, %dma_start3A_217, %dma_start3A_218] : memref<2x128x56xf32, #tpu.memory_space<vmem>> -> memref<1x128x56xf32, #tpu.memory_space<vmem>>
    %dma_start3A_220 = tpu.memref_squeeze %dma_start3A_219 : memref<1x128x56xf32, #tpu.memory_space<vmem>> -> memref<128x56xf32, #tpu.memory_space<vmem>>
    %dma_start3A_221 = arith.constant 0 : i32
    %dma_start3A_222 = tpu.memref_slice %arg5[%add3A_215, %dma_start3A_221] : memref<16384x128xf32, #tpu.memory_space<hbm>> -> memref<128x56xf32, #tpu.memory_space<hbm>>
    %dma_start3A_223 = arith.constant 0 : i32
    %dma_start3A_224 = tpu.memref_slice %arg5[%add3A_215, %dma_start3A_223] : memref<16384x128xf32, #tpu.memory_space<hbm>> -> memref<128x56xf32, #tpu.memory_space<hbm>>
    %dma_start3A_225 = arith.constant 0 : i32
    %dma_start3A_226 = arith.constant 0 : i32
    %dma_start3A_227 = tpu.memref_slice %arg9[%dma_start3A_216, %dma_start3A_225, %dma_start3A_226] : memref<2x128x56xf32, #tpu.memory_space<vmem>> -> memref<1x128x56xf32, #tpu.memory_space<vmem>>
    %dma_start3A_228 = tpu.memref_squeeze %dma_start3A_227 : memref<1x128x56xf32, #tpu.memory_space<vmem>> -> memref<128x56xf32, #tpu.memory_space<vmem>>
    tpu.enqueue_dma source(%dma_start3A_228 : memref<128x56xf32, #tpu.memory_space<vmem>>) target(%dma_start3A_224 : memref<128x56xf32, #tpu.memory_space<hbm>>) target_semaphore(%arg14 : memref<!tpu.dma_semaphore, #tpu.memory_space<semaphore_mem>>)
    %add3A_229 = arith.constant 128 : i32
    %add3A_230 = arith.addi %mul3A_2, %add3A_229 : i32
    %dma_start3A_231 = arith.constant 1 : i32
    %dma_start3A_232 = arith.constant 0 : i32
    %dma_start3A_233 = arith.constant 0 : i32
    %dma_start3A_234 = tpu.memref_slice %arg10[%dma_start3A_231, %dma_start3A_232, %dma_start3A_233] : memref<2x128x56xi32, #tpu.memory_space<vmem>> -> memref<1x128x56xi32, #tpu.memory_space<vmem>>
    %dma_start3A_235 = tpu.memref_squeeze %dma_start3A_234 : memref<1x128x56xi32, #tpu.memory_space<vmem>> -> memref<128x56xi32, #tpu.memory_space<vmem>>
    %dma_start3A_236 = arith.constant 0 : i32
    %dma_start3A_237 = tpu.memref_slice %arg6[%add3A_230, %dma_start3A_236] : memref<16384x128xi32, #tpu.memory_space<hbm>> -> memref<128x56xi32, #tpu.memory_space<hbm>>
    %dma_start3A_238 = arith.constant 0 : i32
    %dma_start3A_239 = tpu.memref_slice %arg6[%add3A_230, %dma_start3A_238] : memref<16384x128xi32, #tpu.memory_space<hbm>> -> memref<128x56xi32, #tpu.memory_space<hbm>>
    %dma_start3A_240 = arith.constant 0 : i32
    %dma_start3A_241 = arith.constant 0 : i32
    %dma_start3A_242 = tpu.memref_slice %arg10[%dma_start3A_231, %dma_start3A_240, %dma_start3A_241] : memref<2x128x56xi32, #tpu.memory_space<vmem>> -> memref<1x128x56xi32, #tpu.memory_space<vmem>>
    %dma_start3A_243 = tpu.memref_squeeze %dma_start3A_242 : memref<1x128x56xi32, #tpu.memory_space<vmem>> -> memref<128x56xi32, #tpu.memory_space<vmem>>
    tpu.enqueue_dma source(%dma_start3A_243 : memref<128x56xi32, #tpu.memory_space<vmem>>) target(%dma_start3A_239 : memref<128x56xi32, #tpu.memory_space<hbm>>) target_semaphore(%arg14 : memref<!tpu.dma_semaphore, #tpu.memory_space<semaphore_mem>>)
    %add3A_244 = arith.constant 384 : i32
    %add3A_245 = arith.addi %mul3A_2, %add3A_244 : i32
    %dma_start3A_246 = arith.constant 1 : i32
    %dma_start3A_247 = arith.constant 0 : i32
    %dma_start3A_248 = arith.constant 0 : i32
    %dma_start3A_249 = tpu.memref_slice %arg7[%dma_start3A_246, %dma_start3A_247, %dma_start3A_248] : memref<2x128x56xi32, #tpu.memory_space<vmem>> -> memref<1x128x56xi32, #tpu.memory_space<vmem>>
    %dma_start3A_250 = tpu.memref_squeeze %dma_start3A_249 : memref<1x128x56xi32, #tpu.memory_space<vmem>> -> memref<128x56xi32, #tpu.memory_space<vmem>>
    %dma_start3A_251 = arith.constant 0 : i32
    %dma_start3A_252 = tpu.memref_slice %arg2[%add3A_245, %dma_start3A_251] : memref<16384x128xi32, #tpu.memory_space<hbm>> -> memref<128x56xi32, #tpu.memory_space<hbm>>
    %dma_start3A_253 = arith.constant 0 : i32
    %dma_start3A_254 = arith.constant 0 : i32
    %dma_start3A_255 = tpu.memref_slice %arg7[%dma_start3A_246, %dma_start3A_253, %dma_start3A_254] : memref<2x128x56xi32, #tpu.memory_space<vmem>> -> memref<1x128x56xi32, #tpu.memory_space<vmem>>
    %dma_start3A_256 = tpu.memref_squeeze %dma_start3A_255 : memref<1x128x56xi32, #tpu.memory_space<vmem>> -> memref<128x56xi32, #tpu.memory_space<vmem>>
    %dma_start3A_257 = arith.constant 0 : i32
    %dma_start3A_258 = tpu.memref_slice %arg2[%add3A_245, %dma_start3A_257] : memref<16384x128xi32, #tpu.memory_space<hbm>> -> memref<128x56xi32, #tpu.memory_space<hbm>>
    tpu.enqueue_dma source(%dma_start3A_258 : memref<128x56xi32, #tpu.memory_space<hbm>>) target(%dma_start3A_256 : memref<128x56xi32, #tpu.memory_space<vmem>>) target_semaphore(%arg13 : memref<!tpu.dma_semaphore, #tpu.memory_space<semaphore_mem>>)
    %add3A_259 = arith.constant 384 : i32
    %add3A_260 = arith.addi %mul3A_2, %add3A_259 : i32
    %dma_start3A_261 = arith.constant 1 : i32
    %dma_start3A_262 = arith.constant 0 : i32
    %dma_start3A_263 = arith.constant 0 : i32
    %dma_start3A_264 = tpu.memref_slice %arg8[%dma_start3A_261, %dma_start3A_262, %dma_start3A_263] : memref<2x128x56xf32, #tpu.memory_space<vmem>> -> memref<1x128x56xf32, #tpu.memory_space<vmem>>
    %dma_start3A_265 = tpu.memref_squeeze %dma_start3A_264 : memref<1x128x56xf32, #tpu.memory_space<vmem>> -> memref<128x56xf32, #tpu.memory_space<vmem>>
    %dma_start3A_266 = arith.constant 0 : i32
    %dma_start3A_267 = tpu.memref_slice %arg3[%add3A_260, %dma_start3A_266] : memref<16384x128xf32, #tpu.memory_space<hbm>> -> memref<128x56xf32, #tpu.memory_space<hbm>>
    %dma_start3A_268 = arith.constant 0 : i32
    %dma_start3A_269 = arith.constant 0 : i32
    %dma_start3A_270 = tpu.memref_slice %arg8[%dma_start3A_261, %dma_start3A_268, %dma_start3A_269] : memref<2x128x56xf32, #tpu.memory_space<vmem>> -> memref<1x128x56xf32, #tpu.memory_space<vmem>>
    %dma_start3A_271 = tpu.memref_squeeze %dma_start3A_270 : memref<1x128x56xf32, #tpu.memory_space<vmem>> -> memref<128x56xf32, #tpu.memory_space<vmem>>
    %dma_start3A_272 = arith.constant 0 : i32
    %dma_start3A_273 = tpu.memref_slice %arg3[%add3A_260, %dma_start3A_272] : memref<16384x128xf32, #tpu.memory_space<hbm>> -> memref<128x56xf32, #tpu.memory_space<hbm>>
    tpu.enqueue_dma source(%dma_start3A_273 : memref<128x56xf32, #tpu.memory_space<hbm>>) target(%dma_start3A_271 : memref<128x56xf32, #tpu.memory_space<vmem>>) target_semaphore(%arg13 : memref<!tpu.dma_semaphore, #tpu.memory_space<semaphore_mem>>)
    %dma_wait3A_274 = arith.constant 0 : i32
    %dma_wait3A_275 = arith.constant 0 : i32
    %dma_wait3A_276 = arith.constant 0 : i32
    %dma_wait3A_277 = tpu.memref_slice %arg7[%dma_wait3A_274, %dma_wait3A_275, %dma_wait3A_276] : memref<2x128x56xi32, #tpu.memory_space<vmem>> -> memref<1x128x56xi32, #tpu.memory_space<vmem>>
    %dma_wait3A_278 = tpu.memref_squeeze %dma_wait3A_277 : memref<1x128x56xi32, #tpu.memory_space<vmem>> -> memref<128x56xi32, #tpu.memory_space<vmem>>
    %dma_wait3A_279 = arith.constant 0 : i32
    %dma_wait3A_280 = tpu.memref_slice %arg2[%add3A_127, %dma_wait3A_279] : memref<16384x128xi32, #tpu.memory_space<hbm>> -> memref<128x56xi32, #tpu.memory_space<hbm>>
    %dma_wait3A_281 = arith.constant 0 : i32
    %dma_wait3A_282 = arith.constant 0 : i32
    %dma_wait3A_283 = tpu.memref_slice %arg7[%dma_wait3A_274, %dma_wait3A_281, %dma_wait3A_282] : memref<2x128x56xi32, #tpu.memory_space<vmem>> -> memref<1x128x56xi32, #tpu.memory_space<vmem>>
    %dma_wait3A_284 = tpu.memref_squeeze %dma_wait3A_283 : memref<1x128x56xi32, #tpu.memory_space<vmem>> -> memref<128x56xi32, #tpu.memory_space<vmem>>
    %dma_wait3A_285 = arith.constant 0 : i32
    %dma_wait3A_286 = tpu.memref_slice %arg2[%add3A_127, %dma_wait3A_285] : memref<16384x128xi32, #tpu.memory_space<hbm>> -> memref<128x56xi32, #tpu.memory_space<hbm>>
    tpu.wait_dma2 semaphore(%arg12 : memref<!tpu.dma_semaphore, #tpu.memory_space<semaphore_mem>>) src(%dma_wait3A_286 : memref<128x56xi32, #tpu.memory_space<hbm>>) dst(%dma_wait3A_284 : memref<128x56xi32, #tpu.memory_space<vmem>>)
    %dma_wait3A_287 = arith.constant 0 : i32
    %dma_wait3A_288 = arith.constant 0 : i32
    %dma_wait3A_289 = arith.constant 0 : i32
    %dma_wait3A_290 = tpu.memref_slice %arg8[%dma_wait3A_287, %dma_wait3A_288, %dma_wait3A_289] : memref<2x128x56xf32, #tpu.memory_space<vmem>> -> memref<1x128x56xf32, #tpu.memory_space<vmem>>
    %dma_wait3A_291 = tpu.memref_squeeze %dma_wait3A_290 : memref<1x128x56xf32, #tpu.memory_space<vmem>> -> memref<128x56xf32, #tpu.memory_space<vmem>>
    %dma_wait3A_292 = arith.constant 0 : i32
    %dma_wait3A_293 = tpu.memref_slice %arg3[%add3A_142, %dma_wait3A_292] : memref<16384x128xf32, #tpu.memory_space<hbm>> -> memref<128x56xf32, #tpu.memory_space<hbm>>
    %dma_wait3A_294 = arith.constant 0 : i32
    %dma_wait3A_295 = arith.constant 0 : i32
    %dma_wait3A_296 = tpu.memref_slice %arg8[%dma_wait3A_287, %dma_wait3A_294, %dma_wait3A_295] : memref<2x128x56xf32, #tpu.memory_space<vmem>> -> memref<1x128x56xf32, #tpu.memory_space<vmem>>
    %dma_wait3A_297 = tpu.memref_squeeze %dma_wait3A_296 : memref<1x128x56xf32, #tpu.memory_space<vmem>> -> memref<128x56xf32, #tpu.memory_space<vmem>>
    %dma_wait3A_298 = arith.constant 0 : i32
    %dma_wait3A_299 = tpu.memref_slice %arg3[%add3A_142, %dma_wait3A_298] : memref<16384x128xf32, #tpu.memory_space<hbm>> -> memref<128x56xf32, #tpu.memory_space<hbm>>
    tpu.wait_dma2 semaphore(%arg12 : memref<!tpu.dma_semaphore, #tpu.memory_space<semaphore_mem>>) src(%dma_wait3A_299 : memref<128x56xf32, #tpu.memory_space<hbm>>) dst(%dma_wait3A_297 : memref<128x56xf32, #tpu.memory_space<vmem>>)
    %parallel_loop3A_300 = arith.constant 0 : i32
    %parallel_loop3A_301 = arith.constant 128 : i32
    %parallel_loop3A_302 = arith.constant 1 : i32
    %parallel_loop3A_303 = arith.constant 0 : i32
    %parallel_loop3A_304 = arith.constant 1 : i32
    %parallel_loop3A_305 = arith.constant 4 : i32
    scf.for %parallel_loop3A_476 = %parallel_loop3A_300 to %parallel_loop3A_301 step %parallel_loop3A_302  : i32 {
      %parallel_loop3A_477 = arith.constant 0 : i32
      %parallel_loop3A_478 = arith.index_cast %parallel_loop3A_477 : i32 to index
      %parallel_loop3A_479 = arith.index_cast %parallel_loop3A_476 : i32 to index
      %parallel_loop3A_480 = arith.constant 0 : index
      %parallel_loop3A_481 = tpu.vector_load %arg7[%parallel_loop3A_478, %parallel_loop3A_479, %parallel_loop3A_480] {strides = array<i32>} : memref<2x128x56xi32, #tpu.memory_space<vmem>>, vector<16xi32>,
      %parallel_loop3A_482 = arith.constant 0 : i32
      %parallel_loop3A_483 = tpu.memref_slice %arg11[%parallel_loop3A_303, %parallel_loop3A_482] : memref<5x128xf32, #tpu.memory_space<vmem>> -> memref<1x128xf32, #tpu.memory_space<vmem>>
      %parallel_loop3A_484 = tpu.memref_squeeze %parallel_loop3A_483 : memref<1x128xf32, #tpu.memory_space<vmem>> -> memref<128xf32, #tpu.memory_space<vmem>>
      %parallel_loop3A_485 = tpu.vector_load_idx %parallel_loop3A_484[%parallel_loop3A_481] : memref<128xf32, #tpu.memory_space<vmem>>[vector<16xi32>], vector<16xf32>,
      %parallel_loop3A_486 = arith.constant 0 : i32
      %parallel_loop3A_487 = tpu.memref_slice %arg11[%parallel_loop3A_304, %parallel_loop3A_486] : memref<5x128xf32, #tpu.memory_space<vmem>> -> memref<1x128xf32, #tpu.memory_space<vmem>>
      %parallel_loop3A_488 = tpu.memref_squeeze %parallel_loop3A_487 : memref<1x128xf32, #tpu.memory_space<vmem>> -> memref<128xf32, #tpu.memory_space<vmem>>
      %parallel_loop3A_489 = tpu.vector_load_idx %parallel_loop3A_488[%parallel_loop3A_481] : memref<128xf32, #tpu.memory_space<vmem>>[vector<16xi32>], vector<16xf32>,
      %parallel_loop3A_490 = arith.constant 0 : i32
      %parallel_loop3A_491 = tpu.memref_slice %arg11[%parallel_loop3A_305, %parallel_loop3A_490] : memref<5x128xf32, #tpu.memory_space<vmem>> -> memref<1x128xf32, #tpu.memory_space<vmem>>
      %parallel_loop3A_492 = tpu.memref_squeeze %parallel_loop3A_491 : memref<1x128xf32, #tpu.memory_space<vmem>> -> memref<128xf32, #tpu.memory_space<vmem>>
      %parallel_loop3A_493 = tpu.vector_load_idx %parallel_loop3A_492[%parallel_loop3A_481] : memref<128xf32, #tpu.memory_space<vmem>>[vector<16xi32>], vector<16xf32>,
      %parallel_loop3A_494 = arith.constant 0 : i32
      %parallel_loop3A_495 = arith.index_cast %parallel_loop3A_494 : i32 to index
      %parallel_loop3A_496 = arith.index_cast %parallel_loop3A_476 : i32 to index
      %parallel_loop3A_497 = arith.constant 0 : index
      %parallel_loop3A_498 = tpu.vector_load %arg8[%parallel_loop3A_495, %parallel_loop3A_496, %parallel_loop3A_497] {strides = array<i32>} : memref<2x128x56xf32, #tpu.memory_space<vmem>>, vector<16xf32>,
      %parallel_loop3A_499 = arith.mulf %parallel_loop3A_485, %parallel_loop3A_498 : vector<16xf32>
      %parallel_loop3A_500 = arith.addf %parallel_loop3A_499, %parallel_loop3A_489 : vector<16xf32>
      %parallel_loop3A_501 = math.exp %parallel_loop3A_500 : vector<16xf32>
      %parallel_loop3A_502 = arith.constant 1.000000e+00 : f32
      %parallel_loop3A_503 = vector.broadcast %parallel_loop3A_502 : f32 to vector<16xf32>
      %parallel_loop3A_504 = arith.addf %parallel_loop3A_503, %parallel_loop3A_501 : vector<16xf32>
      %parallel_loop3A_505 = arith.constant 1.000000e+00 : f32
      %parallel_loop3A_506 = vector.broadcast %parallel_loop3A_505 : f32 to vector<16xf32>
      %parallel_loop3A_507 = arith.divf %parallel_loop3A_506, %parallel_loop3A_504 : vector<16xf32>
      %parallel_loop3A_508 = arith.constant 0 : i32
      %parallel_loop3A_509 = arith.index_cast %parallel_loop3A_508 : i32 to index
      %parallel_loop3A_510 = arith.index_cast %parallel_loop3A_476 : i32 to index
      %parallel_loop3A_511 = arith.constant 0 : index
      %parallel_loop3A_512 = tpu.vector_load %arg9[%parallel_loop3A_509, %parallel_loop3A_510, %parallel_loop3A_511] {strides = array<i32>} : memref<2x128x56xf32, #tpu.memory_space<vmem>>, vector<16xf32>,
      tpu.vector_store %arg9[%parallel_loop3A_509, %parallel_loop3A_510, %parallel_loop3A_511], %parallel_loop3A_507 {strides = array<i32>} : memref<2x128x56xf32, #tpu.memory_space<vmem>>, vector<16xf32>,
      %parallel_loop3A_513 = arith.cmpf ogt, %parallel_loop3A_507, %parallel_loop3A_493 : vector<16xf32>
      %parallel_loop3A_514 = arith.constant 1 : i32
      %parallel_loop3A_515 = arith.constant 0 : i32
      %parallel_loop3A_516 = vector.broadcast %parallel_loop3A_514 : i32 to vector<16xi32>
      %parallel_loop3A_517 = vector.broadcast %parallel_loop3A_515 : i32 to vector<16xi32>
      %parallel_loop3A_518 = arith.select %parallel_loop3A_513, %parallel_loop3A_516, %parallel_loop3A_517 : vector<16xi1>, vector<16xi32>
      %parallel_loop3A_519 = arith.constant 0 : i32
      %parallel_loop3A_520 = arith.index_cast %parallel_loop3A_519 : i32 to index
      %parallel_loop3A_521 = arith.index_cast %parallel_loop3A_476 : i32 to index
      %parallel_loop3A_522 = arith.constant 0 : index
      %parallel_loop3A_523 = tpu.vector_load %arg10[%parallel_loop3A_520, %parallel_loop3A_521, %parallel_loop3A_522] {strides = array<i32>} : memref<2x128x56xi32, #tpu.memory_space<vmem>>, vector<16xi32>,
      tpu.vector_store %arg10[%parallel_loop3A_520, %parallel_loop3A_521, %parallel_loop3A_522], %parallel_loop3A_518 {strides = array<i32>} : memref<2x128x56xi32, #tpu.memory_space<vmem>>, vector<16xi32>,
      %parallel_loop3A_524 = arith.constant 0 : i32
      %parallel_loop3A_525 = arith.index_cast %parallel_loop3A_524 : i32 to index
      %parallel_loop3A_526 = arith.index_cast %parallel_loop3A_476 : i32 to index
      %parallel_loop3A_527 = arith.constant 16 : index
      %parallel_loop3A_528 = tpu.vector_load %arg7[%parallel_loop3A_525, %parallel_loop3A_526, %parallel_loop3A_527] {strides = array<i32>} : memref<2x128x56xi32, #tpu.memory_space<vmem>>, vector<16xi32>,
      %parallel_loop3A_529 = arith.constant 0 : i32
      %parallel_loop3A_530 = tpu.memref_slice %arg11[%parallel_loop3A_303, %parallel_loop3A_529] : memref<5x128xf32, #tpu.memory_space<vmem>> -> memref<1x128xf32, #tpu.memory_space<vmem>>
      %parallel_loop3A_531 = tpu.memref_squeeze %parallel_loop3A_530 : memref<1x128xf32, #tpu.memory_space<vmem>> -> memref<128xf32, #tpu.memory_space<vmem>>
      %parallel_loop3A_532 = tpu.vector_load_idx %parallel_loop3A_531[%parallel_loop3A_528] : memref<128xf32, #tpu.memory_space<vmem>>[vector<16xi32>], vector<16xf32>,
      %parallel_loop3A_533 = arith.constant 0 : i32
      %parallel_loop3A_534 = tpu.memref_slice %arg11[%parallel_loop3A_304, %parallel_loop3A_533] : memref<5x128xf32, #tpu.memory_space<vmem>> -> memref<1x128xf32, #tpu.memory_space<vmem>>
      %parallel_loop3A_535 = tpu.memref_squeeze %parallel_loop3A_534 : memref<1x128xf32, #tpu.memory_space<vmem>> -> memref<128xf32, #tpu.memory_space<vmem>>
      %parallel_loop3A_536 = tpu.vector_load_idx %parallel_loop3A_535[%parallel_loop3A_528] : memref<128xf32, #tpu.memory_space<vmem>>[vector<16xi32>], vector<16xf32>,
      %parallel_loop3A_537 = arith.constant 0 : i32
      %parallel_loop3A_538 = tpu.memref_slice %arg11[%parallel_loop3A_305, %parallel_loop3A_537] : memref<5x128xf32, #tpu.memory_space<vmem>> -> memref<1x128xf32, #tpu.memory_space<vmem>>
      %parallel_loop3A_539 = tpu.memref_squeeze %parallel_loop3A_538 : memref<1x128xf32, #tpu.memory_space<vmem>> -> memref<128xf32, #tpu.memory_space<vmem>>
      %parallel_loop3A_540 = tpu.vector_load_idx %parallel_loop3A_539[%parallel_loop3A_528] : memref<128xf32, #tpu.memory_space<vmem>>[vector<16xi32>], vector<16xf32>,
      %parallel_loop3A_541 = arith.constant 0 : i32
      %parallel_loop3A_542 = arith.index_cast %parallel_loop3A_541 : i32 to index
      %parallel_loop3A_543 = arith.index_cast %parallel_loop3A_476 : i32 to index
      %parallel_loop3A_544 = arith.constant 16 : index
      %parallel_loop3A_545 = tpu.vector_load %arg8[%parallel_loop3A_542, %parallel_loop3A_543, %parallel_loop3A_544] {strides = array<i32>} : memref<2x128x56xf32, #tpu.memory_space<vmem>>, vector<16xf32>,
      %parallel_loop3A_546 = arith.mulf %parallel_loop3A_532, %parallel_loop3A_545 : vector<16xf32>
      %parallel_loop3A_547 = arith.addf %parallel_loop3A_546, %parallel_loop3A_536 : vector<16xf32>
      %parallel_loop3A_548 = math.exp %parallel_loop3A_547 : vector<16xf32>
      %parallel_loop3A_549 = arith.constant 1.000000e+00 : f32
      %parallel_loop3A_550 = vector.broadcast %parallel_loop3A_549 : f32 to vector<16xf32>
      %parallel_loop3A_551 = arith.addf %parallel_loop3A_550, %parallel_loop3A_548 : vector<16xf32>
      %parallel_loop3A_552 = arith.constant 1.000000e+00 : f32
      %parallel_loop3A_553 = vector.broadcast %parallel_loop3A_552 : f32 to vector<16xf32>
      %parallel_loop3A_554 = arith.divf %parallel_loop3A_553, %parallel_loop3A_551 : vector<16xf32>
      %parallel_loop3A_555 = arith.constant 0 : i32
      %parallel_loop3A_556 = arith.index_cast %parallel_loop3A_555 : i32 to index
      %parallel_loop3A_557 = arith.index_cast %parallel_loop3A_476 : i32 to index
      %parallel_loop3A_558 = arith.constant 16 : index
      %parallel_loop3A_559 = tpu.vector_load %arg9[%parallel_loop3A_556, %parallel_loop3A_557, %parallel_loop3A_558] {strides = array<i32>} : memref<2x128x56xf32, #tpu.memory_space<vmem>>, vector<16xf32>,
      tpu.vector_store %arg9[%parallel_loop3A_556, %parallel_loop3A_557, %parallel_loop3A_558], %parallel_loop3A_554 {strides = array<i32>} : memref<2x128x56xf32, #tpu.memory_space<vmem>>, vector<16xf32>,
      %parallel_loop3A_560 = arith.cmpf ogt, %parallel_loop3A_554, %parallel_loop3A_540 : vector<16xf32>
      %parallel_loop3A_561 = arith.constant 1 : i32
      %parallel_loop3A_562 = arith.constant 0 : i32
      %parallel_loop3A_563 = vector.broadcast %parallel_loop3A_561 : i32 to vector<16xi32>
      %parallel_loop3A_564 = vector.broadcast %parallel_loop3A_562 : i32 to vector<16xi32>
      %parallel_loop3A_565 = arith.select %parallel_loop3A_560, %parallel_loop3A_563, %parallel_loop3A_564 : vector<16xi1>, vector<16xi32>
      %parallel_loop3A_566 = arith.constant 0 : i32
      %parallel_loop3A_567 = arith.index_cast %parallel_loop3A_566 : i32 to index
      %parallel_loop3A_568 = arith.index_cast %parallel_loop3A_476 : i32 to index
      %parallel_loop3A_569 = arith.constant 16 : index
      %parallel_loop3A_570 = tpu.vector_load %arg10[%parallel_loop3A_567, %parallel_loop3A_568, %parallel_loop3A_569] {strides = array<i32>} : memref<2x128x56xi32, #tpu.memory_space<vmem>>, vector<16xi32>,
      tpu.vector_store %arg10[%parallel_loop3A_567, %parallel_loop3A_568, %parallel_loop3A_569], %parallel_loop3A_565 {strides = array<i32>} : memref<2x128x56xi32, #tpu.memory_space<vmem>>, vector<16xi32>,
      %parallel_loop3A_571 = arith.constant 0 : i32
      %parallel_loop3A_572 = arith.index_cast %parallel_loop3A_571 : i32 to index
      %parallel_loop3A_573 = arith.index_cast %parallel_loop3A_476 : i32 to index
      %parallel_loop3A_574 = arith.constant 32 : index
      %parallel_loop3A_575 = tpu.vector_load %arg7[%parallel_loop3A_572, %parallel_loop3A_573, %parallel_loop3A_574] {strides = array<i32>} : memref<2x128x56xi32, #tpu.memory_space<vmem>>, vector<16xi32>,
      %parallel_loop3A_576 = arith.constant 0 : i32
      %parallel_loop3A_577 = tpu.memref_slice %arg11[%parallel_loop3A_303, %parallel_loop3A_576] : memref<5x128xf32, #tpu.memory_space<vmem>> -> memref<1x128xf32, #tpu.memory_space<vmem>>
      %parallel_loop3A_578 = tpu.memref_squeeze %parallel_loop3A_577 : memref<1x128xf32, #tpu.memory_space<vmem>> -> memref<128xf32, #tpu.memory_space<vmem>>
      %parallel_loop3A_579 = tpu.vector_load_idx %parallel_loop3A_578[%parallel_loop3A_575] : memref<128xf32, #tpu.memory_space<vmem>>[vector<16xi32>], vector<16xf32>,
      %parallel_loop3A_580 = arith.constant 0 : i32
      %parallel_loop3A_581 = tpu.memref_slice %arg11[%parallel_loop3A_304, %parallel_loop3A_580] : memref<5x128xf32, #tpu.memory_space<vmem>> -> memref<1x128xf32, #tpu.memory_space<vmem>>
      %parallel_loop3A_582 = tpu.memref_squeeze %parallel_loop3A_581 : memref<1x128xf32, #tpu.memory_space<vmem>> -> memref<128xf32, #tpu.memory_space<vmem>>
      %parallel_loop3A_583 = tpu.vector_load_idx %parallel_loop3A_582[%parallel_loop3A_575] : memref<128xf32, #tpu.memory_space<vmem>>[vector<16xi32>], vector<16xf32>,
      %parallel_loop3A_584 = arith.constant 0 : i32
      %parallel_loop3A_585 = tpu.memref_slice %arg11[%parallel_loop3A_305, %parallel_loop3A_584] : memref<5x128xf32, #tpu.memory_space<vmem>> -> memref<1x128xf32, #tpu.memory_space<vmem>>
      %parallel_loop3A_586 = tpu.memref_squeeze %parallel_loop3A_585 : memref<1x128xf32, #tpu.memory_space<vmem>> -> memref<128xf32, #tpu.memory_space<vmem>>
      %parallel_loop3A_587 = tpu.vector_load_idx %parallel_loop3A_586[%parallel_loop3A_575] : memref<128xf32, #tpu.memory_space<vmem>>[vector<16xi32>], vector<16xf32>,
      %parallel_loop3A_588 = arith.constant 0 : i32
      %parallel_loop3A_589 = arith.index_cast %parallel_loop3A_588 : i32 to index
      %parallel_loop3A_590 = arith.index_cast %parallel_loop3A_476 : i32 to index
      %parallel_loop3A_591 = arith.constant 32 : index
      %parallel_loop3A_592 = tpu.vector_load %arg8[%parallel_loop3A_589, %parallel_loop3A_590, %parallel_loop3A_591] {strides = array<i32>} : memref<2x128x56xf32, #tpu.memory_space<vmem>>, vector<16xf32>,
      %parallel_loop3A_593 = arith.mulf %parallel_loop3A_579, %parallel_loop3A_592 : vector<16xf32>
      %parallel_loop3A_594 = arith.addf %parallel_loop3A_593, %parallel_loop3A_583 : vector<16xf32>
      %parallel_loop3A_595 = math.exp %parallel_loop3A_594 : vector<16xf32>
      %parallel_loop3A_596 = arith.constant 1.000000e+00 : f32
      %parallel_loop3A_597 = vector.broadcast %parallel_loop3A_596 : f32 to vector<16xf32>
      %parallel_loop3A_598 = arith.addf %parallel_loop3A_597, %parallel_loop3A_595 : vector<16xf32>
      %parallel_loop3A_599 = arith.constant 1.000000e+00 : f32
      %parallel_loop3A_600 = vector.broadcast %parallel_loop3A_599 : f32 to vector<16xf32>
      %parallel_loop3A_601 = arith.divf %parallel_loop3A_600, %parallel_loop3A_598 : vector<16xf32>
      %parallel_loop3A_602 = arith.constant 0 : i32
      %parallel_loop3A_603 = arith.index_cast %parallel_loop3A_602 : i32 to index
      %parallel_loop3A_604 = arith.index_cast %parallel_loop3A_476 : i32 to index
      %parallel_loop3A_605 = arith.constant 32 : index
      %parallel_loop3A_606 = tpu.vector_load %arg9[%parallel_loop3A_603, %parallel_loop3A_604, %parallel_loop3A_605] {strides = array<i32>} : memref<2x128x56xf32, #tpu.memory_space<vmem>>, vector<16xf32>,
      tpu.vector_store %arg9[%parallel_loop3A_603, %parallel_loop3A_604, %parallel_loop3A_605], %parallel_loop3A_601 {strides = array<i32>} : memref<2x128x56xf32, #tpu.memory_space<vmem>>, vector<16xf32>,
      %parallel_loop3A_607 = arith.cmpf ogt, %parallel_loop3A_601, %parallel_loop3A_587 : vector<16xf32>
      %parallel_loop3A_608 = arith.constant 1 : i32
      %parallel_loop3A_609 = arith.constant 0 : i32
      %parallel_loop3A_610 = vector.broadcast %parallel_loop3A_608 : i32 to vector<16xi32>
      %parallel_loop3A_611 = vector.broadcast %parallel_loop3A_609 : i32 to vector<16xi32>
      %parallel_loop3A_612 = arith.select %parallel_loop3A_607, %parallel_loop3A_610, %parallel_loop3A_611 : vector<16xi1>, vector<16xi32>
      %parallel_loop3A_613 = arith.constant 0 : i32
      %parallel_loop3A_614 = arith.index_cast %parallel_loop3A_613 : i32 to index
      %parallel_loop3A_615 = arith.index_cast %parallel_loop3A_476 : i32 to index
      %parallel_loop3A_616 = arith.constant 32 : index
      %parallel_loop3A_617 = tpu.vector_load %arg10[%parallel_loop3A_614, %parallel_loop3A_615, %parallel_loop3A_616] {strides = array<i32>} : memref<2x128x56xi32, #tpu.memory_space<vmem>>, vector<16xi32>,
      tpu.vector_store %arg10[%parallel_loop3A_614, %parallel_loop3A_615, %parallel_loop3A_616], %parallel_loop3A_612 {strides = array<i32>} : memref<2x128x56xi32, #tpu.memory_space<vmem>>, vector<16xi32>,
      %parallel_loop3A_618 = arith.constant 0 : i32
      %parallel_loop3A_619 = arith.index_cast %parallel_loop3A_618 : i32 to index
      %parallel_loop3A_620 = arith.index_cast %parallel_loop3A_476 : i32 to index
      %parallel_loop3A_621 = arith.constant 34 : index
      %parallel_loop3A_622 = tpu.vector_load %arg7[%parallel_loop3A_619, %parallel_loop3A_620, %parallel_loop3A_621] {strides = array<i32>} : memref<2x128x56xi32, #tpu.memory_space<vmem>>, vector<16xi32>,
      %parallel_loop3A_623 = arith.constant 0 : i32
      %parallel_loop3A_624 = tpu.memref_slice %arg11[%parallel_loop3A_303, %parallel_loop3A_623] : memref<5x128xf32, #tpu.memory_space<vmem>> -> memref<1x128xf32, #tpu.memory_space<vmem>>
      %parallel_loop3A_625 = tpu.memref_squeeze %parallel_loop3A_624 : memref<1x128xf32, #tpu.memory_space<vmem>> -> memref<128xf32, #tpu.memory_space<vmem>>
      %parallel_loop3A_626 = tpu.vector_load_idx %parallel_loop3A_625[%parallel_loop3A_622] : memref<128xf32, #tpu.memory_space<vmem>>[vector<16xi32>], vector<16xf32>,
      %parallel_loop3A_627 = arith.constant 0 : i32
      %parallel_loop3A_628 = tpu.memref_slice %arg11[%parallel_loop3A_304, %parallel_loop3A_627] : memref<5x128xf32, #tpu.memory_space<vmem>> -> memref<1x128xf32, #tpu.memory_space<vmem>>
      %parallel_loop3A_629 = tpu.memref_squeeze %parallel_loop3A_628 : memref<1x128xf32, #tpu.memory_space<vmem>> -> memref<128xf32, #tpu.memory_space<vmem>>
      %parallel_loop3A_630 = tpu.vector_load_idx %parallel_loop3A_629[%parallel_loop3A_622] : memref<128xf32, #tpu.memory_space<vmem>>[vector<16xi32>], vector<16xf32>,
      %parallel_loop3A_631 = arith.constant 0 : i32
      %parallel_loop3A_632 = tpu.memref_slice %arg11[%parallel_loop3A_305, %parallel_loop3A_631] : memref<5x128xf32, #tpu.memory_space<vmem>> -> memref<1x128xf32, #tpu.memory_space<vmem>>
      %parallel_loop3A_633 = tpu.memref_squeeze %parallel_loop3A_632 : memref<1x128xf32, #tpu.memory_space<vmem>> -> memref<128xf32, #tpu.memory_space<vmem>>
      %parallel_loop3A_634 = tpu.vector_load_idx %parallel_loop3A_633[%parallel_loop3A_622] : memref<128xf32, #tpu.memory_space<vmem>>[vector<16xi32>], vector<16xf32>,
      %parallel_loop3A_635 = arith.constant 0 : i32
      %parallel_loop3A_636 = arith.index_cast %parallel_loop3A_635 : i32 to index
      %parallel_loop3A_637 = arith.index_cast %parallel_loop3A_476 : i32 to index
      %parallel_loop3A_638 = arith.constant 34 : index
      %parallel_loop3A_639 = tpu.vector_load %arg8[%parallel_loop3A_636, %parallel_loop3A_637, %parallel_loop3A_638] {strides = array<i32>} : memref<2x128x56xf32, #tpu.memory_space<vmem>>, vector<16xf32>,
      %parallel_loop3A_640 = arith.mulf %parallel_loop3A_626, %parallel_loop3A_639 : vector<16xf32>
      %parallel_loop3A_641 = arith.addf %parallel_loop3A_640, %parallel_loop3A_630 : vector<16xf32>
      %parallel_loop3A_642 = math.exp %parallel_loop3A_641 : vector<16xf32>
      %parallel_loop3A_643 = arith.constant 1.000000e+00 : f32
      %parallel_loop3A_644 = vector.broadcast %parallel_loop3A_643 : f32 to vector<16xf32>
      %parallel_loop3A_645 = arith.addf %parallel_loop3A_644, %parallel_loop3A_642 : vector<16xf32>
      %parallel_loop3A_646 = arith.constant 1.000000e+00 : f32
      %parallel_loop3A_647 = vector.broadcast %parallel_loop3A_646 : f32 to vector<16xf32>
      %parallel_loop3A_648 = arith.divf %parallel_loop3A_647, %parallel_loop3A_645 : vector<16xf32>
      %parallel_loop3A_649 = arith.constant 0 : i32
      %parallel_loop3A_650 = arith.index_cast %parallel_loop3A_649 : i32 to index
      %parallel_loop3A_651 = arith.index_cast %parallel_loop3A_476 : i32 to index
      %parallel_loop3A_652 = arith.constant 34 : index
      %parallel_loop3A_653 = tpu.vector_load %arg9[%parallel_loop3A_650, %parallel_loop3A_651, %parallel_loop3A_652] {strides = array<i32>} : memref<2x128x56xf32, #tpu.memory_space<vmem>>, vector<16xf32>,
      tpu.vector_store %arg9[%parallel_loop3A_650, %parallel_loop3A_651, %parallel_loop3A_652], %parallel_loop3A_648 {strides = array<i32>} : memref<2x128x56xf32, #tpu.memory_space<vmem>>, vector<16xf32>,
      %parallel_loop3A_654 = arith.cmpf ogt, %parallel_loop3A_648, %parallel_loop3A_634 : vector<16xf32>
      %parallel_loop3A_655 = arith.constant 1 : i32
      %parallel_loop3A_656 = arith.constant 0 : i32
      %parallel_loop3A_657 = vector.broadcast %parallel_loop3A_655 : i32 to vector<16xi32>
      %parallel_loop3A_658 = vector.broadcast %parallel_loop3A_656 : i32 to vector<16xi32>
      %parallel_loop3A_659 = arith.select %parallel_loop3A_654, %parallel_loop3A_657, %parallel_loop3A_658 : vector<16xi1>, vector<16xi32>
      %parallel_loop3A_660 = arith.constant 0 : i32
      %parallel_loop3A_661 = arith.index_cast %parallel_loop3A_660 : i32 to index
      %parallel_loop3A_662 = arith.index_cast %parallel_loop3A_476 : i32 to index
      %parallel_loop3A_663 = arith.constant 34 : index
      %parallel_loop3A_664 = tpu.vector_load %arg10[%parallel_loop3A_661, %parallel_loop3A_662, %parallel_loop3A_663] {strides = array<i32>} : memref<2x128x56xi32, #tpu.memory_space<vmem>>, vector<16xi32>,
      tpu.vector_store %arg10[%parallel_loop3A_661, %parallel_loop3A_662, %parallel_loop3A_663], %parallel_loop3A_659 {strides = array<i32>} : memref<2x128x56xi32, #tpu.memory_space<vmem>>, vector<16xi32>,
    } {sc.loop_unroll_factor = 4 : i64, sc.parallel_access}
    %dma_wait3A_306 = arith.constant 1 : i32
    %dma_wait3A_307 = arith.constant 0 : i32
    %dma_wait3A_308 = arith.constant 0 : i32
    %dma_wait3A_309 = tpu.memref_slice %arg9[%dma_wait3A_306, %dma_wait3A_307, %dma_wait3A_308] : memref<2x128x56xf32, #tpu.memory_space<vmem>> -> memref<1x128x56xf32, #tpu.memory_space<vmem>>
    %dma_wait3A_310 = tpu.memref_squeeze %dma_wait3A_309 : memref<1x128x56xf32, #tpu.memory_space<vmem>> -> memref<128x56xf32, #tpu.memory_space<vmem>>
    %dma_wait3A_311 = arith.constant 0 : i32
    %dma_wait3A_312 = tpu.memref_slice %arg5[%add3A_215, %dma_wait3A_311] : memref<16384x128xf32, #tpu.memory_space<hbm>> -> memref<128x56xf32, #tpu.memory_space<hbm>>
    %dma_wait3A_313 = arith.constant 0 : i32
    %dma_wait3A_314 = tpu.memref_slice %arg5[%add3A_215, %dma_wait3A_313] : memref<16384x128xf32, #tpu.memory_space<hbm>> -> memref<128x56xf32, #tpu.memory_space<hbm>>
    %dma_wait3A_315 = arith.constant 0 : i32
    %dma_wait3A_316 = arith.constant 0 : i32
    %dma_wait3A_317 = tpu.memref_slice %arg9[%dma_wait3A_306, %dma_wait3A_315, %dma_wait3A_316] : memref<2x128x56xf32, #tpu.memory_space<vmem>> -> memref<1x128x56xf32, #tpu.memory_space<vmem>>
    %dma_wait3A_318 = tpu.memref_squeeze %dma_wait3A_317 : memref<1x128x56xf32, #tpu.memory_space<vmem>> -> memref<128x56xf32, #tpu.memory_space<vmem>>
    tpu.wait_dma2 semaphore(%arg14 : memref<!tpu.dma_semaphore, #tpu.memory_space<semaphore_mem>>) src(%dma_wait3A_318 : memref<128x56xf32, #tpu.memory_space<vmem>>) dst(%dma_wait3A_314 : memref<128x56xf32, #tpu.memory_space<hbm>>)
    %dma_wait3A_319 = arith.constant 1 : i32
    %dma_wait3A_320 = arith.constant 0 : i32
    %dma_wait3A_321 = arith.constant 0 : i32
    %dma_wait3A_322 = tpu.memref_slice %arg10[%dma_wait3A_319, %dma_wait3A_320, %dma_wait3A_321] : memref<2x128x56xi32, #tpu.memory_space<vmem>> -> memref<1x128x56xi32, #tpu.memory_space<vmem>>
    %dma_wait3A_323 = tpu.memref_squeeze %dma_wait3A_322 : memref<1x128x56xi32, #tpu.memory_space<vmem>> -> memref<128x56xi32, #tpu.memory_space<vmem>>
    %dma_wait3A_324 = arith.constant 0 : i32
    %dma_wait3A_325 = tpu.memref_slice %arg6[%add3A_230, %dma_wait3A_324] : memref<16384x128xi32, #tpu.memory_space<hbm>> -> memref<128x56xi32, #tpu.memory_space<hbm>>
    %dma_wait3A_326 = arith.constant 0 : i32
    %dma_wait3A_327 = tpu.memref_slice %arg6[%add3A_230, %dma_wait3A_326] : memref<16384x128xi32, #tpu.memory_space<hbm>> -> memref<128x56xi32, #tpu.memory_space<hbm>>
    %dma_wait3A_328 = arith.constant 0 : i32
    %dma_wait3A_329 = arith.constant 0 : i32
    %dma_wait3A_330 = tpu.memref_slice %arg10[%dma_wait3A_319, %dma_wait3A_328, %dma_wait3A_329] : memref<2x128x56xi32, #tpu.memory_space<vmem>> -> memref<1x128x56xi32, #tpu.memory_space<vmem>>
    %dma_wait3A_331 = tpu.memref_squeeze %dma_wait3A_330 : memref<1x128x56xi32, #tpu.memory_space<vmem>> -> memref<128x56xi32, #tpu.memory_space<vmem>>
    tpu.wait_dma2 semaphore(%arg14 : memref<!tpu.dma_semaphore, #tpu.memory_space<semaphore_mem>>) src(%dma_wait3A_331 : memref<128x56xi32, #tpu.memory_space<vmem>>) dst(%dma_wait3A_327 : memref<128x56xi32, #tpu.memory_space<hbm>>)
    %add3A_332 = arith.constant 256 : i32
    %add3A_333 = arith.addi %mul3A_2, %add3A_332 : i32
    %dma_start3A_334 = arith.constant 0 : i32
    %dma_start3A_335 = arith.constant 0 : i32
    %dma_start3A_336 = arith.constant 0 : i32
    %dma_start3A_337 = tpu.memref_slice %arg9[%dma_start3A_334, %dma_start3A_335, %dma_start3A_336] : memref<2x128x56xf32, #tpu.memory_space<vmem>> -> memref<1x128x56xf32, #tpu.memory_space<vmem>>
    %dma_start3A_338 = tpu.memref_squeeze %dma_start3A_337 : memref<1x128x56xf32, #tpu.memory_space<vmem>> -> memref<128x56xf32, #tpu.memory_space<vmem>>
    %dma_start3A_339 = arith.constant 0 : i32
    %dma_start3A_340 = tpu.memref_slice %arg5[%add3A_333, %dma_start3A_339] : memref<16384x128xf32, #tpu.memory_space<hbm>> -> memref<128x56xf32, #tpu.memory_space<hbm>>
    %dma_start3A_341 = arith.constant 0 : i32
    %dma_start3A_342 = tpu.memref_slice %arg5[%add3A_333, %dma_start3A_341] : memref<16384x128xf32, #tpu.memory_space<hbm>> -> memref<128x56xf32, #tpu.memory_space<hbm>>
    %dma_start3A_343 = arith.constant 0 : i32
    %dma_start3A_344 = arith.constant 0 : i32
    %dma_start3A_345 = tpu.memref_slice %arg9[%dma_start3A_334, %dma_start3A_343, %dma_start3A_344] : memref<2x128x56xf32, #tpu.memory_space<vmem>> -> memref<1x128x56xf32, #tpu.memory_space<vmem>>
    %dma_start3A_346 = tpu.memref_squeeze %dma_start3A_345 : memref<1x128x56xf32, #tpu.memory_space<vmem>> -> memref<128x56xf32, #tpu.memory_space<vmem>>
    tpu.enqueue_dma source(%dma_start3A_346 : memref<128x56xf32, #tpu.memory_space<vmem>>) target(%dma_start3A_342 : memref<128x56xf32, #tpu.memory_space<hbm>>) target_semaphore(%arg14 : memref<!tpu.dma_semaphore, #tpu.memory_space<semaphore_mem>>)
    %add3A_347 = arith.constant 256 : i32
    %add3A_348 = arith.addi %mul3A_2, %add3A_347 : i32
    %dma_start3A_349 = arith.constant 0 : i32
    %dma_start3A_350 = arith.constant 0 : i32
    %dma_start3A_351 = arith.constant 0 : i32
    %dma_start3A_352 = tpu.memref_slice %arg10[%dma_start3A_349, %dma_start3A_350, %dma_start3A_351] : memref<2x128x56xi32, #tpu.memory_space<vmem>> -> memref<1x128x56xi32, #tpu.memory_space<vmem>>
    %dma_start3A_353 = tpu.memref_squeeze %dma_start3A_352 : memref<1x128x56xi32, #tpu.memory_space<vmem>> -> memref<128x56xi32, #tpu.memory_space<vmem>>
    %dma_start3A_354 = arith.constant 0 : i32
    %dma_start3A_355 = tpu.memref_slice %arg6[%add3A_348, %dma_start3A_354] : memref<16384x128xi32, #tpu.memory_space<hbm>> -> memref<128x56xi32, #tpu.memory_space<hbm>>
    %dma_start3A_356 = arith.constant 0 : i32
    %dma_start3A_357 = tpu.memref_slice %arg6[%add3A_348, %dma_start3A_356] : memref<16384x128xi32, #tpu.memory_space<hbm>> -> memref<128x56xi32, #tpu.memory_space<hbm>>
    %dma_start3A_358 = arith.constant 0 : i32
    %dma_start3A_359 = arith.constant 0 : i32
    %dma_start3A_360 = tpu.memref_slice %arg10[%dma_start3A_349, %dma_start3A_358, %dma_start3A_359] : memref<2x128x56xi32, #tpu.memory_space<vmem>> -> memref<1x128x56xi32, #tpu.memory_space<vmem>>
    %dma_start3A_361 = tpu.memref_squeeze %dma_start3A_360 : memref<1x128x56xi32, #tpu.memory_space<vmem>> -> memref<128x56xi32, #tpu.memory_space<vmem>>
    tpu.enqueue_dma source(%dma_start3A_361 : memref<128x56xi32, #tpu.memory_space<vmem>>) target(%dma_start3A_357 : memref<128x56xi32, #tpu.memory_space<hbm>>) target_semaphore(%arg14 : memref<!tpu.dma_semaphore, #tpu.memory_space<semaphore_mem>>)
    %dma_wait3A_362 = arith.constant 1 : i32
    %dma_wait3A_363 = arith.constant 0 : i32
    %dma_wait3A_364 = arith.constant 0 : i32
    %dma_wait3A_365 = tpu.memref_slice %arg7[%dma_wait3A_362, %dma_wait3A_363, %dma_wait3A_364] : memref<2x128x56xi32, #tpu.memory_space<vmem>> -> memref<1x128x56xi32, #tpu.memory_space<vmem>>
    %dma_wait3A_366 = tpu.memref_squeeze %dma_wait3A_365 : memref<1x128x56xi32, #tpu.memory_space<vmem>> -> memref<128x56xi32, #tpu.memory_space<vmem>>
    %dma_wait3A_367 = arith.constant 0 : i32
    %dma_wait3A_368 = tpu.memref_slice %arg2[%add3A_245, %dma_wait3A_367] : memref<16384x128xi32, #tpu.memory_space<hbm>> -> memref<128x56xi32, #tpu.memory_space<hbm>>
    %dma_wait3A_369 = arith.constant 0 : i32
    %dma_wait3A_370 = arith.constant 0 : i32
    %dma_wait3A_371 = tpu.memref_slice %arg7[%dma_wait3A_362, %dma_wait3A_369, %dma_wait3A_370] : memref<2x128x56xi32, #tpu.memory_space<vmem>> -> memref<1x128x56xi32, #tpu.memory_space<vmem>>
    %dma_wait3A_372 = tpu.memref_squeeze %dma_wait3A_371 : memref<1x128x56xi32, #tpu.memory_space<vmem>> -> memref<128x56xi32, #tpu.memory_space<vmem>>
    %dma_wait3A_373 = arith.constant 0 : i32
    %dma_wait3A_374 = tpu.memref_slice %arg2[%add3A_245, %dma_wait3A_373] : memref<16384x128xi32, #tpu.memory_space<hbm>> -> memref<128x56xi32, #tpu.memory_space<hbm>>
    tpu.wait_dma2 semaphore(%arg13 : memref<!tpu.dma_semaphore, #tpu.memory_space<semaphore_mem>>) src(%dma_wait3A_374 : memref<128x56xi32, #tpu.memory_space<hbm>>) dst(%dma_wait3A_372 : memref<128x56xi32, #tpu.memory_space<vmem>>)
    %dma_wait3A_375 = arith.constant 1 : i32
    %dma_wait3A_376 = arith.constant 0 : i32
    %dma_wait3A_377 = arith.constant 0 : i32
    %dma_wait3A_378 = tpu.memref_slice %arg8[%dma_wait3A_375, %dma_wait3A_376, %dma_wait3A_377] : memref<2x128x56xf32, #tpu.memory_space<vmem>> -> memref<1x128x56xf32, #tpu.memory_space<vmem>>
    %dma_wait3A_379 = tpu.memref_squeeze %dma_wait3A_378 : memref<1x128x56xf32, #tpu.memory_space<vmem>> -> memref<128x56xf32, #tpu.memory_space<vmem>>
    %dma_wait3A_380 = arith.constant 0 : i32
    %dma_wait3A_381 = tpu.memref_slice %arg3[%add3A_260, %dma_wait3A_380] : memref<16384x128xf32, #tpu.memory_space<hbm>> -> memref<128x56xf32, #tpu.memory_space<hbm>>
    %dma_wait3A_382 = arith.constant 0 : i32
    %dma_wait3A_383 = arith.constant 0 : i32
    %dma_wait3A_384 = tpu.memref_slice %arg8[%dma_wait3A_375, %dma_wait3A_382, %dma_wait3A_383] : memref<2x128x56xf32, #tpu.memory_space<vmem>> -> memref<1x128x56xf32, #tpu.memory_space<vmem>>
    %dma_wait3A_385 = tpu.memref_squeeze %dma_wait3A_384 : memref<1x128x56xf32, #tpu.memory_space<vmem>> -> memref<128x56xf32, #tpu.memory_space<vmem>>
    %dma_wait3A_386 = arith.constant 0 : i32
    %dma_wait3A_387 = tpu.memref_slice %arg3[%add3A_260, %dma_wait3A_386] : memref<16384x128xf32, #tpu.memory_space<hbm>> -> memref<128x56xf32, #tpu.memory_space<hbm>>
    tpu.wait_dma2 semaphore(%arg13 : memref<!tpu.dma_semaphore, #tpu.memory_space<semaphore_mem>>) src(%dma_wait3A_387 : memref<128x56xf32, #tpu.memory_space<hbm>>) dst(%dma_wait3A_385 : memref<128x56xf32, #tpu.memory_space<vmem>>)
    %parallel_loop3A_388 = arith.constant 0 : i32
    %parallel_loop3A_389 = arith.constant 128 : i32
    %parallel_loop3A_390 = arith.constant 1 : i32
    %parallel_loop3A_391 = arith.constant 0 : i32
    %parallel_loop3A_392 = arith.constant 1 : i32
    %parallel_loop3A_393 = arith.constant 4 : i32
    scf.for %parallel_loop3A_476 = %parallel_loop3A_388 to %parallel_loop3A_389 step %parallel_loop3A_390  : i32 {
      %parallel_loop3A_477 = arith.constant 1 : i32
      %parallel_loop3A_478 = arith.index_cast %parallel_loop3A_477 : i32 to index
      %parallel_loop3A_479 = arith.index_cast %parallel_loop3A_476 : i32 to index
      %parallel_loop3A_480 = arith.constant 0 : index
      %parallel_loop3A_481 = tpu.vector_load %arg7[%parallel_loop3A_478, %parallel_loop3A_479, %parallel_loop3A_480] {strides = array<i32>} : memref<2x128x56xi32, #tpu.memory_space<vmem>>, vector<16xi32>,
      %parallel_loop3A_482 = arith.constant 0 : i32
      %parallel_loop3A_483 = tpu.memref_slice %arg11[%parallel_loop3A_391, %parallel_loop3A_482] : memref<5x128xf32, #tpu.memory_space<vmem>> -> memref<1x128xf32, #tpu.memory_space<vmem>>
      %parallel_loop3A_484 = tpu.memref_squeeze %parallel_loop3A_483 : memref<1x128xf32, #tpu.memory_space<vmem>> -> memref<128xf32, #tpu.memory_space<vmem>>
      %parallel_loop3A_485 = tpu.vector_load_idx %parallel_loop3A_484[%parallel_loop3A_481] : memref<128xf32, #tpu.memory_space<vmem>>[vector<16xi32>], vector<16xf32>,
      %parallel_loop3A_486 = arith.constant 0 : i32
      %parallel_loop3A_487 = tpu.memref_slice %arg11[%parallel_loop3A_392, %parallel_loop3A_486] : memref<5x128xf32, #tpu.memory_space<vmem>> -> memref<1x128xf32, #tpu.memory_space<vmem>>
      %parallel_loop3A_488 = tpu.memref_squeeze %parallel_loop3A_487 : memref<1x128xf32, #tpu.memory_space<vmem>> -> memref<128xf32, #tpu.memory_space<vmem>>
      %parallel_loop3A_489 = tpu.vector_load_idx %parallel_loop3A_488[%parallel_loop3A_481] : memref<128xf32, #tpu.memory_space<vmem>>[vector<16xi32>], vector<16xf32>,
      %parallel_loop3A_490 = arith.constant 0 : i32
      %parallel_loop3A_491 = tpu.memref_slice %arg11[%parallel_loop3A_393, %parallel_loop3A_490] : memref<5x128xf32, #tpu.memory_space<vmem>> -> memref<1x128xf32, #tpu.memory_space<vmem>>
      %parallel_loop3A_492 = tpu.memref_squeeze %parallel_loop3A_491 : memref<1x128xf32, #tpu.memory_space<vmem>> -> memref<128xf32, #tpu.memory_space<vmem>>
      %parallel_loop3A_493 = tpu.vector_load_idx %parallel_loop3A_492[%parallel_loop3A_481] : memref<128xf32, #tpu.memory_space<vmem>>[vector<16xi32>], vector<16xf32>,
      %parallel_loop3A_494 = arith.constant 1 : i32
      %parallel_loop3A_495 = arith.index_cast %parallel_loop3A_494 : i32 to index
      %parallel_loop3A_496 = arith.index_cast %parallel_loop3A_476 : i32 to index
      %parallel_loop3A_497 = arith.constant 0 : index
      %parallel_loop3A_498 = tpu.vector_load %arg8[%parallel_loop3A_495, %parallel_loop3A_496, %parallel_loop3A_497] {strides = array<i32>} : memref<2x128x56xf32, #tpu.memory_space<vmem>>, vector<16xf32>,
      %parallel_loop3A_499 = arith.mulf %parallel_loop3A_485, %parallel_loop3A_498 : vector<16xf32>
      %parallel_loop3A_500 = arith.addf %parallel_loop3A_499, %parallel_loop3A_489 : vector<16xf32>
      %parallel_loop3A_501 = math.exp %parallel_loop3A_500 : vector<16xf32>
      %parallel_loop3A_502 = arith.constant 1.000000e+00 : f32
      %parallel_loop3A_503 = vector.broadcast %parallel_loop3A_502 : f32 to vector<16xf32>
      %parallel_loop3A_504 = arith.addf %parallel_loop3A_503, %parallel_loop3A_501 : vector<16xf32>
      %parallel_loop3A_505 = arith.constant 1.000000e+00 : f32
      %parallel_loop3A_506 = vector.broadcast %parallel_loop3A_505 : f32 to vector<16xf32>
      %parallel_loop3A_507 = arith.divf %parallel_loop3A_506, %parallel_loop3A_504 : vector<16xf32>
      %parallel_loop3A_508 = arith.constant 1 : i32
      %parallel_loop3A_509 = arith.index_cast %parallel_loop3A_508 : i32 to index
      %parallel_loop3A_510 = arith.index_cast %parallel_loop3A_476 : i32 to index
      %parallel_loop3A_511 = arith.constant 0 : index
      %parallel_loop3A_512 = tpu.vector_load %arg9[%parallel_loop3A_509, %parallel_loop3A_510, %parallel_loop3A_511] {strides = array<i32>} : memref<2x128x56xf32, #tpu.memory_space<vmem>>, vector<16xf32>,
      tpu.vector_store %arg9[%parallel_loop3A_509, %parallel_loop3A_510, %parallel_loop3A_511], %parallel_loop3A_507 {strides = array<i32>} : memref<2x128x56xf32, #tpu.memory_space<vmem>>, vector<16xf32>,
      %parallel_loop3A_513 = arith.cmpf ogt, %parallel_loop3A_507, %parallel_loop3A_493 : vector<16xf32>
      %parallel_loop3A_514 = arith.constant 1 : i32
      %parallel_loop3A_515 = arith.constant 0 : i32
      %parallel_loop3A_516 = vector.broadcast %parallel_loop3A_514 : i32 to vector<16xi32>
      %parallel_loop3A_517 = vector.broadcast %parallel_loop3A_515 : i32 to vector<16xi32>
      %parallel_loop3A_518 = arith.select %parallel_loop3A_513, %parallel_loop3A_516, %parallel_loop3A_517 : vector<16xi1>, vector<16xi32>
      %parallel_loop3A_519 = arith.constant 1 : i32
      %parallel_loop3A_520 = arith.index_cast %parallel_loop3A_519 : i32 to index
      %parallel_loop3A_521 = arith.index_cast %parallel_loop3A_476 : i32 to index
      %parallel_loop3A_522 = arith.constant 0 : index
      %parallel_loop3A_523 = tpu.vector_load %arg10[%parallel_loop3A_520, %parallel_loop3A_521, %parallel_loop3A_522] {strides = array<i32>} : memref<2x128x56xi32, #tpu.memory_space<vmem>>, vector<16xi32>,
      tpu.vector_store %arg10[%parallel_loop3A_520, %parallel_loop3A_521, %parallel_loop3A_522], %parallel_loop3A_518 {strides = array<i32>} : memref<2x128x56xi32, #tpu.memory_space<vmem>>, vector<16xi32>,
      %parallel_loop3A_524 = arith.constant 1 : i32
      %parallel_loop3A_525 = arith.index_cast %parallel_loop3A_524 : i32 to index
      %parallel_loop3A_526 = arith.index_cast %parallel_loop3A_476 : i32 to index
      %parallel_loop3A_527 = arith.constant 16 : index
      %parallel_loop3A_528 = tpu.vector_load %arg7[%parallel_loop3A_525, %parallel_loop3A_526, %parallel_loop3A_527] {strides = array<i32>} : memref<2x128x56xi32, #tpu.memory_space<vmem>>, vector<16xi32>,
      %parallel_loop3A_529 = arith.constant 0 : i32
      %parallel_loop3A_530 = tpu.memref_slice %arg11[%parallel_loop3A_391, %parallel_loop3A_529] : memref<5x128xf32, #tpu.memory_space<vmem>> -> memref<1x128xf32, #tpu.memory_space<vmem>>
      %parallel_loop3A_531 = tpu.memref_squeeze %parallel_loop3A_530 : memref<1x128xf32, #tpu.memory_space<vmem>> -> memref<128xf32, #tpu.memory_space<vmem>>
      %parallel_loop3A_532 = tpu.vector_load_idx %parallel_loop3A_531[%parallel_loop3A_528] : memref<128xf32, #tpu.memory_space<vmem>>[vector<16xi32>], vector<16xf32>,
      %parallel_loop3A_533 = arith.constant 0 : i32
      %parallel_loop3A_534 = tpu.memref_slice %arg11[%parallel_loop3A_392, %parallel_loop3A_533] : memref<5x128xf32, #tpu.memory_space<vmem>> -> memref<1x128xf32, #tpu.memory_space<vmem>>
      %parallel_loop3A_535 = tpu.memref_squeeze %parallel_loop3A_534 : memref<1x128xf32, #tpu.memory_space<vmem>> -> memref<128xf32, #tpu.memory_space<vmem>>
      %parallel_loop3A_536 = tpu.vector_load_idx %parallel_loop3A_535[%parallel_loop3A_528] : memref<128xf32, #tpu.memory_space<vmem>>[vector<16xi32>], vector<16xf32>,
      %parallel_loop3A_537 = arith.constant 0 : i32
      %parallel_loop3A_538 = tpu.memref_slice %arg11[%parallel_loop3A_393, %parallel_loop3A_537] : memref<5x128xf32, #tpu.memory_space<vmem>> -> memref<1x128xf32, #tpu.memory_space<vmem>>
      %parallel_loop3A_539 = tpu.memref_squeeze %parallel_loop3A_538 : memref<1x128xf32, #tpu.memory_space<vmem>> -> memref<128xf32, #tpu.memory_space<vmem>>
      %parallel_loop3A_540 = tpu.vector_load_idx %parallel_loop3A_539[%parallel_loop3A_528] : memref<128xf32, #tpu.memory_space<vmem>>[vector<16xi32>], vector<16xf32>,
      %parallel_loop3A_541 = arith.constant 1 : i32
      %parallel_loop3A_542 = arith.index_cast %parallel_loop3A_541 : i32 to index
      %parallel_loop3A_543 = arith.index_cast %parallel_loop3A_476 : i32 to index
      %parallel_loop3A_544 = arith.constant 16 : index
      %parallel_loop3A_545 = tpu.vector_load %arg8[%parallel_loop3A_542, %parallel_loop3A_543, %parallel_loop3A_544] {strides = array<i32>} : memref<2x128x56xf32, #tpu.memory_space<vmem>>, vector<16xf32>,
      %parallel_loop3A_546 = arith.mulf %parallel_loop3A_532, %parallel_loop3A_545 : vector<16xf32>
      %parallel_loop3A_547 = arith.addf %parallel_loop3A_546, %parallel_loop3A_536 : vector<16xf32>
      %parallel_loop3A_548 = math.exp %parallel_loop3A_547 : vector<16xf32>
      %parallel_loop3A_549 = arith.constant 1.000000e+00 : f32
      %parallel_loop3A_550 = vector.broadcast %parallel_loop3A_549 : f32 to vector<16xf32>
      %parallel_loop3A_551 = arith.addf %parallel_loop3A_550, %parallel_loop3A_548 : vector<16xf32>
      %parallel_loop3A_552 = arith.constant 1.000000e+00 : f32
      %parallel_loop3A_553 = vector.broadcast %parallel_loop3A_552 : f32 to vector<16xf32>
      %parallel_loop3A_554 = arith.divf %parallel_loop3A_553, %parallel_loop3A_551 : vector<16xf32>
      %parallel_loop3A_555 = arith.constant 1 : i32
      %parallel_loop3A_556 = arith.index_cast %parallel_loop3A_555 : i32 to index
      %parallel_loop3A_557 = arith.index_cast %parallel_loop3A_476 : i32 to index
      %parallel_loop3A_558 = arith.constant 16 : index
      %parallel_loop3A_559 = tpu.vector_load %arg9[%parallel_loop3A_556, %parallel_loop3A_557, %parallel_loop3A_558] {strides = array<i32>} : memref<2x128x56xf32, #tpu.memory_space<vmem>>, vector<16xf32>,
      tpu.vector_store %arg9[%parallel_loop3A_556, %parallel_loop3A_557, %parallel_loop3A_558], %parallel_loop3A_554 {strides = array<i32>} : memref<2x128x56xf32, #tpu.memory_space<vmem>>, vector<16xf32>,
      %parallel_loop3A_560 = arith.cmpf ogt, %parallel_loop3A_554, %parallel_loop3A_540 : vector<16xf32>
      %parallel_loop3A_561 = arith.constant 1 : i32
      %parallel_loop3A_562 = arith.constant 0 : i32
      %parallel_loop3A_563 = vector.broadcast %parallel_loop3A_561 : i32 to vector<16xi32>
      %parallel_loop3A_564 = vector.broadcast %parallel_loop3A_562 : i32 to vector<16xi32>
      %parallel_loop3A_565 = arith.select %parallel_loop3A_560, %parallel_loop3A_563, %parallel_loop3A_564 : vector<16xi1>, vector<16xi32>
      %parallel_loop3A_566 = arith.constant 1 : i32
      %parallel_loop3A_567 = arith.index_cast %parallel_loop3A_566 : i32 to index
      %parallel_loop3A_568 = arith.index_cast %parallel_loop3A_476 : i32 to index
      %parallel_loop3A_569 = arith.constant 16 : index
      %parallel_loop3A_570 = tpu.vector_load %arg10[%parallel_loop3A_567, %parallel_loop3A_568, %parallel_loop3A_569] {strides = array<i32>} : memref<2x128x56xi32, #tpu.memory_space<vmem>>, vector<16xi32>,
      tpu.vector_store %arg10[%parallel_loop3A_567, %parallel_loop3A_568, %parallel_loop3A_569], %parallel_loop3A_565 {strides = array<i32>} : memref<2x128x56xi32, #tpu.memory_space<vmem>>, vector<16xi32>,
      %parallel_loop3A_571 = arith.constant 1 : i32
      %parallel_loop3A_572 = arith.index_cast %parallel_loop3A_571 : i32 to index
      %parallel_loop3A_573 = arith.index_cast %parallel_loop3A_476 : i32 to index
      %parallel_loop3A_574 = arith.constant 32 : index
      %parallel_loop3A_575 = tpu.vector_load %arg7[%parallel_loop3A_572, %parallel_loop3A_573, %parallel_loop3A_574] {strides = array<i32>} : memref<2x128x56xi32, #tpu.memory_space<vmem>>, vector<16xi32>,
      %parallel_loop3A_576 = arith.constant 0 : i32
      %parallel_loop3A_577 = tpu.memref_slice %arg11[%parallel_loop3A_391, %parallel_loop3A_576] : memref<5x128xf32, #tpu.memory_space<vmem>> -> memref<1x128xf32, #tpu.memory_space<vmem>>
      %parallel_loop3A_578 = tpu.memref_squeeze %parallel_loop3A_577 : memref<1x128xf32, #tpu.memory_space<vmem>> -> memref<128xf32, #tpu.memory_space<vmem>>
      %parallel_loop3A_579 = tpu.vector_load_idx %parallel_loop3A_578[%parallel_loop3A_575] : memref<128xf32, #tpu.memory_space<vmem>>[vector<16xi32>], vector<16xf32>,
      %parallel_loop3A_580 = arith.constant 0 : i32
      %parallel_loop3A_581 = tpu.memref_slice %arg11[%parallel_loop3A_392, %parallel_loop3A_580] : memref<5x128xf32, #tpu.memory_space<vmem>> -> memref<1x128xf32, #tpu.memory_space<vmem>>
      %parallel_loop3A_582 = tpu.memref_squeeze %parallel_loop3A_581 : memref<1x128xf32, #tpu.memory_space<vmem>> -> memref<128xf32, #tpu.memory_space<vmem>>
      %parallel_loop3A_583 = tpu.vector_load_idx %parallel_loop3A_582[%parallel_loop3A_575] : memref<128xf32, #tpu.memory_space<vmem>>[vector<16xi32>], vector<16xf32>,
      %parallel_loop3A_584 = arith.constant 0 : i32
      %parallel_loop3A_585 = tpu.memref_slice %arg11[%parallel_loop3A_393, %parallel_loop3A_584] : memref<5x128xf32, #tpu.memory_space<vmem>> -> memref<1x128xf32, #tpu.memory_space<vmem>>
      %parallel_loop3A_586 = tpu.memref_squeeze %parallel_loop3A_585 : memref<1x128xf32, #tpu.memory_space<vmem>> -> memref<128xf32, #tpu.memory_space<vmem>>
      %parallel_loop3A_587 = tpu.vector_load_idx %parallel_loop3A_586[%parallel_loop3A_575] : memref<128xf32, #tpu.memory_space<vmem>>[vector<16xi32>], vector<16xf32>,
      %parallel_loop3A_588 = arith.constant 1 : i32
      %parallel_loop3A_589 = arith.index_cast %parallel_loop3A_588 : i32 to index
      %parallel_loop3A_590 = arith.index_cast %parallel_loop3A_476 : i32 to index
      %parallel_loop3A_591 = arith.constant 32 : index
      %parallel_loop3A_592 = tpu.vector_load %arg8[%parallel_loop3A_589, %parallel_loop3A_590, %parallel_loop3A_591] {strides = array<i32>} : memref<2x128x56xf32, #tpu.memory_space<vmem>>, vector<16xf32>,
      %parallel_loop3A_593 = arith.mulf %parallel_loop3A_579, %parallel_loop3A_592 : vector<16xf32>
      %parallel_loop3A_594 = arith.addf %parallel_loop3A_593, %parallel_loop3A_583 : vector<16xf32>
      %parallel_loop3A_595 = math.exp %parallel_loop3A_594 : vector<16xf32>
      %parallel_loop3A_596 = arith.constant 1.000000e+00 : f32
      %parallel_loop3A_597 = vector.broadcast %parallel_loop3A_596 : f32 to vector<16xf32>
      %parallel_loop3A_598 = arith.addf %parallel_loop3A_597, %parallel_loop3A_595 : vector<16xf32>
      %parallel_loop3A_599 = arith.constant 1.000000e+00 : f32
      %parallel_loop3A_600 = vector.broadcast %parallel_loop3A_599 : f32 to vector<16xf32>
      %parallel_loop3A_601 = arith.divf %parallel_loop3A_600, %parallel_loop3A_598 : vector<16xf32>
      %parallel_loop3A_602 = arith.constant 1 : i32
      %parallel_loop3A_603 = arith.index_cast %parallel_loop3A_602 : i32 to index
      %parallel_loop3A_604 = arith.index_cast %parallel_loop3A_476 : i32 to index
      %parallel_loop3A_605 = arith.constant 32 : index
      %parallel_loop3A_606 = tpu.vector_load %arg9[%parallel_loop3A_603, %parallel_loop3A_604, %parallel_loop3A_605] {strides = array<i32>} : memref<2x128x56xf32, #tpu.memory_space<vmem>>, vector<16xf32>,
      tpu.vector_store %arg9[%parallel_loop3A_603, %parallel_loop3A_604, %parallel_loop3A_605], %parallel_loop3A_601 {strides = array<i32>} : memref<2x128x56xf32, #tpu.memory_space<vmem>>, vector<16xf32>,
      %parallel_loop3A_607 = arith.cmpf ogt, %parallel_loop3A_601, %parallel_loop3A_587 : vector<16xf32>
      %parallel_loop3A_608 = arith.constant 1 : i32
      %parallel_loop3A_609 = arith.constant 0 : i32
      %parallel_loop3A_610 = vector.broadcast %parallel_loop3A_608 : i32 to vector<16xi32>
      %parallel_loop3A_611 = vector.broadcast %parallel_loop3A_609 : i32 to vector<16xi32>
      %parallel_loop3A_612 = arith.select %parallel_loop3A_607, %parallel_loop3A_610, %parallel_loop3A_611 : vector<16xi1>, vector<16xi32>
      %parallel_loop3A_613 = arith.constant 1 : i32
      %parallel_loop3A_614 = arith.index_cast %parallel_loop3A_613 : i32 to index
      %parallel_loop3A_615 = arith.index_cast %parallel_loop3A_476 : i32 to index
      %parallel_loop3A_616 = arith.constant 32 : index
      %parallel_loop3A_617 = tpu.vector_load %arg10[%parallel_loop3A_614, %parallel_loop3A_615, %parallel_loop3A_616] {strides = array<i32>} : memref<2x128x56xi32, #tpu.memory_space<vmem>>, vector<16xi32>,
      tpu.vector_store %arg10[%parallel_loop3A_614, %parallel_loop3A_615, %parallel_loop3A_616], %parallel_loop3A_612 {strides = array<i32>} : memref<2x128x56xi32, #tpu.memory_space<vmem>>, vector<16xi32>,
      %parallel_loop3A_618 = arith.constant 1 : i32
      %parallel_loop3A_619 = arith.index_cast %parallel_loop3A_618 : i32 to index
      %parallel_loop3A_620 = arith.index_cast %parallel_loop3A_476 : i32 to index
      %parallel_loop3A_621 = arith.constant 34 : index
      %parallel_loop3A_622 = tpu.vector_load %arg7[%parallel_loop3A_619, %parallel_loop3A_620, %parallel_loop3A_621] {strides = array<i32>} : memref<2x128x56xi32, #tpu.memory_space<vmem>>, vector<16xi32>,
      %parallel_loop3A_623 = arith.constant 0 : i32
      %parallel_loop3A_624 = tpu.memref_slice %arg11[%parallel_loop3A_391, %parallel_loop3A_623] : memref<5x128xf32, #tpu.memory_space<vmem>> -> memref<1x128xf32, #tpu.memory_space<vmem>>
      %parallel_loop3A_625 = tpu.memref_squeeze %parallel_loop3A_624 : memref<1x128xf32, #tpu.memory_space<vmem>> -> memref<128xf32, #tpu.memory_space<vmem>>
      %parallel_loop3A_626 = tpu.vector_load_idx %parallel_loop3A_625[%parallel_loop3A_622] : memref<128xf32, #tpu.memory_space<vmem>>[vector<16xi32>], vector<16xf32>,
      %parallel_loop3A_627 = arith.constant 0 : i32
      %parallel_loop3A_628 = tpu.memref_slice %arg11[%parallel_loop3A_392, %parallel_loop3A_627] : memref<5x128xf32, #tpu.memory_space<vmem>> -> memref<1x128xf32, #tpu.memory_space<vmem>>
      %parallel_loop3A_629 = tpu.memref_squeeze %parallel_loop3A_628 : memref<1x128xf32, #tpu.memory_space<vmem>> -> memref<128xf32, #tpu.memory_space<vmem>>
      %parallel_loop3A_630 = tpu.vector_load_idx %parallel_loop3A_629[%parallel_loop3A_622] : memref<128xf32, #tpu.memory_space<vmem>>[vector<16xi32>], vector<16xf32>,
      %parallel_loop3A_631 = arith.constant 0 : i32
      %parallel_loop3A_632 = tpu.memref_slice %arg11[%parallel_loop3A_393, %parallel_loop3A_631] : memref<5x128xf32, #tpu.memory_space<vmem>> -> memref<1x128xf32, #tpu.memory_space<vmem>>
      %parallel_loop3A_633 = tpu.memref_squeeze %parallel_loop3A_632 : memref<1x128xf32, #tpu.memory_space<vmem>> -> memref<128xf32, #tpu.memory_space<vmem>>
      %parallel_loop3A_634 = tpu.vector_load_idx %parallel_loop3A_633[%parallel_loop3A_622] : memref<128xf32, #tpu.memory_space<vmem>>[vector<16xi32>], vector<16xf32>,
      %parallel_loop3A_635 = arith.constant 1 : i32
      %parallel_loop3A_636 = arith.index_cast %parallel_loop3A_635 : i32 to index
      %parallel_loop3A_637 = arith.index_cast %parallel_loop3A_476 : i32 to index
      %parallel_loop3A_638 = arith.constant 34 : index
      %parallel_loop3A_639 = tpu.vector_load %arg8[%parallel_loop3A_636, %parallel_loop3A_637, %parallel_loop3A_638] {strides = array<i32>} : memref<2x128x56xf32, #tpu.memory_space<vmem>>, vector<16xf32>,
      %parallel_loop3A_640 = arith.mulf %parallel_loop3A_626, %parallel_loop3A_639 : vector<16xf32>
      %parallel_loop3A_641 = arith.addf %parallel_loop3A_640, %parallel_loop3A_630 : vector<16xf32>
      %parallel_loop3A_642 = math.exp %parallel_loop3A_641 : vector<16xf32>
      %parallel_loop3A_643 = arith.constant 1.000000e+00 : f32
      %parallel_loop3A_644 = vector.broadcast %parallel_loop3A_643 : f32 to vector<16xf32>
      %parallel_loop3A_645 = arith.addf %parallel_loop3A_644, %parallel_loop3A_642 : vector<16xf32>
      %parallel_loop3A_646 = arith.constant 1.000000e+00 : f32
      %parallel_loop3A_647 = vector.broadcast %parallel_loop3A_646 : f32 to vector<16xf32>
      %parallel_loop3A_648 = arith.divf %parallel_loop3A_647, %parallel_loop3A_645 : vector<16xf32>
      %parallel_loop3A_649 = arith.constant 1 : i32
      %parallel_loop3A_650 = arith.index_cast %parallel_loop3A_649 : i32 to index
      %parallel_loop3A_651 = arith.index_cast %parallel_loop3A_476 : i32 to index
      %parallel_loop3A_652 = arith.constant 34 : index
      %parallel_loop3A_653 = tpu.vector_load %arg9[%parallel_loop3A_650, %parallel_loop3A_651, %parallel_loop3A_652] {strides = array<i32>} : memref<2x128x56xf32, #tpu.memory_space<vmem>>, vector<16xf32>,
      tpu.vector_store %arg9[%parallel_loop3A_650, %parallel_loop3A_651, %parallel_loop3A_652], %parallel_loop3A_648 {strides = array<i32>} : memref<2x128x56xf32, #tpu.memory_space<vmem>>, vector<16xf32>,
      %parallel_loop3A_654 = arith.cmpf ogt, %parallel_loop3A_648, %parallel_loop3A_634 : vector<16xf32>
      %parallel_loop3A_655 = arith.constant 1 : i32
      %parallel_loop3A_656 = arith.constant 0 : i32
      %parallel_loop3A_657 = vector.broadcast %parallel_loop3A_655 : i32 to vector<16xi32>
      %parallel_loop3A_658 = vector.broadcast %parallel_loop3A_656 : i32 to vector<16xi32>
      %parallel_loop3A_659 = arith.select %parallel_loop3A_654, %parallel_loop3A_657, %parallel_loop3A_658 : vector<16xi1>, vector<16xi32>
      %parallel_loop3A_660 = arith.constant 1 : i32
      %parallel_loop3A_661 = arith.index_cast %parallel_loop3A_660 : i32 to index
      %parallel_loop3A_662 = arith.index_cast %parallel_loop3A_476 : i32 to index
      %parallel_loop3A_663 = arith.constant 34 : index
      %parallel_loop3A_664 = tpu.vector_load %arg10[%parallel_loop3A_661, %parallel_loop3A_662, %parallel_loop3A_663] {strides = array<i32>} : memref<2x128x56xi32, #tpu.memory_space<vmem>>, vector<16xi32>,
      tpu.vector_store %arg10[%parallel_loop3A_661, %parallel_loop3A_662, %parallel_loop3A_663], %parallel_loop3A_659 {strides = array<i32>} : memref<2x128x56xi32, #tpu.memory_space<vmem>>, vector<16xi32>,
    } {sc.loop_unroll_factor = 4 : i64, sc.parallel_access}
    %dma_wait3A_394 = arith.constant 0 : i32
    %dma_wait3A_395 = arith.constant 0 : i32
    %dma_wait3A_396 = arith.constant 0 : i32
    %dma_wait3A_397 = tpu.memref_slice %arg9[%dma_wait3A_394, %dma_wait3A_395, %dma_wait3A_396] : memref<2x128x56xf32, #tpu.memory_space<vmem>> -> memref<1x128x56xf32, #tpu.memory_space<vmem>>
    %dma_wait3A_398 = tpu.memref_squeeze %dma_wait3A_397 : memref<1x128x56xf32, #tpu.memory_space<vmem>> -> memref<128x56xf32, #tpu.memory_space<vmem>>
    %dma_wait3A_399 = arith.constant 0 : i32
    %dma_wait3A_400 = tpu.memref_slice %arg5[%add3A_333, %dma_wait3A_399] : memref<16384x128xf32, #tpu.memory_space<hbm>> -> memref<128x56xf32, #tpu.memory_space<hbm>>
    %dma_wait3A_401 = arith.constant 0 : i32
    %dma_wait3A_402 = tpu.memref_slice %arg5[%add3A_333, %dma_wait3A_401] : memref<16384x128xf32, #tpu.memory_space<hbm>> -> memref<128x56xf32, #tpu.memory_space<hbm>>
    %dma_wait3A_403 = arith.constant 0 : i32
    %dma_wait3A_404 = arith.constant 0 : i32
    %dma_wait3A_405 = tpu.memref_slice %arg9[%dma_wait3A_394, %dma_wait3A_403, %dma_wait3A_404] : memref<2x128x56xf32, #tpu.memory_space<vmem>> -> memref<1x128x56xf32, #tpu.memory_space<vmem>>
    %dma_wait3A_406 = tpu.memref_squeeze %dma_wait3A_405 : memref<1x128x56xf32, #tpu.memory_space<vmem>> -> memref<128x56xf32, #tpu.memory_space<vmem>>
    tpu.wait_dma2 semaphore(%arg14 : memref<!tpu.dma_semaphore, #tpu.memory_space<semaphore_mem>>) src(%dma_wait3A_406 : memref<128x56xf32, #tpu.memory_space<vmem>>) dst(%dma_wait3A_402 : memref<128x56xf32, #tpu.memory_space<hbm>>)
    %dma_wait3A_407 = arith.constant 0 : i32
    %dma_wait3A_408 = arith.constant 0 : i32
    %dma_wait3A_409 = arith.constant 0 : i32
    %dma_wait3A_410 = tpu.memref_slice %arg10[%dma_wait3A_407, %dma_wait3A_408, %dma_wait3A_409] : memref<2x128x56xi32, #tpu.memory_space<vmem>> -> memref<1x128x56xi32, #tpu.memory_space<vmem>>
    %dma_wait3A_411 = tpu.memref_squeeze %dma_wait3A_410 : memref<1x128x56xi32, #tpu.memory_space<vmem>> -> memref<128x56xi32, #tpu.memory_space<vmem>>
    %dma_wait3A_412 = arith.constant 0 : i32
    %dma_wait3A_413 = tpu.memref_slice %arg6[%add3A_348, %dma_wait3A_412] : memref<16384x128xi32, #tpu.memory_space<hbm>> -> memref<128x56xi32, #tpu.memory_space<hbm>>
    %dma_wait3A_414 = arith.constant 0 : i32
    %dma_wait3A_415 = tpu.memref_slice %arg6[%add3A_348, %dma_wait3A_414] : memref<16384x128xi32, #tpu.memory_space<hbm>> -> memref<128x56xi32, #tpu.memory_space<hbm>>
    %dma_wait3A_416 = arith.constant 0 : i32
    %dma_wait3A_417 = arith.constant 0 : i32
    %dma_wait3A_418 = tpu.memref_slice %arg10[%dma_wait3A_407, %dma_wait3A_416, %dma_wait3A_417] : memref<2x128x56xi32, #tpu.memory_space<vmem>> -> memref<1x128x56xi32, #tpu.memory_space<vmem>>
    %dma_wait3A_419 = tpu.memref_squeeze %dma_wait3A_418 : memref<1x128x56xi32, #tpu.memory_space<vmem>> -> memref<128x56xi32, #tpu.memory_space<vmem>>
    tpu.wait_dma2 semaphore(%arg14 : memref<!tpu.dma_semaphore, #tpu.memory_space<semaphore_mem>>) src(%dma_wait3A_419 : memref<128x56xi32, #tpu.memory_space<vmem>>) dst(%dma_wait3A_415 : memref<128x56xi32, #tpu.memory_space<hbm>>)
    %add3A_420 = arith.constant 384 : i32
    %add3A_421 = arith.addi %mul3A_2, %add3A_420 : i32
    %dma_start3A_422 = arith.constant 1 : i32
    %dma_start3A_423 = arith.constant 0 : i32
    %dma_start3A_424 = arith.constant 0 : i32
    %dma_start3A_425 = tpu.memref_slice %arg9[%dma_start3A_422, %dma_start3A_423, %dma_start3A_424] : memref<2x128x56xf32, #tpu.memory_space<vmem>> -> memref<1x128x56xf32, #tpu.memory_space<vmem>>
    %dma_start3A_426 = tpu.memref_squeeze %dma_start3A_425 : memref<1x128x56xf32, #tpu.memory_space<vmem>> -> memref<128x56xf32, #tpu.memory_space<vmem>>
    %dma_start3A_427 = arith.constant 0 : i32
    %dma_start3A_428 = tpu.memref_slice %arg5[%add3A_421, %dma_start3A_427] : memref<16384x128xf32, #tpu.memory_space<hbm>> -> memref<128x56xf32, #tpu.memory_space<hbm>>
    %dma_start3A_429 = arith.constant 0 : i32
    %dma_start3A_430 = tpu.memref_slice %arg5[%add3A_421, %dma_start3A_429] : memref<16384x128xf32, #tpu.memory_space<hbm>> -> memref<128x56xf32, #tpu.memory_space<hbm>>
    %dma_start3A_431 = arith.constant 0 : i32
    %dma_start3A_432 = arith.constant 0 : i32
    %dma_start3A_433 = tpu.memref_slice %arg9[%dma_start3A_422, %dma_start3A_431, %dma_start3A_432] : memref<2x128x56xf32, #tpu.memory_space<vmem>> -> memref<1x128x56xf32, #tpu.memory_space<vmem>>
    %dma_start3A_434 = tpu.memref_squeeze %dma_start3A_433 : memref<1x128x56xf32, #tpu.memory_space<vmem>> -> memref<128x56xf32, #tpu.memory_space<vmem>>
    tpu.enqueue_dma source(%dma_start3A_434 : memref<128x56xf32, #tpu.memory_space<vmem>>) target(%dma_start3A_430 : memref<128x56xf32, #tpu.memory_space<hbm>>) target_semaphore(%arg14 : memref<!tpu.dma_semaphore, #tpu.memory_space<semaphore_mem>>)
    %add3A_435 = arith.constant 384 : i32
    %add3A_436 = arith.addi %mul3A_2, %add3A_435 : i32
    %dma_start3A_437 = arith.constant 1 : i32
    %dma_start3A_438 = arith.constant 0 : i32
    %dma_start3A_439 = arith.constant 0 : i32
    %dma_start3A_440 = tpu.memref_slice %arg10[%dma_start3A_437, %dma_start3A_438, %dma_start3A_439] : memref<2x128x56xi32, #tpu.memory_space<vmem>> -> memref<1x128x56xi32, #tpu.memory_space<vmem>>
    %dma_start3A_441 = tpu.memref_squeeze %dma_start3A_440 : memref<1x128x56xi32, #tpu.memory_space<vmem>> -> memref<128x56xi32, #tpu.memory_space<vmem>>
    %dma_start3A_442 = arith.constant 0 : i32
    %dma_start3A_443 = tpu.memref_slice %arg6[%add3A_436, %dma_start3A_442] : memref<16384x128xi32, #tpu.memory_space<hbm>> -> memref<128x56xi32, #tpu.memory_space<hbm>>
    %dma_start3A_444 = arith.constant 0 : i32
    %dma_start3A_445 = tpu.memref_slice %arg6[%add3A_436, %dma_start3A_444] : memref<16384x128xi32, #tpu.memory_space<hbm>> -> memref<128x56xi32, #tpu.memory_space<hbm>>
    %dma_start3A_446 = arith.constant 0 : i32
    %dma_start3A_447 = arith.constant 0 : i32
    %dma_start3A_448 = tpu.memref_slice %arg10[%dma_start3A_437, %dma_start3A_446, %dma_start3A_447] : memref<2x128x56xi32, #tpu.memory_space<vmem>> -> memref<1x128x56xi32, #tpu.memory_space<vmem>>
    %dma_start3A_449 = tpu.memref_squeeze %dma_start3A_448 : memref<1x128x56xi32, #tpu.memory_space<vmem>> -> memref<128x56xi32, #tpu.memory_space<vmem>>
    tpu.enqueue_dma source(%dma_start3A_449 : memref<128x56xi32, #tpu.memory_space<vmem>>) target(%dma_start3A_445 : memref<128x56xi32, #tpu.memory_space<hbm>>) target_semaphore(%arg14 : memref<!tpu.dma_semaphore, #tpu.memory_space<semaphore_mem>>)
    %dma_wait3A_450 = arith.constant 1 : i32
    %dma_wait3A_451 = arith.constant 0 : i32
    %dma_wait3A_452 = arith.constant 0 : i32
    %dma_wait3A_453 = tpu.memref_slice %arg9[%dma_wait3A_450, %dma_wait3A_451, %dma_wait3A_452] : memref<2x128x56xf32, #tpu.memory_space<vmem>> -> memref<1x128x56xf32, #tpu.memory_space<vmem>>
    %dma_wait3A_454 = tpu.memref_squeeze %dma_wait3A_453 : memref<1x128x56xf32, #tpu.memory_space<vmem>> -> memref<128x56xf32, #tpu.memory_space<vmem>>
    %dma_wait3A_455 = arith.constant 0 : i32
    %dma_wait3A_456 = tpu.memref_slice %arg5[%add3A_421, %dma_wait3A_455] : memref<16384x128xf32, #tpu.memory_space<hbm>> -> memref<128x56xf32, #tpu.memory_space<hbm>>
    %dma_wait3A_457 = arith.constant 0 : i32
    %dma_wait3A_458 = tpu.memref_slice %arg5[%add3A_421, %dma_wait3A_457] : memref<16384x128xf32, #tpu.memory_space<hbm>> -> memref<128x56xf32, #tpu.memory_space<hbm>>
    %dma_wait3A_459 = arith.constant 0 : i32
    %dma_wait3A_460 = arith.constant 0 : i32
    %dma_wait3A_461 = tpu.memref_slice %arg9[%dma_wait3A_450, %dma_wait3A_459, %dma_wait3A_460] : memref<2x128x56xf32, #tpu.memory_space<vmem>> -> memref<1x128x56xf32, #tpu.memory_space<vmem>>
    %dma_wait3A_462 = tpu.memref_squeeze %dma_wait3A_461 : memref<1x128x56xf32, #tpu.memory_space<vmem>> -> memref<128x56xf32, #tpu.memory_space<vmem>>
    tpu.wait_dma2 semaphore(%arg14 : memref<!tpu.dma_semaphore, #tpu.memory_space<semaphore_mem>>) src(%dma_wait3A_462 : memref<128x56xf32, #tpu.memory_space<vmem>>) dst(%dma_wait3A_458 : memref<128x56xf32, #tpu.memory_space<hbm>>)
    %dma_wait3A_463 = arith.constant 1 : i32
    %dma_wait3A_464 = arith.constant 0 : i32
    %dma_wait3A_465 = arith.constant 0 : i32
    %dma_wait3A_466 = tpu.memref_slice %arg10[%dma_wait3A_463, %dma_wait3A_464, %dma_wait3A_465] : memref<2x128x56xi32, #tpu.memory_space<vmem>> -> memref<1x128x56xi32, #tpu.memory_space<vmem>>
    %dma_wait3A_467 = tpu.memref_squeeze %dma_wait3A_466 : memref<1x128x56xi32, #tpu.memory_space<vmem>> -> memref<128x56xi32, #tpu.memory_space<vmem>>
    %dma_wait3A_468 = arith.constant 0 : i32
    %dma_wait3A_469 = tpu.memref_slice %arg6[%add3A_436, %dma_wait3A_468] : memref<16384x128xi32, #tpu.memory_space<hbm>> -> memref<128x56xi32, #tpu.memory_space<hbm>>
    %dma_wait3A_470 = arith.constant 0 : i32
    %dma_wait3A_471 = tpu.memref_slice %arg6[%add3A_436, %dma_wait3A_470] : memref<16384x128xi32, #tpu.memory_space<hbm>> -> memref<128x56xi32, #tpu.memory_space<hbm>>
    %dma_wait3A_472 = arith.constant 0 : i32
    %dma_wait3A_473 = arith.constant 0 : i32
    %dma_wait3A_474 = tpu.memref_slice %arg10[%dma_wait3A_463, %dma_wait3A_472, %dma_wait3A_473] : memref<2x128x56xi32, #tpu.memory_space<vmem>> -> memref<1x128x56xi32, #tpu.memory_space<vmem>>
    %dma_wait3A_475 = tpu.memref_squeeze %dma_wait3A_474 : memref<1x128x56xi32, #tpu.memory_space<vmem>> -> memref<128x56xi32, #tpu.memory_space<vmem>>
    tpu.wait_dma2 semaphore(%arg14 : memref<!tpu.dma_semaphore, #tpu.memory_space<semaphore_mem>>) src(%dma_wait3A_475 : memref<128x56xi32, #tpu.memory_space<vmem>>) dst(%dma_wait3A_471 : memref<128x56xi32, #tpu.memory_space<hbm>>)
    return
  }
}

</mosaic_0001>

<sc_bundles>
// kernel: _sc_call.3.cloned.1.call-start
scs
__scs_entry_jumppad:
0x0: {  	(pc) =	sbr.rel $0x88, $3  }
0x1: {  	(tag) =	ssettag $0x0;
	lr =	simm.s32 $0x1  }
0x2: {  	[smem:$0x3F9E] =	sst lr;
	_ =	strace $0xD0000000  }
0x3: {  	_ = 	snop  }
0x4: {  	_ = 	snop  }
0x5: {  	_ = 	snop  }
0x6: {  	_ = 	snop  }
0x7: {  	_ = 	snop  }
__scs_overlays_trampoline_lowered:
0x8: {  	[smem:$0x3FAD] =	sst s0  }
0x9: {  	[smem:$0x3FAE] =	sst s1  }
0xa: {  	[smem:$0x3FAF] =	sst s2  }
0xb: {  	[smem:$0x3FB0] =	sst s3  }
0xc: {  	[smem:$0x3FB1] =	sst s4  }
0xd: {  	[smem:$0x3FB2] =	sst s5  }
0xe: {  	[smem:$0x3FB3] =	sst s6  }
0xf: {  	[smem:$0x3FB4] =	sst s7  }
0x10: {  	[smem:$0x3FB5] =	sst s8  }
0x11: {  	[smem:$0x3FB6] =	sst s9;
	s0 =	simm.s32 @!p0 $0x0  }
0x12: {  	s1 =	sld [smem:$0x3F9C];
	s0 =	simm.s32 @p0 $0x1  }
0x13: {  	[smem:$0x3FB7] =	sst s0;
	s0 =	simm.s32 @!p1 $0x0  }
0x14: {  	s2 =	sld [smem:$0x3F9B];
	s0 =	simm.s32 @p1 $0x1  }
0x15: {  	[smem:$0x3FB8] =	sst s0;
	s0 =	simm.s32 @!p2 $0x0  }
0x16: {  	s3 =	sld [smem:$0x3FDB];
	s0 =	simm.s32 @p2 $0x1  }
0x17: {  	s4 =	simm.s32 $0x1BF5;
	[smem:$0x3FBA] =	sst s0  }
0x18: {  	s0 =	sld [smem:$0x3F9D];
	_ =	swait.ge [sflag:s4], $0x0  }
0x19: {  	s7 =	sld [smem:$0x3F9E]  }
0x1a: {  	s8 =	sadd.s32 $0xFFFFE003, lr  }
0x1b: {  	s9 =	sadd.s32 $0xFFFFFEF7, lr;
	s5 =	simm.s32 $0xFFFFFFFF;
	p2 =	slt.u32 s8, $0xFFFFF086  }
0x1c: {  	p1 =	slt.u32 s9, $0xF7A;
	s5 =	simm.s32 @!p2 $0x0  }
0x1d: {  	s5 =	simm.s32 @p1 $0x1;
	p0 =	seq.s32 s7, s2  }
0x1e: {  	s7 =	smul.u32 @!p0 $0xF7A, s2;
	p2 =	seq.s32 @!p0 s5, $0x0  }
0x1f: {  	s9 =	smul.u32 $0xF7A, s1;
	s8 =	simm.s32 @!p0 $0x1BF5;
	p2 =	por !p2, p0  }
0x20: {  	[sflag:s8] =	ssyncset.s32 @!p0 $0xFFFFF086;
	s6 =	sadd.s32 @!p0 s3, s7;
	s7 =	simm.s32 @!p0 $0x108  }
0x21: {  	s3 =	sadd.s32 s3, s9;
	s6 =	sadd.s32 @!p0 $0x88, s6;
	s7 =	simm.s32 @p2 $0x1082  }
0x22: {  	[simem:s7], [sflag:s8] =	dma.local @!p0 [hbm:s6], $0xF7A  }
0x23: {  	s9 =	sor.u32 $0xD0000000, s2;
	s6 =	simm.s32 $0x108;
	_ =	swait.ge @!p0 [sflag:s8], $0x0  }
0x24: {  	s3 =	sadd.s32 $0x88, s3;
	s6 =	simm.s32 @!p1 $0x1082;
	[sflag:s4] =	ssyncset.s32 $0xFFFFF086  }
0x25: {  	[simem:s6], [sflag:s4] =	dma.local [hbm:s3], $0xF7A  }
0x26: {  	[smem:$0x3F9E] =	sst s1;
	(tag) =	ssettag s2;
	_ =	strace s9  }
0x27: {  	s1 =	sld [smem:$0x3FAE]  }
0x28: {  	s2 =	sld [smem:$0x3FAF]  }
0x29: {  	s4 =	sld [smem:$0x3FB1]  }
0x2a: {  	p0 =	seq.s32 s5, $0x0;
	s5 =	sld [smem:$0x3FB2]  }
0x2b: {  	s6 =	sld [smem:$0x3FB3]  }
0x2c: {  	s7 =	sld [smem:$0x3FB4]  }
0x2d: {  	s3 =	simm.s32 $0x108;
	s8 =	sld [smem:$0x3FB5]  }
0x2e: {  	s3 =	simm.s32 @!p0 $0x1082;
	s9 =	sld [smem:$0x3FB6]  }
0x2f: {  	lr =	sadd.s32 s0, s3;
	s0 =	sld [smem:$0x3FAD]  }
0x30: {  	s3 =	sld [smem:$0x3FB0]  }
0x31: {  	[smem:$0x3FB9] =	sst s10  }
0x32: {  	s10 =	sld [smem:$0x3FB7];
	_ =	sdelay $0x3  }
0x33: {  	p0 =	seq.s32 s10, $0x1;
	s10 =	sld [smem:$0x3FB9];
	_ =	sdelay $0x3  }
0x34: {  	[smem:$0x3FB9] =	sst s10  }
0x35: {  	s10 =	sld [smem:$0x3FB8];
	_ =	sdelay $0x3  }
0x36: {  	p1 =	seq.s32 s10, $0x1;
	s10 =	sld [smem:$0x3FB9];
	_ =	sdelay $0x3  }
0x37: {  	[smem:$0x3FB9] =	sst s10  }
0x38: {  	s10 =	sld [smem:$0x3FBA]  }
0x39: {  	_ = 	snop;
	(pc) =	sbr.ind lr, $3  }
0x3a: {  	_ = 	snop  }
0x3b: {  	_ = 	snop  }
0x3c: {  	p2 =	seq.s32 s10, $0x1;
	s10 =	sld [smem:$0x3FB9]  }
0x3d: {  	_ =	shalt  }
0x3e: {  	_ =	shalt  }
0x3f: {  	_ =	shalt  }
0x40: {  	_ =	shalt  }
0x41: {  	_ =	shalt  }
0x42: {  	_ =	shalt  }
0x43: {  	_ =	shalt  }
0x44: {  	_ =	shalt  }
0x45: {  	_ =	shalt  }
0x46: {  	_ =	shalt  }
0x47: {  	_ =	shalt  }
0x48: {  	_ =	shalt  }
0x49: {  	_ =	shalt  }
0x4a: {  	_ =	shalt  }
0x4b: {  	_ =	shalt  }
0x4c: {  	_ =	shalt  }
0x4d: {  	_ =	shalt  }
0x4e: {  	_ =	shalt  }
0x4f: {  	_ =	shalt  }
0x50: {  	_ =	shalt  }
0x51: {  	_ =	shalt  }
0x52: {  	_ =	shalt  }
0x53: {  	_ =	shalt  }
0x54: {  	_ =	shalt  }
0x55: {  	_ =	shalt  }
0x56: {  	_ =	shalt  }
0x57: {  	_ =	shalt  }
0x58: {  	_ =	shalt  }
0x59: {  	_ =	shalt  }
0x5a: {  	_ =	shalt  }
0x5b: {  	_ =	shalt  }
0x5c: {  	_ =	shalt  }
0x5d: {  	_ =	shalt  }
0x5e: {  	_ =	shalt  }
0x5f: {  	_ =	shalt  }
0x60: {  	_ =	shalt  }
0x61: {  	_ =	shalt  }
0x62: {  	_ =	shalt  }
0x63: {  	_ =	shalt  }
0x64: {  	_ =	shalt  }
0x65: {  	_ =	shalt  }
0x66: {  	_ =	shalt  }
0x67: {  	_ =	shalt  }
0x68: {  	_ =	shalt  }
0x69: {  	_ =	shalt  }
0x6a: {  	_ =	shalt  }
0x6b: {  	_ =	shalt  }
0x6c: {  	_ =	shalt  }
0x6d: {  	_ =	shalt  }
0x6e: {  	_ =	shalt  }
0x6f: {  	_ =	shalt  }
0x70: {  	_ =	shalt  }
0x71: {  	_ =	shalt  }
0x72: {  	_ =	shalt  }
0x73: {  	_ =	shalt  }
0x74: {  	_ =	shalt  }
0x75: {  	_ =	shalt  }
0x76: {  	_ =	shalt  }
0x77: {  	_ =	shalt  }
0x78: {  	_ =	shalt  }
0x79: {  	_ =	shalt  }
0x7a: {  	_ =	shalt  }
0x7b: {  	_ =	shalt  }
0x7c: {  	_ =	shalt  }
0x7d: {  	_ =	shalt  }
0x7e: {  	_ =	shalt  }
0x7f: {  	_ =	shalt  }
0x80: {  	_ =	shalt  }
0x81: {  	_ =	shalt  }
0x82: {  	_ =	shalt  }
0x83: {  	_ =	shalt  }
0x84: {  	_ =	shalt  }
0x85: {  	_ =	shalt  }
0x86: {  	_ =	shalt  }
0x87: {  	_ =	shalt  }
.Lfunc_end0:
.L_simem_size_0:
called_computation_lowered:
.L_overlay_start_0:
0x88: {  	s2 =	sld [smem:$0x3FD9]  }
0x89: {  	s3 =	sld [smem:$0x3FFE];
	_ =	sdelay $0x1  }
0x8a: {  	s1 =	srdreg.scid  }
0x8b: {  	s0 =	sand.u32 $0x1, s1  }
0x8c: {  	s15 =	sshll.u32 s0, $0xA;
	s2 =	sadd.s32 s3, s2  }
0x8d: {  	s2 =	sadd.s32 s2, s15  }
0x8e: {  	[smem:$0x3FC5] =	sst s2  }
0x8f: {  	_ = 	snop  }
0x90: {  	s2 =	sld [smem:$0x3FD0]  }
0x91: {  	s16 =	sld [smem:$0x3FC9]  }
0x92: {  	s4 =	sld [smem:$0x3FC8]  }
0x93: {  	s6 =	simm.s32 $0xA;
	s7 =	simm.s32 $0x10;
	s5 =	sld [smem:$0x3FC7]  }
0x94: {  	[smem:s7], [sflag:s6] =	dma.local [hbm:s2], $0x1  }
0x95: {  	_ =	swait.eq [sflag:s6], $0x1  }
0x96: {  	[sflag:s6] =	ssyncset.done $0x0  }
0x97: {  	s17 =	sld [smem:$0x10];
	[sflag:s6] =	ssyncadd.s32 $0xFFFFFFFF  }
0x98: {  	s18 =	sld [smem:$0x11];
	(tm) =	ssettm $0x1  }
0x99: {  	s19 =	sld [smem:$0x3FFB];
	_ =	sdelay $0x3  }
0x9a: {  	_ =	strace s19  }
0x9b: {  	s7 =	sld [smem:$0x3FFC];
	_ =	sdelay $0x3  }
0x9c: {  	_ =	strace s7  }
0x9d: {  	s7 =	sld [smem:$0x3FFD];
	_ =	sdelay $0x3  }
0x9e: {  	_ =	strace s7  }
0x9f: {  	_ =	strace $0x8FFFFFFF  }
0xa0: {  	s20 =	sld [smem:$0x3FDB];
	_ =	sdelay $0x1  }
0xa1: {  	s8 =	simm.s32 $_scs_section_size  }
0xa2: {  	s9 =	simm.s32 $_size__tile_overlayer_lowered;
	s10 =	simm.s32 $_tile_overlayer_lowered  }
0xa3: {  	s23 =	simm.s32 $0x1BFF;
	s22 =	sshll.u32 s10, $0x1;
	s7 =	sadd.s32 s8, s20  }
0xa4: {  	s11 =	simm.s32 $0x0;
	s21 =	sshll.u32 s9, $0x1;
	s9 =	sadd.s32 s22, s7  }
0xa5: {  	[timem:s11], [sflag:s23] =	dma.local [hbm:s9], s21  }
0xa6: {  	_ =	swait.ge [sflag:s23], s21  }
0xa7: {  	s8 =	ssub.s32 $0x0, s21;
	[sflag:s23] =	ssyncset.done $0x0  }
0xa8: {  	[sflag:s23] =	ssyncadd.s32 s8;
	_ =	sdelay $0x1  }
0xa9: {  	s24 =	simm.s32 $0x1B8B  }
0xaa: {  	_ =	swait.ge [sflag:s24], $0x1  }
0xab: {  	[sflag:s24] =	ssyncset.done $0x0  }
0xac: {  	s25 =	simm.s32 $0x1B8E;
	[sflag:s24] =	ssyncadd.s32 $0xFFFFFFFF  }
0xad: {  	s26 =	simm.s32 $execute0_lowered;
	[smem:$0x3FD2] =	sst s25  }
0xae: {  	s8 =	sshll.u32 s26, $0x1;
	_ =	strace $0x80000046;
	[dreg:$0x1] =	wrdreg $0xFFFFFFFF  }
0xaf: {  	s28 =	simm.s32 $_size_execute0_lowered;
	s7 =	sadd.s32 s7, s8;
	[dreg:$0x0] =	wrdreg $0x0  }
0xb0: {  	s8 =	sshll.u32 s28, $0x1;
	[dreg:$0x2] =	wrdreg s7  }
0xb1: {  	[dreg:$0x3] =	wrdreg s8  }
0xb2: {  	[dreg:$0x4] =	wrdreg $0xC0  }
0xb3: {  	_ =	task [dreg:s11], $0x5FFFF  }
0xb4: {  	[dreg:$0x1] =	wrdreg $0xFFFFFFFF  }
0xb5: {  	[dreg:$0x0] =	wrdreg $0x60  }
0xb6: {  	[dreg:$0x2] =	wrdreg s16  }
0xb7: {  	[dreg:$0x3] =	wrdreg s4  }
0xb8: {  	[dreg:$0x4] =	wrdreg s5  }
0xb9: {  	[dreg:$0x5] =	wrdreg s17  }
0xba: {  	[dreg:$0x6] =	wrdreg s18  }
0xbb: {  	[dreg:$0x7] =	wrdreg $0x9  }
0xbc: {  	_ =	task.clear_ibuf [dreg:s11], $0x8FFFF;
	_ =	strace $0x90000046  }
0xbd: {  	s29 =	simm.s32 $0x9;
	_ =	strace $0x80000048  }
0xbe: {  	_ =	swait.ge [sflag:s29], $0x1  }
0xbf: {  	[sflag:s29] =	ssyncadd.s32 $0xFFFFFFFF  }
0xc0: {  	_ =	strace $0x90000048  }
0xc1: {  	_ =	sfence  }
0xc2: {  	s30 =	sld [smem:$0x0];
	_ =	sdelay $0x2  }
0xc3: {  	s31 =	sshll.u32 s1, $0xD;
	s1 =	sshrl.u32 s1, $0x2  }
0xc4: {  	s3 =	sand.u32 $0x4000, s31;
	s1 =	sadd.s32 s1, s30  }
0xc5: {  	s0 =	sor.u32 s3, s0;
	s1 =	sshll.u32 s1, $0x11  }
0xc6: {  	s0 =	sor.u32 s1, s0  }
0xc7: {  	s0 =	sadd.s32 $0x8F2B, s0  }
0xc8: {  	[sflag:s0] =	ssyncadd.remote.s32 $0x1  }
0xc9: {  	_ =	sfence.sel $0xFFFF  }
0xca: {  	[dreg:$0x0] =	wrdreg $0xFFFFFFFF;
	(pc) =	sbr.abs _section_cstart, $3  }
0xcb: {  	[dreg:$0x1] =	wrdreg $0xFFFFFFFF  }
0xcc: {  	_ =	task.clear_ibuf [dreg:s11], $0x2FFFF;
	_ =	strace $0x9FFFFFFF  }
0xcd: {  	(tm) =	ssettm $0x7FFFFFFF  }
tec
execute0_lowered:
.L_overlay_start_1:
0x0: {  	(tag) =	ssettag $0x1  }
0x1: {  	s0 =	rddreg [dreg:$0x0]  }
0x2: {  	s1 =	rddreg [dreg:$0x1]  }
0x3: {  	s2 =	rddreg [dreg:$0x3]  }
0x4: {  	s4 =	rddreg [dreg:$0x4];
	s5 =	srdreg.scid  }
0x5: {  	s3 =	simm.s32 $0x0;
	s7 =	stileid.u32;
	s29 =	simm.s32 $0x1  }
0x6: {  	s30 =	simm.s32 $0xE080;
	s31 =	simm.s32 $0xE200;
	s5 =	sand.u32 $0x1, s5  }
0x7: {  	s7 =	sshll.u32 s7, $0xE;
	s6 =	ssub.s32 $0x2, s5;
	s5 =	sshll.u32 s5, $0xD  }
0x8: {  	[smem:$0x7FF] =	sst s3;
	s8 =	sshrl.u32 s6, $0x1;
	s5 =	sor.u32 s5, s7  }
0x9: {  	_ =	strace $0x80000047;
	s6 =	ssub.s32 s6, s8;
	s19 =	sadd.s32 s0, s5  }
0xa: {  	s7 =	sor.u32 $0x800, s5;
	s20 =	sadd.s32 s1, s5;
	[dreg:$0x6] =	wrdreg s19  }
0xb: {  	s23 =	sadd.s32 s2, s5;
	s24 =	sor.u32 $0x1000, s5;
	[dreg:$0x7] =	wrdreg s20  }
0xc: {  	s9 =	sadd.s32 s4, s5;
	s5 =	sor.u32 $0x1800, s5;
	[dreg:$0xa] =	wrdreg s23  }
0xd: {  	s21 =	sadd.s32 s0, s7;
	s22 =	sadd.s32 s1, s7;
	[dreg:$0xb] =	wrdreg s9  }
0xe: {  	s25 =	sadd.s32 s0, s24;
	s26 =	sadd.s32 s1, s24;
	s28 =	sadd.s32 s2, s7  }
0xf: {  	s7 =	sadd.s32 s4, s7;
	s14 =	sadd.s32 s0, s5;
	[dreg:$0x8] =	wrdreg s21  }
0x10: {  	s15 =	sadd.s32 s1, s5;
	s16 =	sadd.s32 s2, s24;
	[dreg:$0x9] =	wrdreg s22  }
0x11: {  	s17 =	sadd.s32 s4, s24;
	s18 =	sadd.s32 s2, s5;
	[dreg:$0xc] =	wrdreg s25  }
0x12: {  	s19 =	sadd.s32 s4, s5;
	s20 =	smax.u32 s6, $0x1;
	[dreg:$0xd] =	wrdreg s26  }
0x13: {  	s24 =	simm.s32 $0xE000;
	s1 =	simm.s32 $0x2;
	[dreg:$0xe] =	wrdreg s28  }
0x14: {  	s23 =	simm.s32 $0x3;
	s0 =	simm.s32 $0x0;
	[dreg:$0xf] =	wrdreg s7  }
0x15: {  	v0 =	vimm.s32 $0x0;
	s21 =	simm.s32 $0x38;
	s22 =	simm.s32 $0x80;
	s25 =	simm.s32 $0x4  }
.LBB2_1:
0x16: {  	s2 =	rddreg [dreg:$0x6]  }
0x17: {  	[tilespmem:s3], [sflag:$0x1] =	stream.strided.gather [hbm4b:s2+s21], $0x1C00, s22, s21, $0x38;
	[tilespmem:$0xE280] =	vst v63  }
0x18: {  	s9 =	rddreg [dreg:$0x7];
	s4 =	simm.s32 $0x3800  }
0x19: {  	[tilespmem:s4], [sflag:$0x1] =	stream.strided.gather [hbm4b:s9+s21], $0x1C00, s22, s21, $0x38;
	[tilespmem:$0xE280] =	vst v63  }
0x1a: {  	s10 =	rddreg [dreg:$0x2]  }
0x1b: {  	[tilespmem:s24], [sflag:$0x4] =	stream.linear.gather [hbm4b:s10+s3], $0x280, $0x38;
	[tilespmem:$0xE280] =	vst v63  }
0x1c: {  	_ =	swait.ge [sflag:s25], $0x280  }
0x1d: {  	[sflag:s25] =	ssyncset.done $0x0  }
0x1e: {  	s12 =	simm.s32 $0x1C00;
	s11 =	rddreg [dreg:$0x8];
	[sflag:s25] =	ssyncadd.s32 $0xFFFFFD80  }
0x1f: {  	[tilespmem:s12], [sflag:$0x2] =	stream.strided.gather [hbm4b:s11+s21], $0x1C00, s22, s21, $0x38;
	[tilespmem:$0xE280] =	vst v63  }
0x20: {  	s26 =	simm.s32 $0x5400;
	s13 =	rddreg [dreg:$0x9]  }
0x21: {  	[tilespmem:s26], [sflag:$0x2] =	stream.strided.gather [hbm4b:s13+s21], $0x1C00, s22, s21, $0x38;
	[tilespmem:$0xE280] =	vst v63  }
0x22: {  	v1 =	vld [tilespmem:$0xE080]  }
0x23: {  	v2 =	vld [tilespmem:$0xE100]  }
0x24: {  	v3 =	vld [tilespmem:$0xE180]  }
0x25: {  	v4 =	vld [tilespmem:$0xE000]  }
0x26: {  	v5 =	vld [tilespmem:$0xE090]  }
0x27: {  	v6 =	vld [tilespmem:$0xE110]  }
0x28: {  	v7 =	vld [tilespmem:$0xE190]  }
0x29: {  	v8 =	vld [tilespmem:$0xE010]  }
0x2a: {  	v9 =	vld [tilespmem:$0xE0A0]  }
0x2b: {  	v10 =	vld [tilespmem:$0xE120]  }
0x2c: {  	v11 =	vld [tilespmem:$0xE1A0]  }
0x2d: {  	v12 =	vld [tilespmem:$0xE020]  }
0x2e: {  	v13 =	vld [tilespmem:$0xE0B0]  }
0x2f: {  	v14 =	vld [tilespmem:$0xE130]  }
0x30: {  	v15 =	vld [tilespmem:$0xE1B0]  }
0x31: {  	v16 =	vld [tilespmem:$0xE030]  }
0x32: {  	v17 =	vld [tilespmem:$0xE0C0]  }
0x33: {  	v18 =	vld [tilespmem:$0xE140]  }
0x34: {  	v19 =	vld [tilespmem:$0xE040];
	v1 =	vmul.f32 v2, v1  }
0x35: {  	v2 =	vld [tilespmem:$0xE1C0];
	v4 =	vsub.f32 $0.0e+00, v4  }
0x36: {  	v1 =	vadd.f32 v3, v1;
	v3 =	vmul.f32 v6, v5;
	v5 =	vld [tilespmem:$0xE0D0]  }
0x37: {  	v6 =	vld [tilespmem:$0xE150];
	[tilespmem:$0xE000] =	vst v4;
	v4 =	vsub.f32 $0.0e+00, v8  }
0x38: {  	v8 =	vld [tilespmem:$0xE1E0];
	v1 =	vsub.f32 $0.0e+00, v1;
	v3 =	vadd.f32 v7, v3;
	v7 =	vmul.f32 v10, v9  }
0x39: {  	v9 =	vld [tilespmem:$0xE1D0]  }
0x3a: {  	v10 =	vld [tilespmem:$0xE0E0];
	[tilespmem:$0xE080] =	vst v1;
	v1 =	vsub.f32 $0.0e+00, v3;
	v3 =	vadd.f32 v11, v7;
	v7 =	vmul.f32 v14, v13  }
0x3b: {  	[tilespmem:$0xE010] =	vst v4;
	v4 =	vsub.f32 $0.0e+00, v12;
	v11 =	vld [tilespmem:$0xE160]  }
0x3c: {  	v12 =	vld [tilespmem:$0xE170];
	[tilespmem:$0xE090] =	vst v1;
	v1 =	vsub.f32 $0.0e+00, v3;
	v3 =	vadd.f32 v15, v7;
	v7 =	vmul.f32 v18, v17  }
0x3d: {  	v13 =	vld [tilespmem:$0xE0F0]  }
0x3e: {  	[tilespmem:$0xE0A0] =	vst v1;
	v1 =	vsub.f32 $0.0e+00, v3;
	v2 =	vadd.f32 v2, v7;
	v3 =	vmul.f32 v6, v5;
	v5 =	vld [tilespmem:$0xE050]  }
0x3f: {  	[tilespmem:$0xE020] =	vst v4;
	v4 =	vsub.f32 $0.0e+00, v16;
	v6 =	vld [tilespmem:$0xE1F0]  }
0x40: {  	v7 =	vld [tilespmem:$0xE060];
	[tilespmem:$0xE0B0] =	vst v1;
	v1 =	vsub.f32 $0.0e+00, v2;
	v2 =	vadd.f32 v9, v3;
	v3 =	vmul.f32 v11, v10  }
0x41: {  	[tilespmem:$0xE030] =	vst v4;
	v4 =	vsub.f32 $0.0e+00, v19  }
0x42: {  	[tilespmem:$0xE0C0] =	vst v1;
	v1 =	vsub.f32 $0.0e+00, v2;
	v2 =	vadd.f32 v8, v3;
	v3 =	vmul.f32 v12, v13;
	v8 =	vld [tilespmem:$0xE070]  }
0x43: {  	[tilespmem:$0xE040] =	vst v4;
	v4 =	vsub.f32 $0.0e+00, v5  }
0x44: {  	[tilespmem:$0xE0D0] =	vst v1;
	v1 =	vsub.f32 $0.0e+00, v2;
	v2 =	vadd.f32 v6, v3  }
0x45: {  	v3 =	vsub.f32 $0.0e+00, v7;
	[tilespmem:$0xE050] =	vst v4  }
0x46: {  	[tilespmem:$0xE0E0] =	vst v1;
	v1 =	vsub.f32 $0.0e+00, v2  }
0x47: {  	[tilespmem:$0xE060] =	vst v3;
	v2 =	vsub.f32 $0.0e+00, v8  }
0x48: {  	[tilespmem:$0xE0F0] =	vst v1  }
0x49: {  	[tilespmem:$0xE070] =	vst v2  }
0x4a: {  	_ =	swait.ge [sflag:s29], $0x1C00  }
0x4b: {  	[sflag:s29] =	ssyncset.done $0x0  }
0x4c: {  	[sflag:s29] =	ssyncadd.s32 $0xFFFFE400  }
0x4d: {  	_ =	swait.ge [sflag:s29], $0x1C00  }
0x4e: {  	[sflag:s29] =	ssyncset.done $0x0  }
0x4f: {  	s5 =	simm.s32 $0x70;
	[sflag:s29] =	ssyncadd.s32 $0xFFFFE400  }
0x50: {  	v1 =	vld [tilespmem:s5+$0xFFFFFF90];
	_ =	sdelay $0x3  }
0x51: {  	s6 =	simm.s32 $0x3870  }
0x52: {  	v2 =	vld [tilespmem:s6+$0xFFFFFF90]  }
0x53: {  	v3 =	vld [tilespmem:s5+$0x38]  }
0x54: {  	v5 =	vld [tilespmem:s5+$0x0]  }
0x55: {  	v4 =	vld.idx.msk [tilespmem:v1+s24+$0x0], $0xffff  }
0x56: {  	v7 =	vld [tilespmem:s5+$0xFFFFFFC8]  }
0x57: {  	v6 =	vld.idx.msk [tilespmem:v1+s30+$0x0], $0xffff;
	_ =	sdelay $0x1  }
0x58: {  	v8 =	vld [tilespmem:s6+$0xFFFFFFC8]  }
0x59: {  	v9 =	vld [tilespmem:s6+$0x38];
	v2 =	vmul.f32 v2, v4  }
0x5a: {  	v10 =	vld.idx.msk [tilespmem:v3+s24+$0x0], $0xffff  }
0x5b: {  	v11 =	vld.idx.msk [tilespmem:v5+s24+$0x0], $0xffff;
	v2 =	vadd.f32 v2, v6  }
0x5c: {  	v4 =	vld [tilespmem:s6+$0x0]  }
0x5d: {  	v6 =	vld.idx.msk [tilespmem:v3+s30+$0x0], $0xffff;
	v2 =	vmul.f32 $1.442695020e+00, v2  }
0x5e: {  	v12 =	vld.idx.msk [tilespmem:v7+s24+$0x0], $0xffff  }
0x5f: {  	(erf) = vpow2.f32 v2;
	v2 =	vld.idx.msk [tilespmem:v5+s30+$0x0], $0xffff  }
0x60: {  	v9 =	vmul.f32 v9, v10  }
0x61: {  	v13 =	vld.idx.msk [tilespmem:v7+s30+$0x0], $0xffff  }
0x62: {  	v4 =	vmul.f32 v4, v11;
	v6 =	vadd.f32 v9, v6;
	_ =	sdelay $0x1  }
0x63: {  	v8 =	vmul.f32 v8, v12;
	v2 =	vadd.f32 v4, v2;
	v4 =	vmul.f32 $1.442695020e+00, v6;
	_ =	sdelay $0x1  }
0x64: {  	v6 =	vadd.f32 v8, v13  }
0x65: {  	v2 =	vmul.f32 $1.442695020e+00, v2  }
0x66: {  	v6 =	vmul.f32 $1.442695020e+00, v6;
	(erf) = vpow2.f32 v4;
	v4 =	vpop (erf)  }
0x67: {  	(erf) = vpow2.f32 v2;
	v2 =	vadd.f32 $1.000000000e+00, v4  }
0x68: {  	(erf) = vpow2.f32 v6  }
0x69: {  	(erf) = vrcp.f32 v2;
	_ =	sdelay $0x4  }
0x6a: {  	v1 =	vld.idx.msk [tilespmem:v1+s31+$0x0], $0xffff  }
0x6b: {  	v2 =	vpop (erf)  }
0x6c: {  	v4 =	vpop (erf)  }
0x6d: {  	v6 =	vpop (erf)  }
0x6e: {  	v8 =	vpop (erf)  }
0x6f: {  	s26 =	simm.s32 $0x7070;
	v2 =	vadd.f32 $1.000000000e+00, v2;
	vm0 =	vgt.f32 v8, v1  }
0x70: {  	s2 =	simm.s32 $0xA870;
	v1 =	vadd.f32 $1.000000000e+00, v4;
	[tilespmem:s26+$0xFFFFFF90] =	vst v8;
	v4 =	vsel vm0, $0x1, v0  }
0x71: {  	(erf) = vrcp.f32 v2;
	[tilespmem:s2+$0xFFFFFF90] =	vst v4  }
0x72: {  	(erf) = vrcp.f32 v1;
	v1 =	vld [tilespmem:s5+$0xFFFFFFA0];
	_ =	sdelay $0x3  }
0x73: {  	v2 =	vadd.f32 $1.000000000e+00, v6  }
0x74: {  	v4 =	vld.idx.msk [tilespmem:v5+s31+$0x0], $0xffff  }
0x75: {  	(erf) = vrcp.f32 v2  }
0x76: {  	v2 =	vld [tilespmem:s6+$0xFFFFFFA0]  }
0x77: {  	v5 =	vpop (erf);
	v6 =	vld.idx.msk [tilespmem:v1+s24+$0x0], $0xffff  }
0x78: {  	v8 =	vpop (erf)  }
0x79: {  	vm12 =	vgt.f32 v8, v4;
	v4 =	vld.idx.msk [tilespmem:v1+s30+$0x0], $0xffff  }
0x7a: {  	v7 =	vld.idx.msk [tilespmem:v7+s31+$0x0], $0xffff;
	[tilespmem:s26+$0x0] =	vst v8;
	v8 =	vsel vm12, $0x1, v0  }
0x7b: {  	[tilespmem:s2+$0x0] =	vst v8  }
0x7c: {  	v8 =	vld [tilespmem:s5+$0x10];
	v2 =	vmul.f32 v2, v6  }
0x7d: {  	v3 =	vld.idx.msk [tilespmem:v3+s31+$0x0], $0xffff  }
0x7e: {  	v6 =	vpop (erf);
	v2 =	vadd.f32 v2, v4  }
0x7f: {  	vm13 =	vgt.f32 v6, v7  }
0x80: {  	[tilespmem:s26+$0xFFFFFFC8] =	vst v6;
	v4 =	vsel vm13, $0x1, v0;
	v2 =	vmul.f32 $1.442695020e+00, v2  }
0x81: {  	[tilespmem:s2+$0xFFFFFFC8] =	vst v4  }
0x82: {  	vm14 =	vgt.f32 v5, v3;
	v3 =	vld [tilespmem:s5+$0xFFFFFFD8];
	(erf) = vpow2.f32 v2  }
0x83: {  	[tilespmem:s26+$0x38] =	vst v5;
	v4 =	vld [tilespmem:s6+$0x10];
	v2 =	vsel vm14, $0x1, v0  }
0x84: {  	[tilespmem:s2+$0x38] =	vst v2;
	v2 =	vld.idx.msk [tilespmem:v8+s24+$0x0], $0xffff  }
0x85: {  	v5 =	vld [tilespmem:s5+$0x48]  }
0x86: {  	v6 =	vld.idx.msk [tilespmem:v8+s30+$0x0], $0xffff;
	_ =	sdelay $0x2  }
0x87: {  	v2 =	vmul.f32 v4, v2;
	v4 =	vld [tilespmem:s6+$0xFFFFFFD8]  }
0x88: {  	s4 =	simm.s32 $0x150;
	v7 =	vld.idx.msk [tilespmem:v3+s24+$0x0], $0xffff  }
0x89: {  	v13 =	vld [tilespmem:s4+$0x38];
	v2 =	vadd.f32 v2, v6;
	v9 =	vpop (erf)  }
0x8a: {  	v10 =	vld.idx.msk [tilespmem:v3+s30+$0x0], $0xffff;
	v9 =	vadd.f32 $1.000000000e+00, v9  }
0x8b: {  	v2 =	vmul.f32 $1.442695020e+00, v2;
	v11 =	vld.idx.msk [tilespmem:v5+s24+$0x0], $0xffff  }
0x8c: {  	(erf) = vrcp.f32 v9;
	v9 =	vld [tilespmem:s6+$0x48]  }
0x8d: {  	v4 =	vmul.f32 v4, v7;
	(erf) = vpow2.f32 v2;
	v2 =	vld [tilespmem:s4+$0xFFFFFF90];
	_ =	sdelay $0x1  }
0x8e: {  	s28 =	simm.s32 $0x3950;
	v7 =	vld.idx.msk [tilespmem:v5+s30+$0x0], $0xffff;
	v4 =	vadd.f32 v4, v10  }
0x8f: {  	v14 =	vld [tilespmem:s28+$0xFFFFFF90]  }
0x90: {  	v12 =	vld [tilespmem:s28+$0x0];
	v4 =	vmul.f32 $1.442695020e+00, v4  }
0x91: {  	v18 =	vld.idx.msk [tilespmem:v13+s30+$0x0], $0xffff;
	v9 =	vmul.f32 v9, v11  }
0x92: {  	v10 =	vld [tilespmem:s4+$0x0];
	(erf) = vpow2.f32 v4  }
0x93: {  	v4 =	vadd.f32 v9, v7;
	v7 =	vld [tilespmem:s4+$0xFFFFFFC8]  }
0x94: {  	v15 =	vld.idx.msk [tilespmem:v2+s24+$0x0], $0xffff  }
0x95: {  	v1 =	vld.idx.msk [tilespmem:v1+s31+$0x0], $0xffff;
	v9 =	vpop (erf)  }
0x96: {  	v4 =	vmul.f32 $1.442695020e+00, v4;
	v17 =	vld.idx.msk [tilespmem:v2+s30+$0x0], $0xffff;
	v16 =	vpop (erf)  }
0x97: {  	v6 =	vld [tilespmem:s28+$0xFFFFFFC8];
	v16 =	vadd.f32 $1.000000000e+00, v16  }
0x98: {  	v11 =	vld [tilespmem:s28+$0x38];
	(erf) = vpow2.f32 v4  }
0x99: {  	(erf) = vrcp.f32 v16;
	v16 =	vld.idx.msk [tilespmem:v13+s24+$0x0], $0xffff;
	v14 =	vmul.f32 v14, v15  }
0x9a: {  	v15 =	vld.idx.msk [tilespmem:v10+s24+$0x0], $0xffff  }
0x9b: {  	vm15 =	vgt.f32 v9, v1;
	v19 =	vpop (erf);
	v1 =	vld.idx.msk [tilespmem:v7+s24+$0x0], $0xffff;
	v14 =	vadd.f32 v14, v17  }
0x9c: {  	[tilespmem:s26+$0xFFFFFFA0] =	vst v9;
	v4 =	vld.idx.msk [tilespmem:v10+s30+$0x0], $0xffff;
	v9 =	vsel vm15, $0x1, v0;
	v17 =	vadd.f32 $1.000000000e+00, v19  }
0x9d: {  	[tilespmem:s2+$0xFFFFFFA0] =	vst v9;
	v9 =	vld.idx.msk [tilespmem:v7+s30+$0x0], $0xffff;
	v14 =	vmul.f32 $1.442695020e+00, v14  }
0x9e: {  	v8 =	vld.idx.msk [tilespmem:v8+s31+$0x0], $0xffff;
	v11 =	vmul.f32 v11, v16;
	(erf) = vrcp.f32 v17  }
0x9f: {  	v12 =	vmul.f32 v12, v15;
	(erf) = vpow2.f32 v14  }
0xa0: {  	v11 =	vadd.f32 v11, v18;
	v1 =	vmul.f32 v6, v1  }
0xa1: {  	s12 =	simm.s32 $0x3A30;
	v15 =	vld [tilespmem:s5+$0xFFFFFFB0];
	v16 =	vpop (erf);
	v4 =	vadd.f32 v12, v4  }
0xa2: {  	v24 =	vld [tilespmem:s12+$0xFFFFFF90];
	v6 =	vpop (erf);
	v11 =	vmul.f32 $1.442695020e+00, v11;
	v1 =	vadd.f32 v1, v9  }
0xa3: {  	v5 =	vld.idx.msk [tilespmem:v5+s31+$0x0], $0xffff;
	v9 =	vadd.f32 $1.000000000e+00, v16;
	vm4 =	vgt.f32 v6, v8;
	v4 =	vmul.f32 $1.442695020e+00, v4  }
0xa4: {  	v2 =	vld.idx.msk [tilespmem:v2+s31+$0x0], $0xffff;
	[tilespmem:s26+$0x10] =	vst v6;
	v6 =	vsel vm4, $0x1, v0;
	(erf) = vpow2.f32 v11  }
0xa5: {  	v8 =	vld.idx.msk [tilespmem:v3+s31+$0x0], $0xffff;
	[tilespmem:s2+$0x10] =	vst v6;
	(erf) = vpow2.f32 v4  }
0xa6: {  	v1 =	vmul.f32 $1.442695020e+00, v1;
	v4 =	vld [tilespmem:s5+$0x20];
	(erf) = vrcp.f32 v9  }
0xa7: {  	v7 =	vld.idx.msk [tilespmem:v7+s31+$0x0], $0xffff;
	v9 =	vpop (erf)  }
0xa8: {  	v6 =	vld [tilespmem:s6+$0xFFFFFFB0];
	(erf) = vpow2.f32 v1;
	v11 =	vpop (erf)  }
0xa9: {  	v1 =	vld.idx.msk [tilespmem:v15+s24+$0x0], $0xffff;
	v11 =	vadd.f32 $1.000000000e+00, v11  }
0xaa: {  	v3 =	vld [tilespmem:s12+$0xFFFFFFC8]  }
0xab: {  	v12 =	vld.idx.msk [tilespmem:v15+s30+$0x0], $0xffff;
	vm5 =	vgt.f32 v9, v8;
	(erf) = vrcp.f32 v11  }
0xac: {  	v14 =	vld.idx.msk [tilespmem:v15+s31+$0x0], $0xffff;
	v11 =	vsel vm5, $0x1, v0  }
0xad: {  	v8 =	vld [tilespmem:s6+$0x20];
	[tilespmem:s26+$0xFFFFFFD8] =	vst v9;
	v9 =	vpop (erf)  }
0xae: {  	v1 =	vmul.f32 v6, v1;
	[tilespmem:s2+$0xFFFFFFD8] =	vst v11;
	v15 =	vld.idx.msk [tilespmem:v4+s24+$0x0], $0xffff;
	v16 =	vpop (erf);
	v9 =	vadd.f32 $1.000000000e+00, v9  }
0xaf: {  	v17 =	vld [tilespmem:s5+$0xFFFFFFE8];
	v11 =	vpop (erf)  }
0xb0: {  	v6 =	vld.idx.msk [tilespmem:v4+s30+$0x0], $0xffff;
	v1 =	vadd.f32 v1, v12;
	vm6 =	vgt.f32 v11, v5;
	(erf) = vrcp.f32 v9  }
0xb1: {  	v16 =	vadd.f32 $1.000000000e+00, v16;
	v18 =	vpop (erf);
	v5 =	vld.idx.msk [tilespmem:v13+s31+$0x0], $0xffff;
	[tilespmem:s26+$0x48] =	vst v11;
	v12 =	vsel vm6, $0x1, v0  }
0xb2: {  	v1 =	vmul.f32 $1.442695020e+00, v1;
	v11 =	vld [tilespmem:s6+$0xFFFFFFE8];
	v9 =	vadd.f32 $1.000000000e+00, v18;
	[tilespmem:s2+$0x48] =	vst v12  }
0xb3: {  	(erf) = vrcp.f32 v16;
	v8 =	vmul.f32 v8, v15;
	v16 =	vld [tilespmem:s5+$0x58]  }
0xb4: {  	(erf) = vrcp.f32 v9;
	v9 =	vld [tilespmem:s12+$0x0];
	v12 =	vpop (erf)  }
0xb5: {  	(erf) = vpow2.f32 v1;
	v1 =	vld [tilespmem:s12+$0x38];
	v6 =	vadd.f32 v8, v6;
	vm7 =	vgt.f32 v12, v2  }
0xb6: {  	v8 =	vld.idx.msk [tilespmem:v10+s31+$0x0], $0xffff;
	v2 =	vsel vm7, $0x1, v0  }
0xb7: {  	s10 =	simm.s32 $0x7150;
	v10 =	vld.idx.msk [tilespmem:v17+s24+$0x0], $0xffff;
	v6 =	vmul.f32 $1.442695020e+00, v6  }
0xb8: {  	s9 =	simm.s32 $0xA950;
	[tilespmem:s10+$0xFFFFFF90] =	vst v12;
	v12 =	vld.idx.msk [tilespmem:v17+s30+$0x0], $0xffff  }
0xb9: {  	v17 =	vld.idx.msk [tilespmem:v17+s31+$0x0], $0xffff;
	[tilespmem:s9+$0xFFFFFF90] =	vst v2;
	(erf) = vpow2.f32 v6;
	v2 =	vpop (erf)  }
0xba: {  	v15 =	vld [tilespmem:s4+$0xFFFFFFA0];
	vm8 =	vgt.f32 v2, v5  }
0xbb: {  	v6 =	vld [tilespmem:s6+$0x58];
	[tilespmem:s10+$0x38] =	vst v2;
	v2 =	vsel vm8, $0x1, v0  }
0xbc: {  	v13 =	vpop (erf);
	v18 =	vld.idx.msk [tilespmem:v16+s24+$0x0], $0xffff;
	v10 =	vmul.f32 v11, v10  }
0xbd: {  	v21 =	vld [tilespmem:s28+$0xFFFFFFA0];
	v19 =	vpop (erf)  }
0xbe: {  	v20 =	vld.idx.msk [tilespmem:v16+s30+$0x0], $0xffff;
	[tilespmem:s9+$0x38] =	vst v2;
	vm9 =	vgt.f32 v19, v7;
	v7 =	vadd.f32 v10, v12;
	v2 =	vpop (erf)  }
0xbf: {  	v26 =	vld.idx.msk [tilespmem:v16+s31+$0x0], $0xffff;
	[tilespmem:s10+$0xFFFFFFC8] =	vst v19;
	v10 =	vsel vm9, $0x1, v0;
	v11 =	vadd.f32 $1.000000000e+00, v2  }
0xc0: {  	v5 =	vld [tilespmem:s4+$0x48];
	v7 =	vmul.f32 $1.442695020e+00, v7;
	[tilespmem:s9+$0xFFFFFFC8] =	vst v10  }
0xc1: {  	vm10 =	vgt.f32 v13, v8;
	[tilespmem:s10+$0x0] =	vst v13;
	v6 =	vmul.f32 v6, v18;
	v13 =	vld [tilespmem:s4+$0xFFFFFFD8];
	(erf) = vrcp.f32 v11  }
0xc2: {  	v8 =	vld.idx.msk [tilespmem:v15+s24+$0x0], $0xffff;
	v12 =	vpop (erf);
	(erf) = vpow2.f32 v7  }
0xc3: {  	v27 =	vld [tilespmem:s28+$0x48];
	v6 =	vadd.f32 v6, v20  }
0xc4: {  	s11 =	simm.s32 $0x230;
	v10 =	vld.idx.msk [tilespmem:v15+s30+$0x0], $0xffff;
	v12 =	vadd.f32 $1.000000000e+00, v12  }
0xc5: {  	v2 =	vld [tilespmem:s11+$0x0];
	v6 =	vmul.f32 $1.442695020e+00, v6  }
0xc6: {  	v19 =	vld [tilespmem:s28+$0xFFFFFFD8];
	v11 =	vsel vm10, $0x1, v0;
	(erf) = vrcp.f32 v12  }
0xc7: {  	[tilespmem:s9+$0x0] =	vst v11;
	v7 =	vld [tilespmem:s11+$0xFFFFFF90];
	(erf) = vpow2.f32 v6;
	v6 =	vmul.f32 v21, v8  }
0xc8: {  	v18 =	vld [tilespmem:s4+$0x10]  }
0xc9: {  	v12 =	vld.idx.msk [tilespmem:v4+s31+$0x0], $0xffff;
	v6 =	vadd.f32 v6, v10  }
0xca: {  	v10 =	vld.idx.msk [tilespmem:v13+s31+$0x0], $0xffff;
	v8 =	vpop (erf)  }
0xcb: {  	v21 =	vld.idx.msk [tilespmem:v13+s30+$0x0], $0xffff;
	v6 =	vmul.f32 $1.442695020e+00, v6;
	v11 =	vpop (erf)  }
0xcc: {  	vm11 =	vgt.f32 v8, v14;
	v14 =	vld.idx.msk [tilespmem:v13+s24+$0x0], $0xffff;
	v13 =	vadd.f32 $1.000000000e+00, v11  }
0xcd: {  	v25 =	vld.idx.msk [tilespmem:v15+s31+$0x0], $0xffff;
	(erf) = vpow2.f32 v6  }
0xce: {  	v20 =	vld [tilespmem:s28+$0x10];
	(erf) = vrcp.f32 v13  }
0xcf: {  	v4 =	vld [tilespmem:s11+$0x38];
	v6 =	vpop (erf)  }
0xd0: {  	vm12 =	vgt.f32 v6, v12;
	[tilespmem:s26+$0x20] =	vst v6;
	v6 =	vld.idx.msk [tilespmem:v18+s24+$0x0], $0xffff;
	v13 =	vpop (erf)  }
0xd1: {  	v22 =	vld.idx.msk [tilespmem:v5+s24+$0x0], $0xffff;
	v13 =	vadd.f32 $1.000000000e+00, v13  }
0xd2: {  	v23 =	vld.idx.msk [tilespmem:v18+s30+$0x0], $0xffff  }
0xd3: {  	v28 =	vld.idx.msk [tilespmem:v2+s24+$0x0], $0xffff;
	(erf) = vrcp.f32 v13  }
0xd4: {  	v29 =	vld.idx.msk [tilespmem:v7+s30+$0x0], $0xffff;
	[tilespmem:s26+$0xFFFFFFB0] =	vst v8;
	v8 =	vsel vm11, $0x1, v0  }
0xd5: {  	v15 =	vld.idx.msk [tilespmem:v18+s31+$0x0], $0xffff;
	[tilespmem:s2+$0xFFFFFFB0] =	vst v8;
	v18 =	vmul.f32 v20, v6  }
0xd6: {  	v8 =	vld [tilespmem:s5+$0xFFFFFFB2];
	v12 =	vsel vm12, $0x1, v0;
	v20 =	vpop (erf)  }
0xd7: {  	v11 =	vld [tilespmem:s6+$0xFFFFFFB2];
	[tilespmem:s2+$0x20] =	vst v12;
	v23 =	vadd.f32 v18, v23;
	v16 =	vpop (erf)  }
0xd8: {  	v14 =	vmul.f32 v19, v14;
	v12 =	vld [tilespmem:s5+$0x22];
	vm13 =	vgt.f32 v16, v17;
	v17 =	vadd.f32 $1.000000000e+00, v20  }
0xd9: {  	v6 =	vld [tilespmem:s11+$0xFFFFFFC8];
	v19 =	vmul.f32 $1.442695020e+00, v23  }
0xda: {  	v14 =	vadd.f32 v14, v21;
	v21 =	vld.idx.msk [tilespmem:v7+s24+$0x0], $0xffff;
	(erf) = vrcp.f32 v17  }
0xdb: {  	v23 =	vld.idx.msk [tilespmem:v5+s30+$0x0], $0xffff;
	(erf) = vpow2.f32 v19  }
0xdc: {  	v13 =	vld [tilespmem:s6+$0x22];
	v14 =	vmul.f32 $1.442695020e+00, v14;
	[tilespmem:s26+$0xFFFFFFE8] =	vst v16;
	v16 =	vsel vm13, $0x1, v0;
	v17 =	vpop (erf)  }
0xdd: {  	v18 =	vld.idx.msk [tilespmem:v2+s30+$0x0], $0xffff;
	[tilespmem:s2+$0xFFFFFFE8] =	vst v16;
	vm14 =	vgt.f32 v17, v26  }
0xde: {  	v16 =	vld [tilespmem:s5+$0xFFFFFFEA];
	(erf) = vpow2.f32 v14;
	v14 =	vmul.f32 v27, v22;
	[tilespmem:s26+$0x58] =	vst v17;
	v17 =	vsel vm14, $0x1, v0  }
0xdf: {  	v19 =	vld [tilespmem:s6+$0xFFFFFFEA];
	[tilespmem:s2+$0x58] =	vst v17  }
0xe0: {  	v14 =	vadd.f32 v14, v23;
	v20 =	vld [tilespmem:s5+$0x5A]  }
0xe1: {  	v24 =	vmul.f32 v24, v21;
	v21 =	vld.idx.msk [tilespmem:v6+s30+$0x0], $0xffff  }
0xe2: {  	v27 =	vld.idx.msk [tilespmem:v4+s24+$0x0], $0xffff;
	v14 =	vmul.f32 $1.442695020e+00, v14  }
0xe3: {  	v22 =	vld.idx.msk [tilespmem:v6+s24+$0x0], $0xffff;
	v30 =	vpop (erf)  }
0xe4: {  	v26 =	vld.idx.msk [tilespmem:v4+s30+$0x0], $0xffff;
	v31 =	vpop (erf);
	(erf) = vpow2.f32 v14  }
0xe5: {  	v17 =	vld [tilespmem:s6+$0x5A];
	vm15 =	vgt.f32 v30, v25;
	v25 =	vadd.f32 $1.000000000e+00, v31  }
0xe6: {  	v23 =	vld.idx.msk [tilespmem:v16+s24+$0x0], $0xffff  }
0xe7: {  	v63 =	vmul.f32 v1, v27;
	v14 =	vld.idx.msk [tilespmem:v16+s30+$0x0], $0xffff;
	(erf) = vrcp.f32 v25  }
0xe8: {  	s7 =	simm.s32 $0x3A30;
	s8 =	simm.s32 $0x230;
	[tilespmem:s10+$0xFFFFFFA0] =	vst v30;
	v62 =	vsel vm15, $0x1, v0;
	v25 =	vmul.f32 v9, v28;
	v1 =	vld.idx.msk [tilespmem:v20+s31+$0x0], $0xffff  }
0xe9: {  	s13 =	simm.s32 $0x8;
	v24 =	vadd.f32 v24, v29;
	s5 =	simm.s32 $0x7150;
	s6 =	simm.s32 $0xA950;
	v26 =	vadd.f32 v63, v26;
	v27 =	vpop (erf);
	[tilespmem:s9+$0xFFFFFFA0] =	vst v62;
	v9 =	vld.idx.msk [tilespmem:v20+s24+$0x0], $0xffff  }
.LBB2_2:
0xea: {  	s13 =	sadd.s32 $0x4, s13;
	v3 =	vmul.f32 v3, v22;
	v18 =	vadd.f32 v25, v18;
	v27 =	vadd.f32 $1.000000000e+00, v27;
	v20 =	vld.idx.msk [tilespmem:v20+s30+$0x0], $0xffff  }
0xeb: {  	v19 =	vmul.f32 v19, v23;
	p0 =	slt.u32 s13, $0x7C;
	v25 =	vmul.f32 $1.442695020e+00, v26;
	v23 =	vld.idx.msk [tilespmem:v12+s24+$0x0], $0xffff  }
0xec: {  	v24 =	vmul.f32 $1.442695020e+00, v24;
	v3 =	vadd.f32 v3, v21;
	v18 =	vmul.f32 $1.442695020e+00, v18;
	v21 =	vld.idx.msk [tilespmem:v12+s30+$0x0], $0xffff  }
0xed: {  	v14 =	vadd.f32 v19, v14;
	(erf) = vrcp.f32 v27;
	v22 =	vpop (erf);
	v16 =	vld.idx.msk [tilespmem:v16+s31+$0x0], $0xffff  }
0xee: {  	v19 =	vmul.f32 $1.442695020e+00, v3;
	(erf) = vpow2.f32 v24;
	v24 =	vld [tilespmem:s4+$0xFFFFFFB0];
	v3 =	vadd.f32 $1.000000000e+00, v22  }
0xef: {  	v14 =	vmul.f32 $1.442695020e+00, v14;
	(erf) = vpow2.f32 v25;
	v22 =	vld.idx.msk [tilespmem:v8+s24+$0x0], $0xffff  }
0xf0: {  	v9 =	vmul.f32 v17, v9;
	(erf) = vpow2.f32 v18;
	v18 =	vpop (erf);
	v25 =	vld.idx.msk [tilespmem:v8+s30+$0x0], $0xffff  }
0xf1: {  	v13 =	vmul.f32 v13, v23;
	vm0 =	vgt.f32 v18, v15;
	v15 =	vld.idx.msk [tilespmem:v12+s31+$0x0], $0xffff;
	(erf) = vpow2.f32 v14  }
0xf2: {  	s12 =	sadd.s32 $0xE0, s12;
	v9 =	vadd.f32 v9, v20;
	[tilespmem:s10+$0x10] =	vst v18;
	v14 =	vsel vm0, $0x1, v0;
	(erf) = vrcp.f32 v3;
	v12 =	vld.idx.msk [tilespmem:v8+s31+$0x0], $0xffff  }
0xf3: {  	v13 =	vadd.f32 v13, v21;
	v3 =	vld [tilespmem:s12+$0xFFFFFFC8];
	(erf) = vpow2.f32 v19;
	[tilespmem:s9+$0x10] =	vst v14  }
0xf4: {  	v19 =	vmul.f32 $1.442695020e+00, v9;
	v8 =	vld [tilespmem:s4+$0x20]  }
0xf5: {  	v11 =	vmul.f32 v11, v22;
	v20 =	vmul.f32 $1.442695020e+00, v13;
	v14 =	vld [tilespmem:s28+$0xFFFFFFB0]  }
0xf6: {  	v17 =	vld.idx.msk [tilespmem:v24+s24+$0x0], $0xffff;
	v18 =	vpop (erf);
	(erf) = vpow2.f32 v19  }
0xf7: {  	v11 =	vadd.f32 v11, v25;
	v9 =	vpop (erf);
	[tilespmem:s10+$0xFFFFFFD8] =	vst v18;
	vm0 =	vgt.f32 v18, v10;
	v5 =	vld.idx.msk [tilespmem:v5+s31+$0x0], $0xffff;
	(erf) = vpow2.f32 v20  }
0xf8: {  	v23 =	vadd.f32 $1.000000000e+00, v9;
	v13 =	vpop (erf);
	v18 =	vld.idx.msk [tilespmem:v24+s30+$0x0], $0xffff;
	v19 =	vsel vm0, $0x1, v0  }
0xf9: {  	v22 =	vmul.f32 $1.442695020e+00, v11;
	v20 =	vpop (erf);
	v10 =	vld.idx.msk [tilespmem:v24+s31+$0x0], $0xffff;
	[tilespmem:s9+$0xFFFFFFD8] =	vst v19  }
0xfa: {  	v13 =	vadd.f32 $1.000000000e+00, v13;
	v7 =	vld.idx.msk [tilespmem:v7+s31+$0x0], $0xffff;
	v19 =	vadd.f32 $1.000000000e+00, v20;
	(erf) = vrcp.f32 v23;
	v9 =	vpop (erf)  }
0xfb: {  	v20 =	vld [tilespmem:s28+$0x20];
	v21 =	vpop (erf);
	v9 =	vadd.f32 $1.000000000e+00, v9;
	(erf) = vpow2.f32 v22  }
0xfc: {  	v11 =	vpop (erf);
	(erf) = vrcp.f32 v13;
	v13 =	vmul.f32 v14, v17;
	v14 =	vld.idx.msk [tilespmem:v8+s24+$0x0], $0xffff  }
0xfd: {  	vm0 =	vgt.f32 v21, v5;
	v22 =	vadd.f32 $1.000000000e+00, v11;
	v17 =	vld.idx.msk [tilespmem:v8+s30+$0x0], $0xffff;
	(erf) = vrcp.f32 v9  }
0xfe: {  	s10 =	sadd.s32 $0xE0, s10;
	v9 =	vsel vm0, $0x1, v0;
	(erf) = vrcp.f32 v19;
	v5 =	vadd.f32 v13, v18;
	v13 =	vld [tilespmem:s4+$0xFFFFFFE8]  }
0xff: {  	s9 =	sadd.s32 $0xE0, s9;
	v4 =	vld.idx.msk [tilespmem:v4+s31+$0x0], $0xffff;
	(erf) = vrcp.f32 v22;
	v11 =	vpop (erf)  }
0x100: {  	v18 =	vld.idx.msk [tilespmem:v6+s31+$0x0], $0xffff;
	v5 =	vmul.f32 $1.442695020e+00, v5;
	[tilespmem:s5+$0x48] =	vst v21;
	v22 =	vadd.f32 $1.000000000e+00, v11;
	v6 =	vpop (erf)  }
0x101: {  	v19 =	vld [tilespmem:s28+$0xFFFFFFE8];
	[tilespmem:s6+$0x48] =	vst v9;
	v21 =	vadd.f32 $1.000000000e+00, v6  }
0x102: {  	v20 =	vmul.f32 v20, v14;
	v6 =	vld [tilespmem:s4+$0x58];
	(erf) = vrcp.f32 v22  }
0x103: {  	v9 =	vld [tilespmem:s12+$0x0];
	v11 =	vpop (erf);
	(erf) = vpow2.f32 v5  }
0x104: {  	v23 =	vadd.f32 v20, v17;
	v14 =	vld [tilespmem:s12+$0x38];
	vm0 =	vgt.f32 v11, v7;
	v7 =	vpop (erf);
	(erf) = vrcp.f32 v21  }
0x105: {  	[tilespmem:s10+$0xFFFFFF90] =	vst v11;
	v11 =	vsel vm0, $0x1, v0;
	v17 =	vld.idx.msk [tilespmem:v2+s31+$0x0], $0xffff;
	v2 =	vpop (erf);
	v22 =	vadd.f32 $1.000000000e+00, v7  }
0x106: {  	[tilespmem:s10+$0x38] =	vst v2;
	vm0 =	vgt.f32 v2, v4;
	v2 =	vld.idx.msk [tilespmem:v13+s24+$0x0], $0xffff;
	v4 =	vmul.f32 $1.442695020e+00, v23;
	v5 =	vpop (erf)  }
0x107: {  	[tilespmem:s9+$0xFFFFFF90] =	vst v11;
	v11 =	vsel vm0, $0x1, v0;
	v20 =	vpop (erf);
	v21 =	vld.idx.msk [tilespmem:v13+s30+$0x0], $0xffff;
	vm0 =	vgt.f32 v5, v16;
	(erf) = vrcp.f32 v22  }
0x108: {  	v16 =	vld [tilespmem:s11+$0xFFFFFFA0];
	[tilespmem:s9+$0x38] =	vst v11;
	v7 =	vpop (erf);
	(erf) = vpow2.f32 v4;
	v4 =	vsel vm0, $0x1, v0  }
0x109: {  	vm0 =	vgt.f32 v7, v18;
	[tilespmem:s10+$0x0] =	vst v20;
	v11 =	vld [tilespmem:s28+$0x58]  }
0x10a: {  	s11 =	sadd.s32 $0xE0, s11;
	v18 =	vld.idx.msk [tilespmem:v6+s24+$0x0], $0xffff;
	[tilespmem:s26+$0xFFFFFFEA] =	vst v5  }
0x10b: {  	v22 =	vld.idx.msk [tilespmem:v6+s30+$0x0], $0xffff;
	[tilespmem:s2+$0xFFFFFFEA] =	vst v4;
	v4 =	vpop (erf)  }
0x10c: {  	v23 =	vld [tilespmem:s7+$0xFFFFFFA0];
	[tilespmem:s10+$0xFFFFFFC8] =	vst v7;
	v7 =	vmul.f32 v19, v2;
	v2 =	vpop (erf);
	vm1 =	vgt.f32 v4, v1  }
0x10d: {  	v5 =	vld [tilespmem:s8+$0x48];
	v19 =	vadd.f32 $1.000000000e+00, v2;
	v24 =	vsel vm1, $0x1, v0;
	v25 =	vpop (erf)  }
0x10e: {  	v26 =	vsel vm0, $0x1, v0;
	vm0 =	vgt.f32 v20, v17;
	v2 =	vld [tilespmem:s11+$0x0];
	v7 =	vadd.f32 v7, v21;
	[tilespmem:s26+$0x5A] =	vst v4  }
0x10f: {  	v4 =	vsel vm0, $0x1, v0;
	vm0 =	vgt.f32 v25, v15;
	v1 =	vld [tilespmem:s12+$0xFFFFFF90];
	(erf) = vrcp.f32 v19;
	[tilespmem:s26+$0x22] =	vst v25  }
0x110: {  	v11 =	vmul.f32 v11, v18;
	v17 =	vsel vm0, $0x1, v0;
	v15 =	vld.idx.msk [tilespmem:v16+s24+$0x0], $0xffff;
	[tilespmem:s9+$0xFFFFFFC8] =	vst v26;
	v7 =	vmul.f32 $1.442695020e+00, v7;
	v18 =	vpop (erf)  }
0x111: {  	v19 =	vld.idx.msk [tilespmem:v16+s30+$0x0], $0xffff;
	v20 =	vpop (erf);
	vm0 =	vgt.f32 v18, v12;
	[tilespmem:s2+$0x22] =	vst v17  }
0x112: {  	v11 =	vadd.f32 v11, v22;
	v12 =	vld [tilespmem:s8+$0xFFFFFFD8];
	v17 =	vadd.f32 $1.000000000e+00, v20;
	(erf) = vpow2.f32 v7;
	[tilespmem:s26+$0xFFFFFFB2] =	vst v18;
	s26 =	smov.u32 s5;
	s5 =	smov.u32 s10  }
0x113: {  	v18 =	vld [tilespmem:s7+$0xFFFFFFD8];
	[tilespmem:s9+$0x0] =	vst v4;
	v4 =	vsel vm0, $0x1, v0  }
0x114: {  	v11 =	vmul.f32 $1.442695020e+00, v11;
	v20 =	vld [tilespmem:s8+$0x10];
	(erf) = vrcp.f32 v17;
	[tilespmem:s2+$0xFFFFFFB2] =	vst v4  }
0x115: {  	v17 =	vld.idx.msk [tilespmem:v5+s24+$0x0], $0xffff;
	[tilespmem:s2+$0x5A] =	vst v24;
	s2 =	smov.u32 s6;
	s6 =	smov.u32 s9  }
0x116: {  	v4 =	vmul.f32 v23, v15;
	v7 =	vld [tilespmem:s11+$0xFFFFFF90];
	(erf) = vpow2.f32 v11  }
0x117: {  	v21 =	vld [tilespmem:s7+$0x10]  }
0x118: {  	v23 =	vadd.f32 v4, v19;
	v15 =	vld.idx.msk [tilespmem:v8+s31+$0x0], $0xffff;
	v8 =	vpop (erf)  }
0x119: {  	v4 =	vld [tilespmem:s11+$0x38];
	[tilespmem:s26+$0xFFFFFFB0] =	vst v8;
	vm0 =	vgt.f32 v8, v10  }
0x11a: {  	v8 =	vmul.f32 $1.442695020e+00, v23;
	v10 =	vld.idx.msk [tilespmem:v12+s31+$0x0], $0xffff;
	v22 =	vsel vm0, $0x1, v0  }
0x11b: {  	v19 =	vld.idx.msk [tilespmem:v12+s24+$0x0], $0xffff;
	[tilespmem:s2+$0xFFFFFFB0] =	vst v22;
	v11 =	vpop (erf)  }
0x11c: {  	v22 =	vld.idx.msk [tilespmem:v12+s30+$0x0], $0xffff;
	(erf) = vpow2.f32 v8;
	v12 =	vadd.f32 $1.000000000e+00, v11  }
0x11d: {  	v8 =	vld [tilespmem:s4+$0xFFFFFFB2];
	v23 =	vpop (erf)  }
0x11e: {  	v11 =	vld [tilespmem:s28+$0xFFFFFFB2];
	[tilespmem:s26+$0x20] =	vst v23;
	vm0 =	vgt.f32 v23, v15;
	(erf) = vrcp.f32 v12  }
0x11f: {  	v23 =	vld.idx.msk [tilespmem:v20+s24+$0x0], $0xffff;
	v12 =	vsel vm0, $0x1, v0;
	v15 =	vpop (erf)  }
0x120: {  	v24 =	vld.idx.msk [tilespmem:v20+s30+$0x0], $0xffff;
	[tilespmem:s2+$0x20] =	vst v12;
	v15 =	vadd.f32 $1.000000000e+00, v15  }
0x121: {  	v18 =	vmul.f32 v18, v19;
	v12 =	vld [tilespmem:s4+$0x22]  }
0x122: {  	v19 =	vld.idx.msk [tilespmem:v13+s31+$0x0], $0xffff;
	(erf) = vrcp.f32 v15  }
0x123: {  	v15 =	vadd.f32 v18, v22;
	v13 =	vld [tilespmem:s28+$0x22]  }
0x124: {  	v22 =	vld.idx.msk [tilespmem:v16+s31+$0x0], $0xffff  }
0x125: {  	v25 =	vmul.f32 $1.442695020e+00, v15;
	v16 =	vmul.f32 v21, v23;
	v15 =	vld.idx.msk [tilespmem:v20+s31+$0x0], $0xffff;
	v18 =	vpop (erf)  }
0x126: {  	v18 =	vadd.f32 $1.000000000e+00, v18;
	v20 =	vld.idx.msk [tilespmem:v6+s31+$0x0], $0xffff  }
0x127: {  	v16 =	vadd.f32 v16, v24;
	v6 =	vld [tilespmem:s11+$0xFFFFFFC8];
	v21 =	vpop (erf)  }
0x128: {  	v23 =	vld [tilespmem:s7+$0x48];
	(erf) = vrcp.f32 v18;
	[tilespmem:s26+$0xFFFFFFE8] =	vst v21;
	vm0 =	vgt.f32 v21, v19  }
0x129: {  	v16 =	vmul.f32 $1.442695020e+00, v16;
	v18 =	vld.idx.msk [tilespmem:v2+s30+$0x0], $0xffff;
	v24 =	vsel vm0, $0x1, v0  }
0x12a: {  	v21 =	vld.idx.msk [tilespmem:v5+s30+$0x0], $0xffff;
	[tilespmem:s2+$0xFFFFFFE8] =	vst v24  }
0x12b: {  	(erf) = vpow2.f32 v16;
	v16 =	vld [tilespmem:s4+$0xFFFFFFEA];
	v19 =	vpop (erf)  }
0x12c: {  	v24 =	vld.idx.msk [tilespmem:v7+s24+$0x0], $0xffff;
	[tilespmem:s26+$0x58] =	vst v19;
	vm0 =	vgt.f32 v19, v20  }
0x12d: {  	v20 =	vmul.f32 v23, v17;
	v19 =	vld [tilespmem:s28+$0xFFFFFFEA];
	v17 =	vsel vm0, $0x1, v0  }
0x12e: {  	v26 =	vld.idx.msk [tilespmem:v4+s30+$0x0], $0xffff;
	[tilespmem:s2+$0x58] =	vst v17  }
0x12f: {  	(erf) = vpow2.f32 v25;
	v17 =	vld [tilespmem:s28+$0x5A];
	s28 =	smov.u32 s7;
	s7 =	smov.u32 s12  }
0x130: {  	v21 =	vadd.f32 v20, v21;
	v20 =	vld [tilespmem:s4+$0x5A];
	s4 =	smov.u32 s8;
	s8 =	smov.u32 s11  }
0x131: {  	v25 =	vld.idx.msk [tilespmem:v4+s24+$0x0], $0xffff;
	v23 =	vpop (erf)  }
0x132: {  	v24 =	vmul.f32 v1, v24;
	v21 =	vmul.f32 $1.442695020e+00, v21;
	v1 =	vld.idx.msk [tilespmem:v2+s24+$0x0], $0xffff;
	[tilespmem:s10+$0xFFFFFFA0] =	vst v23;
	vm0 =	vgt.f32 v23, v22  }
0x133: {  	v28 =	vld.idx.msk [tilespmem:v7+s30+$0x0], $0xffff;
	v27 =	vsel vm0, $0x1, v0  }
0x134: {  	v22 =	vld.idx.msk [tilespmem:v6+s24+$0x0], $0xffff;
	[tilespmem:s9+$0xFFFFFFA0] =	vst v27;
	v23 =	vpop (erf);
	(erf) = vpow2.f32 v21  }
.Ltmp0:
0x135: {  	v30 =	vadd.f32 $1.000000000e+00, v23;
	v23 =	vld.idx.msk [tilespmem:v16+s24+$0x0], $0xffff;
	(pc) =	sbr.rel @p0 .LBB2_2-.Ltmp0, $4  }
0x136: {  	v21 =	vld.idx.msk [tilespmem:v6+s30+$0x0], $0xffff  }
0x137: {  	v29 =	vmul.f32 v14, v25;
	(erf) = vrcp.f32 v30;
	v14 =	vld.idx.msk [tilespmem:v16+s30+$0x0], $0xffff  }
0x138: {  	v25 =	vmul.f32 v9, v1;
	v27 =	vpop (erf);
	v1 =	vld.idx.msk [tilespmem:v20+s31+$0x0], $0xffff  }
0x139: {  	v24 =	vadd.f32 v24, v28;
	v26 =	vadd.f32 v29, v26;
	v9 =	vld.idx.msk [tilespmem:v20+s24+$0x0], $0xffff  }
0x13a: {  	_ =	sdelay $0x1  }
0x13b: {  	v27 =	vadd.f32 $1.000000000e+00, v27  }
0x13c: {  	v19 =	vmul.f32 v19, v23;
	v24 =	vmul.f32 $1.442695020e+00, v24  }
0x13d: {  	v20 =	vld.idx.msk [tilespmem:v20+s30+$0x0], $0xffff;
	v18 =	vadd.f32 v25, v18;
	v26 =	vmul.f32 $1.442695020e+00, v26;
	(erf) = vrcp.f32 v27  }
0x13e: {  	v23 =	vld.idx.msk [tilespmem:v12+s24+$0x0], $0xffff;
	v22 =	vmul.f32 v3, v22;
	v14 =	vadd.f32 v19, v14;
	(erf) = vpow2.f32 v24  }
0x13f: {  	v25 =	vld.idx.msk [tilespmem:v12+s30+$0x0], $0xffff;
	v18 =	vmul.f32 $1.442695020e+00, v18;
	(erf) = vpow2.f32 v26  }
0x140: {  	v3 =	vld.idx.msk [tilespmem:v16+s31+$0x0], $0xffff;
	v14 =	vmul.f32 $1.442695020e+00, v14;
	v17 =	vmul.f32 v17, v9  }
0x141: {  	v16 =	vld.idx.msk [tilespmem:v8+s24+$0x0], $0xffff;
	v24 =	vpop (erf);
	(erf) = vpow2.f32 v18  }
0x142: {  	v26 =	vpop (erf);
	(erf) = vpow2.f32 v14;
	v14 =	vadd.f32 $1.000000000e+00, v24;
	v17 =	vadd.f32 v17, v20  }
0x143: {  	v19 =	vld [tilespmem:s4+$0xFFFFFFB0];
	v13 =	vmul.f32 v13, v23;
	vm0 =	vgt.f32 v26, v15;
	v15 =	vadd.f32 v22, v21  }
0x144: {  	v18 =	vld.idx.msk [tilespmem:v8+s30+$0x0], $0xffff;
	(erf) = vrcp.f32 v14;
	v14 =	vmul.f32 $1.442695020e+00, v17  }
0x145: {  	v9 =	vld.idx.msk [tilespmem:v12+s31+$0x0], $0xffff;
	[tilespmem:s10+$0x10] =	vst v26;
	v13 =	vadd.f32 v13, v25;
	v12 =	vsel vm0, $0x1, v0;
	v15 =	vmul.f32 $1.442695020e+00, v15  }
0x146: {  	v5 =	vld.idx.msk [tilespmem:v5+s31+$0x0], $0xffff;
	v11 =	vmul.f32 v11, v16;
	[tilespmem:s9+$0x10] =	vst v12  }
0x147: {  	v13 =	vmul.f32 $1.442695020e+00, v13;
	v12 =	vld [tilespmem:s4+$0x20];
	(erf) = vpow2.f32 v15;
	v16 =	vpop (erf)  }
0x148: {  	v7 =	vld.idx.msk [tilespmem:v7+s31+$0x0], $0xffff;
	(erf) = vpow2.f32 v14;
	v14 =	vpop (erf)  }
0x149: {  	v8 =	vld.idx.msk [tilespmem:v8+s31+$0x0], $0xffff;
	vm6 =	vgt.f32 v16, v10;
	v10 =	vadd.f32 v11, v18;
	v11 =	vadd.f32 $1.000000000e+00, v14  }
0x14a: {  	v17 =	vld [tilespmem:s28+$0xFFFFFFB0];
	(erf) = vpow2.f32 v13  }
0x14b: {  	v15 =	vld.idx.msk [tilespmem:v19+s24+$0x0], $0xffff;
	v13 =	vpop (erf);
	v10 =	vmul.f32 $1.442695020e+00, v10;
	(erf) = vrcp.f32 v11  }
0x14c: {  	v18 =	vld.idx.msk [tilespmem:v19+s31+$0x0], $0xffff  }
0x14d: {  	[tilespmem:s10+$0xFFFFFFD8] =	vst v16;
	v14 =	vld.idx.msk [tilespmem:v19+s30+$0x0], $0xffff;
	v16 =	vsel vm6, $0x1, v0;
	v19 =	vpop (erf);
	(erf) = vpow2.f32 v10  }
0x14e: {  	[tilespmem:s9+$0xFFFFFFD8] =	vst v16;
	v10 =	vld [tilespmem:s28+$0x20];
	v11 =	vpop (erf)  }
0x14f: {  	v13 =	vadd.f32 $1.000000000e+00, v13;
	v16 =	vld.idx.msk [tilespmem:v12+s24+$0x0], $0xffff;
	v20 =	vpop (erf)  }
0x150: {  	v19 =	vadd.f32 $1.000000000e+00, v19;
	v11 =	vadd.f32 $1.000000000e+00, v11;
	v21 =	vld.idx.msk [tilespmem:v12+s30+$0x0], $0xffff  }
0x151: {  	(erf) = vrcp.f32 v13;
	v13 =	vmul.f32 v17, v15;
	vm7 =	vgt.f32 v20, v5;
	v15 =	vld [tilespmem:s4+$0xFFFFFFE8];
	v22 =	vpop (erf)  }
0x152: {  	[tilespmem:s5+$0x48] =	vst v20;
	(erf) = vrcp.f32 v11;
	v11 =	vsel vm7, $0x1, v0;
	v5 =	vadd.f32 $1.000000000e+00, v22;
	v17 =	vpop (erf)  }
0x153: {  	(erf) = vrcp.f32 v19;
	v13 =	vadd.f32 v13, v14;
	[tilespmem:s6+$0x48] =	vst v11;
	v14 =	vpop (erf)  }
0x154: {  	v11 =	vld [tilespmem:s4+$0x58];
	(erf) = vrcp.f32 v5;
	v5 =	vadd.f32 $1.000000000e+00, v17;
	v10 =	vmul.f32 v10, v16;
	v16 =	vpop (erf)  }
0x155: {  	s12 =	sadd.s32 $0xE0, s10;
	v13 =	vmul.f32 $1.442695020e+00, v13;
	v14 =	vadd.f32 $1.000000000e+00, v14;
	vm8 =	vgt.f32 v16, v7  }
0x156: {  	s13 =	sadd.s32 $0xE0, s9;
	(erf) = vrcp.f32 v5;
	v5 =	vadd.f32 v10, v21;
	v7 =	vpop (erf);
	[tilespmem:s12+$0xFFFFFF90] =	vst v16;
	v10 =	vsel vm8, $0x1, v0  }
0x157: {  	v16 =	vld [tilespmem:s28+$0xFFFFFFE8];
	(erf) = vpow2.f32 v13;
	v7 =	vadd.f32 $1.000000000e+00, v7;
	[tilespmem:s13+$0xFFFFFF90] =	vst v10  }
0x158: {  	(erf) = vrcp.f32 v14;
	v5 =	vmul.f32 $1.442695020e+00, v5;
	v13 =	vld [tilespmem:s11+$0xFFFFFFA0]  }
0x159: {  	v10 =	vld.idx.msk [tilespmem:v15+s24+$0x0], $0xffff;
	(erf) = vrcp.f32 v7  }
0x15a: {  	v17 =	vld [tilespmem:s28+$0x58];
	(erf) = vpow2.f32 v5  }
0x15b: {  	v7 =	vld.idx.msk [tilespmem:v15+s30+$0x0], $0xffff;
	v14 =	vpop (erf)  }
0x15c: {  	v19 =	vld.idx.msk [tilespmem:v11+s24+$0x0], $0xffff;
	v5 =	vpop (erf)  }
0x15d: {  	v20 =	vld.idx.msk [tilespmem:v2+s31+$0x0], $0xffff;
	v21 =	vpop (erf)  }
0x15e: {  	v23 =	vld.idx.msk [tilespmem:v11+s30+$0x0], $0xffff;
	v10 =	vmul.f32 v16, v10;
	v22 =	vpop (erf)  }
0x15f: {  	v16 =	vld [tilespmem:s7+$0xFFFFFFA0];
	v2 =	vpop (erf)  }
0x160: {  	v10 =	vadd.f32 v10, v7;
	v24 =	vpop (erf);
	v25 =	vld.idx.msk [tilespmem:v13+s24+$0x0], $0xffff  }
0x161: {  	v26 =	vld.idx.msk [tilespmem:v4+s31+$0x0], $0xffff;
	v17 =	vmul.f32 v17, v19;
	v24 =	vadd.f32 $1.000000000e+00, v24;
	v7 =	vpop (erf)  }
0x162: {  	vm9 =	vgt.f32 v21, v20;
	v10 =	vmul.f32 $1.442695020e+00, v10;
	v19 =	vld.idx.msk [tilespmem:v13+s30+$0x0], $0xffff;
	v4 =	vpop (erf)  }
0x163: {  	[tilespmem:s12+$0x0] =	vst v21;
	v20 =	vsel vm9, $0x1, v0;
	v17 =	vadd.f32 v17, v23;
	(erf) = vrcp.f32 v24;
	v21 =	vpop (erf)  }
0x164: {  	v6 =	vld.idx.msk [tilespmem:v6+s31+$0x0], $0xffff;
	[tilespmem:s13+$0x0] =	vst v20;
	v21 =	vadd.f32 $1.000000000e+00, v21;
	(erf) = vpow2.f32 v10  }
0x165: {  	v20 =	vld [tilespmem:s8+$0x10];
	v10 =	vmul.f32 $1.442695020e+00, v17;
	v16 =	vmul.f32 v16, v25  }
0x166: {  	(erf) = vrcp.f32 v21  }
0x167: {  	(erf) = vpow2.f32 v10;
	v10 =	vadd.f32 v16, v19;
	_ =	sdelay $0x1  }
0x168: {  	v10 =	vmul.f32 $1.442695020e+00, v10  }
0x169: {  	vm11 =	vgt.f32 v22, v6  }
0x16a: {  	[tilespmem:s12+$0xFFFFFFC8] =	vst v22;
	v6 =	vsel vm11, $0x1, v0  }
0x16b: {  	[tilespmem:s13+$0xFFFFFFC8] =	vst v6;
	v6 =	vld [tilespmem:s7+$0x10]  }
0x16c: {  	vm10 =	vgt.f32 v14, v26;
	v19 =	vld.idx.msk [tilespmem:v20+s24+$0x0], $0xffff;
	(erf) = vpow2.f32 v10;
	v10 =	vpop (erf)  }
0x16d: {  	[tilespmem:s12+$0x38] =	vst v14;
	v14 =	vsel vm10, $0x1, v0;
	v16 =	vld [tilespmem:s8+$0xFFFFFFD8];
	v17 =	vpop (erf)  }
0x16e: {  	[tilespmem:s13+$0x38] =	vst v14;
	v22 =	vld.idx.msk [tilespmem:v20+s30+$0x0], $0xffff;
	v17 =	vadd.f32 $1.000000000e+00, v17  }
0x16f: {  	v14 =	vld [tilespmem:s8+$0x48]  }
0x170: {  	(erf) = vrcp.f32 v17  }
0x171: {  	v6 =	vmul.f32 v6, v19;
	v21 =	vpop (erf)  }
0x172: {  	v17 =	vpop (erf)  }
0x173: {  	v12 =	vld.idx.msk [tilespmem:v12+s31+$0x0], $0xffff;
	v6 =	vadd.f32 v6, v22;
	v17 =	vadd.f32 $1.000000000e+00, v17  }
0x174: {  	v15 =	vld.idx.msk [tilespmem:v15+s31+$0x0], $0xffff  }
0x175: {  	v23 =	vld [tilespmem:s7+$0xFFFFFFD8];
	v6 =	vmul.f32 $1.442695020e+00, v6;
	v19 =	vpop (erf);
	(erf) = vrcp.f32 v17  }
0x176: {  	v19 =	vadd.f32 $1.000000000e+00, v19;
	v17 =	vld.idx.msk [tilespmem:v16+s24+$0x0], $0xffff  }
0x177: {  	v24 =	vld.idx.msk [tilespmem:v14+s24+$0x0], $0xffff;
	vm12 =	vgt.f32 v10, v18  }
0x178: {  	[tilespmem:s5+$0xFFFFFFB0] =	vst v10;
	v22 =	vld.idx.msk [tilespmem:v16+s30+$0x0], $0xffff;
	v10 =	vsel vm12, $0x1, v0;
	(erf) = vrcp.f32 v19  }
0x179: {  	v18 =	vld [tilespmem:s7+$0x48];
	[tilespmem:s6+$0xFFFFFFB0] =	vst v10;
	(erf) = vpow2.f32 v6;
	v6 =	vpop (erf)  }
0x17a: {  	v11 =	vld.idx.msk [tilespmem:v11+s31+$0x0], $0xffff;
	[tilespmem:s5+$0x20] =	vst v21;
	vm1 =	vgt.f32 v21, v12;
	vm13 =	vgt.f32 v6, v15  }
0x17b: {  	v12 =	vmul.f32 v23, v17;
	[tilespmem:s5+$0xFFFFFFE8] =	vst v6;
	v17 =	vsel vm1, $0x1, v0;
	v15 =	vsel vm13, $0x1, v0  }
0x17c: {  	v10 =	vld.idx.msk [tilespmem:v14+s30+$0x0], $0xffff;
	[tilespmem:s6+$0x20] =	vst v17  }
0x17d: {  	[tilespmem:s6+$0xFFFFFFE8] =	vst v15;
	v17 =	vadd.f32 v12, v22  }
0x17e: {  	v18 =	vmul.f32 v18, v24;
	v12 =	vld [tilespmem:s4+$0xFFFFFFEA];
	v15 =	vpop (erf)  }
0x17f: {  	v17 =	vmul.f32 $1.442695020e+00, v17;
	vm14 =	vgt.f32 v15, v11  }
0x180: {  	v13 =	vld.idx.msk [tilespmem:v13+s31+$0x0], $0xffff;
	[tilespmem:s5+$0x58] =	vst v15;
	v15 =	vsel vm14, $0x1, v0  }
0x181: {  	v20 =	vld.idx.msk [tilespmem:v20+s31+$0x0], $0xffff;
	[tilespmem:s6+$0x58] =	vst v15;
	v15 =	vadd.f32 v18, v10  }
0x182: {  	(erf) = vpow2.f32 v17;
	v18 =	vpop (erf);
	v10 =	vld [tilespmem:s4+$0x5A]  }
0x183: {  	v11 =	vld [tilespmem:s4+$0x22];
	v17 =	vpop (erf);
	v15 =	vmul.f32 $1.442695020e+00, v15  }
0x184: {  	v6 =	vld [tilespmem:s4+$0xFFFFFFB2];
	v17 =	vadd.f32 $1.000000000e+00, v17  }
0x185: {  	(erf) = vpow2.f32 v15;
	v15 =	vld [tilespmem:s28+$0xFFFFFFEA]  }
0x186: {  	(erf) = vrcp.f32 v17;
	v17 =	vld.idx.msk [tilespmem:v12+s24+$0x0], $0xffff  }
0x187: {  	v21 =	vld [tilespmem:s28+$0x22]  }
0x188: {  	v23 =	vld.idx.msk [tilespmem:v12+s30+$0x0], $0xffff  }
0x189: {  	v22 =	vld [tilespmem:s28+$0x5A]  }
0x18a: {  	v24 =	vld.idx.msk [tilespmem:v10+s24+$0x0], $0xffff  }
0x18b: {  	vm15 =	vgt.f32 v18, v13;
	v13 =	vpop (erf);
	v15 =	vmul.f32 v15, v17;
	v17 =	vld.idx.msk [tilespmem:v11+s24+$0x0], $0xffff  }
0x18c: {  	[tilespmem:s12+$0xFFFFFFA0] =	vst v18;
	v18 =	vsel vm15, $0x1, v0;
	v25 =	vld.idx.msk [tilespmem:v10+s30+$0x0], $0xffff;
	v13 =	vadd.f32 $1.000000000e+00, v13  }
0x18d: {  	v26 =	vld.idx.msk [tilespmem:v11+s30+$0x0], $0xffff;
	v15 =	vadd.f32 v15, v23  }
0x18e: {  	v19 =	vld [tilespmem:s28+$0xFFFFFFB2];
	(erf) = vrcp.f32 v13  }
0x18f: {  	[tilespmem:s13+$0xFFFFFFA0] =	vst v18;
	v23 =	vld.idx.msk [tilespmem:v6+s24+$0x0], $0xffff;
	v18 =	vpop (erf);
	v15 =	vmul.f32 $1.442695020e+00, v15;
	v22 =	vmul.f32 v22, v24  }
0x190: {  	v28 =	vld.idx.msk [tilespmem:v6+s30+$0x0], $0xffff;
	v27 =	vpop (erf);
	v18 =	vadd.f32 $1.000000000e+00, v18;
	v17 =	vmul.f32 v21, v17  }
0x191: {  	v13 =	vld [tilespmem:s8+$0xFFFFFFB0];
	vm4 =	vgt.f32 v27, v20;
	(erf) = vpow2.f32 v15;
	v15 =	vadd.f32 v22, v25  }
0x192: {  	[tilespmem:s12+$0x10] =	vst v27;
	v20 =	vsel vm4, $0x1, v0;
	v17 =	vadd.f32 v17, v26  }
0x193: {  	v16 =	vld.idx.msk [tilespmem:v16+s31+$0x0], $0xffff;
	[tilespmem:s13+$0x10] =	vst v20;
	(erf) = vrcp.f32 v18;
	v15 =	vmul.f32 $1.442695020e+00, v15  }
0x194: {  	v19 =	vmul.f32 v19, v23;
	v18 =	vld [tilespmem:s8+$0x20];
	v17 =	vmul.f32 $1.442695020e+00, v17  }
0x195: {  	(erf) = vpow2.f32 v15  }
0x196: {  	v19 =	vadd.f32 v19, v28  }
0x197: {  	v14 =	vld.idx.msk [tilespmem:v14+s31+$0x0], $0xffff  }
0x198: {  	v20 =	vld [tilespmem:s7+$0xFFFFFFB0];
	v19 =	vmul.f32 $1.442695020e+00, v19;
	(erf) = vpow2.f32 v17;
	v17 =	vpop (erf)  }
0x199: {  	v15 =	vld.idx.msk [tilespmem:v13+s24+$0x0], $0xffff;
	vm5 =	vgt.f32 v17, v16  }
0x19a: {  	v21 =	vld.idx.msk [tilespmem:v13+s30+$0x0], $0xffff;
	(erf) = vpow2.f32 v19;
	[tilespmem:s12+$0xFFFFFFD8] =	vst v17;
	v17 =	vsel vm5, $0x1, v0  }
0x19b: {  	v16 =	vld [tilespmem:s7+$0x20]  }
0x19c: {  	v19 =	vpop (erf);
	v22 =	vld.idx.msk [tilespmem:v18+s24+$0x0], $0xffff  }
0x19d: {  	[tilespmem:s13+$0xFFFFFFD8] =	vst v17;
	v23 =	vld.idx.msk [tilespmem:v18+s30+$0x0], $0xffff;
	v17 =	vpop (erf)  }
0x19e: {  	v15 =	vmul.f32 v20, v15;
	vm6 =	vgt.f32 v17, v14;
	v14 =	vld [tilespmem:s8+$0xFFFFFFE8];
	[tilespmem:s12+$0x48] =	vst v17;
	v17 =	vadd.f32 $1.000000000e+00, v19;
	v19 =	vpop (erf)  }
0x19f: {  	v20 =	vsel vm6, $0x1, v0;
	v19 =	vadd.f32 $1.000000000e+00, v19  }
0x1a0: {  	v15 =	vadd.f32 v15, v21;
	[tilespmem:s13+$0x48] =	vst v20  }
0x1a1: {  	v16 =	vmul.f32 v16, v22;
	v20 =	vld [tilespmem:s8+$0x58]  }
0x1a2: {  	v15 =	vmul.f32 $1.442695020e+00, v15;
	(erf) = vrcp.f32 v17;
	v17 =	vpop (erf)  }
0x1a3: {  	(erf) = vrcp.f32 v19;
	v16 =	vadd.f32 v16, v23;
	v17 =	vadd.f32 $1.000000000e+00, v17;
	v19 =	vpop (erf)  }
0x1a4: {  	(erf) = vpow2.f32 v15;
	v15 =	vadd.f32 $1.000000000e+00, v19  }
0x1a5: {  	v19 =	vld [tilespmem:s7+$0xFFFFFFE8];
	v16 =	vmul.f32 $1.442695020e+00, v16;
	(erf) = vrcp.f32 v17  }
0x1a6: {  	v17 =	vld.idx.msk [tilespmem:v14+s24+$0x0], $0xffff;
	(erf) = vrcp.f32 v15  }
0x1a7: {  	v15 =	vld.idx.msk [tilespmem:v14+s30+$0x0], $0xffff;
	(erf) = vpow2.f32 v16  }
0x1a8: {  	v16 =	vld [tilespmem:s7+$0x58]  }
0x1a9: {  	v21 =	vld.idx.msk [tilespmem:v20+s24+$0x0], $0xffff;
	_ =	sdelay $0x1  }
0x1aa: {  	v22 =	vpop (erf);
	v23 =	vld.idx.msk [tilespmem:v20+s30+$0x0], $0xffff;
	v17 =	vmul.f32 v19, v17  }
0x1ab: {  	v24 =	vpop (erf)  }
0x1ac: {  	v19 =	vpop (erf);
	v15 =	vadd.f32 v17, v15  }
0x1ad: {  	v17 =	vadd.f32 $1.000000000e+00, v19;
	v25 =	vpop (erf);
	v16 =	vmul.f32 v16, v21  }
0x1ae: {  	v19 =	vpop (erf);
	v15 =	vmul.f32 $1.442695020e+00, v15  }
0x1af: {  	(erf) = vrcp.f32 v17;
	v21 =	vpop (erf);
	v16 =	vadd.f32 v16, v23  }
0x1b0: {  	v17 =	vadd.f32 $1.000000000e+00, v21;
	(erf) = vpow2.f32 v15  }
0x1b1: {  	v15 =	vmul.f32 $1.442695020e+00, v16  }
0x1b2: {  	(erf) = vrcp.f32 v17  }
0x1b3: {  	(erf) = vpow2.f32 v15;
	_ =	sdelay $0x4  }
0x1b4: {  	v15 =	vpop (erf)  }
0x1b5: {  	v16 =	vpop (erf)  }
0x1b6: {  	v16 =	vadd.f32 $1.000000000e+00, v16  }
0x1b7: {  	v17 =	vpop (erf)  }
0x1b8: {  	v21 =	vpop (erf);
	(erf) = vrcp.f32 v16  }
0x1b9: {  	v16 =	vadd.f32 $1.000000000e+00, v21;
	_ =	sdelay $0x1  }
0x1ba: {  	v13 =	vld.idx.msk [tilespmem:v13+s31+$0x0], $0xffff;
	(erf) = vrcp.f32 v16;
	_ =	sdelay $0x1  }
0x1bb: {  	v14 =	vld.idx.msk [tilespmem:v14+s31+$0x0], $0xffff;
	_ =	sdelay $0x2  }
0x1bc: {  	vm7 =	vgt.f32 v15, v13;
	v16 =	vld.idx.msk [tilespmem:v20+s31+$0x0], $0xffff  }
0x1bd: {  	v13 =	vld.idx.msk [tilespmem:v18+s31+$0x0], $0xffff;
	[tilespmem:s12+$0xFFFFFFB0] =	vst v15;
	v15 =	vsel vm7, $0x1, v0;
	v18 =	vpop (erf)  }
0x1be: {  	[tilespmem:s13+$0xFFFFFFB0] =	vst v15;
	vm8 =	vgt.f32 v18, v14  }
0x1bf: {  	[tilespmem:s12+$0xFFFFFFE8] =	vst v18;
	v14 =	vsel vm8, $0x1, v0  }
0x1c0: {  	v15 =	vpop (erf);
	[tilespmem:s13+$0xFFFFFFE8] =	vst v14  }
0x1c1: {  	[tilespmem:s12+$0x20] =	vst v17;
	vm9 =	vgt.f32 v15, v16;
	v14 =	vld [tilespmem:s8+$0xFFFFFFEA]  }
0x1c2: {  	vm10 =	vgt.f32 v17, v13;
	[tilespmem:s12+$0x58] =	vst v15;
	v15 =	vsel vm9, $0x1, v0  }
0x1c3: {  	v13 =	vsel vm10, $0x1, v0;
	[tilespmem:s13+$0x58] =	vst v15  }
0x1c4: {  	[tilespmem:s13+$0x20] =	vst v13;
	v15 =	vld [tilespmem:s8+$0x5A]  }
0x1c5: {  	v13 =	vld [tilespmem:s8+$0x22]  }
0x1c6: {  	v18 =	vld [tilespmem:s7+$0x22]  }
0x1c7: {  	v16 =	vld [tilespmem:s8+$0xFFFFFFB2]  }
0x1c8: {  	v20 =	vld [tilespmem:s7+$0xFFFFFFEA]  }
0x1c9: {  	v23 =	vld.idx.msk [tilespmem:v14+s24+$0x0], $0xffff  }
0x1ca: {  	v21 =	vld [tilespmem:s7+$0x5A]  }
0x1cb: {  	v26 =	vld.idx.msk [tilespmem:v14+s30+$0x0], $0xffff  }
0x1cc: {  	v27 =	vld.idx.msk [tilespmem:v15+s24+$0x0], $0xffff  }
0x1cd: {  	v29 =	vld.idx.msk [tilespmem:v13+s24+$0x0], $0xffff  }
0x1ce: {  	v28 =	vld.idx.msk [tilespmem:v15+s30+$0x0], $0xffff;
	v20 =	vmul.f32 v20, v23  }
0x1cf: {  	v17 =	vld [tilespmem:s7+$0xFFFFFFB2]  }
0x1d0: {  	v30 =	vld.idx.msk [tilespmem:v13+s30+$0x0], $0xffff;
	v20 =	vadd.f32 v20, v26  }
0x1d1: {  	v23 =	vld.idx.msk [tilespmem:v16+s24+$0x0], $0xffff;
	v21 =	vmul.f32 v21, v27  }
0x1d2: {  	v20 =	vmul.f32 $1.442695020e+00, v20  }
0x1d3: {  	v18 =	vmul.f32 v18, v29;
	v26 =	vld.idx.msk [tilespmem:v16+s30+$0x0], $0xffff;
	v21 =	vadd.f32 v21, v28  }
0x1d4: {  	(erf) = vpow2.f32 v20  }
0x1d5: {  	v18 =	vadd.f32 v18, v30;
	v20 =	vmul.f32 $1.442695020e+00, v21  }
0x1d6: {  	v17 =	vmul.f32 v17, v23  }
0x1d7: {  	v18 =	vmul.f32 $1.442695020e+00, v18;
	(erf) = vpow2.f32 v20  }
0x1d8: {  	v17 =	vadd.f32 v17, v26  }
0x1d9: {  	(erf) = vpow2.f32 v18  }
0x1da: {  	v17 =	vmul.f32 $1.442695020e+00, v17;
	_ =	sdelay $0x1  }
0x1db: {  	(erf) = vpow2.f32 v17  }
0x1dc: {  	[tilespmem:s26+$0xFFFFFFEA] =	vst v5;
	vm11 =	vgt.f32 v5, v3;
	v5 =	vpop (erf)  }
0x1dd: {  	v5 =	vadd.f32 $1.000000000e+00, v5;
	_ =	sdelay $0x1  }
0x1de: {  	[tilespmem:s26+$0x5A] =	vst v2;
	v3 =	vsel vm11, $0x1, v0;
	vm13 =	vgt.f32 v2, v1;
	v1 =	vpop (erf)  }
0x1df: {  	[tilespmem:s2+$0xFFFFFFEA] =	vst v3;
	vm14 =	vgt.f32 v4, v8;
	v3 =	vld.idx.msk [tilespmem:v12+s31+$0x0], $0xffff;
	v1 =	vadd.f32 $1.000000000e+00, v1  }
0x1e0: {  	[tilespmem:s26+$0xFFFFFFB2] =	vst v4;
	v2 =	vsel vm14, $0x1, v0;
	v4 =	vld.idx.msk [tilespmem:v11+s31+$0x0], $0xffff;
	(erf) = vrcp.f32 v5;
	v5 =	vpop (erf)  }
0x1e1: {  	vm12 =	vgt.f32 v7, v9;
	[tilespmem:s2+$0xFFFFFFB2] =	vst v2;
	v2 =	vadd.f32 $1.000000000e+00, v5;
	v5 =	vld.idx.msk [tilespmem:v6+s31+$0x0], $0xffff  }
0x1e2: {  	[tilespmem:s26+$0x22] =	vst v7;
	v7 =	vsel vm12, $0x1, v0  }
0x1e3: {  	[tilespmem:s2+$0x22] =	vst v7;
	v7 =	vsel vm13, $0x1, v0;
	(erf) = vrcp.f32 v1;
	v1 =	vpop (erf)  }
0x1e4: {  	[tilespmem:s2+$0x5A] =	vst v7;
	vm15 =	vgt.f32 v22, v3;
	v3 =	vld.idx.msk [tilespmem:v10+s31+$0x0], $0xffff;
	v1 =	vadd.f32 $1.000000000e+00, v1  }
0x1e5: {  	[tilespmem:s5+$0xFFFFFFEA] =	vst v22;
	vm4 =	vgt.f32 v25, v4;
	(erf) = vrcp.f32 v2  }
0x1e6: {  	[tilespmem:s5+$0x22] =	vst v25;
	v2 =	vld.idx.msk [tilespmem:v14+s31+$0x0], $0xffff;
	(erf) = vrcp.f32 v1;
	v1 =	vsel vm4, $0x1, v0;
	vm5 =	vgt.f32 v19, v5  }
0x1e7: {  	[tilespmem:s6+$0x22] =	vst v1;
	v1 =	vsel vm5, $0x1, v0  }
0x1e8: {  	[tilespmem:s5+$0x5A] =	vst v24  }
0x1e9: {  	vm6 =	vgt.f32 v24, v3;
	[tilespmem:s5+$0xFFFFFFB2] =	vst v19  }
0x1ea: {  	v4 =	vsel vm6, $0x1, v0;
	[tilespmem:s6+$0xFFFFFFB2] =	vst v1;
	v1 =	vpop (erf)  }
0x1eb: {  	[tilespmem:s6+$0x5A] =	vst v4;
	v3 =	vld.idx.msk [tilespmem:v13+s31+$0x0], $0xffff;
	v6 =	vsel vm15, $0x1, v0;
	vm7 =	vgt.f32 v1, v2  }
0x1ec: {  	[tilespmem:s6+$0xFFFFFFEA] =	vst v6;
	v2 =	vld.idx.msk [tilespmem:v15+s31+$0x0], $0xffff;
	v5 =	vsel vm7, $0x1, v0  }
0x1ed: {  	v4 =	vld.idx.msk [tilespmem:v16+s31+$0x0], $0xffff;
	[tilespmem:s12+$0xFFFFFFEA] =	vst v1;
	v1 =	vpop (erf)  }
0x1ee: {  	[tilespmem:s12+$0x5A] =	vst v1  }
0x1ef: {  	[tilespmem:s13+$0xFFFFFFEA] =	vst v5;
	v5 =	vpop (erf)  }
0x1f0: {  	vm8 =	vgt.f32 v5, v3;
	[tilespmem:s12+$0x22] =	vst v5;
	v5 =	vpop (erf)  }
0x1f1: {  	vm10 =	vgt.f32 v1, v2;
	v3 =	vsel vm8, $0x1, v0;
	[tilespmem:s12+$0xFFFFFFB2] =	vst v5  }
0x1f2: {  	vm9 =	vgt.f32 v5, v4;
	v2 =	vsel vm10, $0x1, v0;
	[tilespmem:s13+$0x22] =	vst v3  }
0x1f3: {  	v1 =	vsel vm9, $0x1, v0;
	[tilespmem:s13+$0x5A] =	vst v2  }
0x1f4: {  	[tilespmem:s13+$0xFFFFFFB2] =	vst v1  }
0x1f5: {  	s12 =	simm.s32 $0x7000;
	s2 =	rddreg [dreg:$0xa]  }
0x1f6: {  	[hbm4b:s2+s21] =	stream.strided.scatter [tilespmem:s12], [sflag:$0x3], $0x1C00, s22, s21, $0x38;
	[tilespmem:$0xE280] =	vst v63  }
0x1f7: {  	s26 =	simm.s32 $0xA800;
	s13 =	rddreg [dreg:$0xb]  }
0x1f8: {  	[hbm4b:s13+s21] =	stream.strided.scatter [tilespmem:s26], [sflag:$0x3], $0x1C00, s22, s21, $0x38;
	[tilespmem:$0xE280] =	vst v63  }
0x1f9: {  	s5 =	rddreg [dreg:$0xc]  }
0x1fa: {  	[tilespmem:s3], [sflag:$0x1] =	stream.strided.gather [hbm4b:s5+s21], $0x1C00, s22, s21, $0x38;
	[tilespmem:$0xE280] =	vst v63  }
0x1fb: {  	s7 =	simm.s32 $0x3800;
	s6 =	rddreg [dreg:$0xd]  }
0x1fc: {  	[tilespmem:s7], [sflag:$0x1] =	stream.strided.gather [hbm4b:s6+s21], $0x1C00, s22, s21, $0x38;
	[tilespmem:$0xE280] =	vst v63  }
0x1fd: {  	_ =	swait.ge [sflag:s1], $0x1C00  }
0x1fe: {  	[sflag:s1] =	ssyncset.done $0x0  }
0x1ff: {  	[sflag:s1] =	ssyncadd.s32 $0xFFFFE400  }
0x200: {  	_ =	swait.ge [sflag:s1], $0x1C00  }
0x201: {  	[sflag:s1] =	ssyncset.done $0x0  }
0x202: {  	s8 =	simm.s32 $0x1CCA;
	[sflag:s1] =	ssyncadd.s32 $0xFFFFE400  }
0x203: {  	v1 =	vld [tilespmem:s8+$0xFFFFFF36];
	_ =	sdelay $0x3  }
0x204: {  	s13 =	simm.s32 $0x54CA  }
0x205: {  	v2 =	vld [tilespmem:s13+$0xFFFFFF36]  }
0x206: {  	v3 =	vld [tilespmem:s8+$0xFFFFFFDE]  }
0x207: {  	v5 =	vld [tilespmem:s8+$0xFFFFFFA6]  }
0x208: {  	v4 =	vld.idx.msk [tilespmem:v1+s24+$0x0], $0xffff  }
0x209: {  	v7 =	vld [tilespmem:s8+$0xFFFFFF6E]  }
0x20a: {  	v6 =	vld.idx.msk [tilespmem:v1+s30+$0x0], $0xffff;
	_ =	sdelay $0x1  }
0x20b: {  	v8 =	vld [tilespmem:s13+$0xFFFFFF6E]  }
0x20c: {  	v9 =	vld [tilespmem:s13+$0xFFFFFFDE];
	v2 =	vmul.f32 v2, v4  }
0x20d: {  	v10 =	vld.idx.msk [tilespmem:v3+s24+$0x0], $0xffff  }
0x20e: {  	v11 =	vld.idx.msk [tilespmem:v5+s24+$0x0], $0xffff;
	v2 =	vadd.f32 v2, v6  }
0x20f: {  	v4 =	vld [tilespmem:s13+$0xFFFFFFA6]  }
0x210: {  	v6 =	vld.idx.msk [tilespmem:v3+s30+$0x0], $0xffff;
	v2 =	vmul.f32 $1.442695020e+00, v2  }
0x211: {  	v12 =	vld.idx.msk [tilespmem:v7+s24+$0x0], $0xffff  }
0x212: {  	(erf) = vpow2.f32 v2;
	v2 =	vld.idx.msk [tilespmem:v5+s30+$0x0], $0xffff  }
0x213: {  	v9 =	vmul.f32 v9, v10  }
0x214: {  	v13 =	vld.idx.msk [tilespmem:v7+s30+$0x0], $0xffff  }
0x215: {  	v4 =	vmul.f32 v4, v11;
	v6 =	vadd.f32 v9, v6;
	_ =	sdelay $0x1  }
0x216: {  	v8 =	vmul.f32 v8, v12;
	v2 =	vadd.f32 v4, v2;
	v4 =	vmul.f32 $1.442695020e+00, v6;
	_ =	sdelay $0x1  }
0x217: {  	v6 =	vadd.f32 v8, v13  }
0x218: {  	v2 =	vmul.f32 $1.442695020e+00, v2  }
0x219: {  	v6 =	vmul.f32 $1.442695020e+00, v6;
	(erf) = vpow2.f32 v4;
	v4 =	vpop (erf)  }
0x21a: {  	(erf) = vpow2.f32 v2;
	v2 =	vadd.f32 $1.000000000e+00, v4  }
0x21b: {  	(erf) = vpow2.f32 v6  }
0x21c: {  	(erf) = vrcp.f32 v2;
	_ =	sdelay $0x4  }
0x21d: {  	v1 =	vld.idx.msk [tilespmem:v1+s31+$0x0], $0xffff  }
0x21e: {  	v2 =	vpop (erf)  }
0x21f: {  	v4 =	vpop (erf)  }
0x220: {  	v6 =	vpop (erf)  }
0x221: {  	v8 =	vpop (erf)  }
0x222: {  	s26 =	simm.s32 $0x8CCA;
	v2 =	vadd.f32 $1.000000000e+00, v2;
	vm11 =	vgt.f32 v8, v1  }
0x223: {  	s2 =	simm.s32 $0xC4CA;
	v1 =	vadd.f32 $1.000000000e+00, v4;
	[tilespmem:s26+$0xFFFFFF36] =	vst v8;
	v4 =	vsel vm11, $0x1, v0  }
0x224: {  	(erf) = vrcp.f32 v2;
	[tilespmem:s2+$0xFFFFFF36] =	vst v4  }
0x225: {  	(erf) = vrcp.f32 v1;
	v1 =	vld [tilespmem:s8+$0xFFFFFF46];
	_ =	sdelay $0x3  }
0x226: {  	v2 =	vadd.f32 $1.000000000e+00, v6  }
0x227: {  	v4 =	vld.idx.msk [tilespmem:v5+s31+$0x0], $0xffff  }
0x228: {  	(erf) = vrcp.f32 v2  }
0x229: {  	v2 =	vld [tilespmem:s13+$0xFFFFFF46]  }
0x22a: {  	v5 =	vpop (erf);
	v6 =	vld.idx.msk [tilespmem:v1+s24+$0x0], $0xffff  }
0x22b: {  	v8 =	vpop (erf)  }
0x22c: {  	vm12 =	vgt.f32 v8, v4;
	v4 =	vld.idx.msk [tilespmem:v1+s30+$0x0], $0xffff  }
0x22d: {  	v7 =	vld.idx.msk [tilespmem:v7+s31+$0x0], $0xffff;
	[tilespmem:s26+$0xFFFFFFA6] =	vst v8;
	v8 =	vsel vm12, $0x1, v0  }
0x22e: {  	[tilespmem:s2+$0xFFFFFFA6] =	vst v8  }
0x22f: {  	v8 =	vld [tilespmem:s8+$0xFFFFFFB6];
	v2 =	vmul.f32 v2, v6  }
0x230: {  	v3 =	vld.idx.msk [tilespmem:v3+s31+$0x0], $0xffff  }
0x231: {  	v6 =	vpop (erf);
	v2 =	vadd.f32 v2, v4  }
0x232: {  	vm13 =	vgt.f32 v6, v7  }
0x233: {  	[tilespmem:s26+$0xFFFFFF6E] =	vst v6;
	v4 =	vsel vm13, $0x1, v0;
	v2 =	vmul.f32 $1.442695020e+00, v2  }
0x234: {  	[tilespmem:s2+$0xFFFFFF6E] =	vst v4  }
0x235: {  	vm14 =	vgt.f32 v5, v3;
	v3 =	vld [tilespmem:s8+$0xFFFFFF7E];
	(erf) = vpow2.f32 v2  }
0x236: {  	[tilespmem:s26+$0xFFFFFFDE] =	vst v5;
	v4 =	vld [tilespmem:s13+$0xFFFFFFB6];
	v2 =	vsel vm14, $0x1, v0  }
0x237: {  	[tilespmem:s2+$0xFFFFFFDE] =	vst v2;
	v2 =	vld.idx.msk [tilespmem:v8+s24+$0x0], $0xffff  }
0x238: {  	v5 =	vld [tilespmem:s8+$0xFFFFFFEE]  }
0x239: {  	v6 =	vld.idx.msk [tilespmem:v8+s30+$0x0], $0xffff;
	_ =	sdelay $0x2  }
0x23a: {  	v2 =	vmul.f32 v4, v2;
	v4 =	vld [tilespmem:s13+$0xFFFFFF7E]  }
0x23b: {  	s4 =	simm.s32 $0x1DAA;
	v7 =	vld.idx.msk [tilespmem:v3+s24+$0x0], $0xffff  }
0x23c: {  	v13 =	vld [tilespmem:s4+$0xFFFFFFDE];
	v2 =	vadd.f32 v2, v6;
	v9 =	vpop (erf)  }
0x23d: {  	v10 =	vld.idx.msk [tilespmem:v3+s30+$0x0], $0xffff;
	v9 =	vadd.f32 $1.000000000e+00, v9  }
0x23e: {  	v2 =	vmul.f32 $1.442695020e+00, v2;
	v11 =	vld.idx.msk [tilespmem:v5+s24+$0x0], $0xffff  }
0x23f: {  	(erf) = vrcp.f32 v9;
	v9 =	vld [tilespmem:s13+$0xFFFFFFEE]  }
0x240: {  	v4 =	vmul.f32 v4, v7;
	(erf) = vpow2.f32 v2;
	v2 =	vld [tilespmem:s4+$0xFFFFFF36];
	_ =	sdelay $0x1  }
0x241: {  	s28 =	simm.s32 $0x55AA;
	v7 =	vld.idx.msk [tilespmem:v5+s30+$0x0], $0xffff;
	v4 =	vadd.f32 v4, v10  }
0x242: {  	v14 =	vld [tilespmem:s28+$0xFFFFFF36]  }
0x243: {  	v12 =	vld [tilespmem:s28+$0xFFFFFFA6];
	v4 =	vmul.f32 $1.442695020e+00, v4  }
0x244: {  	v18 =	vld.idx.msk [tilespmem:v13+s30+$0x0], $0xffff;
	v9 =	vmul.f32 v9, v11  }
0x245: {  	v10 =	vld [tilespmem:s4+$0xFFFFFFA6];
	(erf) = vpow2.f32 v4  }
0x246: {  	v4 =	vadd.f32 v9, v7;
	v7 =	vld [tilespmem:s4+$0xFFFFFF6E]  }
0x247: {  	v15 =	vld.idx.msk [tilespmem:v2+s24+$0x0], $0xffff  }
0x248: {  	v1 =	vld.idx.msk [tilespmem:v1+s31+$0x0], $0xffff;
	v9 =	vpop (erf)  }
0x249: {  	v4 =	vmul.f32 $1.442695020e+00, v4;
	v17 =	vld.idx.msk [tilespmem:v2+s30+$0x0], $0xffff;
	v16 =	vpop (erf)  }
0x24a: {  	v6 =	vld [tilespmem:s28+$0xFFFFFF6E];
	v16 =	vadd.f32 $1.000000000e+00, v16  }
0x24b: {  	v11 =	vld [tilespmem:s28+$0xFFFFFFDE];
	(erf) = vpow2.f32 v4  }
0x24c: {  	(erf) = vrcp.f32 v16;
	v16 =	vld.idx.msk [tilespmem:v13+s24+$0x0], $0xffff;
	v14 =	vmul.f32 v14, v15  }
0x24d: {  	v15 =	vld.idx.msk [tilespmem:v10+s24+$0x0], $0xffff  }
0x24e: {  	vm15 =	vgt.f32 v9, v1;
	v19 =	vpop (erf);
	v1 =	vld.idx.msk [tilespmem:v7+s24+$0x0], $0xffff;
	v14 =	vadd.f32 v14, v17  }
0x24f: {  	[tilespmem:s26+$0xFFFFFF46] =	vst v9;
	v4 =	vld.idx.msk [tilespmem:v10+s30+$0x0], $0xffff;
	v9 =	vsel vm15, $0x1, v0;
	v17 =	vadd.f32 $1.000000000e+00, v19  }
0x250: {  	[tilespmem:s2+$0xFFFFFF46] =	vst v9;
	v9 =	vld.idx.msk [tilespmem:v7+s30+$0x0], $0xffff;
	v14 =	vmul.f32 $1.442695020e+00, v14  }
0x251: {  	v8 =	vld.idx.msk [tilespmem:v8+s31+$0x0], $0xffff;
	v11 =	vmul.f32 v11, v16;
	(erf) = vrcp.f32 v17  }
0x252: {  	v12 =	vmul.f32 v12, v15;
	(erf) = vpow2.f32 v14  }
0x253: {  	v11 =	vadd.f32 v11, v18;
	v1 =	vmul.f32 v6, v1  }
0x254: {  	v15 =	vld [tilespmem:s8+$0xFFFFFF56];
	v16 =	vpop (erf);
	v4 =	vadd.f32 v12, v4  }
0x255: {  	s12 =	simm.s32 $0x568A;
	v6 =	vpop (erf);
	v11 =	vmul.f32 $1.442695020e+00, v11;
	v1 =	vadd.f32 v1, v9  }
0x256: {  	v24 =	vld [tilespmem:s12+$0xFFFFFF36];
	v9 =	vadd.f32 $1.000000000e+00, v16;
	vm4 =	vgt.f32 v6, v8;
	v4 =	vmul.f32 $1.442695020e+00, v4  }
0x257: {  	v5 =	vld.idx.msk [tilespmem:v5+s31+$0x0], $0xffff;
	[tilespmem:s26+$0xFFFFFFB6] =	vst v6;
	v6 =	vsel vm4, $0x1, v0;
	(erf) = vpow2.f32 v11  }
0x258: {  	v8 =	vld.idx.msk [tilespmem:v3+s31+$0x0], $0xffff;
	[tilespmem:s2+$0xFFFFFFB6] =	vst v6;
	(erf) = vpow2.f32 v4  }
0x259: {  	v1 =	vmul.f32 $1.442695020e+00, v1;
	v4 =	vld [tilespmem:s8+$0xFFFFFFC6];
	(erf) = vrcp.f32 v9  }
0x25a: {  	v2 =	vld.idx.msk [tilespmem:v2+s31+$0x0], $0xffff;
	v9 =	vpop (erf)  }
0x25b: {  	v6 =	vld [tilespmem:s13+$0xFFFFFF56];
	(erf) = vpow2.f32 v1;
	v11 =	vpop (erf)  }
0x25c: {  	v1 =	vld.idx.msk [tilespmem:v15+s24+$0x0], $0xffff;
	v11 =	vadd.f32 $1.000000000e+00, v11  }
0x25d: {  	v7 =	vld.idx.msk [tilespmem:v7+s31+$0x0], $0xffff  }
0x25e: {  	v12 =	vld.idx.msk [tilespmem:v15+s30+$0x0], $0xffff;
	vm5 =	vgt.f32 v9, v8;
	(erf) = vrcp.f32 v11  }
0x25f: {  	v14 =	vld.idx.msk [tilespmem:v15+s31+$0x0], $0xffff;
	v11 =	vsel vm5, $0x1, v0  }
0x260: {  	v8 =	vld [tilespmem:s13+$0xFFFFFFC6];
	[tilespmem:s26+$0xFFFFFF7E] =	vst v9;
	v9 =	vpop (erf)  }
0x261: {  	v1 =	vmul.f32 v6, v1;
	[tilespmem:s2+$0xFFFFFF7E] =	vst v11;
	v15 =	vld.idx.msk [tilespmem:v4+s24+$0x0], $0xffff;
	v16 =	vpop (erf);
	v9 =	vadd.f32 $1.000000000e+00, v9  }
0x262: {  	v17 =	vld [tilespmem:s8+$0xFFFFFF8E];
	v11 =	vpop (erf)  }
0x263: {  	v6 =	vld.idx.msk [tilespmem:v4+s30+$0x0], $0xffff;
	v1 =	vadd.f32 v1, v12;
	vm6 =	vgt.f32 v11, v5;
	(erf) = vrcp.f32 v9  }
0x264: {  	v3 =	vld [tilespmem:s12+$0xFFFFFF6E];
	v16 =	vadd.f32 $1.000000000e+00, v16;
	v18 =	vpop (erf);
	v12 =	vsel vm6, $0x1, v0  }
0x265: {  	v5 =	vld.idx.msk [tilespmem:v13+s31+$0x0], $0xffff;
	[tilespmem:s26+$0xFFFFFFEE] =	vst v11;
	v1 =	vmul.f32 $1.442695020e+00, v1;
	v9 =	vadd.f32 $1.000000000e+00, v18  }
0x266: {  	v11 =	vld [tilespmem:s13+$0xFFFFFF8E];
	(erf) = vrcp.f32 v16;
	[tilespmem:s2+$0xFFFFFFEE] =	vst v12;
	v8 =	vmul.f32 v8, v15  }
0x267: {  	(erf) = vrcp.f32 v9;
	v13 =	vld [tilespmem:s8+$0xFFFFFFFE];
	v12 =	vpop (erf)  }
0x268: {  	v9 =	vld [tilespmem:s12+$0xFFFFFFA6];
	(erf) = vpow2.f32 v1;
	v6 =	vadd.f32 v8, v6;
	vm7 =	vgt.f32 v12, v2  }
0x269: {  	v8 =	vld.idx.msk [tilespmem:v10+s31+$0x0], $0xffff;
	v2 =	vsel vm7, $0x1, v0  }
0x26a: {  	s10 =	simm.s32 $0x8DAA;
	v10 =	vld.idx.msk [tilespmem:v17+s24+$0x0], $0xffff;
	v6 =	vmul.f32 $1.442695020e+00, v6  }
0x26b: {  	s9 =	simm.s32 $0xC5AA;
	v1 =	vld [tilespmem:s12+$0xFFFFFFDE];
	[tilespmem:s10+$0xFFFFFF36] =	vst v12  }
0x26c: {  	v12 =	vld.idx.msk [tilespmem:v17+s30+$0x0], $0xffff;
	[tilespmem:s9+$0xFFFFFF36] =	vst v2;
	(erf) = vpow2.f32 v6;
	v2 =	vpop (erf)  }
0x26d: {  	v15 =	vld [tilespmem:s4+$0xFFFFFF46];
	vm8 =	vgt.f32 v2, v5  }
0x26e: {  	v6 =	vld [tilespmem:s13+$0xFFFFFFFE];
	[tilespmem:s10+$0xFFFFFFDE] =	vst v2;
	v2 =	vsel vm8, $0x1, v0  }
0x26f: {  	v16 =	vpop (erf);
	v18 =	vld.idx.msk [tilespmem:v13+s24+$0x0], $0xffff;
	v10 =	vmul.f32 v11, v10  }
0x270: {  	v17 =	vld.idx.msk [tilespmem:v17+s31+$0x0], $0xffff;
	v19 =	vpop (erf)  }
0x271: {  	v20 =	vld.idx.msk [tilespmem:v13+s30+$0x0], $0xffff;
	[tilespmem:s9+$0xFFFFFFDE] =	vst v2;
	vm9 =	vgt.f32 v19, v7;
	v7 =	vadd.f32 v10, v12;
	v2 =	vpop (erf)  }
0x272: {  	v21 =	vld [tilespmem:s28+$0xFFFFFF46];
	v11 =	vadd.f32 $1.000000000e+00, v2  }
0x273: {  	v13 =	vld.idx.msk [tilespmem:v13+s31+$0x0], $0xffff;
	v7 =	vmul.f32 $1.442695020e+00, v7  }
0x274: {  	v5 =	vld [tilespmem:s4+$0xFFFFFFEE];
	v6 =	vmul.f32 v6, v18;
	(erf) = vrcp.f32 v11  }
0x275: {  	vm10 =	vgt.f32 v16, v8;
	v8 =	vld.idx.msk [tilespmem:v15+s24+$0x0], $0xffff;
	v12 =	vpop (erf);
	(erf) = vpow2.f32 v7  }
0x276: {  	[tilespmem:s10+$0xFFFFFF6E] =	vst v19;
	v10 =	vsel vm9, $0x1, v0;
	v27 =	vld [tilespmem:s28+$0xFFFFFFEE];
	v6 =	vadd.f32 v6, v20  }
0x277: {  	s11 =	simm.s32 $0x1E8A;
	[tilespmem:s9+$0xFFFFFF6E] =	vst v10;
	v10 =	vld.idx.msk [tilespmem:v15+s30+$0x0], $0xffff;
	v12 =	vadd.f32 $1.000000000e+00, v12  }
0x278: {  	v2 =	vld [tilespmem:s11+$0xFFFFFFA6];
	v6 =	vmul.f32 $1.442695020e+00, v6  }
0x279: {  	[tilespmem:s10+$0xFFFFFFA6] =	vst v16;
	v16 =	vld [tilespmem:s4+$0xFFFFFF7E];
	(erf) = vrcp.f32 v12  }
0x27a: {  	v19 =	vld [tilespmem:s28+$0xFFFFFF7E];
	v11 =	vsel vm10, $0x1, v0;
	(erf) = vpow2.f32 v6;
	v6 =	vmul.f32 v21, v8  }
0x27b: {  	v25 =	vld.idx.msk [tilespmem:v15+s31+$0x0], $0xffff;
	[tilespmem:s9+$0xFFFFFFA6] =	vst v11  }
0x27c: {  	v18 =	vld [tilespmem:s4+$0xFFFFFFB6];
	v6 =	vadd.f32 v6, v10  }
0x27d: {  	v7 =	vld [tilespmem:s11+$0xFFFFFF36];
	v8 =	vpop (erf)  }
0x27e: {  	v20 =	vld [tilespmem:s28+$0xFFFFFFB6];
	v6 =	vmul.f32 $1.442695020e+00, v6;
	v11 =	vpop (erf)  }
0x27f: {  	v12 =	vld.idx.msk [tilespmem:v4+s31+$0x0], $0xffff;
	vm11 =	vgt.f32 v8, v14;
	v14 =	vadd.f32 $1.000000000e+00, v11  }
0x280: {  	v4 =	vld [tilespmem:s11+$0xFFFFFFDE];
	(erf) = vpow2.f32 v6  }
0x281: {  	v22 =	vld.idx.msk [tilespmem:v5+s24+$0x0], $0xffff;
	(erf) = vrcp.f32 v14  }
0x282: {  	v10 =	vld.idx.msk [tilespmem:v16+s31+$0x0], $0xffff;
	v6 =	vpop (erf)  }
0x283: {  	v21 =	vld.idx.msk [tilespmem:v16+s24+$0x0], $0xffff;
	v14 =	vpop (erf)  }
0x284: {  	vm12 =	vgt.f32 v6, v12;
	[tilespmem:s26+$0xFFFFFFC6] =	vst v6;
	v6 =	vld.idx.msk [tilespmem:v18+s24+$0x0], $0xffff;
	v14 =	vadd.f32 $1.000000000e+00, v14  }
0x285: {  	v23 =	vld.idx.msk [tilespmem:v16+s30+$0x0], $0xffff  }
0x286: {  	v16 =	vld.idx.msk [tilespmem:v18+s30+$0x0], $0xffff;
	(erf) = vrcp.f32 v14  }
0x287: {  	v29 =	vld.idx.msk [tilespmem:v2+s24+$0x0], $0xffff  }
0x288: {  	[tilespmem:s26+$0xFFFFFF56] =	vst v8;
	v15 =	vld.idx.msk [tilespmem:v18+s31+$0x0], $0xffff;
	v8 =	vsel vm11, $0x1, v0  }
0x289: {  	v28 =	vld.idx.msk [tilespmem:v4+s30+$0x0], $0xffff;
	[tilespmem:s2+$0xFFFFFF56] =	vst v8;
	v18 =	vmul.f32 v20, v6;
	v20 =	vpop (erf)  }
0x28a: {  	v8 =	vld [tilespmem:s8+$0xFFFFFF58];
	v12 =	vsel vm12, $0x1, v0;
	v26 =	vpop (erf)  }
0x28b: {  	v11 =	vld [tilespmem:s13+$0xFFFFFF58];
	[tilespmem:s2+$0xFFFFFFC6] =	vst v12;
	v16 =	vadd.f32 v18, v16;
	vm13 =	vgt.f32 v26, v17;
	v17 =	vadd.f32 $1.000000000e+00, v20  }
0x28c: {  	v12 =	vld [tilespmem:s8+$0xFFFFFFC8]  }
0x28d: {  	v19 =	vmul.f32 v19, v21;
	v14 =	vld [tilespmem:s13+$0xFFFFFFC8];
	v21 =	vmul.f32 $1.442695020e+00, v16  }
0x28e: {  	v6 =	vld [tilespmem:s11+$0xFFFFFF6E];
	(erf) = vrcp.f32 v17  }
0x28f: {  	[tilespmem:s26+$0xFFFFFF8E] =	vst v26;
	v26 =	vld.idx.msk [tilespmem:v5+s30+$0x0], $0xffff;
	v20 =	vsel vm13, $0x1, v0;
	(erf) = vpow2.f32 v21;
	v17 =	vpop (erf)  }
0x290: {  	v18 =	vld.idx.msk [tilespmem:v2+s30+$0x0], $0xffff;
	[tilespmem:s2+$0xFFFFFF8E] =	vst v20;
	v20 =	vadd.f32 v19, v23;
	vm14 =	vgt.f32 v17, v13  }
0x291: {  	v16 =	vld [tilespmem:s8+$0xFFFFFF90];
	[tilespmem:s26+$0xFFFFFFFE] =	vst v17;
	v13 =	vsel vm14, $0x1, v0  }
0x292: {  	v21 =	vld.idx.msk [tilespmem:v7+s24+$0x0], $0xffff;
	v20 =	vmul.f32 $1.442695020e+00, v20;
	[tilespmem:s2+$0xFFFFFFFE] =	vst v13;
	v13 =	vmul.f32 v27, v22  }
0x293: {  	v19 =	vld [tilespmem:s13+$0xFFFFFF90]  }
0x294: {  	(erf) = vpow2.f32 v20;
	v20 =	vld [tilespmem:s8+$0x0];
	v13 =	vadd.f32 v13, v26  }
0x295: {  	v27 =	vld.idx.msk [tilespmem:v4+s24+$0x0], $0xffff  }
0x296: {  	v22 =	vld.idx.msk [tilespmem:v6+s24+$0x0], $0xffff;
	v13 =	vmul.f32 $1.442695020e+00, v13  }
0x297: {  	v17 =	vld [tilespmem:s13+$0x0];
	v61 =	vpop (erf)  }
0x298: {  	v26 =	vld.idx.msk [tilespmem:v7+s30+$0x0], $0xffff;
	v31 =	vpop (erf);
	(erf) = vpow2.f32 v13  }
0x299: {  	v24 =	vmul.f32 v24, v21;
	v21 =	vld.idx.msk [tilespmem:v6+s30+$0x0], $0xffff;
	vm15 =	vgt.f32 v61, v25;
	v25 =	vadd.f32 $1.000000000e+00, v31  }
0x29a: {  	v23 =	vld.idx.msk [tilespmem:v16+s24+$0x0], $0xffff  }
0x29b: {  	v63 =	vmul.f32 v1, v27;
	v13 =	vld.idx.msk [tilespmem:v16+s30+$0x0], $0xffff;
	(erf) = vrcp.f32 v25  }
0x29c: {  	s5 =	simm.s32 $0x8DAA;
	s6 =	simm.s32 $0xC5AA;
	[tilespmem:s10+$0xFFFFFF46] =	vst v61;
	v62 =	vsel vm15, $0x1, v0;
	v25 =	vmul.f32 v9, v29;
	v1 =	vld.idx.msk [tilespmem:v20+s31+$0x0], $0xffff  }
0x29d: {  	s7 =	simm.s32 $0x568A;
	s13 =	simm.s32 $0x8;
	s8 =	simm.s32 $0x1E8A;
	[tilespmem:s9+$0xFFFFFF46] =	vst v62;
	v24 =	vadd.f32 v24, v26;
	v26 =	vadd.f32 v63, v28;
	v27 =	vpop (erf);
	v9 =	vld.idx.msk [tilespmem:v20+s24+$0x0], $0xffff  }
.LBB2_4:
0x29e: {  	s13 =	sadd.s32 $0x4, s13;
	v3 =	vmul.f32 v3, v22;
	v18 =	vadd.f32 v25, v18;
	v27 =	vadd.f32 $1.000000000e+00, v27;
	v20 =	vld.idx.msk [tilespmem:v20+s30+$0x0], $0xffff  }
0x29f: {  	v19 =	vmul.f32 v19, v23;
	p0 =	slt.u32 s13, $0x7C;
	v25 =	vmul.f32 $1.442695020e+00, v26;
	v23 =	vld.idx.msk [tilespmem:v12+s24+$0x0], $0xffff  }
0x2a0: {  	v24 =	vmul.f32 $1.442695020e+00, v24;
	v3 =	vadd.f32 v3, v21;
	v18 =	vmul.f32 $1.442695020e+00, v18;
	v21 =	vld.idx.msk [tilespmem:v12+s30+$0x0], $0xffff  }
0x2a1: {  	v13 =	vadd.f32 v19, v13;
	(erf) = vrcp.f32 v27;
	v22 =	vpop (erf);
	v16 =	vld.idx.msk [tilespmem:v16+s31+$0x0], $0xffff  }
0x2a2: {  	v19 =	vmul.f32 $1.442695020e+00, v3;
	(erf) = vpow2.f32 v24;
	v24 =	vld [tilespmem:s4+$0xFFFFFF56];
	v3 =	vadd.f32 $1.000000000e+00, v22  }
0x2a3: {  	v13 =	vmul.f32 $1.442695020e+00, v13;
	(erf) = vpow2.f32 v25;
	v22 =	vld.idx.msk [tilespmem:v8+s24+$0x0], $0xffff  }
0x2a4: {  	v9 =	vmul.f32 v17, v9;
	(erf) = vpow2.f32 v18;
	v18 =	vpop (erf);
	v25 =	vld.idx.msk [tilespmem:v8+s30+$0x0], $0xffff  }
0x2a5: {  	v14 =	vmul.f32 v14, v23;
	vm0 =	vgt.f32 v18, v15;
	v15 =	vld.idx.msk [tilespmem:v12+s31+$0x0], $0xffff;
	(erf) = vpow2.f32 v13  }
0x2a6: {  	s12 =	sadd.s32 $0xE0, s12;
	v9 =	vadd.f32 v9, v20;
	[tilespmem:s10+$0xFFFFFFB6] =	vst v18;
	v13 =	vsel vm0, $0x1, v0;
	(erf) = vrcp.f32 v3;
	v12 =	vld.idx.msk [tilespmem:v8+s31+$0x0], $0xffff  }
0x2a7: {  	v3 =	vld [tilespmem:s12+$0xFFFFFF6E];
	(erf) = vpow2.f32 v19;
	[tilespmem:s9+$0xFFFFFFB6] =	vst v13;
	v13 =	vadd.f32 v14, v21  }
0x2a8: {  	v19 =	vmul.f32 $1.442695020e+00, v9;
	v8 =	vld [tilespmem:s4+$0xFFFFFFC6]  }
0x2a9: {  	v11 =	vmul.f32 v11, v22;
	v14 =	vld [tilespmem:s28+$0xFFFFFF56];
	v20 =	vmul.f32 $1.442695020e+00, v13  }
0x2aa: {  	v17 =	vld.idx.msk [tilespmem:v24+s24+$0x0], $0xffff;
	v18 =	vpop (erf);
	(erf) = vpow2.f32 v19  }
0x2ab: {  	v11 =	vadd.f32 v11, v25;
	v9 =	vpop (erf);
	[tilespmem:s10+$0xFFFFFF7E] =	vst v18;
	vm0 =	vgt.f32 v18, v10;
	v5 =	vld.idx.msk [tilespmem:v5+s31+$0x0], $0xffff;
	(erf) = vpow2.f32 v20  }
0x2ac: {  	v23 =	vadd.f32 $1.000000000e+00, v9;
	v13 =	vpop (erf);
	v18 =	vld.idx.msk [tilespmem:v24+s30+$0x0], $0xffff;
	v19 =	vsel vm0, $0x1, v0  }
0x2ad: {  	v22 =	vmul.f32 $1.442695020e+00, v11;
	v20 =	vpop (erf);
	v10 =	vld.idx.msk [tilespmem:v24+s31+$0x0], $0xffff;
	[tilespmem:s9+$0xFFFFFF7E] =	vst v19  }
0x2ae: {  	v13 =	vadd.f32 $1.000000000e+00, v13;
	v7 =	vld.idx.msk [tilespmem:v7+s31+$0x0], $0xffff;
	v19 =	vadd.f32 $1.000000000e+00, v20;
	(erf) = vrcp.f32 v23;
	v9 =	vpop (erf)  }
0x2af: {  	v20 =	vld [tilespmem:s28+$0xFFFFFFC6];
	v21 =	vpop (erf);
	v9 =	vadd.f32 $1.000000000e+00, v9;
	(erf) = vpow2.f32 v22  }
0x2b0: {  	v11 =	vpop (erf);
	(erf) = vrcp.f32 v13;
	v13 =	vmul.f32 v14, v17;
	v17 =	vld.idx.msk [tilespmem:v8+s24+$0x0], $0xffff  }
0x2b1: {  	vm0 =	vgt.f32 v21, v5;
	v23 =	vadd.f32 $1.000000000e+00, v11;
	v22 =	vld.idx.msk [tilespmem:v8+s30+$0x0], $0xffff;
	(erf) = vrcp.f32 v9  }
0x2b2: {  	s10 =	sadd.s32 $0xE0, s10;
	v9 =	vsel vm0, $0x1, v0;
	(erf) = vrcp.f32 v19;
	v5 =	vadd.f32 v13, v18;
	v14 =	vld [tilespmem:s4+$0xFFFFFF8E]  }
0x2b3: {  	s9 =	sadd.s32 $0xE0, s9;
	v4 =	vld.idx.msk [tilespmem:v4+s31+$0x0], $0xffff;
	(erf) = vrcp.f32 v23;
	v11 =	vpop (erf)  }
0x2b4: {  	v18 =	vld.idx.msk [tilespmem:v6+s31+$0x0], $0xffff;
	v5 =	vmul.f32 $1.442695020e+00, v5;
	[tilespmem:s5+$0xFFFFFFEE] =	vst v21;
	v13 =	vadd.f32 $1.000000000e+00, v11;
	v6 =	vpop (erf)  }
0x2b5: {  	v19 =	vld [tilespmem:s28+$0xFFFFFF8E];
	[tilespmem:s6+$0xFFFFFFEE] =	vst v9;
	v21 =	vadd.f32 $1.000000000e+00, v6  }
0x2b6: {  	v17 =	vmul.f32 v20, v17;
	v6 =	vld [tilespmem:s4+$0xFFFFFFFE];
	(erf) = vrcp.f32 v13  }
0x2b7: {  	v9 =	vld [tilespmem:s12+$0xFFFFFFA6];
	v11 =	vpop (erf);
	(erf) = vpow2.f32 v5  }
0x2b8: {  	v23 =	vadd.f32 v17, v22;
	v13 =	vld [tilespmem:s12+$0xFFFFFFDE];
	vm0 =	vgt.f32 v11, v7;
	v7 =	vpop (erf);
	(erf) = vrcp.f32 v21  }
0x2b9: {  	[tilespmem:s10+$0xFFFFFF36] =	vst v11;
	v11 =	vsel vm0, $0x1, v0;
	v17 =	vld.idx.msk [tilespmem:v2+s31+$0x0], $0xffff;
	v2 =	vpop (erf);
	v22 =	vadd.f32 $1.000000000e+00, v7  }
0x2ba: {  	[tilespmem:s10+$0xFFFFFFDE] =	vst v2;
	vm0 =	vgt.f32 v2, v4;
	v2 =	vld.idx.msk [tilespmem:v14+s24+$0x0], $0xffff;
	v4 =	vmul.f32 $1.442695020e+00, v23;
	v5 =	vpop (erf)  }
0x2bb: {  	[tilespmem:s9+$0xFFFFFF36] =	vst v11;
	v11 =	vsel vm0, $0x1, v0;
	v20 =	vpop (erf);
	v21 =	vld.idx.msk [tilespmem:v14+s30+$0x0], $0xffff;
	vm0 =	vgt.f32 v5, v16;
	(erf) = vrcp.f32 v22  }
0x2bc: {  	v16 =	vld [tilespmem:s11+$0xFFFFFF46];
	[tilespmem:s9+$0xFFFFFFDE] =	vst v11;
	v7 =	vpop (erf);
	(erf) = vpow2.f32 v4;
	v4 =	vsel vm0, $0x1, v0  }
0x2bd: {  	vm0 =	vgt.f32 v7, v18;
	[tilespmem:s10+$0xFFFFFFA6] =	vst v20;
	v11 =	vld [tilespmem:s28+$0xFFFFFFFE]  }
0x2be: {  	s11 =	sadd.s32 $0xE0, s11;
	v18 =	vld.idx.msk [tilespmem:v6+s24+$0x0], $0xffff;
	[tilespmem:s26+$0xFFFFFF90] =	vst v5  }
0x2bf: {  	v22 =	vld.idx.msk [tilespmem:v6+s30+$0x0], $0xffff;
	[tilespmem:s2+$0xFFFFFF90] =	vst v4;
	v4 =	vpop (erf)  }
0x2c0: {  	v23 =	vld [tilespmem:s7+$0xFFFFFF46];
	[tilespmem:s10+$0xFFFFFF6E] =	vst v7;
	v7 =	vmul.f32 v19, v2;
	v2 =	vpop (erf);
	vm1 =	vgt.f32 v4, v1  }
0x2c1: {  	v5 =	vld [tilespmem:s8+$0xFFFFFFEE];
	v19 =	vadd.f32 $1.000000000e+00, v2;
	v24 =	vsel vm1, $0x1, v0;
	v25 =	vpop (erf)  }
0x2c2: {  	v26 =	vsel vm0, $0x1, v0;
	vm0 =	vgt.f32 v20, v17;
	v2 =	vld [tilespmem:s11+$0xFFFFFFA6];
	v7 =	vadd.f32 v7, v21;
	[tilespmem:s26+$0x0] =	vst v4  }
0x2c3: {  	v4 =	vsel vm0, $0x1, v0;
	vm0 =	vgt.f32 v25, v15;
	v1 =	vld [tilespmem:s12+$0xFFFFFF36];
	(erf) = vrcp.f32 v19;
	[tilespmem:s26+$0xFFFFFFC8] =	vst v25  }
0x2c4: {  	v11 =	vmul.f32 v11, v18;
	v17 =	vsel vm0, $0x1, v0;
	v15 =	vld.idx.msk [tilespmem:v16+s24+$0x0], $0xffff;
	[tilespmem:s9+$0xFFFFFF6E] =	vst v26;
	v7 =	vmul.f32 $1.442695020e+00, v7;
	v18 =	vpop (erf)  }
0x2c5: {  	v19 =	vld.idx.msk [tilespmem:v16+s30+$0x0], $0xffff;
	v20 =	vpop (erf);
	vm0 =	vgt.f32 v18, v12;
	[tilespmem:s2+$0xFFFFFFC8] =	vst v17  }
0x2c6: {  	v11 =	vadd.f32 v11, v22;
	v12 =	vld [tilespmem:s8+$0xFFFFFF7E];
	v17 =	vadd.f32 $1.000000000e+00, v20;
	(erf) = vpow2.f32 v7;
	[tilespmem:s26+$0xFFFFFF58] =	vst v18;
	s26 =	smov.u32 s5;
	s5 =	smov.u32 s10  }
0x2c7: {  	v18 =	vld [tilespmem:s7+$0xFFFFFF7E];
	[tilespmem:s9+$0xFFFFFFA6] =	vst v4;
	v4 =	vsel vm0, $0x1, v0  }
0x2c8: {  	v11 =	vmul.f32 $1.442695020e+00, v11;
	v20 =	vld [tilespmem:s8+$0xFFFFFFB6];
	(erf) = vrcp.f32 v17;
	[tilespmem:s2+$0xFFFFFF58] =	vst v4  }
0x2c9: {  	v17 =	vld.idx.msk [tilespmem:v5+s24+$0x0], $0xffff;
	[tilespmem:s2+$0x0] =	vst v24;
	s2 =	smov.u32 s6;
	s6 =	smov.u32 s9  }
0x2ca: {  	v4 =	vmul.f32 v23, v15;
	v7 =	vld [tilespmem:s11+$0xFFFFFF36];
	(erf) = vpow2.f32 v11  }
0x2cb: {  	v21 =	vld [tilespmem:s7+$0xFFFFFFB6]  }
0x2cc: {  	v23 =	vadd.f32 v4, v19;
	v15 =	vld.idx.msk [tilespmem:v8+s31+$0x0], $0xffff;
	v8 =	vpop (erf)  }
0x2cd: {  	v4 =	vld [tilespmem:s11+$0xFFFFFFDE];
	[tilespmem:s26+$0xFFFFFF56] =	vst v8;
	vm0 =	vgt.f32 v8, v10  }
0x2ce: {  	v8 =	vmul.f32 $1.442695020e+00, v23;
	v10 =	vld.idx.msk [tilespmem:v12+s31+$0x0], $0xffff;
	v22 =	vsel vm0, $0x1, v0  }
0x2cf: {  	v19 =	vld.idx.msk [tilespmem:v12+s24+$0x0], $0xffff;
	[tilespmem:s2+$0xFFFFFF56] =	vst v22;
	v11 =	vpop (erf)  }
0x2d0: {  	v22 =	vld.idx.msk [tilespmem:v12+s30+$0x0], $0xffff;
	(erf) = vpow2.f32 v8;
	v12 =	vadd.f32 $1.000000000e+00, v11  }
0x2d1: {  	v8 =	vld [tilespmem:s4+$0xFFFFFF58];
	v23 =	vpop (erf)  }
0x2d2: {  	v11 =	vld [tilespmem:s28+$0xFFFFFF58];
	[tilespmem:s26+$0xFFFFFFC6] =	vst v23;
	vm0 =	vgt.f32 v23, v15;
	(erf) = vrcp.f32 v12  }
0x2d3: {  	v23 =	vld.idx.msk [tilespmem:v20+s24+$0x0], $0xffff;
	v12 =	vsel vm0, $0x1, v0;
	v15 =	vpop (erf)  }
0x2d4: {  	v24 =	vld.idx.msk [tilespmem:v20+s30+$0x0], $0xffff;
	[tilespmem:s2+$0xFFFFFFC6] =	vst v12;
	v15 =	vadd.f32 $1.000000000e+00, v15  }
0x2d5: {  	v18 =	vmul.f32 v18, v19;
	v12 =	vld [tilespmem:s4+$0xFFFFFFC8]  }
0x2d6: {  	v19 =	vld.idx.msk [tilespmem:v14+s31+$0x0], $0xffff;
	(erf) = vrcp.f32 v15  }
0x2d7: {  	v15 =	vadd.f32 v18, v22;
	v14 =	vld [tilespmem:s28+$0xFFFFFFC8]  }
0x2d8: {  	v22 =	vld.idx.msk [tilespmem:v16+s31+$0x0], $0xffff  }
0x2d9: {  	v25 =	vmul.f32 $1.442695020e+00, v15;
	v16 =	vmul.f32 v21, v23;
	v15 =	vld.idx.msk [tilespmem:v20+s31+$0x0], $0xffff;
	v18 =	vpop (erf)  }
0x2da: {  	v18 =	vadd.f32 $1.000000000e+00, v18;
	v20 =	vld.idx.msk [tilespmem:v6+s31+$0x0], $0xffff  }
0x2db: {  	v16 =	vadd.f32 v16, v24;
	v6 =	vld [tilespmem:s11+$0xFFFFFF6E];
	v21 =	vpop (erf)  }
0x2dc: {  	v23 =	vld [tilespmem:s7+$0xFFFFFFEE];
	(erf) = vrcp.f32 v18;
	[tilespmem:s26+$0xFFFFFF8E] =	vst v21;
	vm0 =	vgt.f32 v21, v19  }
0x2dd: {  	v16 =	vmul.f32 $1.442695020e+00, v16;
	v18 =	vld.idx.msk [tilespmem:v2+s30+$0x0], $0xffff;
	v24 =	vsel vm0, $0x1, v0  }
0x2de: {  	v21 =	vld.idx.msk [tilespmem:v5+s30+$0x0], $0xffff;
	[tilespmem:s2+$0xFFFFFF8E] =	vst v24  }
0x2df: {  	(erf) = vpow2.f32 v16;
	v16 =	vld [tilespmem:s4+$0xFFFFFF90];
	v19 =	vpop (erf)  }
0x2e0: {  	v24 =	vld.idx.msk [tilespmem:v7+s24+$0x0], $0xffff;
	[tilespmem:s26+$0xFFFFFFFE] =	vst v19;
	vm0 =	vgt.f32 v19, v20  }
0x2e1: {  	v20 =	vmul.f32 v23, v17;
	v19 =	vld [tilespmem:s28+$0xFFFFFF90];
	v17 =	vsel vm0, $0x1, v0  }
0x2e2: {  	v26 =	vld.idx.msk [tilespmem:v4+s30+$0x0], $0xffff;
	[tilespmem:s2+$0xFFFFFFFE] =	vst v17  }
0x2e3: {  	(erf) = vpow2.f32 v25;
	v17 =	vld [tilespmem:s28+$0x0];
	s28 =	smov.u32 s7;
	s7 =	smov.u32 s12  }
0x2e4: {  	v21 =	vadd.f32 v20, v21;
	v20 =	vld [tilespmem:s4+$0x0];
	s4 =	smov.u32 s8;
	s8 =	smov.u32 s11  }
0x2e5: {  	v25 =	vld.idx.msk [tilespmem:v4+s24+$0x0], $0xffff;
	v23 =	vpop (erf)  }
0x2e6: {  	v24 =	vmul.f32 v1, v24;
	v21 =	vmul.f32 $1.442695020e+00, v21;
	v1 =	vld.idx.msk [tilespmem:v2+s24+$0x0], $0xffff;
	[tilespmem:s10+$0xFFFFFF46] =	vst v23;
	vm0 =	vgt.f32 v23, v22  }
0x2e7: {  	v28 =	vld.idx.msk [tilespmem:v7+s30+$0x0], $0xffff;
	v27 =	vsel vm0, $0x1, v0  }
0x2e8: {  	v22 =	vld.idx.msk [tilespmem:v6+s24+$0x0], $0xffff;
	[tilespmem:s9+$0xFFFFFF46] =	vst v27;
	v23 =	vpop (erf);
	(erf) = vpow2.f32 v21  }
.Ltmp1:
0x2e9: {  	v30 =	vadd.f32 $1.000000000e+00, v23;
	v23 =	vld.idx.msk [tilespmem:v16+s24+$0x0], $0xffff;
	(pc) =	sbr.rel @p0 .LBB2_4-.Ltmp1, $4  }
0x2ea: {  	v21 =	vld.idx.msk [tilespmem:v6+s30+$0x0], $0xffff  }
0x2eb: {  	v29 =	vmul.f32 v13, v25;
	(erf) = vrcp.f32 v30;
	v13 =	vld.idx.msk [tilespmem:v16+s30+$0x0], $0xffff  }
0x2ec: {  	v25 =	vmul.f32 v9, v1;
	v27 =	vpop (erf);
	v1 =	vld.idx.msk [tilespmem:v20+s31+$0x0], $0xffff  }
0x2ed: {  	v24 =	vadd.f32 v24, v28;
	v26 =	vadd.f32 v29, v26;
	v9 =	vld.idx.msk [tilespmem:v20+s24+$0x0], $0xffff  }
0x2ee: {  	_ =	sdelay $0x2  }
0x2ef: {  	v18 =	vadd.f32 v25, v18  }
0x2f0: {  	v27 =	vadd.f32 $1.000000000e+00, v27;
	v20 =	vld.idx.msk [tilespmem:v20+s30+$0x0], $0xffff;
	v19 =	vmul.f32 v19, v23;
	v23 =	vmul.f32 $1.442695020e+00, v24  }
0x2f1: {  	v3 =	vmul.f32 v3, v22;
	v22 =	vld.idx.msk [tilespmem:v12+s24+$0x0], $0xffff;
	v18 =	vmul.f32 $1.442695020e+00, v18  }
0x2f2: {  	v25 =	vld.idx.msk [tilespmem:v12+s30+$0x0], $0xffff;
	v24 =	vmul.f32 $1.442695020e+00, v26;
	(erf) = vrcp.f32 v27;
	v13 =	vadd.f32 v19, v13  }
0x2f3: {  	v19 =	vadd.f32 v3, v21;
	v21 =	vld [tilespmem:s4+$0xFFFFFF56];
	(erf) = vpow2.f32 v23  }
0x2f4: {  	v3 =	vld.idx.msk [tilespmem:v16+s31+$0x0], $0xffff;
	(erf) = vpow2.f32 v24;
	v13 =	vmul.f32 $1.442695020e+00, v13;
	v23 =	vpop (erf)  }
0x2f5: {  	v16 =	vmul.f32 $1.442695020e+00, v19;
	(erf) = vpow2.f32 v18;
	v19 =	vadd.f32 $1.000000000e+00, v23;
	v23 =	vld.idx.msk [tilespmem:v8+s24+$0x0], $0xffff;
	v18 =	vpop (erf)  }
0x2f6: {  	v17 =	vmul.f32 v17, v9;
	v9 =	vld.idx.msk [tilespmem:v12+s31+$0x0], $0xffff;
	v12 =	vmul.f32 v14, v22;
	vm0 =	vgt.f32 v18, v15  }
0x2f7: {  	v24 =	vld.idx.msk [tilespmem:v8+s30+$0x0], $0xffff;
	(erf) = vpow2.f32 v13;
	[tilespmem:s10+$0xFFFFFFB6] =	vst v18;
	v13 =	vsel vm0, $0x1, v0  }
0x2f8: {  	(erf) = vrcp.f32 v19;
	[tilespmem:s9+$0xFFFFFFB6] =	vst v13;
	v13 =	vadd.f32 v12, v25  }
0x2f9: {  	v5 =	vld.idx.msk [tilespmem:v5+s31+$0x0], $0xffff;
	v14 =	vadd.f32 v17, v20;
	(erf) = vpow2.f32 v16  }
0x2fa: {  	v12 =	vld [tilespmem:s4+$0xFFFFFFC6];
	v11 =	vmul.f32 v11, v23;
	v13 =	vmul.f32 $1.442695020e+00, v13  }
0x2fb: {  	v7 =	vld.idx.msk [tilespmem:v7+s31+$0x0], $0xffff;
	v14 =	vmul.f32 $1.442695020e+00, v14;
	v16 =	vpop (erf)  }
0x2fc: {  	v8 =	vld.idx.msk [tilespmem:v8+s31+$0x0], $0xffff;
	v18 =	vpop (erf);
	v11 =	vadd.f32 v11, v24  }
0x2fd: {  	v15 =	vld [tilespmem:s28+$0xFFFFFF56];
	(erf) = vpow2.f32 v14;
	v14 =	vadd.f32 $1.000000000e+00, v18  }
0x2fe: {  	v17 =	vld.idx.msk [tilespmem:v21+s24+$0x0], $0xffff;
	(erf) = vpow2.f32 v13;
	v13 =	vpop (erf);
	v11 =	vmul.f32 $1.442695020e+00, v11  }
0x2ff: {  	v19 =	vld.idx.msk [tilespmem:v21+s31+$0x0], $0xffff;
	vm6 =	vgt.f32 v16, v10;
	(erf) = vrcp.f32 v14;
	v10 =	vpop (erf)  }
0x300: {  	[tilespmem:s10+$0xFFFFFF7E] =	vst v16;
	v18 =	vld.idx.msk [tilespmem:v21+s30+$0x0], $0xffff;
	v14 =	vsel vm6, $0x1, v0;
	v16 =	vpop (erf)  }
0x301: {  	[tilespmem:s9+$0xFFFFFF7E] =	vst v14;
	v14 =	vld [tilespmem:s28+$0xFFFFFFC6];
	v13 =	vadd.f32 $1.000000000e+00, v13;
	(erf) = vpow2.f32 v11;
	v20 =	vpop (erf)  }
0x302: {  	v21 =	vld.idx.msk [tilespmem:v12+s24+$0x0], $0xffff;
	v16 =	vadd.f32 $1.000000000e+00, v16;
	v11 =	vpop (erf)  }
0x303: {  	v22 =	vld.idx.msk [tilespmem:v12+s30+$0x0], $0xffff;
	(erf) = vrcp.f32 v13;
	v13 =	vmul.f32 v15, v17;
	_ =	sdelay $0x1  }
0x304: {  	v10 =	vadd.f32 $1.000000000e+00, v10;
	vm7 =	vgt.f32 v20, v5;
	v15 =	vld [tilespmem:s4+$0xFFFFFF8E]  }
0x305: {  	v5 =	vadd.f32 $1.000000000e+00, v11;
	v11 =	vsel vm7, $0x1, v0;
	[tilespmem:s5+$0xFFFFFFEE] =	vst v20;
	(erf) = vrcp.f32 v16;
	v16 =	vpop (erf)  }
0x306: {  	[tilespmem:s6+$0xFFFFFFEE] =	vst v11;
	(erf) = vrcp.f32 v10;
	v10 =	vadd.f32 v13, v18;
	v13 =	vpop (erf)  }
0x307: {  	v11 =	vmul.f32 v14, v21;
	v14 =	vld [tilespmem:s4+$0xFFFFFFFE];
	(erf) = vrcp.f32 v5;
	v5 =	vadd.f32 $1.000000000e+00, v16;
	v16 =	vpop (erf)  }
0x308: {  	s13 =	sadd.s32 $0xE0, s10;
	v10 =	vmul.f32 $1.442695020e+00, v10;
	v13 =	vadd.f32 $1.000000000e+00, v13;
	vm8 =	vgt.f32 v16, v7  }
0x309: {  	s12 =	sadd.s32 $0xE0, s9;
	(erf) = vrcp.f32 v5;
	v5 =	vadd.f32 v11, v22;
	v7 =	vpop (erf);
	[tilespmem:s13+$0xFFFFFF36] =	vst v16;
	v11 =	vsel vm8, $0x1, v0  }
0x30a: {  	v16 =	vld [tilespmem:s28+$0xFFFFFF8E];
	(erf) = vpow2.f32 v10;
	v7 =	vadd.f32 $1.000000000e+00, v7;
	[tilespmem:s12+$0xFFFFFF36] =	vst v11  }
0x30b: {  	(erf) = vrcp.f32 v13;
	v5 =	vmul.f32 $1.442695020e+00, v5;
	v13 =	vld [tilespmem:s11+$0xFFFFFF46]  }
0x30c: {  	v10 =	vld.idx.msk [tilespmem:v15+s24+$0x0], $0xffff;
	(erf) = vrcp.f32 v7  }
0x30d: {  	v17 =	vld [tilespmem:s28+$0xFFFFFFFE];
	(erf) = vpow2.f32 v5  }
0x30e: {  	v7 =	vld.idx.msk [tilespmem:v15+s30+$0x0], $0xffff;
	v11 =	vpop (erf)  }
0x30f: {  	v18 =	vld.idx.msk [tilespmem:v14+s24+$0x0], $0xffff;
	v5 =	vpop (erf)  }
0x310: {  	v20 =	vld.idx.msk [tilespmem:v2+s31+$0x0], $0xffff;
	v21 =	vpop (erf)  }
0x311: {  	v23 =	vld.idx.msk [tilespmem:v14+s30+$0x0], $0xffff;
	v10 =	vmul.f32 v16, v10;
	v22 =	vpop (erf)  }
0x312: {  	v16 =	vld [tilespmem:s7+$0xFFFFFF46];
	v2 =	vpop (erf)  }
0x313: {  	v10 =	vadd.f32 v10, v7;
	v24 =	vpop (erf);
	v25 =	vld.idx.msk [tilespmem:v13+s24+$0x0], $0xffff  }
0x314: {  	v26 =	vld.idx.msk [tilespmem:v4+s31+$0x0], $0xffff;
	v17 =	vmul.f32 v17, v18;
	v24 =	vadd.f32 $1.000000000e+00, v24;
	v7 =	vpop (erf)  }
0x315: {  	v10 =	vmul.f32 $1.442695020e+00, v10;
	v18 =	vld.idx.msk [tilespmem:v13+s30+$0x0], $0xffff;
	v4 =	vpop (erf)  }
0x316: {  	vm9 =	vgt.f32 v21, v20;
	[tilespmem:s13+$0xFFFFFFA6] =	vst v21;
	v17 =	vadd.f32 v17, v23;
	(erf) = vrcp.f32 v24;
	v21 =	vpop (erf)  }
0x317: {  	v21 =	vadd.f32 $1.000000000e+00, v21;
	(erf) = vpow2.f32 v10  }
0x318: {  	v20 =	vsel vm9, $0x1, v0;
	v10 =	vmul.f32 $1.442695020e+00, v17;
	v16 =	vmul.f32 v16, v25  }
0x319: {  	v6 =	vld.idx.msk [tilespmem:v6+s31+$0x0], $0xffff;
	[tilespmem:s12+$0xFFFFFFA6] =	vst v20;
	(erf) = vrcp.f32 v21  }
0x31a: {  	v20 =	vld [tilespmem:s8+$0xFFFFFFB6];
	(erf) = vpow2.f32 v10;
	v10 =	vadd.f32 v16, v18;
	_ =	sdelay $0x1  }
0x31b: {  	v10 =	vmul.f32 $1.442695020e+00, v10  }
0x31c: {  	vm10 =	vgt.f32 v11, v26  }
0x31d: {  	[tilespmem:s13+$0xFFFFFFDE] =	vst v11;
	v11 =	vsel vm10, $0x1, v0  }
0x31e: {  	[tilespmem:s12+$0xFFFFFFDE] =	vst v11;
	vm11 =	vgt.f32 v22, v6  }
0x31f: {  	[tilespmem:s13+$0xFFFFFF6E] =	vst v22;
	v6 =	vsel vm11, $0x1, v0;
	(erf) = vpow2.f32 v10;
	v10 =	vpop (erf)  }
0x320: {  	[tilespmem:s12+$0xFFFFFF6E] =	vst v6;
	v6 =	vld [tilespmem:s7+$0xFFFFFFB6];
	v11 =	vpop (erf)  }
0x321: {  	v18 =	vld.idx.msk [tilespmem:v20+s24+$0x0], $0xffff;
	v11 =	vadd.f32 $1.000000000e+00, v11  }
0x322: {  	v17 =	vld [tilespmem:s8+$0xFFFFFF7E]  }
0x323: {  	v22 =	vld.idx.msk [tilespmem:v20+s30+$0x0], $0xffff  }
0x324: {  	v21 =	vpop (erf)  }
0x325: {  	v16 =	vld [tilespmem:s8+$0xFFFFFFEE];
	(erf) = vrcp.f32 v11;
	v11 =	vpop (erf)  }
0x326: {  	v6 =	vmul.f32 v6, v18;
	v11 =	vadd.f32 $1.000000000e+00, v11  }
0x327: {  	v12 =	vld.idx.msk [tilespmem:v12+s31+$0x0], $0xffff  }
0x328: {  	v15 =	vld.idx.msk [tilespmem:v15+s31+$0x0], $0xffff;
	v6 =	vadd.f32 v6, v22;
	(erf) = vrcp.f32 v11  }
0x329: {  	v23 =	vld [tilespmem:s7+$0xFFFFFF7E]  }
0x32a: {  	v6 =	vmul.f32 $1.442695020e+00, v6;
	v18 =	vpop (erf);
	v11 =	vld.idx.msk [tilespmem:v17+s24+$0x0], $0xffff  }
0x32b: {  	v14 =	vld.idx.msk [tilespmem:v14+s31+$0x0], $0xffff;
	vm12 =	vgt.f32 v10, v19;
	v18 =	vadd.f32 $1.000000000e+00, v18  }
0x32c: {  	[tilespmem:s5+$0xFFFFFF56] =	vst v10;
	v22 =	vld.idx.msk [tilespmem:v17+s30+$0x0], $0xffff;
	v10 =	vsel vm12, $0x1, v0  }
0x32d: {  	v24 =	vld.idx.msk [tilespmem:v16+s24+$0x0], $0xffff;
	[tilespmem:s6+$0xFFFFFF56] =	vst v10;
	(erf) = vrcp.f32 v18  }
0x32e: {  	[tilespmem:s5+$0xFFFFFFC6] =	vst v21;
	vm1 =	vgt.f32 v21, v12;
	v18 =	vld [tilespmem:s7+$0xFFFFFFEE];
	(erf) = vpow2.f32 v6;
	v6 =	vpop (erf)  }
0x32f: {  	vm13 =	vgt.f32 v6, v15;
	v11 =	vmul.f32 v23, v11;
	[tilespmem:s5+$0xFFFFFF8E] =	vst v6;
	v15 =	vsel vm1, $0x1, v0  }
0x330: {  	v10 =	vld.idx.msk [tilespmem:v16+s30+$0x0], $0xffff;
	v12 =	vsel vm13, $0x1, v0;
	[tilespmem:s6+$0xFFFFFFC6] =	vst v15  }
0x331: {  	[tilespmem:s6+$0xFFFFFF8E] =	vst v12;
	v15 =	vadd.f32 v11, v22;
	v19 =	vpop (erf)  }
0x332: {  	v12 =	vld [tilespmem:s4+$0xFFFFFF90];
	vm14 =	vgt.f32 v19, v14  }
0x333: {  	v15 =	vmul.f32 $1.442695020e+00, v15;
	v14 =	vmul.f32 v18, v24;
	[tilespmem:s5+$0xFFFFFFFE] =	vst v19;
	v19 =	vsel vm14, $0x1, v0  }
0x334: {  	v13 =	vld.idx.msk [tilespmem:v13+s31+$0x0], $0xffff  }
0x335: {  	v20 =	vld.idx.msk [tilespmem:v20+s31+$0x0], $0xffff;
	[tilespmem:s6+$0xFFFFFFFE] =	vst v19;
	v14 =	vadd.f32 v14, v10  }
0x336: {  	(erf) = vpow2.f32 v15;
	v10 =	vld [tilespmem:s4+$0x0];
	v19 =	vpop (erf)  }
0x337: {  	v11 =	vld [tilespmem:s4+$0xFFFFFFC8];
	v14 =	vmul.f32 $1.442695020e+00, v14;
	v15 =	vpop (erf)  }
0x338: {  	v6 =	vld [tilespmem:s4+$0xFFFFFF58];
	v15 =	vadd.f32 $1.000000000e+00, v15  }
0x339: {  	(erf) = vpow2.f32 v14;
	v14 =	vld [tilespmem:s28+$0xFFFFFF90]  }
0x33a: {  	(erf) = vrcp.f32 v15;
	v15 =	vld.idx.msk [tilespmem:v12+s24+$0x0], $0xffff  }
0x33b: {  	v21 =	vld [tilespmem:s28+$0xFFFFFFC8]  }
0x33c: {  	v23 =	vld.idx.msk [tilespmem:v12+s30+$0x0], $0xffff  }
0x33d: {  	v22 =	vld [tilespmem:s28+$0x0]  }
0x33e: {  	v24 =	vld.idx.msk [tilespmem:v10+s24+$0x0], $0xffff  }
0x33f: {  	vm15 =	vgt.f32 v19, v13;
	v13 =	vpop (erf);
	v14 =	vmul.f32 v14, v15;
	v15 =	vld.idx.msk [tilespmem:v11+s24+$0x0], $0xffff  }
0x340: {  	[tilespmem:s13+$0xFFFFFF46] =	vst v19;
	v19 =	vsel vm15, $0x1, v0;
	v25 =	vld.idx.msk [tilespmem:v10+s30+$0x0], $0xffff;
	v13 =	vadd.f32 $1.000000000e+00, v13  }
0x341: {  	v26 =	vld.idx.msk [tilespmem:v11+s30+$0x0], $0xffff;
	v14 =	vadd.f32 v14, v23  }
0x342: {  	v18 =	vld [tilespmem:s28+$0xFFFFFF58];
	(erf) = vrcp.f32 v13  }
0x343: {  	[tilespmem:s12+$0xFFFFFF46] =	vst v19;
	v19 =	vpop (erf);
	v23 =	vld.idx.msk [tilespmem:v6+s24+$0x0], $0xffff;
	v22 =	vmul.f32 v22, v24;
	v14 =	vmul.f32 $1.442695020e+00, v14  }
0x344: {  	v28 =	vld.idx.msk [tilespmem:v6+s30+$0x0], $0xffff;
	v19 =	vadd.f32 $1.000000000e+00, v19;
	v27 =	vpop (erf);
	v15 =	vmul.f32 v21, v15  }
0x345: {  	v13 =	vld [tilespmem:s8+$0xFFFFFF56];
	vm4 =	vgt.f32 v27, v20;
	(erf) = vpow2.f32 v14;
	v14 =	vadd.f32 v22, v25  }
0x346: {  	[tilespmem:s13+$0xFFFFFFB6] =	vst v27;
	v20 =	vsel vm4, $0x1, v0;
	v15 =	vadd.f32 v15, v26  }
0x347: {  	v17 =	vld.idx.msk [tilespmem:v17+s31+$0x0], $0xffff;
	[tilespmem:s12+$0xFFFFFFB6] =	vst v20;
	(erf) = vrcp.f32 v19;
	v14 =	vmul.f32 $1.442695020e+00, v14  }
0x348: {  	v18 =	vmul.f32 v18, v23;
	v19 =	vld [tilespmem:s8+$0xFFFFFFC6];
	v15 =	vmul.f32 $1.442695020e+00, v15  }
0x349: {  	(erf) = vpow2.f32 v14  }
0x34a: {  	v18 =	vadd.f32 v18, v28  }
0x34b: {  	v16 =	vld.idx.msk [tilespmem:v16+s31+$0x0], $0xffff  }
0x34c: {  	v20 =	vld [tilespmem:s7+$0xFFFFFF56];
	v18 =	vmul.f32 $1.442695020e+00, v18;
	(erf) = vpow2.f32 v15;
	v15 =	vpop (erf)  }
0x34d: {  	v14 =	vld.idx.msk [tilespmem:v13+s24+$0x0], $0xffff;
	vm5 =	vgt.f32 v15, v17  }
0x34e: {  	v21 =	vld.idx.msk [tilespmem:v13+s30+$0x0], $0xffff;
	(erf) = vpow2.f32 v18;
	[tilespmem:s13+$0xFFFFFF7E] =	vst v15;
	v15 =	vsel vm5, $0x1, v0  }
0x34f: {  	v17 =	vld [tilespmem:s7+$0xFFFFFFC6]  }
0x350: {  	v18 =	vpop (erf);
	v22 =	vld.idx.msk [tilespmem:v19+s24+$0x0], $0xffff  }
0x351: {  	[tilespmem:s12+$0xFFFFFF7E] =	vst v15;
	v23 =	vld.idx.msk [tilespmem:v19+s30+$0x0], $0xffff;
	v15 =	vpop (erf)  }
0x352: {  	v14 =	vmul.f32 v20, v14;
	vm6 =	vgt.f32 v15, v16;
	v16 =	vld [tilespmem:s8+$0xFFFFFF8E];
	[tilespmem:s13+$0xFFFFFFEE] =	vst v15;
	v15 =	vadd.f32 $1.000000000e+00, v18;
	v18 =	vpop (erf)  }
0x353: {  	v20 =	vsel vm6, $0x1, v0;
	v18 =	vadd.f32 $1.000000000e+00, v18  }
0x354: {  	v14 =	vadd.f32 v14, v21;
	[tilespmem:s12+$0xFFFFFFEE] =	vst v20  }
0x355: {  	v17 =	vmul.f32 v17, v22;
	v20 =	vld [tilespmem:s8+$0xFFFFFFFE]  }
0x356: {  	v14 =	vmul.f32 $1.442695020e+00, v14;
	(erf) = vrcp.f32 v15;
	v15 =	vpop (erf)  }
0x357: {  	(erf) = vrcp.f32 v18;
	v17 =	vadd.f32 v17, v23;
	v15 =	vadd.f32 $1.000000000e+00, v15;
	v18 =	vpop (erf)  }
0x358: {  	(erf) = vpow2.f32 v14;
	v14 =	vadd.f32 $1.000000000e+00, v18  }
0x359: {  	v18 =	vld [tilespmem:s7+$0xFFFFFF8E];
	(erf) = vrcp.f32 v15;
	v15 =	vmul.f32 $1.442695020e+00, v17  }
0x35a: {  	v17 =	vld.idx.msk [tilespmem:v16+s24+$0x0], $0xffff;
	(erf) = vrcp.f32 v14  }
0x35b: {  	v14 =	vld.idx.msk [tilespmem:v16+s30+$0x0], $0xffff;
	(erf) = vpow2.f32 v15  }
0x35c: {  	v15 =	vld [tilespmem:s7+$0xFFFFFFFE]  }
0x35d: {  	v21 =	vld.idx.msk [tilespmem:v20+s24+$0x0], $0xffff;
	_ =	sdelay $0x1  }
0x35e: {  	v22 =	vpop (erf);
	v23 =	vld.idx.msk [tilespmem:v20+s30+$0x0], $0xffff;
	v17 =	vmul.f32 v18, v17  }
0x35f: {  	v24 =	vpop (erf)  }
0x360: {  	v18 =	vpop (erf);
	v14 =	vadd.f32 v17, v14  }
0x361: {  	v17 =	vadd.f32 $1.000000000e+00, v18;
	v25 =	vpop (erf);
	v15 =	vmul.f32 v15, v21  }
0x362: {  	v18 =	vpop (erf);
	v14 =	vmul.f32 $1.442695020e+00, v14  }
0x363: {  	(erf) = vrcp.f32 v17;
	v21 =	vpop (erf);
	v15 =	vadd.f32 v15, v23  }
0x364: {  	v17 =	vadd.f32 $1.000000000e+00, v21;
	(erf) = vpow2.f32 v14  }
0x365: {  	v14 =	vmul.f32 $1.442695020e+00, v15  }
0x366: {  	(erf) = vrcp.f32 v17  }
0x367: {  	(erf) = vpow2.f32 v14;
	_ =	sdelay $0x4  }
0x368: {  	v14 =	vpop (erf)  }
0x369: {  	v15 =	vpop (erf)  }
0x36a: {  	v15 =	vadd.f32 $1.000000000e+00, v15  }
0x36b: {  	v17 =	vpop (erf)  }
0x36c: {  	v21 =	vpop (erf);
	(erf) = vrcp.f32 v15  }
0x36d: {  	v15 =	vadd.f32 $1.000000000e+00, v21;
	_ =	sdelay $0x1  }
0x36e: {  	v13 =	vld.idx.msk [tilespmem:v13+s31+$0x0], $0xffff;
	(erf) = vrcp.f32 v15;
	_ =	sdelay $0x1  }
0x36f: {  	v15 =	vld.idx.msk [tilespmem:v16+s31+$0x0], $0xffff;
	_ =	sdelay $0x2  }
0x370: {  	vm7 =	vgt.f32 v14, v13;
	v16 =	vld.idx.msk [tilespmem:v20+s31+$0x0], $0xffff  }
0x371: {  	v13 =	vld.idx.msk [tilespmem:v19+s31+$0x0], $0xffff;
	[tilespmem:s13+$0xFFFFFF56] =	vst v14;
	v14 =	vsel vm7, $0x1, v0;
	v19 =	vpop (erf)  }
0x372: {  	[tilespmem:s12+$0xFFFFFF56] =	vst v14;
	vm8 =	vgt.f32 v19, v15  }
0x373: {  	[tilespmem:s13+$0xFFFFFF8E] =	vst v19;
	v14 =	vsel vm8, $0x1, v0  }
0x374: {  	v15 =	vpop (erf);
	[tilespmem:s12+$0xFFFFFF8E] =	vst v14  }
0x375: {  	[tilespmem:s13+$0xFFFFFFC6] =	vst v17;
	vm9 =	vgt.f32 v15, v16;
	v14 =	vld [tilespmem:s8+$0xFFFFFF90]  }
0x376: {  	vm10 =	vgt.f32 v17, v13;
	[tilespmem:s13+$0xFFFFFFFE] =	vst v15;
	v15 =	vsel vm9, $0x1, v0  }
0x377: {  	v13 =	vsel vm10, $0x1, v0;
	[tilespmem:s12+$0xFFFFFFFE] =	vst v15  }
0x378: {  	[tilespmem:s12+$0xFFFFFFC6] =	vst v13;
	v15 =	vld [tilespmem:s8+$0x0]  }
0x379: {  	v13 =	vld [tilespmem:s8+$0xFFFFFFC8]  }
0x37a: {  	v19 =	vld [tilespmem:s7+$0xFFFFFFC8]  }
0x37b: {  	v16 =	vld [tilespmem:s8+$0xFFFFFF58]  }
0x37c: {  	v20 =	vld [tilespmem:s7+$0xFFFFFF90]  }
0x37d: {  	v23 =	vld.idx.msk [tilespmem:v14+s24+$0x0], $0xffff  }
0x37e: {  	v21 =	vld [tilespmem:s7+$0x0]  }
0x37f: {  	v26 =	vld.idx.msk [tilespmem:v14+s30+$0x0], $0xffff  }
0x380: {  	v27 =	vld.idx.msk [tilespmem:v15+s24+$0x0], $0xffff  }
0x381: {  	v29 =	vld.idx.msk [tilespmem:v13+s24+$0x0], $0xffff  }
0x382: {  	v28 =	vld.idx.msk [tilespmem:v15+s30+$0x0], $0xffff;
	v20 =	vmul.f32 v20, v23  }
0x383: {  	v17 =	vld [tilespmem:s7+$0xFFFFFF58]  }
0x384: {  	v30 =	vld.idx.msk [tilespmem:v13+s30+$0x0], $0xffff;
	v20 =	vadd.f32 v20, v26  }
0x385: {  	v23 =	vld.idx.msk [tilespmem:v16+s24+$0x0], $0xffff;
	v21 =	vmul.f32 v21, v27  }
0x386: {  	v20 =	vmul.f32 $1.442695020e+00, v20  }
0x387: {  	v19 =	vmul.f32 v19, v29;
	v26 =	vld.idx.msk [tilespmem:v16+s30+$0x0], $0xffff;
	v21 =	vadd.f32 v21, v28  }
0x388: {  	(erf) = vpow2.f32 v20  }
0x389: {  	v19 =	vadd.f32 v19, v30;
	v20 =	vmul.f32 $1.442695020e+00, v21  }
0x38a: {  	v17 =	vmul.f32 v17, v23  }
0x38b: {  	v19 =	vmul.f32 $1.442695020e+00, v19;
	(erf) = vpow2.f32 v20  }
0x38c: {  	v17 =	vadd.f32 v17, v26  }
0x38d: {  	(erf) = vpow2.f32 v19  }
0x38e: {  	v17 =	vmul.f32 $1.442695020e+00, v17;
	_ =	sdelay $0x1  }
0x38f: {  	(erf) = vpow2.f32 v17  }
0x390: {  	[tilespmem:s26+$0xFFFFFF90] =	vst v5;
	vm11 =	vgt.f32 v5, v3;
	v5 =	vpop (erf)  }
0x391: {  	v5 =	vadd.f32 $1.000000000e+00, v5;
	_ =	sdelay $0x1  }
0x392: {  	[tilespmem:s26+$0x0] =	vst v2;
	v3 =	vsel vm11, $0x1, v0;
	vm13 =	vgt.f32 v2, v1;
	v1 =	vpop (erf)  }
0x393: {  	[tilespmem:s2+$0xFFFFFF90] =	vst v3;
	vm14 =	vgt.f32 v4, v8;
	v3 =	vld.idx.msk [tilespmem:v12+s31+$0x0], $0xffff;
	v1 =	vadd.f32 $1.000000000e+00, v1  }
0x394: {  	[tilespmem:s26+$0xFFFFFF58] =	vst v4;
	v2 =	vsel vm14, $0x1, v0;
	v4 =	vld.idx.msk [tilespmem:v11+s31+$0x0], $0xffff;
	(erf) = vrcp.f32 v5;
	v5 =	vpop (erf)  }
0x395: {  	vm12 =	vgt.f32 v7, v9;
	[tilespmem:s2+$0xFFFFFF58] =	vst v2;
	v2 =	vadd.f32 $1.000000000e+00, v5;
	v5 =	vld.idx.msk [tilespmem:v6+s31+$0x0], $0xffff  }
0x396: {  	[tilespmem:s26+$0xFFFFFFC8] =	vst v7;
	v7 =	vsel vm12, $0x1, v0  }
0x397: {  	[tilespmem:s2+$0xFFFFFFC8] =	vst v7;
	v7 =	vsel vm13, $0x1, v0;
	(erf) = vrcp.f32 v1;
	v1 =	vpop (erf)  }
0x398: {  	[tilespmem:s2+$0x0] =	vst v7;
	vm15 =	vgt.f32 v22, v3;
	v3 =	vld.idx.msk [tilespmem:v10+s31+$0x0], $0xffff;
	v1 =	vadd.f32 $1.000000000e+00, v1  }
0x399: {  	[tilespmem:s5+$0xFFFFFF90] =	vst v22;
	vm4 =	vgt.f32 v25, v4;
	(erf) = vrcp.f32 v2  }
0x39a: {  	[tilespmem:s5+$0xFFFFFFC8] =	vst v25;
	v2 =	vld.idx.msk [tilespmem:v14+s31+$0x0], $0xffff;
	(erf) = vrcp.f32 v1;
	v1 =	vsel vm4, $0x1, v0;
	vm5 =	vgt.f32 v18, v5  }
0x39b: {  	[tilespmem:s6+$0xFFFFFFC8] =	vst v1;
	v1 =	vsel vm5, $0x1, v0  }
0x39c: {  	[tilespmem:s5+$0x0] =	vst v24  }
0x39d: {  	vm6 =	vgt.f32 v24, v3;
	[tilespmem:s5+$0xFFFFFF58] =	vst v18  }
0x39e: {  	v4 =	vsel vm6, $0x1, v0;
	[tilespmem:s6+$0xFFFFFF58] =	vst v1;
	v1 =	vpop (erf)  }
0x39f: {  	[tilespmem:s6+$0x0] =	vst v4;
	v3 =	vld.idx.msk [tilespmem:v13+s31+$0x0], $0xffff;
	v6 =	vsel vm15, $0x1, v0;
	vm7 =	vgt.f32 v1, v2  }
0x3a0: {  	[tilespmem:s6+$0xFFFFFF90] =	vst v6;
	v2 =	vld.idx.msk [tilespmem:v15+s31+$0x0], $0xffff;
	v5 =	vsel vm7, $0x1, v0  }
0x3a1: {  	v4 =	vld.idx.msk [tilespmem:v16+s31+$0x0], $0xffff;
	[tilespmem:s13+$0xFFFFFF90] =	vst v1;
	v1 =	vpop (erf)  }
0x3a2: {  	[tilespmem:s13+$0x0] =	vst v1  }
0x3a3: {  	[tilespmem:s12+$0xFFFFFF90] =	vst v5;
	v5 =	vpop (erf)  }
0x3a4: {  	vm8 =	vgt.f32 v5, v3;
	[tilespmem:s13+$0xFFFFFFC8] =	vst v5;
	v5 =	vpop (erf)  }
0x3a5: {  	vm10 =	vgt.f32 v1, v2;
	v3 =	vsel vm8, $0x1, v0;
	[tilespmem:s13+$0xFFFFFF58] =	vst v5  }
0x3a6: {  	vm9 =	vgt.f32 v5, v4;
	v2 =	vsel vm10, $0x1, v0;
	[tilespmem:s12+$0xFFFFFFC8] =	vst v3  }
0x3a7: {  	v1 =	vsel vm9, $0x1, v0;
	[tilespmem:s12+$0x0] =	vst v2  }
0x3a8: {  	[tilespmem:s12+$0xFFFFFF58] =	vst v1  }
0x3a9: {  	_ =	swait.ge [sflag:s23], $0x1C00  }
0x3aa: {  	[sflag:s23] =	ssyncset.done $0x0  }
0x3ab: {  	[sflag:s23] =	ssyncadd.s32 $0xFFFFE400  }
0x3ac: {  	_ =	swait.ge [sflag:s23], $0x1C00  }
0x3ad: {  	[sflag:s23] =	ssyncset.done $0x0  }
0x3ae: {  	s26 =	simm.s32 $0x8C00;
	s13 =	rddreg [dreg:$0xe];
	[sflag:s23] =	ssyncadd.s32 $0xFFFFE400  }
0x3af: {  	[hbm4b:s13+s21] =	stream.strided.scatter [tilespmem:s26], [sflag:$0x3], $0x1C00, s22, s21, $0x38;
	[tilespmem:$0xE280] =	vst v63  }
0x3b0: {  	s5 =	simm.s32 $0xC400;
	s4 =	rddreg [dreg:$0xf]  }
0x3b1: {  	[hbm4b:s4+s21] =	stream.strided.scatter [tilespmem:s5], [sflag:$0x3], $0x1C00, s22, s21, $0x38;
	[tilespmem:$0xE280] =	vst v63  }
0x3b2: {  	s6 =	simm.s32 $0x1C00  }
0x3b3: {  	[tilespmem:s6], [sflag:$0x2] =	stream.strided.gather [hbm4b:s14+s21], $0x1C00, s22, s21, $0x38;
	[tilespmem:$0xE280] =	vst v63  }
0x3b4: {  	s7 =	simm.s32 $0x5400  }
0x3b5: {  	[tilespmem:s7], [sflag:$0x2] =	stream.strided.gather [hbm4b:s15+s21], $0x1C00, s22, s21, $0x38;
	[tilespmem:$0xE280] =	vst v63  }
0x3b6: {  	_ =	swait.ge [sflag:s29], $0x1C00  }
0x3b7: {  	[sflag:s29] =	ssyncset.done $0x0  }
0x3b8: {  	[sflag:s29] =	ssyncadd.s32 $0xFFFFE400  }
0x3b9: {  	_ =	swait.ge [sflag:s29], $0x1C00  }
0x3ba: {  	[sflag:s29] =	ssyncset.done $0x0  }
0x3bb: {  	s8 =	simm.s32 $0x70;
	[sflag:s29] =	ssyncadd.s32 $0xFFFFE400  }
0x3bc: {  	v1 =	vld [tilespmem:s8+$0xFFFFFF90];
	_ =	sdelay $0x3  }
0x3bd: {  	s13 =	simm.s32 $0x3870  }
0x3be: {  	v2 =	vld [tilespmem:s13+$0xFFFFFF90]  }
0x3bf: {  	v3 =	vld [tilespmem:s8+$0x38]  }
0x3c0: {  	v5 =	vld [tilespmem:s8+$0x0]  }
0x3c1: {  	v4 =	vld.idx.msk [tilespmem:v1+s24+$0x0], $0xffff  }
0x3c2: {  	v7 =	vld [tilespmem:s8+$0xFFFFFFC8]  }
0x3c3: {  	v6 =	vld.idx.msk [tilespmem:v1+s30+$0x0], $0xffff;
	_ =	sdelay $0x1  }
0x3c4: {  	v8 =	vld [tilespmem:s13+$0xFFFFFFC8]  }
0x3c5: {  	v9 =	vld [tilespmem:s13+$0x38];
	v2 =	vmul.f32 v2, v4  }
0x3c6: {  	v10 =	vld.idx.msk [tilespmem:v3+s24+$0x0], $0xffff  }
0x3c7: {  	v11 =	vld.idx.msk [tilespmem:v5+s24+$0x0], $0xffff;
	v2 =	vadd.f32 v2, v6  }
0x3c8: {  	v4 =	vld [tilespmem:s13+$0x0]  }
0x3c9: {  	v6 =	vld.idx.msk [tilespmem:v3+s30+$0x0], $0xffff;
	v2 =	vmul.f32 $1.442695020e+00, v2  }
0x3ca: {  	v12 =	vld.idx.msk [tilespmem:v7+s24+$0x0], $0xffff  }
0x3cb: {  	(erf) = vpow2.f32 v2;
	v2 =	vld.idx.msk [tilespmem:v5+s30+$0x0], $0xffff  }
0x3cc: {  	v9 =	vmul.f32 v9, v10  }
0x3cd: {  	v13 =	vld.idx.msk [tilespmem:v7+s30+$0x0], $0xffff  }
0x3ce: {  	v4 =	vmul.f32 v4, v11;
	v6 =	vadd.f32 v9, v6;
	_ =	sdelay $0x1  }
0x3cf: {  	v8 =	vmul.f32 v8, v12;
	v2 =	vadd.f32 v4, v2;
	v4 =	vmul.f32 $1.442695020e+00, v6;
	_ =	sdelay $0x1  }
0x3d0: {  	v6 =	vadd.f32 v8, v13  }
0x3d1: {  	v2 =	vmul.f32 $1.442695020e+00, v2  }
0x3d2: {  	v6 =	vmul.f32 $1.442695020e+00, v6;
	(erf) = vpow2.f32 v4;
	v4 =	vpop (erf)  }
0x3d3: {  	(erf) = vpow2.f32 v2;
	v2 =	vadd.f32 $1.000000000e+00, v4  }
0x3d4: {  	(erf) = vpow2.f32 v6  }
0x3d5: {  	(erf) = vrcp.f32 v2;
	_ =	sdelay $0x4  }
0x3d6: {  	v1 =	vld.idx.msk [tilespmem:v1+s31+$0x0], $0xffff  }
0x3d7: {  	v2 =	vpop (erf)  }
0x3d8: {  	v4 =	vpop (erf)  }
0x3d9: {  	v6 =	vpop (erf)  }
0x3da: {  	v8 =	vpop (erf)  }
0x3db: {  	s26 =	simm.s32 $0x7070;
	v2 =	vadd.f32 $1.000000000e+00, v2;
	vm11 =	vgt.f32 v8, v1  }
0x3dc: {  	s2 =	simm.s32 $0xA870;
	v1 =	vadd.f32 $1.000000000e+00, v4;
	[tilespmem:s26+$0xFFFFFF90] =	vst v8;
	v4 =	vsel vm11, $0x1, v0  }
0x3dd: {  	(erf) = vrcp.f32 v2;
	[tilespmem:s2+$0xFFFFFF90] =	vst v4  }
0x3de: {  	(erf) = vrcp.f32 v1;
	v1 =	vld [tilespmem:s8+$0xFFFFFFA0];
	_ =	sdelay $0x3  }
0x3df: {  	v2 =	vadd.f32 $1.000000000e+00, v6  }
0x3e0: {  	v4 =	vld.idx.msk [tilespmem:v5+s31+$0x0], $0xffff  }
0x3e1: {  	(erf) = vrcp.f32 v2  }
0x3e2: {  	v2 =	vld [tilespmem:s13+$0xFFFFFFA0]  }
0x3e3: {  	v5 =	vpop (erf);
	v6 =	vld.idx.msk [tilespmem:v1+s24+$0x0], $0xffff  }
0x3e4: {  	v8 =	vpop (erf)  }
0x3e5: {  	vm12 =	vgt.f32 v8, v4;
	v4 =	vld.idx.msk [tilespmem:v1+s30+$0x0], $0xffff  }
0x3e6: {  	v7 =	vld.idx.msk [tilespmem:v7+s31+$0x0], $0xffff;
	[tilespmem:s26+$0x0] =	vst v8;
	v8 =	vsel vm12, $0x1, v0  }
0x3e7: {  	[tilespmem:s2+$0x0] =	vst v8  }
0x3e8: {  	v8 =	vld [tilespmem:s8+$0x10];
	v2 =	vmul.f32 v2, v6  }
0x3e9: {  	v3 =	vld.idx.msk [tilespmem:v3+s31+$0x0], $0xffff  }
0x3ea: {  	v6 =	vpop (erf);
	v2 =	vadd.f32 v2, v4  }
0x3eb: {  	vm13 =	vgt.f32 v6, v7  }
0x3ec: {  	[tilespmem:s26+$0xFFFFFFC8] =	vst v6;
	v4 =	vsel vm13, $0x1, v0;
	v2 =	vmul.f32 $1.442695020e+00, v2  }
0x3ed: {  	[tilespmem:s2+$0xFFFFFFC8] =	vst v4  }
0x3ee: {  	vm14 =	vgt.f32 v5, v3;
	v3 =	vld [tilespmem:s8+$0xFFFFFFD8];
	(erf) = vpow2.f32 v2  }
0x3ef: {  	[tilespmem:s26+$0x38] =	vst v5;
	v4 =	vld [tilespmem:s13+$0x10];
	v2 =	vsel vm14, $0x1, v0  }
0x3f0: {  	[tilespmem:s2+$0x38] =	vst v2;
	v2 =	vld.idx.msk [tilespmem:v8+s24+$0x0], $0xffff  }
0x3f1: {  	v5 =	vld [tilespmem:s8+$0x48]  }
0x3f2: {  	v6 =	vld.idx.msk [tilespmem:v8+s30+$0x0], $0xffff;
	_ =	sdelay $0x2  }
0x3f3: {  	v2 =	vmul.f32 v4, v2;
	v4 =	vld [tilespmem:s13+$0xFFFFFFD8]  }
0x3f4: {  	s4 =	simm.s32 $0x150;
	v7 =	vld.idx.msk [tilespmem:v3+s24+$0x0], $0xffff  }
0x3f5: {  	v13 =	vld [tilespmem:s4+$0x38];
	v2 =	vadd.f32 v2, v6;
	v9 =	vpop (erf)  }
0x3f6: {  	v10 =	vld.idx.msk [tilespmem:v3+s30+$0x0], $0xffff;
	v9 =	vadd.f32 $1.000000000e+00, v9  }
0x3f7: {  	v2 =	vmul.f32 $1.442695020e+00, v2;
	v11 =	vld.idx.msk [tilespmem:v5+s24+$0x0], $0xffff  }
0x3f8: {  	(erf) = vrcp.f32 v9;
	v9 =	vld [tilespmem:s13+$0x48]  }
0x3f9: {  	v4 =	vmul.f32 v4, v7;
	(erf) = vpow2.f32 v2;
	v2 =	vld [tilespmem:s4+$0xFFFFFF90];
	_ =	sdelay $0x1  }
0x3fa: {  	s28 =	simm.s32 $0x3950;
	v7 =	vld.idx.msk [tilespmem:v5+s30+$0x0], $0xffff;
	v4 =	vadd.f32 v4, v10  }
0x3fb: {  	v14 =	vld [tilespmem:s28+$0xFFFFFF90]  }
0x3fc: {  	v12 =	vld [tilespmem:s28+$0x0];
	v4 =	vmul.f32 $1.442695020e+00, v4  }
0x3fd: {  	v18 =	vld.idx.msk [tilespmem:v13+s30+$0x0], $0xffff;
	v9 =	vmul.f32 v9, v11  }
0x3fe: {  	v10 =	vld [tilespmem:s4+$0x0];
	(erf) = vpow2.f32 v4  }
0x3ff: {  	v4 =	vadd.f32 v9, v7;
	v7 =	vld [tilespmem:s4+$0xFFFFFFC8]  }
0x400: {  	v15 =	vld.idx.msk [tilespmem:v2+s24+$0x0], $0xffff  }
0x401: {  	v1 =	vld.idx.msk [tilespmem:v1+s31+$0x0], $0xffff;
	v9 =	vpop (erf)  }
0x402: {  	v4 =	vmul.f32 $1.442695020e+00, v4;
	v17 =	vld.idx.msk [tilespmem:v2+s30+$0x0], $0xffff;
	v16 =	vpop (erf)  }
0x403: {  	v6 =	vld [tilespmem:s28+$0xFFFFFFC8];
	v16 =	vadd.f32 $1.000000000e+00, v16  }
0x404: {  	v11 =	vld [tilespmem:s28+$0x38];
	(erf) = vpow2.f32 v4  }
0x405: {  	(erf) = vrcp.f32 v16;
	v16 =	vld.idx.msk [tilespmem:v13+s24+$0x0], $0xffff;
	v14 =	vmul.f32 v14, v15  }
0x406: {  	v15 =	vld.idx.msk [tilespmem:v10+s24+$0x0], $0xffff  }
0x407: {  	vm15 =	vgt.f32 v9, v1;
	v19 =	vpop (erf);
	v1 =	vld.idx.msk [tilespmem:v7+s24+$0x0], $0xffff;
	v14 =	vadd.f32 v14, v17  }
0x408: {  	[tilespmem:s26+$0xFFFFFFA0] =	vst v9;
	v4 =	vld.idx.msk [tilespmem:v10+s30+$0x0], $0xffff;
	v9 =	vsel vm15, $0x1, v0;
	v17 =	vadd.f32 $1.000000000e+00, v19  }
0x409: {  	[tilespmem:s2+$0xFFFFFFA0] =	vst v9;
	v9 =	vld.idx.msk [tilespmem:v7+s30+$0x0], $0xffff;
	v14 =	vmul.f32 $1.442695020e+00, v14  }
0x40a: {  	v8 =	vld.idx.msk [tilespmem:v8+s31+$0x0], $0xffff;
	v11 =	vmul.f32 v11, v16;
	(erf) = vrcp.f32 v17  }
0x40b: {  	v12 =	vmul.f32 v12, v15;
	(erf) = vpow2.f32 v14  }
0x40c: {  	v11 =	vadd.f32 v11, v18;
	v1 =	vmul.f32 v6, v1  }
0x40d: {  	s12 =	simm.s32 $0x3A30;
	v15 =	vld [tilespmem:s8+$0xFFFFFFB0];
	v16 =	vpop (erf);
	v4 =	vadd.f32 v12, v4  }
0x40e: {  	v24 =	vld [tilespmem:s12+$0xFFFFFF90];
	v6 =	vpop (erf);
	v11 =	vmul.f32 $1.442695020e+00, v11;
	v1 =	vadd.f32 v1, v9  }
0x40f: {  	v5 =	vld.idx.msk [tilespmem:v5+s31+$0x0], $0xffff;
	v9 =	vadd.f32 $1.000000000e+00, v16;
	vm4 =	vgt.f32 v6, v8;
	v4 =	vmul.f32 $1.442695020e+00, v4  }
0x410: {  	v2 =	vld.idx.msk [tilespmem:v2+s31+$0x0], $0xffff;
	[tilespmem:s26+$0x10] =	vst v6;
	v6 =	vsel vm4, $0x1, v0;
	(erf) = vpow2.f32 v11  }
0x411: {  	v8 =	vld.idx.msk [tilespmem:v3+s31+$0x0], $0xffff;
	[tilespmem:s2+$0x10] =	vst v6;
	(erf) = vpow2.f32 v4  }
0x412: {  	v1 =	vmul.f32 $1.442695020e+00, v1;
	v4 =	vld [tilespmem:s8+$0x20];
	(erf) = vrcp.f32 v9  }
0x413: {  	v7 =	vld.idx.msk [tilespmem:v7+s31+$0x0], $0xffff;
	v9 =	vpop (erf)  }
0x414: {  	v6 =	vld [tilespmem:s13+$0xFFFFFFB0];
	(erf) = vpow2.f32 v1;
	v11 =	vpop (erf)  }
0x415: {  	v1 =	vld.idx.msk [tilespmem:v15+s24+$0x0], $0xffff;
	v11 =	vadd.f32 $1.000000000e+00, v11  }
0x416: {  	v3 =	vld [tilespmem:s12+$0xFFFFFFC8]  }
0x417: {  	v12 =	vld.idx.msk [tilespmem:v15+s30+$0x0], $0xffff;
	vm5 =	vgt.f32 v9, v8;
	(erf) = vrcp.f32 v11  }
0x418: {  	v14 =	vld.idx.msk [tilespmem:v15+s31+$0x0], $0xffff;
	v11 =	vsel vm5, $0x1, v0  }
0x419: {  	v8 =	vld [tilespmem:s13+$0x20];
	[tilespmem:s26+$0xFFFFFFD8] =	vst v9;
	v9 =	vpop (erf)  }
0x41a: {  	v1 =	vmul.f32 v6, v1;
	[tilespmem:s2+$0xFFFFFFD8] =	vst v11;
	v15 =	vld.idx.msk [tilespmem:v4+s24+$0x0], $0xffff;
	v16 =	vpop (erf);
	v9 =	vadd.f32 $1.000000000e+00, v9  }
0x41b: {  	v17 =	vld [tilespmem:s8+$0xFFFFFFE8];
	v11 =	vpop (erf)  }
0x41c: {  	v6 =	vld.idx.msk [tilespmem:v4+s30+$0x0], $0xffff;
	v1 =	vadd.f32 v1, v12;
	vm6 =	vgt.f32 v11, v5;
	(erf) = vrcp.f32 v9  }
0x41d: {  	v16 =	vadd.f32 $1.000000000e+00, v16;
	v18 =	vpop (erf);
	v5 =	vld.idx.msk [tilespmem:v13+s31+$0x0], $0xffff;
	[tilespmem:s26+$0x48] =	vst v11;
	v12 =	vsel vm6, $0x1, v0  }
0x41e: {  	v1 =	vmul.f32 $1.442695020e+00, v1;
	v11 =	vld [tilespmem:s13+$0xFFFFFFE8];
	v9 =	vadd.f32 $1.000000000e+00, v18;
	[tilespmem:s2+$0x48] =	vst v12  }
0x41f: {  	(erf) = vrcp.f32 v16;
	v8 =	vmul.f32 v8, v15;
	v16 =	vld [tilespmem:s8+$0x58]  }
0x420: {  	(erf) = vrcp.f32 v9;
	v9 =	vld [tilespmem:s12+$0x0];
	v12 =	vpop (erf)  }
0x421: {  	(erf) = vpow2.f32 v1;
	v1 =	vld [tilespmem:s12+$0x38];
	v6 =	vadd.f32 v8, v6;
	vm7 =	vgt.f32 v12, v2  }
0x422: {  	v8 =	vld.idx.msk [tilespmem:v10+s31+$0x0], $0xffff;
	v2 =	vsel vm7, $0x1, v0  }
0x423: {  	s10 =	simm.s32 $0x7150;
	v10 =	vld.idx.msk [tilespmem:v17+s24+$0x0], $0xffff;
	v6 =	vmul.f32 $1.442695020e+00, v6  }
0x424: {  	s9 =	simm.s32 $0xA950;
	[tilespmem:s10+$0xFFFFFF90] =	vst v12;
	v12 =	vld.idx.msk [tilespmem:v17+s30+$0x0], $0xffff  }
0x425: {  	v17 =	vld.idx.msk [tilespmem:v17+s31+$0x0], $0xffff;
	[tilespmem:s9+$0xFFFFFF90] =	vst v2;
	(erf) = vpow2.f32 v6;
	v2 =	vpop (erf)  }
0x426: {  	v15 =	vld [tilespmem:s4+$0xFFFFFFA0];
	vm8 =	vgt.f32 v2, v5  }
0x427: {  	v6 =	vld [tilespmem:s13+$0x58];
	[tilespmem:s10+$0x38] =	vst v2;
	v2 =	vsel vm8, $0x1, v0  }
0x428: {  	v13 =	vpop (erf);
	v18 =	vld.idx.msk [tilespmem:v16+s24+$0x0], $0xffff;
	v10 =	vmul.f32 v11, v10  }
0x429: {  	v21 =	vld [tilespmem:s28+$0xFFFFFFA0];
	v19 =	vpop (erf)  }
0x42a: {  	v20 =	vld.idx.msk [tilespmem:v16+s30+$0x0], $0xffff;
	[tilespmem:s9+$0x38] =	vst v2;
	vm9 =	vgt.f32 v19, v7;
	v7 =	vadd.f32 v10, v12;
	v2 =	vpop (erf)  }
0x42b: {  	v26 =	vld.idx.msk [tilespmem:v16+s31+$0x0], $0xffff;
	[tilespmem:s10+$0xFFFFFFC8] =	vst v19;
	v10 =	vsel vm9, $0x1, v0;
	v11 =	vadd.f32 $1.000000000e+00, v2  }
0x42c: {  	v5 =	vld [tilespmem:s4+$0x48];
	v7 =	vmul.f32 $1.442695020e+00, v7;
	[tilespmem:s9+$0xFFFFFFC8] =	vst v10  }
0x42d: {  	vm10 =	vgt.f32 v13, v8;
	[tilespmem:s10+$0x0] =	vst v13;
	v6 =	vmul.f32 v6, v18;
	v13 =	vld [tilespmem:s4+$0xFFFFFFD8];
	(erf) = vrcp.f32 v11  }
0x42e: {  	v8 =	vld.idx.msk [tilespmem:v15+s24+$0x0], $0xffff;
	v12 =	vpop (erf);
	(erf) = vpow2.f32 v7  }
0x42f: {  	v27 =	vld [tilespmem:s28+$0x48];
	v6 =	vadd.f32 v6, v20  }
0x430: {  	s11 =	simm.s32 $0x230;
	v10 =	vld.idx.msk [tilespmem:v15+s30+$0x0], $0xffff;
	v12 =	vadd.f32 $1.000000000e+00, v12  }
0x431: {  	v2 =	vld [tilespmem:s11+$0x0];
	v6 =	vmul.f32 $1.442695020e+00, v6  }
0x432: {  	v19 =	vld [tilespmem:s28+$0xFFFFFFD8];
	v11 =	vsel vm10, $0x1, v0;
	(erf) = vrcp.f32 v12  }
0x433: {  	[tilespmem:s9+$0x0] =	vst v11;
	v7 =	vld [tilespmem:s11+$0xFFFFFF90];
	(erf) = vpow2.f32 v6;
	v6 =	vmul.f32 v21, v8  }
0x434: {  	v18 =	vld [tilespmem:s4+$0x10]  }
0x435: {  	v12 =	vld.idx.msk [tilespmem:v4+s31+$0x0], $0xffff;
	v6 =	vadd.f32 v6, v10  }
0x436: {  	v10 =	vld.idx.msk [tilespmem:v13+s31+$0x0], $0xffff;
	v8 =	vpop (erf)  }
0x437: {  	v21 =	vld.idx.msk [tilespmem:v13+s30+$0x0], $0xffff;
	v6 =	vmul.f32 $1.442695020e+00, v6;
	v11 =	vpop (erf)  }
0x438: {  	vm11 =	vgt.f32 v8, v14;
	v14 =	vld.idx.msk [tilespmem:v13+s24+$0x0], $0xffff;
	v13 =	vadd.f32 $1.000000000e+00, v11  }
0x439: {  	v25 =	vld.idx.msk [tilespmem:v15+s31+$0x0], $0xffff;
	(erf) = vpow2.f32 v6  }
0x43a: {  	v20 =	vld [tilespmem:s28+$0x10];
	(erf) = vrcp.f32 v13  }
0x43b: {  	v4 =	vld [tilespmem:s11+$0x38];
	v6 =	vpop (erf)  }
0x43c: {  	vm12 =	vgt.f32 v6, v12;
	[tilespmem:s26+$0x20] =	vst v6;
	v6 =	vld.idx.msk [tilespmem:v18+s24+$0x0], $0xffff;
	v13 =	vpop (erf)  }
0x43d: {  	v22 =	vld.idx.msk [tilespmem:v5+s24+$0x0], $0xffff;
	v13 =	vadd.f32 $1.000000000e+00, v13  }
0x43e: {  	v23 =	vld.idx.msk [tilespmem:v18+s30+$0x0], $0xffff  }
0x43f: {  	v28 =	vld.idx.msk [tilespmem:v2+s24+$0x0], $0xffff;
	(erf) = vrcp.f32 v13  }
0x440: {  	v29 =	vld.idx.msk [tilespmem:v7+s30+$0x0], $0xffff;
	[tilespmem:s26+$0xFFFFFFB0] =	vst v8;
	v8 =	vsel vm11, $0x1, v0  }
0x441: {  	v15 =	vld.idx.msk [tilespmem:v18+s31+$0x0], $0xffff;
	[tilespmem:s2+$0xFFFFFFB0] =	vst v8;
	v18 =	vmul.f32 v20, v6  }
0x442: {  	v8 =	vld [tilespmem:s8+$0xFFFFFFB2];
	v12 =	vsel vm12, $0x1, v0;
	v20 =	vpop (erf)  }
0x443: {  	v11 =	vld [tilespmem:s13+$0xFFFFFFB2];
	[tilespmem:s2+$0x20] =	vst v12;
	v23 =	vadd.f32 v18, v23;
	v16 =	vpop (erf)  }
0x444: {  	v14 =	vmul.f32 v19, v14;
	v12 =	vld [tilespmem:s8+$0x22];
	vm13 =	vgt.f32 v16, v17;
	v17 =	vadd.f32 $1.000000000e+00, v20  }
0x445: {  	v6 =	vld [tilespmem:s11+$0xFFFFFFC8];
	v19 =	vmul.f32 $1.442695020e+00, v23  }
0x446: {  	v14 =	vadd.f32 v14, v21;
	v21 =	vld.idx.msk [tilespmem:v7+s24+$0x0], $0xffff;
	(erf) = vrcp.f32 v17  }
0x447: {  	v23 =	vld.idx.msk [tilespmem:v5+s30+$0x0], $0xffff;
	(erf) = vpow2.f32 v19  }
0x448: {  	v13 =	vld [tilespmem:s13+$0x22];
	v14 =	vmul.f32 $1.442695020e+00, v14;
	[tilespmem:s26+$0xFFFFFFE8] =	vst v16;
	v16 =	vsel vm13, $0x1, v0;
	v17 =	vpop (erf)  }
0x449: {  	v18 =	vld.idx.msk [tilespmem:v2+s30+$0x0], $0xffff;
	[tilespmem:s2+$0xFFFFFFE8] =	vst v16;
	vm14 =	vgt.f32 v17, v26  }
0x44a: {  	v16 =	vld [tilespmem:s8+$0xFFFFFFEA];
	(erf) = vpow2.f32 v14;
	v14 =	vmul.f32 v27, v22;
	[tilespmem:s26+$0x58] =	vst v17;
	v17 =	vsel vm14, $0x1, v0  }
0x44b: {  	v19 =	vld [tilespmem:s13+$0xFFFFFFEA];
	[tilespmem:s2+$0x58] =	vst v17  }
0x44c: {  	v14 =	vadd.f32 v14, v23;
	v20 =	vld [tilespmem:s8+$0x5A]  }
0x44d: {  	v24 =	vmul.f32 v24, v21;
	v21 =	vld.idx.msk [tilespmem:v6+s30+$0x0], $0xffff  }
0x44e: {  	v27 =	vld.idx.msk [tilespmem:v4+s24+$0x0], $0xffff;
	v14 =	vmul.f32 $1.442695020e+00, v14  }
0x44f: {  	v22 =	vld.idx.msk [tilespmem:v6+s24+$0x0], $0xffff;
	v61 =	vpop (erf)  }
0x450: {  	v26 =	vld.idx.msk [tilespmem:v4+s30+$0x0], $0xffff;
	v31 =	vpop (erf);
	(erf) = vpow2.f32 v14  }
0x451: {  	v17 =	vld [tilespmem:s13+$0x5A];
	vm15 =	vgt.f32 v61, v25;
	v25 =	vadd.f32 $1.000000000e+00, v31  }
0x452: {  	v23 =	vld.idx.msk [tilespmem:v16+s24+$0x0], $0xffff  }
0x453: {  	v63 =	vmul.f32 v1, v27;
	v14 =	vld.idx.msk [tilespmem:v16+s30+$0x0], $0xffff;
	(erf) = vrcp.f32 v25  }
0x454: {  	s5 =	simm.s32 $0x7150;
	s6 =	simm.s32 $0xA950;
	[tilespmem:s10+$0xFFFFFFA0] =	vst v61;
	v62 =	vsel vm15, $0x1, v0;
	v25 =	vmul.f32 v9, v28;
	v1 =	vld.idx.msk [tilespmem:v20+s31+$0x0], $0xffff  }
0x455: {  	s7 =	simm.s32 $0x3A30;
	v24 =	vadd.f32 v24, v29;
	s13 =	simm.s32 $0x8;
	s8 =	simm.s32 $0x230;
	v26 =	vadd.f32 v63, v26;
	v27 =	vpop (erf);
	[tilespmem:s9+$0xFFFFFFA0] =	vst v62;
	v9 =	vld.idx.msk [tilespmem:v20+s24+$0x0], $0xffff  }
.LBB2_6:
0x456: {  	s13 =	sadd.s32 $0x4, s13;
	v3 =	vmul.f32 v3, v22;
	v18 =	vadd.f32 v25, v18;
	v27 =	vadd.f32 $1.000000000e+00, v27;
	v20 =	vld.idx.msk [tilespmem:v20+s30+$0x0], $0xffff  }
0x457: {  	v19 =	vmul.f32 v19, v23;
	p0 =	slt.u32 s13, $0x7C;
	v25 =	vmul.f32 $1.442695020e+00, v26;
	v23 =	vld.idx.msk [tilespmem:v12+s24+$0x0], $0xffff  }
0x458: {  	v24 =	vmul.f32 $1.442695020e+00, v24;
	v3 =	vadd.f32 v3, v21;
	v18 =	vmul.f32 $1.442695020e+00, v18;
	v21 =	vld.idx.msk [tilespmem:v12+s30+$0x0], $0xffff  }
0x459: {  	v14 =	vadd.f32 v19, v14;
	(erf) = vrcp.f32 v27;
	v22 =	vpop (erf);
	v16 =	vld.idx.msk [tilespmem:v16+s31+$0x0], $0xffff  }
0x45a: {  	v19 =	vmul.f32 $1.442695020e+00, v3;
	(erf) = vpow2.f32 v24;
	v24 =	vld [tilespmem:s4+$0xFFFFFFB0];
	v3 =	vadd.f32 $1.000000000e+00, v22  }
0x45b: {  	v14 =	vmul.f32 $1.442695020e+00, v14;
	(erf) = vpow2.f32 v25;
	v22 =	vld.idx.msk [tilespmem:v8+s24+$0x0], $0xffff  }
0x45c: {  	v9 =	vmul.f32 v17, v9;
	(erf) = vpow2.f32 v18;
	v18 =	vpop (erf);
	v25 =	vld.idx.msk [tilespmem:v8+s30+$0x0], $0xffff  }
0x45d: {  	v13 =	vmul.f32 v13, v23;
	vm0 =	vgt.f32 v18, v15;
	v15 =	vld.idx.msk [tilespmem:v12+s31+$0x0], $0xffff;
	(erf) = vpow2.f32 v14  }
0x45e: {  	s12 =	sadd.s32 $0xE0, s12;
	v9 =	vadd.f32 v9, v20;
	[tilespmem:s10+$0x10] =	vst v18;
	v14 =	vsel vm0, $0x1, v0;
	(erf) = vrcp.f32 v3;
	v12 =	vld.idx.msk [tilespmem:v8+s31+$0x0], $0xffff  }
0x45f: {  	v13 =	vadd.f32 v13, v21;
	v3 =	vld [tilespmem:s12+$0xFFFFFFC8];
	(erf) = vpow2.f32 v19;
	[tilespmem:s9+$0x10] =	vst v14  }
0x460: {  	v19 =	vmul.f32 $1.442695020e+00, v9;
	v8 =	vld [tilespmem:s4+$0x20]  }
0x461: {  	v11 =	vmul.f32 v11, v22;
	v20 =	vmul.f32 $1.442695020e+00, v13;
	v14 =	vld [tilespmem:s28+$0xFFFFFFB0]  }
0x462: {  	v17 =	vld.idx.msk [tilespmem:v24+s24+$0x0], $0xffff;
	v18 =	vpop (erf);
	(erf) = vpow2.f32 v19  }
0x463: {  	v11 =	vadd.f32 v11, v25;
	v9 =	vpop (erf);
	[tilespmem:s10+$0xFFFFFFD8] =	vst v18;
	vm0 =	vgt.f32 v18, v10;
	v5 =	vld.idx.msk [tilespmem:v5+s31+$0x0], $0xffff;
	(erf) = vpow2.f32 v20  }
0x464: {  	v23 =	vadd.f32 $1.000000000e+00, v9;
	v13 =	vpop (erf);
	v18 =	vld.idx.msk [tilespmem:v24+s30+$0x0], $0xffff;
	v19 =	vsel vm0, $0x1, v0  }
0x465: {  	v22 =	vmul.f32 $1.442695020e+00, v11;
	v20 =	vpop (erf);
	v10 =	vld.idx.msk [tilespmem:v24+s31+$0x0], $0xffff;
	[tilespmem:s9+$0xFFFFFFD8] =	vst v19  }
0x466: {  	v13 =	vadd.f32 $1.000000000e+00, v13;
	v7 =	vld.idx.msk [tilespmem:v7+s31+$0x0], $0xffff;
	v19 =	vadd.f32 $1.000000000e+00, v20;
	(erf) = vrcp.f32 v23;
	v9 =	vpop (erf)  }
0x467: {  	v20 =	vld [tilespmem:s28+$0x20];
	v21 =	vpop (erf);
	v9 =	vadd.f32 $1.000000000e+00, v9;
	(erf) = vpow2.f32 v22  }
0x468: {  	v11 =	vpop (erf);
	(erf) = vrcp.f32 v13;
	v13 =	vmul.f32 v14, v17;
	v14 =	vld.idx.msk [tilespmem:v8+s24+$0x0], $0xffff  }
0x469: {  	vm0 =	vgt.f32 v21, v5;
	v22 =	vadd.f32 $1.000000000e+00, v11;
	v17 =	vld.idx.msk [tilespmem:v8+s30+$0x0], $0xffff;
	(erf) = vrcp.f32 v9  }
0x46a: {  	s10 =	sadd.s32 $0xE0, s10;
	v9 =	vsel vm0, $0x1, v0;
	(erf) = vrcp.f32 v19;
	v5 =	vadd.f32 v13, v18;
	v13 =	vld [tilespmem:s4+$0xFFFFFFE8]  }
0x46b: {  	s9 =	sadd.s32 $0xE0, s9;
	v4 =	vld.idx.msk [tilespmem:v4+s31+$0x0], $0xffff;
	(erf) = vrcp.f32 v22;
	v11 =	vpop (erf)  }
0x46c: {  	v18 =	vld.idx.msk [tilespmem:v6+s31+$0x0], $0xffff;
	v5 =	vmul.f32 $1.442695020e+00, v5;
	[tilespmem:s5+$0x48] =	vst v21;
	v22 =	vadd.f32 $1.000000000e+00, v11;
	v6 =	vpop (erf)  }
0x46d: {  	v19 =	vld [tilespmem:s28+$0xFFFFFFE8];
	[tilespmem:s6+$0x48] =	vst v9;
	v21 =	vadd.f32 $1.000000000e+00, v6  }
0x46e: {  	v20 =	vmul.f32 v20, v14;
	v6 =	vld [tilespmem:s4+$0x58];
	(erf) = vrcp.f32 v22  }
0x46f: {  	v9 =	vld [tilespmem:s12+$0x0];
	v11 =	vpop (erf);
	(erf) = vpow2.f32 v5  }
0x470: {  	v23 =	vadd.f32 v20, v17;
	v14 =	vld [tilespmem:s12+$0x38];
	vm0 =	vgt.f32 v11, v7;
	v7 =	vpop (erf);
	(erf) = vrcp.f32 v21  }
0x471: {  	[tilespmem:s10+$0xFFFFFF90] =	vst v11;
	v11 =	vsel vm0, $0x1, v0;
	v17 =	vld.idx.msk [tilespmem:v2+s31+$0x0], $0xffff;
	v2 =	vpop (erf);
	v22 =	vadd.f32 $1.000000000e+00, v7  }
0x472: {  	[tilespmem:s10+$0x38] =	vst v2;
	vm0 =	vgt.f32 v2, v4;
	v2 =	vld.idx.msk [tilespmem:v13+s24+$0x0], $0xffff;
	v4 =	vmul.f32 $1.442695020e+00, v23;
	v5 =	vpop (erf)  }
0x473: {  	[tilespmem:s9+$0xFFFFFF90] =	vst v11;
	v11 =	vsel vm0, $0x1, v0;
	v20 =	vpop (erf);
	v21 =	vld.idx.msk [tilespmem:v13+s30+$0x0], $0xffff;
	vm0 =	vgt.f32 v5, v16;
	(erf) = vrcp.f32 v22  }
0x474: {  	v16 =	vld [tilespmem:s11+$0xFFFFFFA0];
	[tilespmem:s9+$0x38] =	vst v11;
	v7 =	vpop (erf);
	(erf) = vpow2.f32 v4;
	v4 =	vsel vm0, $0x1, v0  }
0x475: {  	vm0 =	vgt.f32 v7, v18;
	[tilespmem:s10+$0x0] =	vst v20;
	v11 =	vld [tilespmem:s28+$0x58]  }
0x476: {  	s11 =	sadd.s32 $0xE0, s11;
	v18 =	vld.idx.msk [tilespmem:v6+s24+$0x0], $0xffff;
	[tilespmem:s26+$0xFFFFFFEA] =	vst v5  }
0x477: {  	v22 =	vld.idx.msk [tilespmem:v6+s30+$0x0], $0xffff;
	[tilespmem:s2+$0xFFFFFFEA] =	vst v4;
	v4 =	vpop (erf)  }
0x478: {  	v23 =	vld [tilespmem:s7+$0xFFFFFFA0];
	[tilespmem:s10+$0xFFFFFFC8] =	vst v7;
	v7 =	vmul.f32 v19, v2;
	v2 =	vpop (erf);
	vm1 =	vgt.f32 v4, v1  }
0x479: {  	v5 =	vld [tilespmem:s8+$0x48];
	v19 =	vadd.f32 $1.000000000e+00, v2;
	v24 =	vsel vm1, $0x1, v0;
	v25 =	vpop (erf)  }
0x47a: {  	v26 =	vsel vm0, $0x1, v0;
	vm0 =	vgt.f32 v20, v17;
	v2 =	vld [tilespmem:s11+$0x0];
	v7 =	vadd.f32 v7, v21;
	[tilespmem:s26+$0x5A] =	vst v4  }
0x47b: {  	v4 =	vsel vm0, $0x1, v0;
	vm0 =	vgt.f32 v25, v15;
	v1 =	vld [tilespmem:s12+$0xFFFFFF90];
	(erf) = vrcp.f32 v19;
	[tilespmem:s26+$0x22] =	vst v25  }
0x47c: {  	v11 =	vmul.f32 v11, v18;
	v17 =	vsel vm0, $0x1, v0;
	v15 =	vld.idx.msk [tilespmem:v16+s24+$0x0], $0xffff;
	[tilespmem:s9+$0xFFFFFFC8] =	vst v26;
	v7 =	vmul.f32 $1.442695020e+00, v7;
	v18 =	vpop (erf)  }
0x47d: {  	v19 =	vld.idx.msk [tilespmem:v16+s30+$0x0], $0xffff;
	v20 =	vpop (erf);
	vm0 =	vgt.f32 v18, v12;
	[tilespmem:s2+$0x22] =	vst v17  }
0x47e: {  	v11 =	vadd.f32 v11, v22;
	v12 =	vld [tilespmem:s8+$0xFFFFFFD8];
	v17 =	vadd.f32 $1.000000000e+00, v20;
	(erf) = vpow2.f32 v7;
	[tilespmem:s26+$0xFFFFFFB2] =	vst v18;
	s26 =	smov.u32 s5;
	s5 =	smov.u32 s10  }
0x47f: {  	v18 =	vld [tilespmem:s7+$0xFFFFFFD8];
	[tilespmem:s9+$0x0] =	vst v4;
	v4 =	vsel vm0, $0x1, v0  }
0x480: {  	v11 =	vmul.f32 $1.442695020e+00, v11;
	v20 =	vld [tilespmem:s8+$0x10];
	(erf) = vrcp.f32 v17;
	[tilespmem:s2+$0xFFFFFFB2] =	vst v4  }
0x481: {  	v17 =	vld.idx.msk [tilespmem:v5+s24+$0x0], $0xffff;
	[tilespmem:s2+$0x5A] =	vst v24;
	s2 =	smov.u32 s6;
	s6 =	smov.u32 s9  }
0x482: {  	v4 =	vmul.f32 v23, v15;
	v7 =	vld [tilespmem:s11+$0xFFFFFF90];
	(erf) = vpow2.f32 v11  }
0x483: {  	v21 =	vld [tilespmem:s7+$0x10]  }
0x484: {  	v23 =	vadd.f32 v4, v19;
	v15 =	vld.idx.msk [tilespmem:v8+s31+$0x0], $0xffff;
	v8 =	vpop (erf)  }
0x485: {  	v4 =	vld [tilespmem:s11+$0x38];
	[tilespmem:s26+$0xFFFFFFB0] =	vst v8;
	vm0 =	vgt.f32 v8, v10  }
0x486: {  	v8 =	vmul.f32 $1.442695020e+00, v23;
	v10 =	vld.idx.msk [tilespmem:v12+s31+$0x0], $0xffff;
	v22 =	vsel vm0, $0x1, v0  }
0x487: {  	v19 =	vld.idx.msk [tilespmem:v12+s24+$0x0], $0xffff;
	[tilespmem:s2+$0xFFFFFFB0] =	vst v22;
	v11 =	vpop (erf)  }
0x488: {  	v22 =	vld.idx.msk [tilespmem:v12+s30+$0x0], $0xffff;
	(erf) = vpow2.f32 v8;
	v12 =	vadd.f32 $1.000000000e+00, v11  }
0x489: {  	v8 =	vld [tilespmem:s4+$0xFFFFFFB2];
	v23 =	vpop (erf)  }
0x48a: {  	v11 =	vld [tilespmem:s28+$0xFFFFFFB2];
	[tilespmem:s26+$0x20] =	vst v23;
	vm0 =	vgt.f32 v23, v15;
	(erf) = vrcp.f32 v12  }
0x48b: {  	v23 =	vld.idx.msk [tilespmem:v20+s24+$0x0], $0xffff;
	v12 =	vsel vm0, $0x1, v0;
	v15 =	vpop (erf)  }
0x48c: {  	v24 =	vld.idx.msk [tilespmem:v20+s30+$0x0], $0xffff;
	[tilespmem:s2+$0x20] =	vst v12;
	v15 =	vadd.f32 $1.000000000e+00, v15  }
0x48d: {  	v18 =	vmul.f32 v18, v19;
	v12 =	vld [tilespmem:s4+$0x22]  }
0x48e: {  	v19 =	vld.idx.msk [tilespmem:v13+s31+$0x0], $0xffff;
	(erf) = vrcp.f32 v15  }
0x48f: {  	v15 =	vadd.f32 v18, v22;
	v13 =	vld [tilespmem:s28+$0x22]  }
0x490: {  	v22 =	vld.idx.msk [tilespmem:v16+s31+$0x0], $0xffff  }
0x491: {  	v25 =	vmul.f32 $1.442695020e+00, v15;
	v16 =	vmul.f32 v21, v23;
	v15 =	vld.idx.msk [tilespmem:v20+s31+$0x0], $0xffff;
	v18 =	vpop (erf)  }
0x492: {  	v18 =	vadd.f32 $1.000000000e+00, v18;
	v20 =	vld.idx.msk [tilespmem:v6+s31+$0x0], $0xffff  }
0x493: {  	v16 =	vadd.f32 v16, v24;
	v6 =	vld [tilespmem:s11+$0xFFFFFFC8];
	v21 =	vpop (erf)  }
0x494: {  	v23 =	vld [tilespmem:s7+$0x48];
	(erf) = vrcp.f32 v18;
	[tilespmem:s26+$0xFFFFFFE8] =	vst v21;
	vm0 =	vgt.f32 v21, v19  }
0x495: {  	v16 =	vmul.f32 $1.442695020e+00, v16;
	v18 =	vld.idx.msk [tilespmem:v2+s30+$0x0], $0xffff;
	v24 =	vsel vm0, $0x1, v0  }
0x496: {  	v21 =	vld.idx.msk [tilespmem:v5+s30+$0x0], $0xffff;
	[tilespmem:s2+$0xFFFFFFE8] =	vst v24  }
0x497: {  	(erf) = vpow2.f32 v16;
	v16 =	vld [tilespmem:s4+$0xFFFFFFEA];
	v19 =	vpop (erf)  }
0x498: {  	v24 =	vld.idx.msk [tilespmem:v7+s24+$0x0], $0xffff;
	[tilespmem:s26+$0x58] =	vst v19;
	vm0 =	vgt.f32 v19, v20  }
0x499: {  	v20 =	vmul.f32 v23, v17;
	v19 =	vld [tilespmem:s28+$0xFFFFFFEA];
	v17 =	vsel vm0, $0x1, v0  }
0x49a: {  	v26 =	vld.idx.msk [tilespmem:v4+s30+$0x0], $0xffff;
	[tilespmem:s2+$0x58] =	vst v17  }
0x49b: {  	(erf) = vpow2.f32 v25;
	v17 =	vld [tilespmem:s28+$0x5A];
	s28 =	smov.u32 s7;
	s7 =	smov.u32 s12  }
0x49c: {  	v21 =	vadd.f32 v20, v21;
	v20 =	vld [tilespmem:s4+$0x5A];
	s4 =	smov.u32 s8;
	s8 =	smov.u32 s11  }
0x49d: {  	v25 =	vld.idx.msk [tilespmem:v4+s24+$0x0], $0xffff;
	v23 =	vpop (erf)  }
0x49e: {  	v24 =	vmul.f32 v1, v24;
	v21 =	vmul.f32 $1.442695020e+00, v21;
	v1 =	vld.idx.msk [tilespmem:v2+s24+$0x0], $0xffff;
	[tilespmem:s10+$0xFFFFFFA0] =	vst v23;
	vm0 =	vgt.f32 v23, v22  }
0x49f: {  	v28 =	vld.idx.msk [tilespmem:v7+s30+$0x0], $0xffff;
	v27 =	vsel vm0, $0x1, v0  }
0x4a0: {  	v22 =	vld.idx.msk [tilespmem:v6+s24+$0x0], $0xffff;
	[tilespmem:s9+$0xFFFFFFA0] =	vst v27;
	v23 =	vpop (erf);
	(erf) = vpow2.f32 v21  }
.Ltmp2:
0x4a1: {  	v30 =	vadd.f32 $1.000000000e+00, v23;
	v23 =	vld.idx.msk [tilespmem:v16+s24+$0x0], $0xffff;
	(pc) =	sbr.rel @p0 .LBB2_6-.Ltmp2, $4  }
0x4a2: {  	v21 =	vld.idx.msk [tilespmem:v6+s30+$0x0], $0xffff  }
0x4a3: {  	v29 =	vmul.f32 v14, v25;
	(erf) = vrcp.f32 v30;
	v14 =	vld.idx.msk [tilespmem:v16+s30+$0x0], $0xffff  }
0x4a4: {  	v25 =	vmul.f32 v9, v1;
	v27 =	vpop (erf);
	v1 =	vld.idx.msk [tilespmem:v20+s31+$0x0], $0xffff  }
0x4a5: {  	v24 =	vadd.f32 v24, v28;
	v26 =	vadd.f32 v29, v26;
	v9 =	vld.idx.msk [tilespmem:v20+s24+$0x0], $0xffff  }
0x4a6: {  	_ = 	snop  }
0x4a7: {  	v27 =	vadd.f32 $1.000000000e+00, v27;
	v19 =	vmul.f32 v19, v23  }
0x4a8: {  	v22 =	vmul.f32 v3, v22;
	v3 =	vadd.f32 v25, v18;
	v18 =	vmul.f32 $1.442695020e+00, v24;
	_ =	sdelay $0x1  }
0x4a9: {  	v20 =	vld.idx.msk [tilespmem:v20+s30+$0x0], $0xffff;
	v25 =	vmul.f32 $1.442695020e+00, v26;
	(erf) = vrcp.f32 v27;
	v14 =	vadd.f32 v19, v14  }
0x4aa: {  	v23 =	vld.idx.msk [tilespmem:v12+s24+$0x0], $0xffff;
	v26 =	vmul.f32 $1.442695020e+00, v3;
	(erf) = vpow2.f32 v18;
	v27 =	vpop (erf)  }
0x4ab: {  	v5 =	vld.idx.msk [tilespmem:v5+s31+$0x0], $0xffff;
	(erf) = vpow2.f32 v25;
	v14 =	vmul.f32 $1.442695020e+00, v14;
	v18 =	vpop (erf)  }
0x4ac: {  	v24 =	vld.idx.msk [tilespmem:v12+s30+$0x0], $0xffff;
	(erf) = vpow2.f32 v26;
	vm0 =	vgt.f32 v18, v15;
	v15 =	vmul.f32 v17, v9  }
0x4ad: {  	v19 =	vld [tilespmem:s4+$0xFFFFFFB0];
	(erf) = vpow2.f32 v14;
	v14 =	vadd.f32 v22, v21  }
0x4ae: {  	v3 =	vld.idx.msk [tilespmem:v16+s31+$0x0], $0xffff;
	v25 =	vadd.f32 $1.000000000e+00, v27;
	v15 =	vadd.f32 v15, v20  }
0x4af: {  	v16 =	vld.idx.msk [tilespmem:v8+s24+$0x0], $0xffff;
	v13 =	vmul.f32 v13, v23;
	v14 =	vmul.f32 $1.442695020e+00, v14  }
0x4b0: {  	v7 =	vld.idx.msk [tilespmem:v7+s31+$0x0], $0xffff;
	(erf) = vrcp.f32 v25;
	v15 =	vmul.f32 $1.442695020e+00, v15  }
0x4b1: {  	v26 =	vld.idx.msk [tilespmem:v8+s30+$0x0], $0xffff;
	v13 =	vadd.f32 v13, v24  }
0x4b2: {  	v9 =	vld.idx.msk [tilespmem:v12+s31+$0x0], $0xffff;
	[tilespmem:s10+$0x10] =	vst v18;
	v12 =	vsel vm0, $0x1, v0  }
0x4b3: {  	v8 =	vld.idx.msk [tilespmem:v8+s31+$0x0], $0xffff;
	[tilespmem:s9+$0x10] =	vst v12;
	v13 =	vmul.f32 $1.442695020e+00, v13;
	(erf) = vpow2.f32 v14;
	v14 =	vpop (erf)  }
0x4b4: {  	v11 =	vmul.f32 v11, v16;
	v12 =	vld [tilespmem:s4+$0x20];
	(erf) = vpow2.f32 v15;
	vm6 =	vgt.f32 v14, v10;
	v15 =	vpop (erf)  }
0x4b5: {  	v17 =	vld [tilespmem:s28+$0xFFFFFFB0];
	v20 =	vpop (erf);
	(erf) = vpow2.f32 v13;
	v13 =	vsel vm6, $0x1, v0  }
0x4b6: {  	v18 =	vld.idx.msk [tilespmem:v19+s24+$0x0], $0xffff;
	v11 =	vadd.f32 v11, v26;
	v15 =	vadd.f32 $1.000000000e+00, v15  }
0x4b7: {  	v16 =	vld.idx.msk [tilespmem:v19+s30+$0x0], $0xffff;
	[tilespmem:s10+$0xFFFFFFD8] =	vst v14;
	v14 =	vpop (erf)  }
0x4b8: {  	v11 =	vmul.f32 $1.442695020e+00, v11;
	v10 =	vld.idx.msk [tilespmem:v19+s31+$0x0], $0xffff;
	[tilespmem:s9+$0xFFFFFFD8] =	vst v13;
	(erf) = vrcp.f32 v15;
	v13 =	vpop (erf)  }
0x4b9: {  	v15 =	vld [tilespmem:s28+$0x20];
	v19 =	vpop (erf)  }
0x4ba: {  	(erf) = vpow2.f32 v11;
	_ =	sdelay $0x1  }
0x4bb: {  	v14 =	vadd.f32 $1.000000000e+00, v14;
	v11 =	vadd.f32 $1.000000000e+00, v20;
	v20 =	vld.idx.msk [tilespmem:v12+s24+$0x0], $0xffff  }
0x4bc: {  	v13 =	vadd.f32 $1.000000000e+00, v13;
	v21 =	vld.idx.msk [tilespmem:v12+s30+$0x0], $0xffff  }
0x4bd: {  	v22 =	vpop (erf);
	vm7 =	vgt.f32 v19, v5;
	(erf) = vrcp.f32 v11;
	v11 =	vmul.f32 v17, v18;
	v17 =	vld [tilespmem:s4+$0xFFFFFFE8]  }
0x4be: {  	[tilespmem:s5+$0x48] =	vst v19;
	v5 =	vadd.f32 $1.000000000e+00, v22;
	v18 =	vpop (erf);
	(erf) = vrcp.f32 v13;
	v13 =	vsel vm7, $0x1, v0  }
0x4bf: {  	(erf) = vrcp.f32 v14;
	v11 =	vadd.f32 v11, v16;
	v14 =	vpop (erf);
	[tilespmem:s6+$0x48] =	vst v13  }
0x4c0: {  	(erf) = vrcp.f32 v5;
	v5 =	vadd.f32 $1.000000000e+00, v18;
	v13 =	vmul.f32 v15, v20;
	v15 =	vld [tilespmem:s4+$0x58];
	v16 =	vpop (erf)  }
0x4c1: {  	s12 =	sadd.s32 $0xE0, s10;
	v14 =	vadd.f32 $1.000000000e+00, v14;
	v11 =	vmul.f32 $1.442695020e+00, v11;
	vm8 =	vgt.f32 v16, v7  }
0x4c2: {  	s13 =	sadd.s32 $0xE0, s9;
	(erf) = vrcp.f32 v5;
	v5 =	vadd.f32 v13, v21;
	[tilespmem:s12+$0xFFFFFF90] =	vst v16;
	v13 =	vsel vm8, $0x1, v0;
	v7 =	vpop (erf)  }
0x4c3: {  	v16 =	vld [tilespmem:s28+$0xFFFFFFE8];
	(erf) = vpow2.f32 v11;
	[tilespmem:s13+$0xFFFFFF90] =	vst v13;
	v7 =	vadd.f32 $1.000000000e+00, v7  }
0x4c4: {  	(erf) = vrcp.f32 v14;
	v5 =	vmul.f32 $1.442695020e+00, v5;
	v13 =	vld [tilespmem:s11+$0xFFFFFFA0]  }
0x4c5: {  	v11 =	vld.idx.msk [tilespmem:v17+s24+$0x0], $0xffff;
	(erf) = vrcp.f32 v7  }
0x4c6: {  	v18 =	vld [tilespmem:s28+$0x58];
	(erf) = vpow2.f32 v5  }
0x4c7: {  	v14 =	vpop (erf);
	v7 =	vld.idx.msk [tilespmem:v17+s30+$0x0], $0xffff  }
0x4c8: {  	v5 =	vpop (erf);
	v19 =	vld.idx.msk [tilespmem:v15+s24+$0x0], $0xffff  }
0x4c9: {  	v20 =	vld.idx.msk [tilespmem:v2+s31+$0x0], $0xffff;
	v21 =	vpop (erf)  }
0x4ca: {  	v23 =	vld.idx.msk [tilespmem:v15+s30+$0x0], $0xffff;
	v22 =	vpop (erf);
	v11 =	vmul.f32 v16, v11  }
0x4cb: {  	v16 =	vld [tilespmem:s7+$0xFFFFFFA0];
	v2 =	vpop (erf)  }
0x4cc: {  	v24 =	vpop (erf);
	v11 =	vadd.f32 v11, v7;
	v25 =	vld.idx.msk [tilespmem:v13+s24+$0x0], $0xffff  }
0x4cd: {  	v26 =	vld.idx.msk [tilespmem:v4+s31+$0x0], $0xffff;
	v24 =	vadd.f32 $1.000000000e+00, v24;
	v7 =	vpop (erf);
	v18 =	vmul.f32 v18, v19  }
0x4ce: {  	v19 =	vld.idx.msk [tilespmem:v13+s30+$0x0], $0xffff;
	v11 =	vmul.f32 $1.442695020e+00, v11;
	v4 =	vpop (erf)  }
0x4cf: {  	vm9 =	vgt.f32 v21, v20;
	[tilespmem:s12+$0x0] =	vst v21;
	(erf) = vrcp.f32 v24;
	v18 =	vadd.f32 v18, v23;
	v21 =	vpop (erf)  }
0x4d0: {  	(erf) = vpow2.f32 v11;
	v21 =	vadd.f32 $1.000000000e+00, v21  }
0x4d1: {  	v20 =	vsel vm9, $0x1, v0;
	v11 =	vmul.f32 $1.442695020e+00, v18;
	v16 =	vmul.f32 v16, v25  }
0x4d2: {  	v6 =	vld.idx.msk [tilespmem:v6+s31+$0x0], $0xffff;
	[tilespmem:s13+$0x0] =	vst v20;
	(erf) = vrcp.f32 v21  }
0x4d3: {  	v20 =	vld [tilespmem:s8+$0x10];
	(erf) = vpow2.f32 v11;
	v11 =	vadd.f32 v16, v19;
	_ =	sdelay $0x1  }
0x4d4: {  	v11 =	vmul.f32 $1.442695020e+00, v11  }
0x4d5: {  	vm10 =	vgt.f32 v14, v26  }
0x4d6: {  	[tilespmem:s12+$0x38] =	vst v14;
	v14 =	vsel vm10, $0x1, v0  }
0x4d7: {  	[tilespmem:s13+$0x38] =	vst v14;
	vm11 =	vgt.f32 v22, v6  }
0x4d8: {  	v14 =	vld [tilespmem:s8+$0x48];
	[tilespmem:s12+$0xFFFFFFC8] =	vst v22;
	v6 =	vsel vm11, $0x1, v0;
	(erf) = vpow2.f32 v11;
	v11 =	vpop (erf)  }
0x4d9: {  	[tilespmem:s13+$0xFFFFFFC8] =	vst v6;
	v6 =	vld [tilespmem:s7+$0x10];
	v18 =	vpop (erf)  }
0x4da: {  	v19 =	vld.idx.msk [tilespmem:v20+s24+$0x0], $0xffff;
	v18 =	vadd.f32 $1.000000000e+00, v18  }
0x4db: {  	v16 =	vld [tilespmem:s8+$0xFFFFFFD8]  }
0x4dc: {  	v22 =	vld.idx.msk [tilespmem:v20+s30+$0x0], $0xffff  }
0x4dd: {  	v21 =	vpop (erf)  }
0x4de: {  	(erf) = vrcp.f32 v18;
	v18 =	vpop (erf)  }
0x4df: {  	v6 =	vmul.f32 v6, v19;
	v18 =	vadd.f32 $1.000000000e+00, v18  }
0x4e0: {  	v12 =	vld.idx.msk [tilespmem:v12+s31+$0x0], $0xffff  }
0x4e1: {  	v17 =	vld.idx.msk [tilespmem:v17+s31+$0x0], $0xffff;
	v6 =	vadd.f32 v6, v22;
	(erf) = vrcp.f32 v18  }
0x4e2: {  	v23 =	vld [tilespmem:s7+$0xFFFFFFD8]  }
0x4e3: {  	v6 =	vmul.f32 $1.442695020e+00, v6;
	v19 =	vpop (erf);
	v18 =	vld.idx.msk [tilespmem:v16+s24+$0x0], $0xffff  }
0x4e4: {  	v24 =	vld.idx.msk [tilespmem:v14+s24+$0x0], $0xffff;
	vm12 =	vgt.f32 v11, v10;
	v19 =	vadd.f32 $1.000000000e+00, v19  }
0x4e5: {  	[tilespmem:s5+$0xFFFFFFB0] =	vst v11;
	v22 =	vld.idx.msk [tilespmem:v16+s30+$0x0], $0xffff;
	v11 =	vsel vm12, $0x1, v0  }
0x4e6: {  	v10 =	vld.idx.msk [tilespmem:v15+s31+$0x0], $0xffff;
	[tilespmem:s6+$0xFFFFFFB0] =	vst v11;
	(erf) = vrcp.f32 v19  }
0x4e7: {  	v15 =	vld [tilespmem:s7+$0x48];
	[tilespmem:s5+$0x20] =	vst v21;
	vm1 =	vgt.f32 v21, v12;
	(erf) = vpow2.f32 v6;
	v6 =	vpop (erf)  }
0x4e8: {  	vm13 =	vgt.f32 v6, v17;
	v11 =	vmul.f32 v23, v18;
	[tilespmem:s5+$0xFFFFFFE8] =	vst v6;
	v18 =	vsel vm1, $0x1, v0  }
0x4e9: {  	v17 =	vld.idx.msk [tilespmem:v14+s30+$0x0], $0xffff;
	v12 =	vsel vm13, $0x1, v0;
	[tilespmem:s6+$0x20] =	vst v18  }
0x4ea: {  	[tilespmem:s6+$0xFFFFFFE8] =	vst v12;
	v18 =	vadd.f32 v11, v22;
	v19 =	vpop (erf)  }
0x4eb: {  	v12 =	vld [tilespmem:s4+$0xFFFFFFEA];
	vm14 =	vgt.f32 v19, v10  }
0x4ec: {  	v13 =	vld.idx.msk [tilespmem:v13+s31+$0x0], $0xffff;
	v18 =	vmul.f32 $1.442695020e+00, v18;
	v10 =	vmul.f32 v15, v24;
	[tilespmem:s5+$0x58] =	vst v19;
	v19 =	vsel vm14, $0x1, v0  }
0x4ed: {  	v20 =	vld.idx.msk [tilespmem:v20+s31+$0x0], $0xffff  }
0x4ee: {  	v6 =	vld [tilespmem:s4+$0xFFFFFFB2];
	[tilespmem:s6+$0x58] =	vst v19;
	v17 =	vadd.f32 v10, v17  }
0x4ef: {  	(erf) = vpow2.f32 v18;
	v10 =	vld [tilespmem:s4+$0x5A];
	v19 =	vpop (erf)  }
0x4f0: {  	v11 =	vld [tilespmem:s4+$0x22];
	v17 =	vmul.f32 $1.442695020e+00, v17;
	v18 =	vpop (erf)  }
0x4f1: {  	v21 =	vld [tilespmem:s28+$0x22];
	v18 =	vadd.f32 $1.000000000e+00, v18  }
0x4f2: {  	(erf) = vpow2.f32 v17;
	v17 =	vld [tilespmem:s28+$0xFFFFFFEA]  }
0x4f3: {  	(erf) = vrcp.f32 v18;
	v18 =	vld.idx.msk [tilespmem:v12+s24+$0x0], $0xffff  }
0x4f4: {  	v15 =	vld [tilespmem:s28+$0xFFFFFFB2]  }
0x4f5: {  	v23 =	vld.idx.msk [tilespmem:v12+s30+$0x0], $0xffff  }
0x4f6: {  	v22 =	vld [tilespmem:s28+$0x5A]  }
0x4f7: {  	v24 =	vld.idx.msk [tilespmem:v10+s24+$0x0], $0xffff  }
0x4f8: {  	vm15 =	vgt.f32 v19, v13;
	v13 =	vpop (erf);
	v17 =	vmul.f32 v17, v18;
	v18 =	vld.idx.msk [tilespmem:v11+s24+$0x0], $0xffff  }
0x4f9: {  	[tilespmem:s12+$0xFFFFFFA0] =	vst v19;
	v19 =	vsel vm15, $0x1, v0;
	v25 =	vld.idx.msk [tilespmem:v10+s30+$0x0], $0xffff;
	v13 =	vadd.f32 $1.000000000e+00, v13  }
0x4fa: {  	v26 =	vld.idx.msk [tilespmem:v11+s30+$0x0], $0xffff;
	[tilespmem:s13+$0xFFFFFFA0] =	vst v19;
	v17 =	vadd.f32 v17, v23  }
0x4fb: {  	(erf) = vrcp.f32 v13;
	v13 =	vld [tilespmem:s8+$0xFFFFFFB0]  }
0x4fc: {  	v19 =	vpop (erf);
	v23 =	vld.idx.msk [tilespmem:v6+s24+$0x0], $0xffff;
	v22 =	vmul.f32 v22, v24;
	v17 =	vmul.f32 $1.442695020e+00, v17  }
0x4fd: {  	v19 =	vadd.f32 $1.000000000e+00, v19;
	v27 =	vpop (erf);
	v18 =	vmul.f32 v21, v18  }
0x4fe: {  	v28 =	vld.idx.msk [tilespmem:v6+s30+$0x0], $0xffff;
	vm4 =	vgt.f32 v27, v20;
	(erf) = vpow2.f32 v17;
	v17 =	vadd.f32 v22, v25  }
0x4ff: {  	[tilespmem:s12+$0x10] =	vst v27;
	v20 =	vsel vm4, $0x1, v0;
	v18 =	vadd.f32 v18, v26  }
0x500: {  	v16 =	vld.idx.msk [tilespmem:v16+s31+$0x0], $0xffff;
	[tilespmem:s13+$0x10] =	vst v20;
	(erf) = vrcp.f32 v19;
	v17 =	vmul.f32 $1.442695020e+00, v17  }
0x501: {  	v15 =	vmul.f32 v15, v23;
	v19 =	vld [tilespmem:s8+$0x20];
	v18 =	vmul.f32 $1.442695020e+00, v18  }
0x502: {  	(erf) = vpow2.f32 v17  }
0x503: {  	v20 =	vld [tilespmem:s7+$0xFFFFFFB0];
	v15 =	vadd.f32 v15, v28  }
0x504: {  	v17 =	vld.idx.msk [tilespmem:v13+s24+$0x0], $0xffff  }
0x505: {  	v14 =	vld.idx.msk [tilespmem:v14+s31+$0x0], $0xffff;
	v15 =	vmul.f32 $1.442695020e+00, v15;
	(erf) = vpow2.f32 v18;
	v18 =	vpop (erf)  }
0x506: {  	v21 =	vld.idx.msk [tilespmem:v13+s30+$0x0], $0xffff;
	vm5 =	vgt.f32 v18, v16  }
0x507: {  	(erf) = vpow2.f32 v15;
	v16 =	vsel vm5, $0x1, v0  }
0x508: {  	v15 =	vld [tilespmem:s7+$0x20]  }
0x509: {  	[tilespmem:s12+$0xFFFFFFD8] =	vst v18;
	v18 =	vpop (erf);
	v17 =	vmul.f32 v20, v17;
	v22 =	vld.idx.msk [tilespmem:v19+s24+$0x0], $0xffff  }
0x50a: {  	[tilespmem:s13+$0xFFFFFFD8] =	vst v16;
	v23 =	vld.idx.msk [tilespmem:v19+s30+$0x0], $0xffff;
	v16 =	vpop (erf)  }
0x50b: {  	v17 =	vadd.f32 v17, v21;
	vm6 =	vgt.f32 v16, v14;
	v14 =	vld [tilespmem:s8+$0xFFFFFFE8];
	[tilespmem:s12+$0x48] =	vst v16;
	v16 =	vadd.f32 $1.000000000e+00, v18;
	v18 =	vpop (erf)  }
0x50c: {  	v20 =	vsel vm6, $0x1, v0;
	v18 =	vadd.f32 $1.000000000e+00, v18  }
0x50d: {  	[tilespmem:s13+$0x48] =	vst v20  }
0x50e: {  	v15 =	vmul.f32 v15, v22;
	v20 =	vld [tilespmem:s8+$0x58]  }
0x50f: {  	(erf) = vrcp.f32 v16;
	v16 =	vmul.f32 $1.442695020e+00, v17;
	v17 =	vpop (erf)  }
0x510: {  	v17 =	vadd.f32 $1.000000000e+00, v17;
	(erf) = vrcp.f32 v18;
	v15 =	vadd.f32 v15, v23;
	v18 =	vpop (erf)  }
0x511: {  	(erf) = vpow2.f32 v16;
	v16 =	vadd.f32 $1.000000000e+00, v18  }
0x512: {  	(erf) = vrcp.f32 v17;
	v18 =	vld [tilespmem:s7+$0xFFFFFFE8];
	v15 =	vmul.f32 $1.442695020e+00, v15  }
0x513: {  	v17 =	vld.idx.msk [tilespmem:v14+s24+$0x0], $0xffff;
	(erf) = vrcp.f32 v16  }
0x514: {  	v16 =	vld.idx.msk [tilespmem:v14+s30+$0x0], $0xffff;
	(erf) = vpow2.f32 v15  }
0x515: {  	v15 =	vld [tilespmem:s7+$0x58]  }
0x516: {  	v21 =	vld.idx.msk [tilespmem:v20+s24+$0x0], $0xffff;
	_ =	sdelay $0x1  }
0x517: {  	v22 =	vpop (erf);
	v23 =	vld.idx.msk [tilespmem:v20+s30+$0x0], $0xffff;
	v17 =	vmul.f32 v18, v17  }
0x518: {  	v24 =	vpop (erf)  }
0x519: {  	v18 =	vpop (erf);
	v16 =	vadd.f32 v17, v16  }
0x51a: {  	v25 =	vpop (erf);
	v17 =	vadd.f32 $1.000000000e+00, v18;
	v15 =	vmul.f32 v15, v21  }
0x51b: {  	v18 =	vpop (erf);
	v16 =	vmul.f32 $1.442695020e+00, v16  }
0x51c: {  	(erf) = vrcp.f32 v17;
	v21 =	vpop (erf);
	v15 =	vadd.f32 v15, v23  }
0x51d: {  	v17 =	vadd.f32 $1.000000000e+00, v21;
	(erf) = vpow2.f32 v16  }
0x51e: {  	v15 =	vmul.f32 $1.442695020e+00, v15  }
0x51f: {  	(erf) = vrcp.f32 v17  }
0x520: {  	(erf) = vpow2.f32 v15;
	_ =	sdelay $0x4  }
0x521: {  	v15 =	vpop (erf)  }
0x522: {  	v16 =	vpop (erf)  }
0x523: {  	v16 =	vadd.f32 $1.000000000e+00, v16  }
0x524: {  	v17 =	vpop (erf)  }
0x525: {  	v21 =	vpop (erf);
	(erf) = vrcp.f32 v16  }
0x526: {  	v16 =	vadd.f32 $1.000000000e+00, v21;
	_ =	sdelay $0x1  }
0x527: {  	v13 =	vld.idx.msk [tilespmem:v13+s31+$0x0], $0xffff;
	(erf) = vrcp.f32 v16;
	_ =	sdelay $0x1  }
0x528: {  	v14 =	vld.idx.msk [tilespmem:v14+s31+$0x0], $0xffff;
	_ =	sdelay $0x2  }
0x529: {  	vm7 =	vgt.f32 v15, v13;
	v16 =	vld.idx.msk [tilespmem:v20+s31+$0x0], $0xffff  }
0x52a: {  	v13 =	vld.idx.msk [tilespmem:v19+s31+$0x0], $0xffff;
	[tilespmem:s12+$0xFFFFFFB0] =	vst v15;
	v15 =	vsel vm7, $0x1, v0;
	v19 =	vpop (erf)  }
0x52b: {  	[tilespmem:s13+$0xFFFFFFB0] =	vst v15;
	vm8 =	vgt.f32 v19, v14  }
0x52c: {  	[tilespmem:s12+$0xFFFFFFE8] =	vst v19;
	v14 =	vsel vm8, $0x1, v0  }
0x52d: {  	v15 =	vpop (erf);
	[tilespmem:s13+$0xFFFFFFE8] =	vst v14  }
0x52e: {  	[tilespmem:s12+$0x20] =	vst v17;
	vm9 =	vgt.f32 v15, v16;
	v14 =	vld [tilespmem:s8+$0xFFFFFFEA]  }
0x52f: {  	vm10 =	vgt.f32 v17, v13;
	[tilespmem:s12+$0x58] =	vst v15;
	v15 =	vsel vm9, $0x1, v0  }
0x530: {  	v13 =	vsel vm10, $0x1, v0;
	[tilespmem:s13+$0x58] =	vst v15  }
0x531: {  	[tilespmem:s13+$0x20] =	vst v13;
	v15 =	vld [tilespmem:s8+$0x5A]  }
0x532: {  	v13 =	vld [tilespmem:s8+$0x22]  }
0x533: {  	v19 =	vld [tilespmem:s7+$0x22]  }
0x534: {  	v16 =	vld [tilespmem:s8+$0xFFFFFFB2]  }
0x535: {  	v20 =	vld [tilespmem:s7+$0xFFFFFFEA]  }
0x536: {  	v23 =	vld.idx.msk [tilespmem:v14+s24+$0x0], $0xffff  }
0x537: {  	v21 =	vld [tilespmem:s7+$0x5A]  }
0x538: {  	v26 =	vld.idx.msk [tilespmem:v14+s30+$0x0], $0xffff  }
0x539: {  	v27 =	vld.idx.msk [tilespmem:v15+s24+$0x0], $0xffff  }
0x53a: {  	v29 =	vld.idx.msk [tilespmem:v13+s24+$0x0], $0xffff  }
0x53b: {  	v28 =	vld.idx.msk [tilespmem:v15+s30+$0x0], $0xffff;
	v20 =	vmul.f32 v20, v23  }
0x53c: {  	v17 =	vld [tilespmem:s7+$0xFFFFFFB2]  }
0x53d: {  	v30 =	vld.idx.msk [tilespmem:v13+s30+$0x0], $0xffff;
	v20 =	vadd.f32 v20, v26  }
0x53e: {  	v23 =	vld.idx.msk [tilespmem:v16+s24+$0x0], $0xffff;
	v21 =	vmul.f32 v21, v27  }
0x53f: {  	v20 =	vmul.f32 $1.442695020e+00, v20  }
0x540: {  	v19 =	vmul.f32 v19, v29;
	v26 =	vld.idx.msk [tilespmem:v16+s30+$0x0], $0xffff;
	v21 =	vadd.f32 v21, v28  }
0x541: {  	(erf) = vpow2.f32 v20  }
0x542: {  	v19 =	vadd.f32 v19, v30;
	v20 =	vmul.f32 $1.442695020e+00, v21  }
0x543: {  	v17 =	vmul.f32 v17, v23  }
0x544: {  	v19 =	vmul.f32 $1.442695020e+00, v19;
	(erf) = vpow2.f32 v20  }
0x545: {  	v17 =	vadd.f32 v17, v26  }
0x546: {  	(erf) = vpow2.f32 v19  }
0x547: {  	v17 =	vmul.f32 $1.442695020e+00, v17;
	_ =	sdelay $0x1  }
0x548: {  	(erf) = vpow2.f32 v17  }
0x549: {  	[tilespmem:s26+$0xFFFFFFEA] =	vst v5;
	vm11 =	vgt.f32 v5, v3;
	v5 =	vpop (erf)  }
0x54a: {  	v5 =	vadd.f32 $1.000000000e+00, v5;
	_ =	sdelay $0x1  }
0x54b: {  	[tilespmem:s26+$0x5A] =	vst v2;
	v3 =	vsel vm11, $0x1, v0;
	vm13 =	vgt.f32 v2, v1;
	v1 =	vpop (erf)  }
0x54c: {  	[tilespmem:s2+$0xFFFFFFEA] =	vst v3;
	vm14 =	vgt.f32 v4, v8;
	v3 =	vld.idx.msk [tilespmem:v12+s31+$0x0], $0xffff;
	v1 =	vadd.f32 $1.000000000e+00, v1  }
0x54d: {  	[tilespmem:s26+$0xFFFFFFB2] =	vst v4;
	v2 =	vsel vm14, $0x1, v0;
	v4 =	vld.idx.msk [tilespmem:v11+s31+$0x0], $0xffff;
	(erf) = vrcp.f32 v5;
	v5 =	vpop (erf)  }
0x54e: {  	vm12 =	vgt.f32 v7, v9;
	[tilespmem:s2+$0xFFFFFFB2] =	vst v2;
	v2 =	vadd.f32 $1.000000000e+00, v5;
	v5 =	vld.idx.msk [tilespmem:v6+s31+$0x0], $0xffff  }
0x54f: {  	[tilespmem:s26+$0x22] =	vst v7;
	v7 =	vsel vm12, $0x1, v0  }
0x550: {  	[tilespmem:s2+$0x22] =	vst v7;
	v7 =	vsel vm13, $0x1, v0;
	(erf) = vrcp.f32 v1;
	v1 =	vpop (erf)  }
0x551: {  	[tilespmem:s2+$0x5A] =	vst v7;
	vm15 =	vgt.f32 v22, v3;
	v3 =	vld.idx.msk [tilespmem:v10+s31+$0x0], $0xffff;
	v1 =	vadd.f32 $1.000000000e+00, v1  }
0x552: {  	[tilespmem:s5+$0xFFFFFFEA] =	vst v22;
	vm4 =	vgt.f32 v25, v4;
	(erf) = vrcp.f32 v2  }
0x553: {  	[tilespmem:s5+$0x22] =	vst v25;
	v2 =	vld.idx.msk [tilespmem:v14+s31+$0x0], $0xffff;
	(erf) = vrcp.f32 v1;
	v1 =	vsel vm4, $0x1, v0;
	vm5 =	vgt.f32 v18, v5  }
0x554: {  	[tilespmem:s6+$0x22] =	vst v1;
	v1 =	vsel vm5, $0x1, v0  }
0x555: {  	[tilespmem:s5+$0x5A] =	vst v24  }
0x556: {  	vm6 =	vgt.f32 v24, v3;
	[tilespmem:s5+$0xFFFFFFB2] =	vst v18  }
0x557: {  	v4 =	vsel vm6, $0x1, v0;
	[tilespmem:s6+$0xFFFFFFB2] =	vst v1;
	v1 =	vpop (erf)  }
0x558: {  	[tilespmem:s6+$0x5A] =	vst v4;
	v3 =	vld.idx.msk [tilespmem:v13+s31+$0x0], $0xffff;
	v6 =	vsel vm15, $0x1, v0;
	vm7 =	vgt.f32 v1, v2  }
0x559: {  	[tilespmem:s6+$0xFFFFFFEA] =	vst v6;
	v2 =	vld.idx.msk [tilespmem:v15+s31+$0x0], $0xffff;
	v5 =	vsel vm7, $0x1, v0  }
0x55a: {  	v4 =	vld.idx.msk [tilespmem:v16+s31+$0x0], $0xffff;
	[tilespmem:s12+$0xFFFFFFEA] =	vst v1;
	v1 =	vpop (erf)  }
0x55b: {  	[tilespmem:s12+$0x5A] =	vst v1  }
0x55c: {  	[tilespmem:s13+$0xFFFFFFEA] =	vst v5;
	v5 =	vpop (erf)  }
0x55d: {  	vm8 =	vgt.f32 v5, v3;
	[tilespmem:s12+$0x22] =	vst v5;
	v5 =	vpop (erf)  }
0x55e: {  	vm10 =	vgt.f32 v1, v2;
	v3 =	vsel vm8, $0x1, v0;
	[tilespmem:s12+$0xFFFFFFB2] =	vst v5  }
0x55f: {  	vm9 =	vgt.f32 v5, v4;
	v2 =	vsel vm10, $0x1, v0;
	[tilespmem:s13+$0x22] =	vst v3  }
0x560: {  	v1 =	vsel vm9, $0x1, v0;
	[tilespmem:s13+$0x5A] =	vst v2  }
0x561: {  	[tilespmem:s13+$0xFFFFFFB2] =	vst v1  }
0x562: {  	_ =	swait.ge [sflag:s23], $0x1C00  }
0x563: {  	[sflag:s23] =	ssyncset.done $0x0  }
0x564: {  	[sflag:s23] =	ssyncadd.s32 $0xFFFFE400  }
0x565: {  	_ =	swait.ge [sflag:s23], $0x1C00  }
0x566: {  	[sflag:s23] =	ssyncset.done $0x0  }
0x567: {  	s6 =	simm.s32 $0x7000;
	[sflag:s23] =	ssyncadd.s32 $0xFFFFE400  }
0x568: {  	[hbm4b:s16+s21] =	stream.strided.scatter [tilespmem:s6], [sflag:$0x3], $0x1C00, s22, s21, $0x38;
	[tilespmem:$0xE280] =	vst v63  }
0x569: {  	s7 =	simm.s32 $0xA800  }
0x56a: {  	[hbm4b:s17+s21] =	stream.strided.scatter [tilespmem:s7], [sflag:$0x3], $0x1C00, s22, s21, $0x38;
	[tilespmem:$0xE280] =	vst v63  }
0x56b: {  	_ =	swait.ge [sflag:s1], $0x1C00  }
0x56c: {  	[sflag:s1] =	ssyncset.done $0x0  }
0x56d: {  	[sflag:s1] =	ssyncadd.s32 $0xFFFFE400  }
0x56e: {  	_ =	swait.ge [sflag:s1], $0x1C00  }
0x56f: {  	[sflag:s1] =	ssyncset.done $0x0  }
0x570: {  	s8 =	simm.s32 $0x1CCA;
	[sflag:s1] =	ssyncadd.s32 $0xFFFFE400  }
0x571: {  	v1 =	vld [tilespmem:s8+$0xFFFFFF36];
	_ =	sdelay $0x3  }
0x572: {  	s13 =	simm.s32 $0x54CA  }
0x573: {  	v2 =	vld [tilespmem:s13+$0xFFFFFF36]  }
0x574: {  	v3 =	vld [tilespmem:s8+$0xFFFFFFDE]  }
0x575: {  	v5 =	vld [tilespmem:s8+$0xFFFFFFA6]  }
0x576: {  	v4 =	vld.idx.msk [tilespmem:v1+s24+$0x0], $0xffff  }
0x577: {  	v7 =	vld [tilespmem:s8+$0xFFFFFF6E]  }
0x578: {  	v6 =	vld.idx.msk [tilespmem:v1+s30+$0x0], $0xffff;
	_ =	sdelay $0x1  }
0x579: {  	v8 =	vld [tilespmem:s13+$0xFFFFFF6E]  }
0x57a: {  	v9 =	vld [tilespmem:s13+$0xFFFFFFDE];
	v2 =	vmul.f32 v2, v4  }
0x57b: {  	v10 =	vld.idx.msk [tilespmem:v3+s24+$0x0], $0xffff  }
0x57c: {  	v11 =	vld.idx.msk [tilespmem:v5+s24+$0x0], $0xffff;
	v2 =	vadd.f32 v2, v6  }
0x57d: {  	v4 =	vld [tilespmem:s13+$0xFFFFFFA6]  }
0x57e: {  	v6 =	vld.idx.msk [tilespmem:v3+s30+$0x0], $0xffff;
	v2 =	vmul.f32 $1.442695020e+00, v2  }
0x57f: {  	v12 =	vld.idx.msk [tilespmem:v7+s24+$0x0], $0xffff  }
0x580: {  	(erf) = vpow2.f32 v2;
	v2 =	vld.idx.msk [tilespmem:v5+s30+$0x0], $0xffff  }
0x581: {  	v9 =	vmul.f32 v9, v10  }
0x582: {  	v13 =	vld.idx.msk [tilespmem:v7+s30+$0x0], $0xffff  }
0x583: {  	v4 =	vmul.f32 v4, v11;
	v6 =	vadd.f32 v9, v6;
	_ =	sdelay $0x1  }
0x584: {  	v8 =	vmul.f32 v8, v12;
	v2 =	vadd.f32 v4, v2;
	v4 =	vmul.f32 $1.442695020e+00, v6;
	_ =	sdelay $0x1  }
0x585: {  	v6 =	vadd.f32 v8, v13  }
0x586: {  	v2 =	vmul.f32 $1.442695020e+00, v2  }
0x587: {  	v6 =	vmul.f32 $1.442695020e+00, v6;
	(erf) = vpow2.f32 v4;
	v4 =	vpop (erf)  }
0x588: {  	(erf) = vpow2.f32 v2;
	v2 =	vadd.f32 $1.000000000e+00, v4  }
0x589: {  	(erf) = vpow2.f32 v6  }
0x58a: {  	(erf) = vrcp.f32 v2;
	_ =	sdelay $0x4  }
0x58b: {  	v1 =	vld.idx.msk [tilespmem:v1+s31+$0x0], $0xffff  }
0x58c: {  	v2 =	vpop (erf)  }
0x58d: {  	v4 =	vpop (erf)  }
0x58e: {  	v6 =	vpop (erf)  }
0x58f: {  	v8 =	vpop (erf)  }
0x590: {  	s26 =	simm.s32 $0x8CCA;
	v2 =	vadd.f32 $1.000000000e+00, v2;
	vm11 =	vgt.f32 v8, v1  }
0x591: {  	s2 =	simm.s32 $0xC4CA;
	v1 =	vadd.f32 $1.000000000e+00, v4;
	[tilespmem:s26+$0xFFFFFF36] =	vst v8;
	v4 =	vsel vm11, $0x1, v0  }
0x592: {  	(erf) = vrcp.f32 v2;
	[tilespmem:s2+$0xFFFFFF36] =	vst v4  }
0x593: {  	(erf) = vrcp.f32 v1;
	v1 =	vld [tilespmem:s8+$0xFFFFFF46];
	_ =	sdelay $0x3  }
0x594: {  	v2 =	vadd.f32 $1.000000000e+00, v6  }
0x595: {  	v4 =	vld.idx.msk [tilespmem:v5+s31+$0x0], $0xffff  }
0x596: {  	(erf) = vrcp.f32 v2  }
0x597: {  	v2 =	vld [tilespmem:s13+$0xFFFFFF46]  }
0x598: {  	v5 =	vpop (erf);
	v6 =	vld.idx.msk [tilespmem:v1+s24+$0x0], $0xffff  }
0x599: {  	v8 =	vpop (erf)  }
0x59a: {  	vm12 =	vgt.f32 v8, v4;
	v4 =	vld.idx.msk [tilespmem:v1+s30+$0x0], $0xffff  }
0x59b: {  	v7 =	vld.idx.msk [tilespmem:v7+s31+$0x0], $0xffff;
	[tilespmem:s26+$0xFFFFFFA6] =	vst v8;
	v8 =	vsel vm12, $0x1, v0  }
0x59c: {  	[tilespmem:s2+$0xFFFFFFA6] =	vst v8  }
0x59d: {  	v8 =	vld [tilespmem:s8+$0xFFFFFFB6];
	v2 =	vmul.f32 v2, v6  }
0x59e: {  	v3 =	vld.idx.msk [tilespmem:v3+s31+$0x0], $0xffff  }
0x59f: {  	v6 =	vpop (erf);
	v2 =	vadd.f32 v2, v4  }
0x5a0: {  	vm13 =	vgt.f32 v6, v7  }
0x5a1: {  	[tilespmem:s26+$0xFFFFFF6E] =	vst v6;
	v4 =	vsel vm13, $0x1, v0;
	v2 =	vmul.f32 $1.442695020e+00, v2  }
0x5a2: {  	[tilespmem:s2+$0xFFFFFF6E] =	vst v4  }
0x5a3: {  	vm14 =	vgt.f32 v5, v3;
	v3 =	vld [tilespmem:s8+$0xFFFFFF7E];
	(erf) = vpow2.f32 v2  }
0x5a4: {  	[tilespmem:s26+$0xFFFFFFDE] =	vst v5;
	v4 =	vld [tilespmem:s13+$0xFFFFFFB6];
	v2 =	vsel vm14, $0x1, v0  }
0x5a5: {  	[tilespmem:s2+$0xFFFFFFDE] =	vst v2;
	v2 =	vld.idx.msk [tilespmem:v8+s24+$0x0], $0xffff  }
0x5a6: {  	v6 =	vld [tilespmem:s8+$0xFFFFFFEE]  }
0x5a7: {  	v5 =	vld.idx.msk [tilespmem:v8+s30+$0x0], $0xffff;
	_ =	sdelay $0x2  }
0x5a8: {  	v2 =	vmul.f32 v4, v2;
	v4 =	vld [tilespmem:s13+$0xFFFFFF7E]  }
0x5a9: {  	s4 =	simm.s32 $0x1DAA;
	v7 =	vld.idx.msk [tilespmem:v3+s24+$0x0], $0xffff  }
0x5aa: {  	v13 =	vld [tilespmem:s4+$0xFFFFFFDE];
	v2 =	vadd.f32 v2, v5;
	v9 =	vpop (erf)  }
0x5ab: {  	v10 =	vld.idx.msk [tilespmem:v3+s30+$0x0], $0xffff;
	v9 =	vadd.f32 $1.000000000e+00, v9  }
0x5ac: {  	v2 =	vmul.f32 $1.442695020e+00, v2;
	v11 =	vld.idx.msk [tilespmem:v6+s24+$0x0], $0xffff  }
0x5ad: {  	(erf) = vrcp.f32 v9;
	v9 =	vld [tilespmem:s13+$0xFFFFFFEE]  }
0x5ae: {  	s28 =	simm.s32 $0x55AA;
	v4 =	vmul.f32 v4, v7;
	(erf) = vpow2.f32 v2;
	v2 =	vld [tilespmem:s4+$0xFFFFFF36]  }
0x5af: {  	v14 =	vld [tilespmem:s28+$0xFFFFFF36]  }
0x5b0: {  	v7 =	vld.idx.msk [tilespmem:v6+s30+$0x0], $0xffff;
	v4 =	vadd.f32 v4, v10  }
0x5b1: {  	v12 =	vld [tilespmem:s28+$0xFFFFFFA6]  }
0x5b2: {  	v18 =	vld.idx.msk [tilespmem:v13+s30+$0x0], $0xffff;
	v4 =	vmul.f32 $1.442695020e+00, v4;
	v9 =	vmul.f32 v9, v11  }
0x5b3: {  	v10 =	vld [tilespmem:s4+$0xFFFFFFA6]  }
0x5b4: {  	v1 =	vld.idx.msk [tilespmem:v1+s31+$0x0], $0xffff;
	(erf) = vpow2.f32 v4  }
0x5b5: {  	v4 =	vadd.f32 v9, v7;
	v7 =	vld [tilespmem:s4+$0xFFFFFF6E]  }
0x5b6: {  	v9 =	vpop (erf);
	v15 =	vld.idx.msk [tilespmem:v2+s24+$0x0], $0xffff  }
0x5b7: {  	v5 =	vld [tilespmem:s28+$0xFFFFFF6E];
	v4 =	vmul.f32 $1.442695020e+00, v4;
	v16 =	vpop (erf)  }
0x5b8: {  	v17 =	vld.idx.msk [tilespmem:v2+s30+$0x0], $0xffff;
	v16 =	vadd.f32 $1.000000000e+00, v16  }
0x5b9: {  	v11 =	vld [tilespmem:s28+$0xFFFFFFDE];
	(erf) = vpow2.f32 v4  }
0x5ba: {  	(erf) = vrcp.f32 v16;
	v16 =	vld.idx.msk [tilespmem:v13+s24+$0x0], $0xffff  }
0x5bb: {  	v14 =	vmul.f32 v14, v15;
	v15 =	vld.idx.msk [tilespmem:v10+s24+$0x0], $0xffff  }
0x5bc: {  	v4 =	vld.idx.msk [tilespmem:v10+s30+$0x0], $0xffff  }
0x5bd: {  	vm15 =	vgt.f32 v9, v1;
	v19 =	vpop (erf);
	v1 =	vld.idx.msk [tilespmem:v7+s24+$0x0], $0xffff;
	v14 =	vadd.f32 v14, v17  }
0x5be: {  	v8 =	vld.idx.msk [tilespmem:v8+s31+$0x0], $0xffff;
	[tilespmem:s26+$0xFFFFFF46] =	vst v9;
	v9 =	vsel vm15, $0x1, v0;
	v17 =	vadd.f32 $1.000000000e+00, v19  }
0x5bf: {  	[tilespmem:s2+$0xFFFFFF46] =	vst v9;
	v9 =	vld.idx.msk [tilespmem:v7+s30+$0x0], $0xffff;
	v11 =	vmul.f32 v11, v16;
	v14 =	vmul.f32 $1.442695020e+00, v14  }
0x5c0: {  	(erf) = vrcp.f32 v17;
	v12 =	vmul.f32 v12, v15  }
0x5c1: {  	v15 =	vld [tilespmem:s8+$0xFFFFFF56];
	v11 =	vadd.f32 v11, v18;
	(erf) = vpow2.f32 v14  }
0x5c2: {  	s12 =	simm.s32 $0x568A;
	v16 =	vpop (erf);
	v1 =	vmul.f32 v5, v1;
	v4 =	vadd.f32 v12, v4  }
0x5c3: {  	v23 =	vld [tilespmem:s12+$0xFFFFFF36];
	v5 =	vpop (erf);
	v11 =	vmul.f32 $1.442695020e+00, v11  }
0x5c4: {  	v3 =	vld.idx.msk [tilespmem:v3+s31+$0x0], $0xffff;
	v1 =	vadd.f32 v1, v9;
	vm4 =	vgt.f32 v5, v8;
	v4 =	vmul.f32 $1.442695020e+00, v4  }
0x5c5: {  	v6 =	vld.idx.msk [tilespmem:v6+s31+$0x0], $0xffff;
	v9 =	vadd.f32 $1.000000000e+00, v16;
	[tilespmem:s26+$0xFFFFFFB6] =	vst v5;
	v8 =	vsel vm4, $0x1, v0;
	(erf) = vpow2.f32 v11  }
0x5c6: {  	v10 =	vld.idx.msk [tilespmem:v10+s31+$0x0], $0xffff;
	v1 =	vmul.f32 $1.442695020e+00, v1;
	[tilespmem:s2+$0xFFFFFFB6] =	vst v8;
	(erf) = vpow2.f32 v4  }
0x5c7: {  	v11 =	vld [tilespmem:s8+$0xFFFFFFC6];
	(erf) = vrcp.f32 v9  }
0x5c8: {  	v4 =	vld [tilespmem:s13+$0xFFFFFF56];
	(erf) = vpow2.f32 v1  }
0x5c9: {  	v1 =	vld.idx.msk [tilespmem:v15+s24+$0x0], $0xffff;
	v8 =	vpop (erf)  }
0x5ca: {  	v7 =	vld.idx.msk [tilespmem:v7+s31+$0x0], $0xffff;
	v9 =	vpop (erf)  }
0x5cb: {  	v12 =	vld.idx.msk [tilespmem:v15+s30+$0x0], $0xffff;
	v9 =	vadd.f32 $1.000000000e+00, v9  }
0x5cc: {  	v14 =	vld.idx.msk [tilespmem:v15+s31+$0x0], $0xffff;
	vm5 =	vgt.f32 v8, v3  }
0x5cd: {  	v15 =	vld.idx.msk [tilespmem:v2+s31+$0x0], $0xffff;
	[tilespmem:s26+$0xFFFFFF7E] =	vst v8;
	v8 =	vsel vm5, $0x1, v0;
	(erf) = vrcp.f32 v9  }
0x5ce: {  	v2 =	vld [tilespmem:s13+$0xFFFFFFC6];
	v1 =	vmul.f32 v4, v1;
	v3 =	vpop (erf)  }
0x5cf: {  	[tilespmem:s2+$0xFFFFFF7E] =	vst v8;
	v9 =	vld.idx.msk [tilespmem:v11+s24+$0x0], $0xffff;
	v16 =	vpop (erf)  }
0x5d0: {  	v17 =	vld [tilespmem:s8+$0xFFFFFF8E];
	v3 =	vadd.f32 $1.000000000e+00, v3;
	v1 =	vadd.f32 v1, v12;
	v8 =	vpop (erf)  }
0x5d1: {  	v4 =	vld.idx.msk [tilespmem:v11+s30+$0x0], $0xffff;
	v16 =	vadd.f32 $1.000000000e+00, v16;
	v18 =	vpop (erf);
	vm6 =	vgt.f32 v8, v6  }
0x5d2: {  	v5 =	vld [tilespmem:s12+$0xFFFFFF6E];
	(erf) = vrcp.f32 v3;
	v1 =	vmul.f32 $1.442695020e+00, v1;
	v3 =	vadd.f32 $1.000000000e+00, v18  }
0x5d3: {  	v6 =	vld.idx.msk [tilespmem:v13+s31+$0x0], $0xffff;
	[tilespmem:s26+$0xFFFFFFEE] =	vst v8;
	v12 =	vsel vm6, $0x1, v0;
	(erf) = vrcp.f32 v16  }
0x5d4: {  	v8 =	vld [tilespmem:s13+$0xFFFFFF8E];
	[tilespmem:s2+$0xFFFFFFEE] =	vst v12;
	(erf) = vrcp.f32 v3;
	v3 =	vmul.f32 v2, v9  }
0x5d5: {  	v9 =	vld [tilespmem:s8+$0xFFFFFFFE]  }
0x5d6: {  	v13 =	vld [tilespmem:s12+$0xFFFFFFA6];
	(erf) = vpow2.f32 v1;
	v1 =	vpop (erf);
	v3 =	vadd.f32 v3, v4  }
0x5d7: {  	s10 =	simm.s32 $0x8DAA;
	v2 =	vld [tilespmem:s12+$0xFFFFFFDE];
	vm7 =	vgt.f32 v1, v15  }
0x5d8: {  	s9 =	simm.s32 $0xC5AA;
	v4 =	vld.idx.msk [tilespmem:v17+s24+$0x0], $0xffff;
	[tilespmem:s10+$0xFFFFFF36] =	vst v1;
	v1 =	vsel vm7, $0x1, v0;
	v3 =	vmul.f32 $1.442695020e+00, v3  }
0x5d9: {  	[tilespmem:s9+$0xFFFFFF36] =	vst v1;
	v1 =	vld.idx.msk [tilespmem:v17+s30+$0x0], $0xffff  }
0x5da: {  	v16 =	vld [tilespmem:s4+$0xFFFFFF46];
	(erf) = vpow2.f32 v3  }
0x5db: {  	v12 =	vld [tilespmem:s13+$0xFFFFFFFE]  }
0x5dc: {  	v17 =	vld.idx.msk [tilespmem:v17+s31+$0x0], $0xffff;
	v3 =	vpop (erf)  }
0x5dd: {  	v20 =	vmul.f32 v8, v4;
	v15 =	vld.idx.msk [tilespmem:v9+s24+$0x0], $0xffff;
	vm8 =	vgt.f32 v3, v6;
	v6 =	vpop (erf)  }
0x5de: {  	v19 =	vld.idx.msk [tilespmem:v9+s30+$0x0], $0xffff;
	[tilespmem:s10+$0xFFFFFFDE] =	vst v3;
	v3 =	vsel vm8, $0x1, v0;
	v18 =	vpop (erf)  }
0x5df: {  	v1 =	vadd.f32 v20, v1;
	[tilespmem:s9+$0xFFFFFFDE] =	vst v3;
	v3 =	vld [tilespmem:s28+$0xFFFFFF46];
	v4 =	vpop (erf)  }
0x5e0: {  	s11 =	simm.s32 $0x1E8A;
	vm9 =	vgt.f32 v18, v7;
	v8 =	vld [tilespmem:s4+$0xFFFFFFEE];
	v21 =	vadd.f32 $1.000000000e+00, v4  }
0x5e1: {  	[tilespmem:s10+$0xFFFFFF6E] =	vst v18;
	v4 =	vld [tilespmem:s11+$0xFFFFFFA6];
	v7 =	vsel vm9, $0x1, v0;
	v1 =	vmul.f32 $1.442695020e+00, v1  }
0x5e2: {  	vm10 =	vgt.f32 v6, v10;
	v10 =	vmul.f32 v12, v15;
	[tilespmem:s9+$0xFFFFFF6E] =	vst v7;
	(erf) = vrcp.f32 v21;
	v18 =	vld.idx.msk [tilespmem:v16+s24+$0x0], $0xffff  }
0x5e3: {  	[tilespmem:s10+$0xFFFFFFA6] =	vst v6;
	v6 =	vld [tilespmem:s4+$0xFFFFFF7E];
	v15 =	vpop (erf);
	(erf) = vpow2.f32 v1  }
0x5e4: {  	v7 =	vld.idx.msk [tilespmem:v16+s30+$0x0], $0xffff;
	v10 =	vadd.f32 v10, v19  }
0x5e5: {  	v12 =	vsel vm10, $0x1, v0;
	v25 =	vld.idx.msk [tilespmem:v16+s31+$0x0], $0xffff;
	v15 =	vadd.f32 $1.000000000e+00, v15  }
0x5e6: {  	[tilespmem:s9+$0xFFFFFFA6] =	vst v12;
	v19 =	vld [tilespmem:s28+$0xFFFFFF7E];
	v1 =	vmul.f32 $1.442695020e+00, v10  }
0x5e7: {  	v20 =	vld [tilespmem:s4+$0xFFFFFFB6];
	(erf) = vrcp.f32 v15  }
0x5e8: {  	v10 =	vld [tilespmem:s11+$0xFFFFFF36];
	(erf) = vpow2.f32 v1;
	v1 =	vmul.f32 v3, v18  }
0x5e9: {  	v18 =	vld [tilespmem:s28+$0xFFFFFFB6]  }
0x5ea: {  	v3 =	vld.idx.msk [tilespmem:v11+s31+$0x0], $0xffff;
	v1 =	vadd.f32 v1, v7  }
0x5eb: {  	v11 =	vld.idx.msk [tilespmem:v6+s31+$0x0], $0xffff;
	v12 =	vpop (erf)  }
0x5ec: {  	v22 =	vld.idx.msk [tilespmem:v6+s30+$0x0], $0xffff;
	v1 =	vmul.f32 $1.442695020e+00, v1;
	v15 =	vpop (erf)  }
0x5ed: {  	vm11 =	vgt.f32 v12, v14;
	v14 =	vld.idx.msk [tilespmem:v6+s24+$0x0], $0xffff;
	v6 =	vadd.f32 $1.000000000e+00, v15  }
0x5ee: {  	v21 =	vld.idx.msk [tilespmem:v8+s24+$0x0], $0xffff;
	(erf) = vpow2.f32 v1  }
0x5ef: {  	v27 =	vld.idx.msk [tilespmem:v8+s30+$0x0], $0xffff;
	(erf) = vrcp.f32 v6  }
0x5f0: {  	v63 =	vld.idx.msk [tilespmem:v4+s24+$0x0], $0xffff;
	v15 =	vpop (erf)  }
0x5f1: {  	v6 =	vld.idx.msk [tilespmem:v20+s24+$0x0], $0xffff;
	vm12 =	vgt.f32 v15, v3;
	[tilespmem:s26+$0xFFFFFFC6] =	vst v15;
	v15 =	vpop (erf)  }
0x5f2: {  	v7 =	vld [tilespmem:s11+$0xFFFFFFDE];
	v15 =	vadd.f32 $1.000000000e+00, v15  }
0x5f3: {  	v24 =	vld.idx.msk [tilespmem:v20+s30+$0x0], $0xffff  }
0x5f4: {  	v16 =	vld.idx.msk [tilespmem:v20+s31+$0x0], $0xffff;
	[tilespmem:s26+$0xFFFFFF56] =	vst v12;
	v12 =	vsel vm11, $0x1, v0;
	(erf) = vrcp.f32 v15  }
0x5f5: {  	v31 =	vld.idx.msk [tilespmem:v10+s30+$0x0], $0xffff;
	[tilespmem:s2+$0xFFFFFF56] =	vst v12  }
0x5f6: {  	v1 =	vld [tilespmem:s8+$0xFFFFFF58];
	v6 =	vmul.f32 v18, v6  }
0x5f7: {  	v20 =	vld.idx.msk [tilespmem:v9+s31+$0x0], $0xffff;
	v18 =	vpop (erf)  }
0x5f8: {  	v9 =	vld [tilespmem:s11+$0xFFFFFF6E];
	v6 =	vadd.f32 v6, v24;
	v26 =	vpop (erf)  }
0x5f9: {  	v12 =	vld [tilespmem:s13+$0xFFFFFF58];
	v14 =	vmul.f32 v19, v14;
	vm13 =	vgt.f32 v26, v17;
	v17 =	vadd.f32 $1.000000000e+00, v18  }
0x5fa: {  	v3 =	vsel vm12, $0x1, v0;
	v24 =	vld [tilespmem:s28+$0xFFFFFFEE];
	v19 =	vmul.f32 $1.442695020e+00, v6  }
0x5fb: {  	v28 =	vld.idx.msk [tilespmem:v7+s30+$0x0], $0xffff;
	[tilespmem:s2+$0xFFFFFFC6] =	vst v3;
	v14 =	vadd.f32 v14, v22;
	(erf) = vrcp.f32 v17  }
0x5fc: {  	v29 =	vld.idx.msk [tilespmem:v7+s24+$0x0], $0xffff;
	[tilespmem:s26+$0xFFFFFF8E] =	vst v26;
	v26 =	vsel vm13, $0x1, v0;
	(erf) = vpow2.f32 v19  }
0x5fd: {  	v3 =	vld [tilespmem:s8+$0xFFFFFFC8];
	v14 =	vmul.f32 $1.442695020e+00, v14;
	[tilespmem:s2+$0xFFFFFF8E] =	vst v26;
	v17 =	vpop (erf)  }
0x5fe: {  	v6 =	vld [tilespmem:s8+$0xFFFFFF90];
	vm14 =	vgt.f32 v17, v20  }
0x5ff: {  	v15 =	vld [tilespmem:s13+$0xFFFFFFC8];
	(erf) = vpow2.f32 v14;
	v14 =	vmul.f32 v24, v21;
	[tilespmem:s26+$0xFFFFFFFE] =	vst v17;
	v17 =	vsel vm14, $0x1, v0  }
0x600: {  	v22 =	vld.idx.msk [tilespmem:v9+s24+$0x0], $0xffff;
	[tilespmem:s2+$0xFFFFFFFE] =	vst v17  }
0x601: {  	v14 =	vadd.f32 v14, v27;
	v20 =	vld [tilespmem:s8+$0x0]  }
0x602: {  	v26 =	vld.idx.msk [tilespmem:v10+s24+$0x0], $0xffff  }
0x603: {  	v18 =	vld.idx.msk [tilespmem:v4+s30+$0x0], $0xffff;
	v14 =	vmul.f32 $1.442695020e+00, v14  }
0x604: {  	v19 =	vld [tilespmem:s13+$0xFFFFFF90];
	v27 =	vpop (erf)  }
0x605: {  	v17 =	vld [tilespmem:s13+$0x0];
	v21 =	vpop (erf);
	(erf) = vpow2.f32 v14  }
0x606: {  	v24 =	vld.idx.msk [tilespmem:v6+s24+$0x0], $0xffff;
	vm15 =	vgt.f32 v27, v25;
	v25 =	vadd.f32 $1.000000000e+00, v21  }
0x607: {  	v26 =	vmul.f32 v23, v26;
	v23 =	vld.idx.msk [tilespmem:v6+s30+$0x0], $0xffff  }
0x608: {  	v29 =	vmul.f32 v2, v29;
	v21 =	vld.idx.msk [tilespmem:v9+s30+$0x0], $0xffff;
	(erf) = vrcp.f32 v25  }
0x609: {  	s5 =	simm.s32 $0x8DAA;
	s6 =	simm.s32 $0xC5AA;
	v13 =	vmul.f32 v13, v63;
	[tilespmem:s10+$0xFFFFFF46] =	vst v27;
	v14 =	vsel vm15, $0x1, v0;
	v2 =	vld.idx.msk [tilespmem:v20+s31+$0x0], $0xffff  }
0x60a: {  	s7 =	simm.s32 $0x568A;
	s13 =	simm.s32 $0x8;
	s8 =	simm.s32 $0x1E8A;
	v26 =	vadd.f32 v26, v31;
	v27 =	vpop (erf);
	[tilespmem:s9+$0xFFFFFF46] =	vst v14;
	v25 =	vadd.f32 v29, v28;
	v14 =	vld.idx.msk [tilespmem:v20+s24+$0x0], $0xffff  }
.LBB2_8:
0x60b: {  	s13 =	sadd.s32 $0x4, s13;
	v5 =	vmul.f32 v5, v22;
	v13 =	vadd.f32 v13, v18;
	v18 =	vadd.f32 $1.000000000e+00, v27;
	v20 =	vld.idx.msk [tilespmem:v20+s30+$0x0], $0xffff  }
0x60c: {  	v19 =	vmul.f32 v19, v24;
	p0 =	slt.u32 s13, $0x7C;
	v22 =	vmul.f32 $1.442695020e+00, v25;
	v24 =	vld.idx.msk [tilespmem:v3+s24+$0x0], $0xffff  }
0x60d: {  	v25 =	vmul.f32 $1.442695020e+00, v26;
	v5 =	vadd.f32 v5, v21;
	v13 =	vmul.f32 $1.442695020e+00, v13;
	v21 =	vld.idx.msk [tilespmem:v3+s30+$0x0], $0xffff  }
0x60e: {  	(erf) = vrcp.f32 v18;
	v26 =	vpop (erf);
	v18 =	vld.idx.msk [tilespmem:v6+s31+$0x0], $0xffff;
	v6 =	vadd.f32 v19, v23  }
0x60f: {  	v19 =	vmul.f32 $1.442695020e+00, v5;
	(erf) = vpow2.f32 v25;
	v23 =	vld [tilespmem:s4+$0xFFFFFF56];
	v5 =	vadd.f32 $1.000000000e+00, v26  }
0x610: {  	(erf) = vpow2.f32 v22;
	v22 =	vld.idx.msk [tilespmem:v1+s24+$0x0], $0xffff;
	v6 =	vmul.f32 $1.442695020e+00, v6  }
0x611: {  	v14 =	vmul.f32 v17, v14;
	(erf) = vpow2.f32 v13;
	v13 =	vpop (erf);
	v25 =	vld.idx.msk [tilespmem:v1+s30+$0x0], $0xffff  }
0x612: {  	vm0 =	vgt.f32 v13, v16;
	v16 =	vld.idx.msk [tilespmem:v3+s31+$0x0], $0xffff;
	v3 =	vmul.f32 v15, v24;
	(erf) = vpow2.f32 v6  }
0x613: {  	s12 =	sadd.s32 $0xE0, s12;
	[tilespmem:s10+$0xFFFFFFB6] =	vst v13;
	v6 =	vsel vm0, $0x1, v0;
	(erf) = vrcp.f32 v5;
	v15 =	vld.idx.msk [tilespmem:v1+s31+$0x0], $0xffff;
	v13 =	vadd.f32 v14, v20  }
0x614: {  	v5 =	vld [tilespmem:s12+$0xFFFFFF6E];
	(erf) = vpow2.f32 v19;
	[tilespmem:s9+$0xFFFFFFB6] =	vst v6;
	v3 =	vadd.f32 v3, v21  }
0x615: {  	v1 =	vld [tilespmem:s4+$0xFFFFFFC6];
	v19 =	vmul.f32 $1.442695020e+00, v13  }
0x616: {  	v20 =	vmul.f32 v12, v22;
	v13 =	vld [tilespmem:s28+$0xFFFFFF56];
	v3 =	vmul.f32 $1.442695020e+00, v3  }
0x617: {  	v14 =	vld.idx.msk [tilespmem:v23+s24+$0x0], $0xffff;
	v17 =	vpop (erf);
	(erf) = vpow2.f32 v19  }
0x618: {  	v6 =	vpop (erf);
	[tilespmem:s10+$0xFFFFFF7E] =	vst v17;
	vm0 =	vgt.f32 v17, v11;
	v8 =	vld.idx.msk [tilespmem:v8+s31+$0x0], $0xffff;
	v11 =	vadd.f32 v20, v25;
	(erf) = vpow2.f32 v3  }
0x619: {  	v24 =	vadd.f32 $1.000000000e+00, v6;
	v12 =	vpop (erf);
	v17 =	vld.idx.msk [tilespmem:v23+s30+$0x0], $0xffff;
	v19 =	vsel vm0, $0x1, v0  }
0x61a: {  	v20 =	vpop (erf);
	v3 =	vld.idx.msk [tilespmem:v23+s31+$0x0], $0xffff;
	[tilespmem:s9+$0xFFFFFF7E] =	vst v19;
	v22 =	vmul.f32 $1.442695020e+00, v11  }
0x61b: {  	v12 =	vadd.f32 $1.000000000e+00, v12;
	v10 =	vld.idx.msk [tilespmem:v10+s31+$0x0], $0xffff;
	v19 =	vadd.f32 $1.000000000e+00, v20;
	(erf) = vrcp.f32 v24;
	v6 =	vpop (erf)  }
0x61c: {  	v20 =	vld [tilespmem:s28+$0xFFFFFFC6];
	v21 =	vpop (erf);
	v6 =	vadd.f32 $1.000000000e+00, v6;
	(erf) = vpow2.f32 v22  }
0x61d: {  	v11 =	vpop (erf);
	(erf) = vrcp.f32 v12;
	v12 =	vmul.f32 v13, v14;
	v13 =	vld.idx.msk [tilespmem:v1+s24+$0x0], $0xffff  }
0x61e: {  	vm0 =	vgt.f32 v21, v8;
	v14 =	vadd.f32 $1.000000000e+00, v11;
	v22 =	vld.idx.msk [tilespmem:v1+s30+$0x0], $0xffff;
	(erf) = vrcp.f32 v6  }
0x61f: {  	s10 =	sadd.s32 $0xE0, s10;
	(erf) = vrcp.f32 v19;
	v8 =	vadd.f32 v12, v17;
	v6 =	vld [tilespmem:s4+$0xFFFFFF8E];
	v12 =	vsel vm0, $0x1, v0  }
0x620: {  	s9 =	sadd.s32 $0xE0, s9;
	v7 =	vld.idx.msk [tilespmem:v7+s31+$0x0], $0xffff;
	(erf) = vrcp.f32 v14;
	v11 =	vpop (erf)  }
0x621: {  	v17 =	vld.idx.msk [tilespmem:v9+s31+$0x0], $0xffff;
	v8 =	vmul.f32 $1.442695020e+00, v8;
	[tilespmem:s5+$0xFFFFFFEE] =	vst v21;
	v14 =	vadd.f32 $1.000000000e+00, v11;
	v9 =	vpop (erf)  }
0x622: {  	v19 =	vld [tilespmem:s28+$0xFFFFFF8E];
	[tilespmem:s6+$0xFFFFFFEE] =	vst v12;
	v12 =	vadd.f32 $1.000000000e+00, v9  }
0x623: {  	v20 =	vmul.f32 v20, v13;
	v9 =	vld [tilespmem:s4+$0xFFFFFFFE];
	(erf) = vrcp.f32 v14  }
0x624: {  	v13 =	vld [tilespmem:s12+$0xFFFFFFA6];
	v11 =	vpop (erf);
	(erf) = vpow2.f32 v8  }
0x625: {  	v21 =	vadd.f32 v20, v22;
	v14 =	vld [tilespmem:s12+$0xFFFFFFDE];
	vm0 =	vgt.f32 v11, v10;
	v10 =	vpop (erf);
	(erf) = vrcp.f32 v12  }
0x626: {  	[tilespmem:s10+$0xFFFFFF36] =	vst v11;
	v11 =	vsel vm0, $0x1, v0;
	v12 =	vld.idx.msk [tilespmem:v4+s31+$0x0], $0xffff;
	v4 =	vpop (erf);
	v22 =	vadd.f32 $1.000000000e+00, v10  }
0x627: {  	[tilespmem:s10+$0xFFFFFFDE] =	vst v4;
	vm0 =	vgt.f32 v4, v7;
	v4 =	vld.idx.msk [tilespmem:v6+s24+$0x0], $0xffff;
	v7 =	vmul.f32 $1.442695020e+00, v21;
	v8 =	vpop (erf)  }
0x628: {  	[tilespmem:s9+$0xFFFFFF36] =	vst v11;
	v11 =	vsel vm0, $0x1, v0;
	v20 =	vpop (erf);
	v21 =	vld.idx.msk [tilespmem:v6+s30+$0x0], $0xffff;
	vm0 =	vgt.f32 v8, v18;
	(erf) = vrcp.f32 v22  }
0x629: {  	v18 =	vld [tilespmem:s11+$0xFFFFFF46];
	[tilespmem:s9+$0xFFFFFFDE] =	vst v11;
	v10 =	vpop (erf);
	(erf) = vpow2.f32 v7;
	v7 =	vsel vm0, $0x1, v0  }
0x62a: {  	vm0 =	vgt.f32 v10, v17;
	[tilespmem:s10+$0xFFFFFFA6] =	vst v20;
	v11 =	vld [tilespmem:s28+$0xFFFFFFFE]  }
0x62b: {  	s11 =	sadd.s32 $0xE0, s11;
	v17 =	vld.idx.msk [tilespmem:v9+s24+$0x0], $0xffff;
	[tilespmem:s26+$0xFFFFFF90] =	vst v8  }
0x62c: {  	v22 =	vld.idx.msk [tilespmem:v9+s30+$0x0], $0xffff;
	[tilespmem:s2+$0xFFFFFF90] =	vst v7;
	v7 =	vpop (erf)  }
0x62d: {  	v23 =	vld [tilespmem:s7+$0xFFFFFF46];
	[tilespmem:s10+$0xFFFFFF6E] =	vst v10;
	v10 =	vmul.f32 v19, v4;
	v4 =	vpop (erf);
	vm1 =	vgt.f32 v7, v2  }
0x62e: {  	v8 =	vld [tilespmem:s8+$0xFFFFFFEE];
	v19 =	vadd.f32 $1.000000000e+00, v4;
	v24 =	vsel vm1, $0x1, v0;
	v25 =	vpop (erf)  }
0x62f: {  	v26 =	vsel vm0, $0x1, v0;
	vm0 =	vgt.f32 v20, v12;
	v4 =	vld [tilespmem:s11+$0xFFFFFFA6];
	v10 =	vadd.f32 v10, v21;
	[tilespmem:s26+$0x0] =	vst v7  }
0x630: {  	v7 =	vsel vm0, $0x1, v0;
	vm0 =	vgt.f32 v25, v16;
	v2 =	vld [tilespmem:s12+$0xFFFFFF36];
	(erf) = vrcp.f32 v19;
	[tilespmem:s26+$0xFFFFFFC8] =	vst v25  }
0x631: {  	v11 =	vmul.f32 v11, v17;
	v16 =	vsel vm0, $0x1, v0;
	v12 =	vld.idx.msk [tilespmem:v18+s24+$0x0], $0xffff;
	[tilespmem:s9+$0xFFFFFF6E] =	vst v26;
	v10 =	vmul.f32 $1.442695020e+00, v10;
	v17 =	vpop (erf)  }
0x632: {  	v19 =	vld.idx.msk [tilespmem:v18+s30+$0x0], $0xffff;
	v20 =	vpop (erf);
	vm0 =	vgt.f32 v17, v15;
	[tilespmem:s2+$0xFFFFFFC8] =	vst v16  }
0x633: {  	v11 =	vadd.f32 v11, v22;
	v15 =	vld [tilespmem:s8+$0xFFFFFF7E];
	v16 =	vadd.f32 $1.000000000e+00, v20;
	(erf) = vpow2.f32 v10;
	[tilespmem:s26+$0xFFFFFF58] =	vst v17;
	s26 =	smov.u32 s5;
	s5 =	smov.u32 s10  }
0x634: {  	v17 =	vld [tilespmem:s7+$0xFFFFFF7E];
	[tilespmem:s9+$0xFFFFFFA6] =	vst v7;
	v7 =	vsel vm0, $0x1, v0  }
0x635: {  	v11 =	vmul.f32 $1.442695020e+00, v11;
	v20 =	vld [tilespmem:s8+$0xFFFFFFB6];
	(erf) = vrcp.f32 v16;
	[tilespmem:s2+$0xFFFFFF58] =	vst v7  }
0x636: {  	v21 =	vld.idx.msk [tilespmem:v8+s24+$0x0], $0xffff;
	[tilespmem:s2+$0x0] =	vst v24;
	s2 =	smov.u32 s6;
	s6 =	smov.u32 s9  }
0x637: {  	v7 =	vmul.f32 v23, v12;
	v10 =	vld [tilespmem:s11+$0xFFFFFF36];
	(erf) = vpow2.f32 v11  }
0x638: {  	v22 =	vld [tilespmem:s7+$0xFFFFFFB6]  }
0x639: {  	v11 =	vadd.f32 v7, v19;
	v16 =	vld.idx.msk [tilespmem:v1+s31+$0x0], $0xffff;
	v1 =	vpop (erf)  }
0x63a: {  	v7 =	vld [tilespmem:s11+$0xFFFFFFDE];
	[tilespmem:s26+$0xFFFFFF56] =	vst v1;
	vm0 =	vgt.f32 v1, v3  }
0x63b: {  	v1 =	vmul.f32 $1.442695020e+00, v11;
	v11 =	vld.idx.msk [tilespmem:v15+s31+$0x0], $0xffff;
	v12 =	vsel vm0, $0x1, v0  }
0x63c: {  	v19 =	vld.idx.msk [tilespmem:v15+s24+$0x0], $0xffff;
	[tilespmem:s2+$0xFFFFFF56] =	vst v12;
	v3 =	vpop (erf)  }
0x63d: {  	v15 =	vld.idx.msk [tilespmem:v15+s30+$0x0], $0xffff;
	(erf) = vpow2.f32 v1;
	v3 =	vadd.f32 $1.000000000e+00, v3  }
0x63e: {  	v1 =	vld [tilespmem:s4+$0xFFFFFF58];
	v23 =	vpop (erf)  }
0x63f: {  	v12 =	vld [tilespmem:s28+$0xFFFFFF58];
	[tilespmem:s26+$0xFFFFFFC6] =	vst v23;
	vm0 =	vgt.f32 v23, v16;
	(erf) = vrcp.f32 v3  }
0x640: {  	v23 =	vld.idx.msk [tilespmem:v20+s24+$0x0], $0xffff;
	v3 =	vsel vm0, $0x1, v0;
	v16 =	vpop (erf)  }
0x641: {  	v24 =	vld.idx.msk [tilespmem:v20+s30+$0x0], $0xffff;
	[tilespmem:s2+$0xFFFFFFC6] =	vst v3;
	v16 =	vadd.f32 $1.000000000e+00, v16  }
0x642: {  	v17 =	vmul.f32 v17, v19;
	v3 =	vld [tilespmem:s4+$0xFFFFFFC8]  }
0x643: {  	v6 =	vld.idx.msk [tilespmem:v6+s31+$0x0], $0xffff;
	(erf) = vrcp.f32 v16  }
0x644: {  	v16 =	vadd.f32 v17, v15;
	v15 =	vld [tilespmem:s28+$0xFFFFFFC8]  }
0x645: {  	v25 =	vld.idx.msk [tilespmem:v18+s31+$0x0], $0xffff  }
0x646: {  	v17 =	vmul.f32 $1.442695020e+00, v16;
	v23 =	vmul.f32 v22, v23;
	v16 =	vld.idx.msk [tilespmem:v20+s31+$0x0], $0xffff;
	v19 =	vpop (erf)  }
0x647: {  	v19 =	vadd.f32 $1.000000000e+00, v19;
	v20 =	vld.idx.msk [tilespmem:v9+s31+$0x0], $0xffff  }
0x648: {  	v22 =	vadd.f32 v23, v24;
	v9 =	vld [tilespmem:s11+$0xFFFFFF6E];
	v18 =	vpop (erf)  }
0x649: {  	v23 =	vld [tilespmem:s7+$0xFFFFFFEE];
	(erf) = vrcp.f32 v19;
	[tilespmem:s26+$0xFFFFFF8E] =	vst v18;
	vm0 =	vgt.f32 v18, v6  }
0x64a: {  	v6 =	vmul.f32 $1.442695020e+00, v22;
	v18 =	vld.idx.msk [tilespmem:v4+s30+$0x0], $0xffff;
	v24 =	vsel vm0, $0x1, v0  }
0x64b: {  	v22 =	vld.idx.msk [tilespmem:v8+s30+$0x0], $0xffff;
	[tilespmem:s2+$0xFFFFFF8E] =	vst v24  }
0x64c: {  	(erf) = vpow2.f32 v6;
	v6 =	vld [tilespmem:s4+$0xFFFFFF90];
	v19 =	vpop (erf)  }
0x64d: {  	v24 =	vld.idx.msk [tilespmem:v10+s24+$0x0], $0xffff;
	[tilespmem:s26+$0xFFFFFFFE] =	vst v19;
	vm0 =	vgt.f32 v19, v20  }
0x64e: {  	v20 =	vmul.f32 v23, v21;
	v19 =	vld [tilespmem:s28+$0xFFFFFF90];
	v21 =	vsel vm0, $0x1, v0  }
0x64f: {  	v28 =	vld.idx.msk [tilespmem:v7+s30+$0x0], $0xffff;
	[tilespmem:s2+$0xFFFFFFFE] =	vst v21  }
0x650: {  	(erf) = vpow2.f32 v17;
	v17 =	vld [tilespmem:s28+$0x0];
	s28 =	smov.u32 s7;
	s7 =	smov.u32 s12  }
0x651: {  	v21 =	vadd.f32 v20, v22;
	v20 =	vld [tilespmem:s4+$0x0];
	s4 =	smov.u32 s8;
	s8 =	smov.u32 s11  }
0x652: {  	v23 =	vld.idx.msk [tilespmem:v7+s24+$0x0], $0xffff;
	v22 =	vpop (erf)  }
0x653: {  	v26 =	vmul.f32 v2, v24;
	v21 =	vmul.f32 $1.442695020e+00, v21;
	v2 =	vld.idx.msk [tilespmem:v4+s24+$0x0], $0xffff;
	[tilespmem:s10+$0xFFFFFF46] =	vst v22;
	vm0 =	vgt.f32 v22, v25  }
0x654: {  	v25 =	vld.idx.msk [tilespmem:v10+s30+$0x0], $0xffff;
	v27 =	vsel vm0, $0x1, v0  }
0x655: {  	v22 =	vld.idx.msk [tilespmem:v9+s24+$0x0], $0xffff;
	[tilespmem:s9+$0xFFFFFF46] =	vst v27;
	v24 =	vpop (erf);
	(erf) = vpow2.f32 v21  }
.Ltmp3:
0x656: {  	v29 =	vadd.f32 $1.000000000e+00, v24;
	v24 =	vld.idx.msk [tilespmem:v6+s24+$0x0], $0xffff;
	(pc) =	sbr.rel @p0 .LBB2_8-.Ltmp3, $4  }
0x657: {  	v21 =	vld.idx.msk [tilespmem:v9+s30+$0x0], $0xffff  }
0x658: {  	v14 =	vmul.f32 v14, v23;
	(erf) = vrcp.f32 v29;
	v23 =	vld.idx.msk [tilespmem:v6+s30+$0x0], $0xffff  }
0x659: {  	v13 =	vmul.f32 v13, v2;
	v27 =	vpop (erf);
	v2 =	vld.idx.msk [tilespmem:v20+s31+$0x0], $0xffff  }
0x65a: {  	v26 =	vadd.f32 v26, v25;
	v25 =	vadd.f32 v14, v28;
	v14 =	vld.idx.msk [tilespmem:v20+s24+$0x0], $0xffff  }
0x65b: {  	_ =	sdelay $0x1  }
0x65c: {  	v27 =	vadd.f32 $1.000000000e+00, v27  }
0x65d: {  	v26 =	vmul.f32 $1.442695020e+00, v26  }
0x65e: {  	v20 =	vld.idx.msk [tilespmem:v20+s30+$0x0], $0xffff;
	(erf) = vrcp.f32 v27  }
0x65f: {  	v19 =	vmul.f32 v19, v24;
	v44 =	vld.idx.msk [tilespmem:v3+s24+$0x0], $0xffff;
	(erf) = vpow2.f32 v26  }
0x660: {  	v5 =	vmul.f32 v5, v22;
	v18 =	vadd.f32 v13, v18;
	v46 =	vld.idx.msk [tilespmem:v3+s30+$0x0], $0xffff;
	v45 =	vmul.f32 $1.442695020e+00, v25  }
0x661: {  	v48 =	vld.idx.msk [tilespmem:v1+s24+$0x0], $0xffff;
	v19 =	vadd.f32 v19, v23  }
0x662: {  	v13 =	vld [tilespmem:s4+$0xFFFFFF56];
	v5 =	vadd.f32 v5, v21;
	v18 =	vmul.f32 $1.442695020e+00, v18;
	v47 =	vpop (erf);
	(erf) = vpow2.f32 v45  }
0x663: {  	v21 =	vadd.f32 $1.000000000e+00, v47;
	v19 =	vmul.f32 $1.442695020e+00, v19;
	v14 =	vmul.f32 v17, v14;
	v49 =	vpop (erf)  }
0x664: {  	v5 =	vmul.f32 $1.442695020e+00, v5;
	v15 =	vmul.f32 v15, v44;
	vm0 =	vgt.f32 v49, v16  }
0x665: {  	v50 =	vld.idx.msk [tilespmem:v1+s30+$0x0], $0xffff;
	(erf) = vpow2.f32 v18;
	v51 =	vadd.f32 v14, v20;
	[tilespmem:s10+$0xFFFFFFB6] =	vst v49;
	v16 =	vsel vm0, $0x1, v0  }
0x666: {  	v12 =	vmul.f32 v12, v48;
	(erf) = vpow2.f32 v19;
	v15 =	vadd.f32 v15, v46;
	[tilespmem:s9+$0xFFFFFFB6] =	vst v16  }
0x667: {  	(erf) = vrcp.f32 v21;
	v52 =	vmul.f32 $1.442695020e+00, v51;
	v14 =	vld [tilespmem:s4+$0xFFFFFFC6];
	v53 =	vpop (erf)  }
0x668: {  	v54 =	vmul.f32 $1.442695020e+00, v15;
	(erf) = vpow2.f32 v5;
	v55 =	vpop (erf)  }
0x669: {  	v56 =	vld [tilespmem:s28+$0xFFFFFF56];
	(erf) = vpow2.f32 v52;
	v15 =	vadd.f32 $1.000000000e+00, v55  }
0x66a: {  	v12 =	vadd.f32 v12, v50;
	v57 =	vld.idx.msk [tilespmem:v13+s24+$0x0], $0xffff;
	(erf) = vpow2.f32 v54  }
0x66b: {  	v58 =	vld.idx.msk [tilespmem:v8+s31+$0x0], $0xffff;
	(erf) = vrcp.f32 v15  }
0x66c: {  	v60 =	vld.idx.msk [tilespmem:v13+s30+$0x0], $0xffff;
	v59 =	vmul.f32 $1.442695020e+00, v12  }
0x66d: {  	v10 =	vld.idx.msk [tilespmem:v10+s31+$0x0], $0xffff;
	vm11 =	vgt.f32 v53, v11;
	v61 =	vpop (erf)  }
0x66e: {  	v63 =	vld [tilespmem:s28+$0xFFFFFFC6];
	[tilespmem:s10+$0xFFFFFF7E] =	vst v53;
	v24 =	vsel vm11, $0x1, v0;
	v62 =	vpop (erf);
	(erf) = vpow2.f32 v59  }
0x66f: {  	v30 =	vmul.f32 v56, v57;
	[tilespmem:s9+$0xFFFFFF7E] =	vst v24;
	v25 =	vpop (erf);
	v26 =	vld.idx.msk [tilespmem:v14+s24+$0x0], $0xffff  }
0x670: {  	v15 =	vadd.f32 $1.000000000e+00, v61;
	v16 =	vld [tilespmem:s4+$0xFFFFFF8E];
	v27 =	vpop (erf)  }
0x671: {  	v34 =	vadd.f32 v30, v60;
	v18 =	vadd.f32 $1.000000000e+00, v25;
	v28 =	vld.idx.msk [tilespmem:v14+s30+$0x0], $0xffff;
	v29 =	vpop (erf)  }
0x672: {  	v8 =	vadd.f32 $1.000000000e+00, v62;
	(erf) = vrcp.f32 v15;
	vm12 =	vgt.f32 v27, v58;
	v33 =	vpop (erf)  }
0x673: {  	[tilespmem:s5+$0xFFFFFFEE] =	vst v27;
	v32 =	vsel vm12, $0x1, v0;
	(erf) = vrcp.f32 v18;
	v31 =	vadd.f32 $1.000000000e+00, v29;
	v35 =	vpop (erf)  }
0x674: {  	[tilespmem:s6+$0xFFFFFFEE] =	vst v32;
	(erf) = vrcp.f32 v8;
	v36 =	vadd.f32 $1.000000000e+00, v33;
	v11 =	vmul.f32 v63, v26;
	v37 =	vpop (erf)  }
0x675: {  	s12 =	sadd.s32 $0xE0, s10;
	v15 =	vld [tilespmem:s4+$0xFFFFFFFE];
	v8 =	vmul.f32 $1.442695020e+00, v34;
	(erf) = vrcp.f32 v31;
	vm13 =	vgt.f32 v37, v10  }
0x676: {  	s13 =	sadd.s32 $0xE0, s9;
	(erf) = vrcp.f32 v36;
	v38 =	vadd.f32 v11, v28;
	[tilespmem:s12+$0xFFFFFF36] =	vst v37;
	v40 =	vsel vm13, $0x1, v0  }
0x677: {  	v41 =	vld [tilespmem:s28+$0xFFFFFF8E];
	v12 =	vadd.f32 $1.000000000e+00, v35;
	v39 =	vpop (erf);
	(erf) = vpow2.f32 v8;
	[tilespmem:s13+$0xFFFFFF36] =	vst v40  }
0x678: {  	v42 =	vadd.f32 $1.000000000e+00, v39;
	v5 =	vmul.f32 $1.442695020e+00, v38;
	v18 =	vld [tilespmem:s11+$0xFFFFFF46]  }
0x679: {  	v43 =	vld.idx.msk [tilespmem:v16+s24+$0x0], $0xffff;
	(erf) = vrcp.f32 v12  }
0x67a: {  	v48 =	vld.idx.msk [tilespmem:v4+s31+$0x0], $0xffff;
	(erf) = vrcp.f32 v42  }
0x67b: {  	v44 =	vld.idx.msk [tilespmem:v16+s30+$0x0], $0xffff;
	v45 =	vpop (erf);
	(erf) = vpow2.f32 v5  }
0x67c: {  	v46 =	vld [tilespmem:s28+$0xFFFFFFFE];
	v5 =	vpop (erf)  }
0x67d: {  	v47 =	vld.idx.msk [tilespmem:v15+s24+$0x0], $0xffff;
	v49 =	vpop (erf)  }
0x67e: {  	v10 =	vmul.f32 v41, v43;
	v52 =	vld [tilespmem:s7+$0xFFFFFF46];
	v50 =	vpop (erf)  }
0x67f: {  	v51 =	vld.idx.msk [tilespmem:v15+s30+$0x0], $0xffff;
	v4 =	vpop (erf)  }
0x680: {  	v10 =	vadd.f32 v10, v44;
	v53 =	vpop (erf);
	v54 =	vld.idx.msk [tilespmem:v18+s24+$0x0], $0xffff  }
0x681: {  	v24 =	vadd.f32 $1.000000000e+00, v53  }
0x682: {  	v10 =	vmul.f32 $1.442695020e+00, v10;
	vm14 =	vgt.f32 v49, v48;
	v12 =	vmul.f32 v46, v47;
	v8 =	vpop (erf);
	v56 =	vld.idx.msk [tilespmem:v18+s30+$0x0], $0xffff  }
0x683: {  	v55 =	vld.idx.msk [tilespmem:v7+s31+$0x0], $0xffff;
	[tilespmem:s12+$0xFFFFFFA6] =	vst v49;
	v20 =	vsel vm14, $0x1, v0;
	v7 =	vpop (erf);
	(erf) = vrcp.f32 v24  }
0x684: {  	[tilespmem:s13+$0xFFFFFFA6] =	vst v20;
	v12 =	vadd.f32 v12, v51;
	v57 =	vpop (erf);
	(erf) = vpow2.f32 v10  }
0x685: {  	v20 =	vld [tilespmem:s8+$0xFFFFFFB6];
	v21 =	vadd.f32 $1.000000000e+00, v57;
	v59 =	vmul.f32 v52, v54  }
0x686: {  	v9 =	vld.idx.msk [tilespmem:v9+s31+$0x0], $0xffff;
	v58 =	vmul.f32 $1.442695020e+00, v12  }
0x687: {  	(erf) = vrcp.f32 v21;
	v61 =	vadd.f32 v59, v56  }
0x688: {  	vm15 =	vgt.f32 v45, v55;
	(erf) = vpow2.f32 v58  }
0x689: {  	[tilespmem:s12+$0xFFFFFFDE] =	vst v45;
	v60 =	vsel vm15, $0x1, v0;
	v10 =	vmul.f32 $1.442695020e+00, v61  }
0x68a: {  	[tilespmem:s13+$0xFFFFFFDE] =	vst v60  }
0x68b: {  	v17 =	vld [tilespmem:s8+$0xFFFFFFEE];
	vm4 =	vgt.f32 v50, v9;
	(erf) = vpow2.f32 v10  }
0x68c: {  	[tilespmem:s12+$0xFFFFFF6E] =	vst v50;
	v9 =	vsel vm4, $0x1, v0;
	v62 =	vld [tilespmem:s7+$0xFFFFFFB6];
	v63 =	vpop (erf)  }
0x68d: {  	[tilespmem:s13+$0xFFFFFF6E] =	vst v9;
	v28 =	vld.idx.msk [tilespmem:v20+s24+$0x0], $0xffff;
	v27 =	vpop (erf)  }
0x68e: {  	v19 =	vld [tilespmem:s8+$0xFFFFFF7E];
	v11 =	vadd.f32 $1.000000000e+00, v27  }
0x68f: {  	v29 =	vld.idx.msk [tilespmem:v20+s30+$0x0], $0xffff  }
0x690: {  	v21 =	vpop (erf);
	(erf) = vrcp.f32 v11  }
0x691: {  	v13 =	vld.idx.msk [tilespmem:v13+s31+$0x0], $0xffff;
	v30 =	vpop (erf)  }
0x692: {  	v33 =	vld.idx.msk [tilespmem:v14+s31+$0x0], $0xffff;
	v9 =	vmul.f32 v62, v28;
	v11 =	vadd.f32 $1.000000000e+00, v30  }
0x693: {  	v16 =	vld.idx.msk [tilespmem:v16+s31+$0x0], $0xffff  }
0x694: {  	v39 =	vld [tilespmem:s7+$0xFFFFFFEE];
	v9 =	vadd.f32 v9, v29;
	(erf) = vrcp.f32 v11;
	v35 =	vpop (erf)  }
0x695: {  	v31 =	vld [tilespmem:s7+$0xFFFFFF7E];
	v14 =	vadd.f32 $1.000000000e+00, v35  }
0x696: {  	v34 =	vld.idx.msk [tilespmem:v19+s24+$0x0], $0xffff;
	v9 =	vmul.f32 $1.442695020e+00, v9  }
0x697: {  	v32 =	vld.idx.msk [tilespmem:v17+s24+$0x0], $0xffff;
	(erf) = vrcp.f32 v14  }
0x698: {  	v36 =	vld.idx.msk [tilespmem:v19+s30+$0x0], $0xffff;
	(erf) = vpow2.f32 v9  }
0x699: {  	v37 =	vld.idx.msk [tilespmem:v15+s31+$0x0], $0xffff;
	[tilespmem:s5+$0xFFFFFF56] =	vst v63;
	v40 =	vpop (erf)  }
0x69a: {  	v41 =	vld.idx.msk [tilespmem:v17+s30+$0x0], $0xffff;
	[tilespmem:s5+$0xFFFFFFC6] =	vst v21;
	vm6 =	vgt.f32 v40, v16  }
0x69b: {  	vm1 =	vgt.f32 v21, v33;
	v11 =	vmul.f32 v31, v34;
	[tilespmem:s5+$0xFFFFFF8E] =	vst v40;
	v42 =	vsel vm6, $0x1, v0  }
0x69c: {  	v18 =	vld.idx.msk [tilespmem:v18+s31+$0x0], $0xffff;
	vm5 =	vgt.f32 v63, v13;
	v43 =	vsel vm1, $0x1, v0;
	[tilespmem:s6+$0xFFFFFF8E] =	vst v42  }
0x69d: {  	v46 =	vmul.f32 v39, v32;
	v38 =	vsel vm5, $0x1, v0;
	[tilespmem:s6+$0xFFFFFFC6] =	vst v43;
	v45 =	vadd.f32 v11, v36;
	v44 =	vpop (erf);
	v12 =	vld [tilespmem:s4+$0xFFFFFF90]  }
0x69e: {  	[tilespmem:s6+$0xFFFFFF56] =	vst v38;
	v11 =	vld [tilespmem:s4+$0xFFFFFFC8];
	vm7 =	vgt.f32 v44, v37  }
0x69f: {  	v20 =	vld.idx.msk [tilespmem:v20+s31+$0x0], $0xffff;
	v13 =	vadd.f32 v46, v41;
	v15 =	vmul.f32 $1.442695020e+00, v45;
	[tilespmem:s5+$0xFFFFFFFE] =	vst v44;
	v48 =	vsel vm7, $0x1, v0  }
0x6a0: {  	v47 =	vld [tilespmem:s28+$0xFFFFFF58];
	[tilespmem:s6+$0xFFFFFFFE] =	vst v48;
	v49 =	vpop (erf)  }
0x6a1: {  	v13 =	vmul.f32 $1.442695020e+00, v13;
	(erf) = vpow2.f32 v15;
	v10 =	vld [tilespmem:s4+$0x0];
	v51 =	vpop (erf)  }
0x6a2: {  	v50 =	vld [tilespmem:s28+$0xFFFFFFC8];
	v15 =	vadd.f32 $1.000000000e+00, v51  }
0x6a3: {  	v9 =	vld [tilespmem:s4+$0xFFFFFF58];
	(erf) = vpow2.f32 v13  }
0x6a4: {  	v52 =	vld [tilespmem:s28+$0xFFFFFF90];
	(erf) = vrcp.f32 v15  }
0x6a5: {  	v53 =	vld.idx.msk [tilespmem:v12+s24+$0x0], $0xffff  }
0x6a6: {  	v59 =	vld.idx.msk [tilespmem:v11+s24+$0x0], $0xffff  }
0x6a7: {  	v55 =	vld.idx.msk [tilespmem:v12+s30+$0x0], $0xffff  }
0x6a8: {  	v54 =	vld [tilespmem:s28+$0x0]  }
0x6a9: {  	v56 =	vld.idx.msk [tilespmem:v10+s24+$0x0], $0xffff  }
0x6aa: {  	v61 =	vld.idx.msk [tilespmem:v11+s30+$0x0], $0xffff;
	v58 =	vpop (erf);
	v13 =	vmul.f32 v52, v53  }
0x6ab: {  	vm8 =	vgt.f32 v49, v18;
	v18 =	vadd.f32 $1.000000000e+00, v58;
	v57 =	vld.idx.msk [tilespmem:v10+s30+$0x0], $0xffff  }
0x6ac: {  	v63 =	vld.idx.msk [tilespmem:v9+s24+$0x0], $0xffff;
	[tilespmem:s12+$0xFFFFFF46] =	vst v49;
	v60 =	vsel vm8, $0x1, v0;
	v62 =	vpop (erf);
	v13 =	vadd.f32 v13, v55  }
0x6ad: {  	v28 =	vld.idx.msk [tilespmem:v9+s30+$0x0], $0xffff;
	[tilespmem:s13+$0xFFFFFF46] =	vst v60;
	(erf) = vrcp.f32 v18;
	v33 =	vpop (erf)  }
0x6ae: {  	v32 =	vld [tilespmem:s8+$0xFFFFFF56];
	v22 =	vmul.f32 v54, v56;
	v13 =	vmul.f32 $1.442695020e+00, v13;
	vm9 =	vgt.f32 v33, v20  }
0x6af: {  	v16 =	vadd.f32 $1.000000000e+00, v62;
	[tilespmem:s12+$0xFFFFFFB6] =	vst v33;
	v20 =	vsel vm9, $0x1, v0  }
0x6b0: {  	v15 =	vmul.f32 v50, v59;
	v34 =	vadd.f32 v22, v57;
	(erf) = vpow2.f32 v13;
	[tilespmem:s13+$0xFFFFFFB6] =	vst v20  }
0x6b1: {  	v14 =	vmul.f32 v47, v63;
	(erf) = vrcp.f32 v16;
	v35 =	vld [tilespmem:s8+$0xFFFFFFC6]  }
0x6b2: {  	v19 =	vld.idx.msk [tilespmem:v19+s31+$0x0], $0xffff;
	v15 =	vadd.f32 v15, v61;
	v13 =	vmul.f32 $1.442695020e+00, v34  }
0x6b3: {  	v14 =	vadd.f32 v14, v28  }
0x6b4: {  	v17 =	vld.idx.msk [tilespmem:v17+s31+$0x0], $0xffff;
	v15 =	vmul.f32 $1.442695020e+00, v15;
	(erf) = vpow2.f32 v13  }
0x6b5: {  	v36 =	vld [tilespmem:s7+$0xFFFFFF56];
	v14 =	vmul.f32 $1.442695020e+00, v14  }
0x6b6: {  	v37 =	vld.idx.msk [tilespmem:v32+s24+$0x0], $0xffff;
	v38 =	vpop (erf);
	(erf) = vpow2.f32 v15  }
0x6b7: {  	v39 =	vld.idx.msk [tilespmem:v32+s30+$0x0], $0xffff;
	vm10 =	vgt.f32 v38, v19;
	(erf) = vpow2.f32 v14  }
0x6b8: {  	[tilespmem:s12+$0xFFFFFF7E] =	vst v38;
	v41 =	vsel vm10, $0x1, v0;
	v40 =	vld [tilespmem:s7+$0xFFFFFFC6]  }
0x6b9: {  	[tilespmem:s13+$0xFFFFFF7E] =	vst v41;
	v42 =	vpop (erf);
	v43 =	vld.idx.msk [tilespmem:v35+s24+$0x0], $0xffff  }
0x6ba: {  	v46 =	vld [tilespmem:s8+$0xFFFFFF8E];
	v44 =	vpop (erf)  }
0x6bb: {  	v13 =	vmul.f32 v36, v37;
	v45 =	vld.idx.msk [tilespmem:v35+s30+$0x0], $0xffff;
	vm11 =	vgt.f32 v44, v17  }
0x6bc: {  	[tilespmem:s12+$0xFFFFFFEE] =	vst v44;
	v47 =	vsel vm11, $0x1, v0  }
0x6bd: {  	v13 =	vadd.f32 v13, v39;
	v48 =	vadd.f32 $1.000000000e+00, v42;
	v49 =	vpop (erf);
	[tilespmem:s13+$0xFFFFFFEE] =	vst v47  }
0x6be: {  	v19 =	vadd.f32 $1.000000000e+00, v49;
	v20 =	vld [tilespmem:s8+$0xFFFFFFFE];
	v14 =	vmul.f32 v40, v43  }
0x6bf: {  	v13 =	vmul.f32 $1.442695020e+00, v13;
	(erf) = vrcp.f32 v48;
	v50 =	vpop (erf)  }
0x6c0: {  	v15 =	vadd.f32 $1.000000000e+00, v50;
	v51 =	vpop (erf);
	(erf) = vrcp.f32 v19;
	v14 =	vadd.f32 v14, v45  }
0x6c1: {  	v52 =	vadd.f32 $1.000000000e+00, v51;
	(erf) = vpow2.f32 v13  }
0x6c2: {  	v53 =	vld [tilespmem:s7+$0xFFFFFF8E];
	(erf) = vrcp.f32 v15;
	v14 =	vmul.f32 $1.442695020e+00, v14  }
0x6c3: {  	v54 =	vld.idx.msk [tilespmem:v46+s24+$0x0], $0xffff;
	(erf) = vrcp.f32 v52  }
0x6c4: {  	v55 =	vld.idx.msk [tilespmem:v46+s30+$0x0], $0xffff;
	(erf) = vpow2.f32 v14  }
0x6c5: {  	v56 =	vld [tilespmem:s7+$0xFFFFFFFE]  }
0x6c6: {  	v57 =	vld.idx.msk [tilespmem:v20+s24+$0x0], $0xffff;
	_ =	sdelay $0x1  }
0x6c7: {  	v22 =	vpop (erf);
	v58 =	vld.idx.msk [tilespmem:v20+s30+$0x0], $0xffff  }
0x6c8: {  	v15 =	vmul.f32 v53, v54;
	v24 =	vpop (erf)  }
0x6c9: {  	v59 =	vpop (erf)  }
0x6ca: {  	v13 =	vadd.f32 v15, v55;
	v60 =	vpop (erf);
	v14 =	vmul.f32 v56, v57  }
0x6cb: {  	v61 =	vadd.f32 $1.000000000e+00, v59;
	v62 =	vpop (erf)  }
0x6cc: {  	v13 =	vmul.f32 $1.442695020e+00, v13;
	v14 =	vadd.f32 v14, v58;
	v63 =	vpop (erf)  }
0x6cd: {  	(erf) = vrcp.f32 v61;
	v23 =	vadd.f32 $1.000000000e+00, v63  }
0x6ce: {  	(erf) = vpow2.f32 v13;
	v26 =	vmul.f32 $1.442695020e+00, v14  }
0x6cf: {  	(erf) = vrcp.f32 v23  }
0x6d0: {  	(erf) = vpow2.f32 v26;
	_ =	sdelay $0x5  }
0x6d1: {  	v27 =	vpop (erf)  }
0x6d2: {  	v28 =	vpop (erf)  }
0x6d3: {  	v14 =	vadd.f32 $1.000000000e+00, v28;
	v15 =	vpop (erf)  }
0x6d4: {  	v29 =	vpop (erf)  }
0x6d5: {  	(erf) = vrcp.f32 v14;
	v30 =	vadd.f32 $1.000000000e+00, v29;
	_ =	sdelay $0x1  }
0x6d6: {  	(erf) = vrcp.f32 v30;
	_ =	sdelay $0x2  }
0x6d7: {  	v17 =	vld.idx.msk [tilespmem:v46+s31+$0x0], $0xffff  }
0x6d8: {  	v31 =	vld.idx.msk [tilespmem:v32+s31+$0x0], $0xffff  }
0x6d9: {  	v32 =	vld.idx.msk [tilespmem:v20+s31+$0x0], $0xffff;
	_ =	sdelay $0x1  }
0x6da: {  	v33 =	vld.idx.msk [tilespmem:v35+s31+$0x0], $0xffff;
	v35 =	vpop (erf)  }
0x6db: {  	[tilespmem:s12+$0xFFFFFF56] =	vst v27;
	vm13 =	vgt.f32 v35, v17  }
0x6dc: {  	[tilespmem:s12+$0xFFFFFF8E] =	vst v35;
	v36 =	vsel vm13, $0x1, v0;
	v37 =	vpop (erf)  }
0x6dd: {  	[tilespmem:s13+$0xFFFFFF8E] =	vst v36;
	vm14 =	vgt.f32 v37, v32  }
0x6de: {  	vm12 =	vgt.f32 v27, v31;
	[tilespmem:s12+$0xFFFFFFFE] =	vst v37;
	v38 =	vsel vm14, $0x1, v0  }
0x6df: {  	v34 =	vsel vm12, $0x1, v0;
	v13 =	vld [tilespmem:s8+$0xFFFFFF90];
	[tilespmem:s13+$0xFFFFFFFE] =	vst v38  }
0x6e0: {  	[tilespmem:s13+$0xFFFFFF56] =	vst v34;
	vm15 =	vgt.f32 v15, v33;
	v40 =	vld [tilespmem:s8+$0x0]  }
0x6e1: {  	v39 =	vld [tilespmem:s8+$0xFFFFFF58];
	[tilespmem:s12+$0xFFFFFFC6] =	vst v15;
	v14 =	vsel vm15, $0x1, v0  }
0x6e2: {  	v41 =	vld [tilespmem:s7+$0xFFFFFF58];
	[tilespmem:s13+$0xFFFFFFC6] =	vst v14  }
0x6e3: {  	v14 =	vld [tilespmem:s8+$0xFFFFFFC8]  }
0x6e4: {  	v42 =	vld [tilespmem:s7+$0xFFFFFFC8]  }
0x6e5: {  	v43 =	vld [tilespmem:s7+$0xFFFFFF90]  }
0x6e6: {  	v44 =	vld [tilespmem:s7+$0x0]  }
0x6e7: {  	v45 =	vld.idx.msk [tilespmem:v13+s24+$0x0], $0xffff  }
0x6e8: {  	v47 =	vld.idx.msk [tilespmem:v40+s24+$0x0], $0xffff  }
0x6e9: {  	v46 =	vld.idx.msk [tilespmem:v13+s30+$0x0], $0xffff  }
0x6ea: {  	v48 =	vld.idx.msk [tilespmem:v40+s30+$0x0], $0xffff  }
0x6eb: {  	v29 =	vld.idx.msk [tilespmem:v14+s24+$0x0], $0xffff  }
0x6ec: {  	v49 =	vld.idx.msk [tilespmem:v39+s24+$0x0], $0xffff;
	v20 =	vmul.f32 v43, v45  }
0x6ed: {  	v30 =	vld.idx.msk [tilespmem:v14+s30+$0x0], $0xffff;
	v21 =	vmul.f32 v44, v47  }
0x6ee: {  	v20 =	vadd.f32 v20, v46  }
0x6ef: {  	v50 =	vld.idx.msk [tilespmem:v39+s30+$0x0], $0xffff;
	v21 =	vadd.f32 v21, v48  }
0x6f0: {  	v18 =	vmul.f32 v42, v29;
	v20 =	vmul.f32 $1.442695020e+00, v20  }
0x6f1: {  	v51 =	vmul.f32 $1.442695020e+00, v21  }
0x6f2: {  	v16 =	vmul.f32 v41, v49;
	v18 =	vadd.f32 v18, v30;
	(erf) = vpow2.f32 v20  }
0x6f3: {  	(erf) = vpow2.f32 v51  }
0x6f4: {  	v6 =	vld.idx.msk [tilespmem:v6+s31+$0x0], $0xffff;
	v16 =	vadd.f32 v16, v50;
	v18 =	vmul.f32 $1.442695020e+00, v18  }
0x6f5: {  	v3 =	vld.idx.msk [tilespmem:v3+s31+$0x0], $0xffff  }
0x6f6: {  	v16 =	vmul.f32 $1.442695020e+00, v16;
	(erf) = vpow2.f32 v18  }
0x6f7: {  	v1 =	vld.idx.msk [tilespmem:v1+s31+$0x0], $0xffff  }
0x6f8: {  	(erf) = vpow2.f32 v16;
	_ =	sdelay $0x1  }
0x6f9: {  	[tilespmem:s26+$0xFFFFFF90] =	vst v5;
	vm4 =	vgt.f32 v5, v6;
	vm5 =	vgt.f32 v8, v3;
	v3 =	vld.idx.msk [tilespmem:v12+s31+$0x0], $0xffff  }
0x6fa: {  	[tilespmem:s26+$0x0] =	vst v4;
	v6 =	vsel vm4, $0x1, v0;
	v52 =	vpop (erf)  }
0x6fb: {  	[tilespmem:s2+$0xFFFFFF90] =	vst v6;
	vm7 =	vgt.f32 v7, v1;
	v1 =	vpop (erf)  }
0x6fc: {  	[tilespmem:s26+$0xFFFFFFC8] =	vst v8;
	v1 =	vadd.f32 $1.000000000e+00, v1  }
0x6fd: {  	[tilespmem:s26+$0xFFFFFF58] =	vst v7;
	vm6 =	vgt.f32 v4, v2;
	v2 =	vsel vm7, $0x1, v0;
	v54 =	vld.idx.msk [tilespmem:v11+s31+$0x0], $0xffff;
	v5 =	vadd.f32 $1.000000000e+00, v52  }
0x6fe: {  	[tilespmem:s2+$0xFFFFFF58] =	vst v2;
	v53 =	vsel vm5, $0x1, v0;
	vm8 =	vgt.f32 v22, v3;
	v3 =	vld.idx.msk [tilespmem:v10+s31+$0x0], $0xffff;
	v55 =	vpop (erf)  }
0x6ff: {  	[tilespmem:s2+$0xFFFFFFC8] =	vst v53;
	v57 =	vld.idx.msk [tilespmem:v9+s31+$0x0], $0xffff;
	(erf) = vrcp.f32 v5;
	v2 =	vadd.f32 $1.000000000e+00, v55  }
0x700: {  	[tilespmem:s5+$0xFFFFFF90] =	vst v22;
	(erf) = vrcp.f32 v1;
	v1 =	vpop (erf)  }
0x701: {  	[tilespmem:s5+$0x0] =	vst v24;
	(erf) = vrcp.f32 v2;
	v1 =	vadd.f32 $1.000000000e+00, v1  }
0x702: {  	v56 =	vsel vm6, $0x1, v0;
	[tilespmem:s5+$0xFFFFFFC8] =	vst v60  }
0x703: {  	vm9 =	vgt.f32 v60, v54;
	[tilespmem:s2+$0x0] =	vst v56;
	(erf) = vrcp.f32 v1  }
0x704: {  	vm11 =	vgt.f32 v24, v3;
	[tilespmem:s5+$0xFFFFFF58] =	vst v62;
	vm10 =	vgt.f32 v62, v57;
	v2 =	vld.idx.msk [tilespmem:v13+s31+$0x0], $0xffff;
	v1 =	vsel vm9, $0x1, v0  }
0x705: {  	v59 =	vsel vm11, $0x1, v0;
	[tilespmem:s6+$0xFFFFFFC8] =	vst v1;
	v1 =	vsel vm10, $0x1, v0  }
0x706: {  	v58 =	vsel vm8, $0x1, v0;
	[tilespmem:s6+$0x0] =	vst v59;
	v3 =	vld.idx.msk [tilespmem:v14+s31+$0x0], $0xffff  }
0x707: {  	[tilespmem:s6+$0xFFFFFF90] =	vst v58  }
0x708: {  	v60 =	vld.idx.msk [tilespmem:v39+s31+$0x0], $0xffff;
	[tilespmem:s6+$0xFFFFFF58] =	vst v1;
	v1 =	vpop (erf)  }
0x709: {  	vm12 =	vgt.f32 v1, v2;
	v2 =	vld.idx.msk [tilespmem:v40+s31+$0x0], $0xffff;
	[tilespmem:s12+$0xFFFFFF90] =	vst v1;
	v1 =	vpop (erf)  }
0x70a: {  	v61 =	vsel vm12, $0x1, v0;
	v62 =	vpop (erf);
	[tilespmem:s12+$0x0] =	vst v1  }
0x70b: {  	[tilespmem:s13+$0xFFFFFF90] =	vst v61;
	vm13 =	vgt.f32 v62, v3  }
0x70c: {  	[tilespmem:s12+$0xFFFFFFC8] =	vst v62;
	v3 =	vsel vm13, $0x1, v0;
	v63 =	vpop (erf)  }
0x70d: {  	[tilespmem:s13+$0xFFFFFFC8] =	vst v3;
	vm14 =	vgt.f32 v63, v60  }
0x70e: {  	vm15 =	vgt.f32 v1, v2;
	[tilespmem:s12+$0xFFFFFF58] =	vst v63;
	v1 =	vsel vm14, $0x1, v0  }
0x70f: {  	v2 =	vsel vm15, $0x1, v0;
	[tilespmem:s13+$0xFFFFFF58] =	vst v1  }
0x710: {  	[tilespmem:s13+$0x0] =	vst v2  }
0x711: {  	_ =	swait.ge [sflag:s23], $0x1C00  }
0x712: {  	[sflag:s23] =	ssyncset.done $0x0  }
0x713: {  	[sflag:s23] =	ssyncadd.s32 $0xFFFFE400  }
0x714: {  	_ =	swait.ge [sflag:s23], $0x1C00  }
0x715: {  	[sflag:s23] =	ssyncset.done $0x0  }
0x716: {  	s26 =	simm.s32 $0x8C00;
	[sflag:s23] =	ssyncadd.s32 $0xFFFFE400  }
0x717: {  	[hbm4b:s18+s21] =	stream.strided.scatter [tilespmem:s26], [sflag:$0x3], $0x1C00, s22, s21, $0x38;
	[tilespmem:$0xE280] =	vst v63  }
0x718: {  	s0 =	sadd.s32 $0x1, s0;
	s28 =	simm.s32 $0xC400  }
0x719: {  	[hbm4b:s19+s21] =	stream.strided.scatter [tilespmem:s28], [sflag:$0x3], $0x1C00, s22, s21, $0x38;
	[tilespmem:$0xE280] =	vst v63  }
0x71a: {  	p0 =	sne.s32 s0, s20;
	_ =	swait.ge [sflag:s23], $0x1C00  }
.Ltmp4:
0x71b: {  	[sflag:s23] =	ssyncset.done $0x0;
	(pc) =	sbr.rel @p0 .LBB2_1-.Ltmp4, $4  }
0x71c: {  	[sflag:s23] =	ssyncadd.s32 $0xFFFFE400  }
0x71d: {  	_ =	swait.ge [sflag:s23], $0x1C00  }
0x71e: {  	[sflag:s23] =	ssyncset.done $0x0  }
0x71f: {  	[sflag:s23] =	ssyncadd.s32 $0xFFFFE400  }
0x720: {  	_ =	sfence.sel $0x180000  }
0x721: {  	[bflag:$0x0] =	sbarrier.arrive $0xFFFF  }
0x722: {  	_ =	strace $0x90000047  }
0x723: {  	s0 =	stileid.u32;
	[bflag:$0x2] =	sbarrier.arrive $0xFFFF  }
0x724: {  	p0 =	sne.s32 s0, $0x0;
	s0 =	rddreg [dreg:$0x5]  }
0x725: {  	s0 =	sadd.s32 @!p0 $0x100000, s0  }
0x726: {  	[sflag:s0] =	ssyncadd.tile.s32 @!p0 $0x1;
	_ =	shalt  }
.Lfunc_end2:
_tile_overlayer_lowered:
.L_overlay_start_2:
0x727: {  	(tag) =	ssettag $0x2  }
0x728: {  	s0 =	rddreg [dreg:$0x0];
	s2 =	stileid.u32  }
0x729: {  	s1 =	rddreg [dreg:$0x1];
	p0 =	sne.s32 s2, $0x0  }
0x72a: {  	s3 =	rddreg [dreg:$0x2];
	[bflag:$0x3] =	sbarrier.arrive $0xFFFF;
	s2 =	simm.s32 @!p0 $0x1C04  }
0x72b: {  	[timem:s3], [sflag:s2] =	dma.local @!p0 [hbm:s0], s1  }
0x72c: {  	s0 =	simm.s32 @!p0 $0x4  }
0x72d: {  	_ =	swait.ge @!p0 [sflag:s0], s1  }
0x72e: {  	s1 =	ssub.s32 @!p0 $0x0, s1;
	[sflag:s0] =	ssyncset.done @!p0 $0x0  }
0x72f: {  	[sflag:s0] =	ssyncadd.s32 @!p0 s1  }
0x730: {  	[bflag:$0x3] =	sbarrier.arrive $0xFFFF  }
0x731: {  	_ =	shalt  }

</sc_bundles>
